<compile_context>
chip_gen: v7x
topology: tpu7x:2x2x1
jax: 0.10.2.dev20260603
libtpu: 0.0.44.dev20260713+nightly
codegen_flags: <defaults>
</compile_context>

<pallas_src>
import jax
import jax.numpy as jnp
from jax import lax
from jax.experimental import pallas as pl
from jax.experimental.pallas import tpu as pltpu
from jax.experimental.pallas import tpu_sc as plsc

N = 10000
D = 128
NPAD = 10240
E = 320000
CH = 128
SLABS = 16
CPS = 160
EPAD = SLABS * CPS * CH
NC = 2
NS = 16
ROWS_PER_TILE = NPAD // (NC * NS)
ROWS_PER_SC_TILE = NPAD // NS

import functools


@functools.cache
def _mesh():
  return plsc.VectorSubcoreMesh(core_axis_name="c", subcore_axis_name="s",
                                num_cores=NC, num_subcores=NS)


def _zero_vmem_2d(ref, nrows):
  w = 32 if ref.dtype.itemsize == 2 else 16
  z = jnp.zeros((w,), ref.dtype)

  def body(r, _):
    for cc in range(ref.shape[1] // w):
      ref[r, pl.ds(cc * w, w)] = z
    return 0

  lax.fori_loop(0, nrows, body, 0)


def _deg_kernel(dst_hbm, degb_hbm, dslab_v, ones_v, degv, out_v, zb,
                shist):
  c = lax.axis_index("c")
  s = lax.axis_index("s")
  wid = c * NS + s

  def zb_body(i, _):
    zb[pl.ds(i * 16, 16)] = jnp.zeros((16,), jnp.int32)
    return 0
  lax.fori_loop(0, ROWS_PER_SC_TILE // 16, zb_body, 0)
  pltpu.sync_copy(zb, shist.at[pl.ds(s * ROWS_PER_SC_TILE, ROWS_PER_SC_TILE)])
  plsc.subcore_barrier()

  rows_per_tile_hist = (EPAD // CH) // NS
  pltpu.sync_copy(dst_hbm.at[pl.ds(s * rows_per_tile_hist, rows_per_tile_hist)],
                  dslab_v)

  def ones_body(i, _):
    ones_v[pl.ds(i * 16, 16)] = jnp.ones((16,), jnp.int32)
    return 0
  lax.fori_loop(0, CH // 16, ones_body, 0)

  def hist_body(k, _):
    pltpu.sync_copy(ones_v, shist.at[dslab_v.at[k]], add=True)
    return 0
  lax.fori_loop(0, rows_per_tile_hist, hist_body, 0)
  plsc.subcore_barrier()

  r0 = wid * ROWS_PER_TILE
  pltpu.sync_copy(shist.at[pl.ds(r0, ROWS_PER_TILE)], degv)

  def splat_body(i, _):
    v = (degv[pl.ds(i * 16, 16)] + 1).astype(jnp.float32)
    for j in range(16):
      row = i * 16 + j
      vv = jnp.full((16,), v[j], jnp.float32)
      for cc in range(8):
        out_v[row, pl.ds(cc * 16, 16)] = vv
    return 0
  lax.fori_loop(0, ROWS_PER_TILE // 16, splat_body, 0)

  pltpu.sync_copy(out_v, degb_hbm.at[pl.ds(r0, ROWS_PER_TILE)])


@functools.cache
def _deg_call():
  return pl.kernel(
    _deg_kernel,
    out_type=jax.ShapeDtypeStruct((NPAD, D), jnp.float32),
    mesh=_mesh(),
    scratch_types=[
        pltpu.VMEM(((EPAD // CH) // NS, CH), jnp.int32),
        pltpu.VMEM((CH,), jnp.int32),
        pltpu.VMEM((ROWS_PER_TILE,), jnp.int32),
        pltpu.VMEM((ROWS_PER_TILE, D), jnp.float32),
        pltpu.VMEM((ROWS_PER_SC_TILE,), jnp.int32),
        pltpu.VMEM_SHARED((NPAD,), jnp.int32),
    ],
  )


HD = D // 2


NBUF = 6
HALVES = 2
CPH = CPS // HALVES


def _agg_kernel(uh_hbm, src_hbm, dst_hbm, parts_hbm, srcs, dsts,
                bufs, sems, accs):
  c = lax.axis_index("c")
  s = lax.axis_index("s")

  zsrc = bufs[NBUF - 1]
  _zero_vmem_2d(zsrc, CH)
  zcopies = []
  for a in range(2):
    for k in range(ROWS_PER_SC_TILE // CH):
      zcopies.append(pltpu.async_copy(
          zsrc, accs[a].at[pl.ds(s * ROWS_PER_SC_TILE + k * CH, CH)],
          sems[NBUF - 1]))

  def start(g, buf, sem):
    pltpu.async_copy(uh_hbm.at[srcs.at[g]], buf, sem)

  def wait(g, buf, sem):
    pltpu.make_async_copy(uh_hbm.at[srcs.at[g]], buf, sem).wait()

  for h in range(HALVES):
    pltpu.sync_copy(src_hbm.at[(c * SLABS + s) * HALVES + h], srcs)
    pltpu.sync_copy(dst_hbm.at[s * HALVES + h], dsts)

    for g0 in range(NBUF - 1):
      start(g0, bufs[g0], sems[g0])

    if h == 0:
      for cp in zcopies:
        cp.wait()
      plsc.subcore_barrier()

    def body(g, _):
      nxt = g + NBUF - 1
      for k in range(NBUF):
        @pl.when(jnp.logical_and(nxt < CPH, nxt % NBUF == k))
        def _(k=k, nxt=nxt):
          start(nxt, bufs[k], sems[k])
      for k in range(NBUF):
        @pl.when(g % NBUF == k)
        def _(k=k, g=g):
          wait(g, bufs[k], sems[k])
          pltpu.sync_copy(bufs[k], accs[k % 2].at[dsts.at[g]], add=True)
      return 0

    lax.fori_loop(0, CPH, body, 0)

  plsc.subcore_barrier()

  r0 = s * ROWS_PER_SC_TILE
  for a in range(2):
    pltpu.sync_copy(
        accs[a].at[pl.ds(r0, ROWS_PER_SC_TILE)],
        parts_hbm.at[pl.ds((c * 2 + a) * NPAD + r0, ROWS_PER_SC_TILE)])


@functools.cache
def _agg_call():
  return pl.kernel(
    _agg_kernel,
    out_type=jax.ShapeDtypeStruct((2 * NC * NPAD, HD), jnp.bfloat16),
    mesh=_mesh(),
    scratch_types=[
        pltpu.VMEM((CPH, CH), jnp.int32),
        pltpu.VMEM((CPH, CH), jnp.int32),
        [pltpu.VMEM((CH, HD), jnp.bfloat16)] * NBUF,
        [pltpu.SemaphoreType.DMA] * NBUF,
        [pltpu.VMEM_SHARED((NPAD, HD), jnp.bfloat16)] * 2,
    ],
    compiler_params=pltpu.CompilerParams(use_tc_tiling_on_sc=False,
                                         needs_layout_passes=False),
  )


BLK = 512
GRID = NPAD // BLK


def _mm_scale_kernel(x_ref, w_ref, degb_ref, o_ref, oh_ref):
  dinv = lax.rsqrt(degb_ref[...])
  h = jnp.dot(x_ref[...], w_ref[...], preferred_element_type=jnp.float32)
  u = h * dinv
  o_ref[...] = u
  oh_ref[...] = u.astype(jnp.bfloat16)


def _mid_kernel(pl0_ref, pl1_ref, pr0_ref, pr1_ref, u_ref, degb_ref, b_ref,
                w_ref, o_ref, oh_ref):
  dinv = lax.rsqrt(degb_ref[...])
  u = u_ref[...]
  b = b_ref[...]
  p0 = pl0_ref[...].astype(jnp.float32) + pl1_ref[...].astype(jnp.float32)
  p1 = pr0_ref[...].astype(jnp.float32) + pr1_ref[...].astype(jnp.float32)
  hl = dinv[:, :HD] * (p0 + u[:, :HD]) + b[:, :HD]
  hr = dinv[:, HD:] * (p1 + u[:, HD:]) + b[:, HD:]
  hl = jnp.maximum(hl, 0.0)
  hr = jnp.maximum(hr, 0.0)
  h = jnp.dot(hl, w_ref[:HD, :], preferred_element_type=jnp.float32) \
      + jnp.dot(hr, w_ref[HD:, :], preferred_element_type=jnp.float32)
  u2 = h * dinv
  o_ref[...] = u2
  oh_ref[...] = u2.astype(jnp.bfloat16)


def _final_kernel(pl0_ref, pl1_ref, pr0_ref, pr1_ref, u_ref, degb_ref,
                  b_ref, o_ref):
  dinv = lax.rsqrt(degb_ref[...])
  u = u_ref[...]
  b = b_ref[...]
  p0 = pl0_ref[...].astype(jnp.float32) + pl1_ref[...].astype(jnp.float32)
  p1 = pr0_ref[...].astype(jnp.float32) + pr1_ref[...].astype(jnp.float32)
  o_ref[:, :HD] = dinv[:, :HD] * (p0 + u[:, :HD]) + b[:, :HD]
  o_ref[:, HD:] = dinv[:, HD:] * (p1 + u[:, HD:]) + b[:, HD:]


_row_spec = pl.BlockSpec((BLK, D), lambda i: (i, 0))
_half_spec = pl.BlockSpec((BLK, HD), lambda i: (i, 0))
_full_spec = pl.BlockSpec((D, D), lambda i: (0, 0))
_b_spec = pl.BlockSpec((1, D), lambda i: (0, 0))
_out_sds = jax.ShapeDtypeStruct((NPAD, D), jnp.float32)

_outh_sds = jax.ShapeDtypeStruct((NPAD, D), jnp.bfloat16)

_mm_scale = pl.pallas_call(
    _mm_scale_kernel,
    grid=(GRID,),
    in_specs=[_row_spec, _full_spec, _row_spec],
    out_specs=[_row_spec, _row_spec],
    out_shape=[_out_sds, _outh_sds],
)

_mid = pl.pallas_call(
    _mid_kernel,
    grid=(GRID,),
    in_specs=[_half_spec, _half_spec, _half_spec, _half_spec, _row_spec,
              _row_spec, _b_spec, _full_spec],
    out_specs=[_row_spec, _row_spec],
    out_shape=[_out_sds, _outh_sds],
)

_final = pl.pallas_call(
    _final_kernel,
    grid=(GRID,),
    in_specs=[_half_spec, _half_spec, _half_spec, _half_spec, _row_spec,
              _row_spec, _b_spec],
    out_specs=_row_spec,
    out_shape=_out_sds,
)


@jax.jit
def _run(x, edge_index, W1, b1, W2, b2):
  src = edge_index[0]
  dst = edge_index[1]
  pad = EPAD - E
  fill = jnp.full((pad,), NPAD - 1, jnp.int32)
  src_pc = jnp.concatenate([src, fill])
  src2 = jnp.stack([src_pc * 2, src_pc * 2 + 1])
  src_p = src2.reshape(NC * SLABS * HALVES, CPH, CH)
  dst_pc = jnp.concatenate([dst, fill])
  dst_flat = dst_pc.reshape(EPAD // CH, CH)
  dst_p = dst_pc.reshape(SLABS * HALVES, CPH, CH)

  x_p = jnp.zeros((NPAD, D), x.dtype).at[:N].set(x)
  b1r = b1.reshape(1, D)
  b2r = b2.reshape(1, D)

  def four(parts):
    return (parts[:NPAD], parts[NPAD:2 * NPAD],
            parts[2 * NPAD:3 * NPAD], parts[3 * NPAD:])

  degb = _deg_call()(dst_flat)
  u1, uh1 = _mm_scale(x_p, W1, degb)
  parts1 = _agg_call()(uh1.reshape(2 * NPAD, HD), src_p, dst_p)
  u2, uh2 = _mid(*four(parts1), u1, degb, b1r, W2)
  parts2 = _agg_call()(uh2.reshape(2 * NPAD, HD), src_p, dst_p)
  out = _final(*four(parts2), u2, degb, b2r)
  return out[:N]


def kernel(x, edge_index, orbits, W1, b1, W2, b2):
  del orbits
  return _run(x, edge_index, W1, b1, W2, b2)

# --- scband reference (transcript-rebuilt; emitter-appended) ---
"""Pipeline reference for scband-custom-pyg-gcn-48790828483058 (READ-ONLY COPY).

The authoritative reference and input builder live on the scoring server;
editing this copy changes nothing except your own understanding.
"""

import jax, jax.numpy as jnp
import numpy as np

N = 10000
E = 320000
D = 128
H = 128
O = 128


def setup_inputs(seed: int = 0) -> dict:
    key = jax.random.key(seed)
    ks = jax.random.split(key, 6)
    x = jax.random.normal(ks[0], (N, D), dtype=jnp.float32)
    edge_index = jax.random.randint(ks[1], (2, E), 0, N, dtype=jnp.int32)
    orbits = jnp.zeros((1,), dtype=jnp.int32)
    # GCNConv weights (glorot-ish init) and zero biases, per PyG defaults
    W1 = jax.random.normal(ks[2], (D, H), dtype=jnp.float32) * (1.0 / np.sqrt(D))
    b1 = jnp.zeros((H,), dtype=jnp.float32)
    W2 = jax.random.normal(ks[3], (H, O), dtype=jnp.float32) * (1.0 / np.sqrt(H))
    b2 = jnp.zeros((O,), dtype=jnp.float32)
    return {"x": x, "edge_index": edge_index, "orbits": orbits,
            "W1": W1, "b1": b1, "W2": W2, "b2": b2}


def gcn_conv(x, src, dst, W, b, num_nodes):
    # PyG GCNConv: linear transform, add self-loops, symmetric normalization,
    # scatter-add aggregation at dst, then bias.
    h = x @ W
    loop = jnp.arange(num_nodes, dtype=src.dtype)
    src2 = jnp.concatenate([src, loop])
    dst2 = jnp.concatenate([dst, loop])
    w = jnp.ones(src2.shape[0], dtype=h.dtype)
    deg = jnp.zeros((num_nodes,), dtype=h.dtype).at[dst2].add(w)
    dinv = jnp.where(deg > 0, deg ** -0.5, 0.0)
    norm = dinv[src2] * dinv[dst2]
    msgs = h[src2] * norm[:, None]
    out = jnp.zeros((num_nodes, h.shape[1]), dtype=h.dtype).at[dst2].add(msgs)
    return out + b


def reference(x, edge_index, orbits, W1, b1, W2, b2):
    # orbits is ignored by CustomPygGCN.forward
    src = edge_index[0]
    dst = edge_index[1]
    h = gcn_conv(x, src, dst, W1, b1, N)
    h = jax.nn.relu(h)
    out = gcn_conv(h, src, dst, W2, b2, N)
    return out

if __name__ == "__main__":
    import jax
    _d = setup_inputs()
    print(jax.jit(kernel)(*tuple(_d.values())))

</pallas_src>

<mosaic_0001>
#map = affine_map<(d0, d1) -> (0, 0)>
module attributes {stable_mosaic.version = 14 : i64} {
  func.func @_deg_kernel(%arg0: i32, %arg1: i32, %arg2: memref<2560x128xi32, #tpu.memory_space<hbm>>, %arg3: memref<10240x128xf32, #tpu.memory_space<hbm>>, %arg4: memref<160x128xi32, #tpu.memory_space<vmem>>, %arg5: memref<128xi32, #tpu.memory_space<vmem>>, %arg6: memref<320xi32, #tpu.memory_space<vmem>>, %arg7: memref<320x128xf32, #tpu.memory_space<vmem>>, %arg8: memref<640xi32, #tpu.memory_space<vmem>>, %arg9: memref<10240xi32, #tpu.memory_space<vmem_shared>>) attributes {dimension_semantics = [#tpu.dimension_semantics<core_parallel>, #tpu.dimension_semantics<subcore_parallel>], iteration_bounds = array<i64: 2, 16>, scalar_prefetch = 0 : i64, scratch_operands = 6 : i64, tpu.core_type = #tpu.core_type<sc_vector_subcore>, window_params = [{transform_indices = #map}, {transform_indices = #map}]} {
    %mul3A = arith.constant 16 : i32
    %mul3A_0 = arith.muli %arg0, %mul3A : i32
    %add3A = arith.addi %mul3A_0, %arg1 : i32
    %scan3A = arith.constant 0 : i32
    %scan3A_1 = arith.constant 0 : i32
    %scan3A_2 = arith.constant 40 : i32
    %scan3A_3 = arith.addi %scan3A_1, %scan3A_2 : i32
    %scan3A_4 = arith.constant 1 : i32
    %scan3A_5 = scf.for %scan3A_35 = %scan3A_1 to %scan3A_3 step %scan3A_4 iter_args(%scan3A_36 = %scan3A) -> (i32)  : i32 {
      %broadcast_in_dim3A = arith.constant 0 : i32
      %broadcast_in_dim3A_37 = vector.broadcast %broadcast_in_dim3A : i32 to vector<16xi32>
      %mul3A_38 = arith.constant 16 : i32
      %mul3A_39 = arith.muli %scan3A_35, %mul3A_38 : i32
      %swap3A = arith.index_cast %mul3A_39 : i32 to index
      %swap3A_40 = tpu.vector_load %arg8[%swap3A] {strides = array<i32>} : memref<640xi32, #tpu.memory_space<vmem>>, vector<16xi32>,
      %swap3A_41 = vector.shape_cast %swap3A_40 : vector<16xi32> to vector<16xi32>
      %swap3A_42 = vector.shape_cast %broadcast_in_dim3A_37 : vector<16xi32> to vector<16xi32>
      tpu.vector_store %arg8[%swap3A], %swap3A_42 {strides = array<i32>} : memref<640xi32, #tpu.memory_space<vmem>>, vector<16xi32>,
      %scan3A_43 = arith.constant 0 : i32
      scf.yield %scan3A_43 : i32
    }
    %scan3A_6 = arith.constant 40 : i32
    %mul3A_7 = arith.constant 640 : i32
    %mul3A_8 = arith.muli %arg1, %mul3A_7 : i32
    "tpu.region"() ({
      %run_scoped3A = tpu.sem_alloc : memref<!tpu.dma_semaphore, #tpu.memory_space<semaphore_mem>>
      %dma_start3A = tpu.memref_slice %arg9[%mul3A_8] : memref<10240xi32, #tpu.memory_space<vmem_shared>> -> memref<640xi32, #tpu.memory_space<vmem_shared>>
      %dma_start3A_35 = tpu.memref_slice %arg9[%mul3A_8] : memref<10240xi32, #tpu.memory_space<vmem_shared>> -> memref<640xi32, #tpu.memory_space<vmem_shared>>
      tpu.enqueue_dma source(%arg8 : memref<640xi32, #tpu.memory_space<vmem>>) target(%dma_start3A_35 : memref<640xi32, #tpu.memory_space<vmem_shared>>) target_semaphore(%run_scoped3A : memref<!tpu.dma_semaphore, #tpu.memory_space<semaphore_mem>>)
      %dma_wait3A = tpu.memref_slice %arg9[%mul3A_8] : memref<10240xi32, #tpu.memory_space<vmem_shared>> -> memref<640xi32, #tpu.memory_space<vmem_shared>>
      %dma_wait3A_36 = tpu.memref_slice %arg9[%mul3A_8] : memref<10240xi32, #tpu.memory_space<vmem_shared>> -> memref<640xi32, #tpu.memory_space<vmem_shared>>
      tpu.wait_dma2 semaphore(%run_scoped3A : memref<!tpu.dma_semaphore, #tpu.memory_space<semaphore_mem>>) src(%arg8 : memref<640xi32, #tpu.memory_space<vmem>>) dst(%dma_wait3A_36 : memref<640xi32, #tpu.memory_space<vmem_shared>>)
      tpu.yield
    }) : () -> ()
    %barrier3A = arith.constant 0 : index
    tpu.barrier barrier_id(%barrier3A)
    %mul3A_9 = arith.constant 160 : i32
    %mul3A_10 = arith.muli %arg1, %mul3A_9 : i32
    "tpu.region"() ({
      %run_scoped3A = tpu.sem_alloc : memref<!tpu.dma_semaphore, #tpu.memory_space<semaphore_mem>>
      %dma_start3A = arith.constant 0 : i32
      %dma_start3A_35 = tpu.memref_slice %arg2[%mul3A_10, %dma_start3A] : memref<2560x128xi32, #tpu.memory_space<hbm>> -> memref<160x128xi32, #tpu.memory_space<hbm>>
      %dma_start3A_36 = arith.constant 0 : i32
      %dma_start3A_37 = tpu.memref_slice %arg2[%mul3A_10, %dma_start3A_36] : memref<2560x128xi32, #tpu.memory_space<hbm>> -> memref<160x128xi32, #tpu.memory_space<hbm>>
      tpu.enqueue_dma source(%dma_start3A_37 : memref<160x128xi32, #tpu.memory_space<hbm>>) target(%arg4 : memref<160x128xi32, #tpu.memory_space<vmem>>) target_semaphore(%run_scoped3A : memref<!tpu.dma_semaphore, #tpu.memory_space<semaphore_mem>>)
      %dma_wait3A = arith.constant 0 : i32
      %dma_wait3A_38 = tpu.memref_slice %arg2[%mul3A_10, %dma_wait3A] : memref<2560x128xi32, #tpu.memory_space<hbm>> -> memref<160x128xi32, #tpu.memory_space<hbm>>
      %dma_wait3A_39 = arith.constant 0 : i32
      %dma_wait3A_40 = tpu.memref_slice %arg2[%mul3A_10, %dma_wait3A_39] : memref<2560x128xi32, #tpu.memory_space<hbm>> -> memref<160x128xi32, #tpu.memory_space<hbm>>
      tpu.wait_dma2 semaphore(%run_scoped3A : memref<!tpu.dma_semaphore, #tpu.memory_space<semaphore_mem>>) src(%dma_wait3A_40 : memref<160x128xi32, #tpu.memory_space<hbm>>) dst(%arg4 : memref<160x128xi32, #tpu.memory_space<vmem>>)
      tpu.yield
    }) : () -> ()
    %scan3A_11 = arith.constant 0 : i32
    %scan3A_12 = arith.constant 0 : i32
    %scan3A_13 = arith.constant 8 : i32
    %scan3A_14 = arith.addi %scan3A_12, %scan3A_13 : i32
    %scan3A_15 = arith.constant 1 : i32
    %scan3A_16 = scf.for %scan3A_35 = %scan3A_12 to %scan3A_14 step %scan3A_15 iter_args(%scan3A_36 = %scan3A_11) -> (i32)  : i32 {
      %broadcast_in_dim3A = arith.constant 1 : i32
      %broadcast_in_dim3A_37 = vector.broadcast %broadcast_in_dim3A : i32 to vector<16xi32>
      %mul3A_38 = arith.constant 16 : i32
      %mul3A_39 = arith.muli %scan3A_35, %mul3A_38 : i32
      %swap3A = arith.index_cast %mul3A_39 : i32 to index
      %swap3A_40 = tpu.vector_load %arg5[%swap3A] {strides = array<i32>} : memref<128xi32, #tpu.memory_space<vmem>>, vector<16xi32>,
      %swap3A_41 = vector.shape_cast %swap3A_40 : vector<16xi32> to vector<16xi32>
      %swap3A_42 = vector.shape_cast %broadcast_in_dim3A_37 : vector<16xi32> to vector<16xi32>
      tpu.vector_store %arg5[%swap3A], %swap3A_42 {strides = array<i32>} : memref<128xi32, #tpu.memory_space<vmem>>, vector<16xi32>,
      %scan3A_43 = arith.constant 0 : i32
      scf.yield %scan3A_43 : i32
    }
    %scan3A_17 = arith.constant 8 : i32
    %scan3A_18 = arith.constant 0 : i32
    %scan3A_19 = arith.constant 0 : i32
    %scan3A_20 = arith.constant 160 : i32
    %scan3A_21 = arith.addi %scan3A_19, %scan3A_20 : i32
    %scan3A_22 = arith.constant 1 : i32
    %scan3A_23 = scf.for %scan3A_35 = %scan3A_19 to %scan3A_21 step %scan3A_22 iter_args(%scan3A_36 = %scan3A_18) -> (i32)  : i32 {
      "tpu.region"() ({
        %run_scoped3A = tpu.sem_alloc : memref<!tpu.dma_semaphore, #tpu.memory_space<semaphore_mem>>
        %dma_start3A = arith.constant 0 : i32
        %dma_start3A_38 = tpu.memref_slice %arg4[%scan3A_35, %dma_start3A] : memref<160x128xi32, #tpu.memory_space<vmem>> -> memref<1x128xi32, #tpu.memory_space<vmem>>
        %dma_start3A_39 = tpu.memref_squeeze %dma_start3A_38 : memref<1x128xi32, #tpu.memory_space<vmem>> -> memref<128xi32, #tpu.memory_space<vmem>>
        %dma_start3A_40 = arith.constant 0 : i32
        %dma_start3A_41 = tpu.memref_slice %arg9[%dma_start3A_40] : memref<10240xi32, #tpu.memory_space<vmem_shared>> -> memref<10240xi32, #tpu.memory_space<vmem_shared>>
        tpu.enqueue_indirect_dma source(%arg5 : memref<128xi32, #tpu.memory_space<vmem>>) target(%dma_start3A_41 : memref<10240xi32, #tpu.memory_space<vmem_shared>>) offsets(%dma_start3A_39 : memref<128xi32, #tpu.memory_space<vmem>>) semaphore(%run_scoped3A : memref<!tpu.dma_semaphore, #tpu.memory_space<semaphore_mem>>) {add = true}
        %dma_wait3A = arith.constant 0 : i32
        %dma_wait3A_42 = tpu.memref_slice %arg4[%scan3A_35, %dma_wait3A] : memref<160x128xi32, #tpu.memory_space<vmem>> -> memref<1x128xi32, #tpu.memory_space<vmem>>
        %dma_wait3A_43 = tpu.memref_squeeze %dma_wait3A_42 : memref<1x128xi32, #tpu.memory_space<vmem>> -> memref<128xi32, #tpu.memory_space<vmem>>
        %dma_wait3A_44 = arith.constant 0 : i32
        %dma_wait3A_45 = tpu.memref_slice %arg9[%dma_wait3A_44] : memref<10240xi32, #tpu.memory_space<vmem_shared>> -> memref<10240xi32, #tpu.memory_space<vmem_shared>>
        tpu.wait_indirect_dma semaphore(%run_scoped3A : memref<!tpu.dma_semaphore, #tpu.memory_space<semaphore_mem>>) src(%arg5 : memref<128xi32, #tpu.memory_space<vmem>>) dst(%dma_wait3A_45 : memref<10240xi32, #tpu.memory_space<vmem_shared>>)
        tpu.yield
      }) : () -> ()
      %scan3A_37 = arith.constant 0 : i32
      scf.yield %scan3A_37 : i32
    }
    %scan3A_24 = arith.constant 160 : i32
    %barrier3A_25 = arith.constant 0 : index
    tpu.barrier barrier_id(%barrier3A_25)
    %mul3A_26 = arith.constant 320 : i32
    %mul3A_27 = arith.muli %add3A, %mul3A_26 : i32
    "tpu.region"() ({
      %run_scoped3A = tpu.sem_alloc : memref<!tpu.dma_semaphore, #tpu.memory_space<semaphore_mem>>
      %dma_start3A = tpu.memref_slice %arg9[%mul3A_27] : memref<10240xi32, #tpu.memory_space<vmem_shared>> -> memref<320xi32, #tpu.memory_space<vmem_shared>>
      %dma_start3A_35 = tpu.memref_slice %arg9[%mul3A_27] : memref<10240xi32, #tpu.memory_space<vmem_shared>> -> memref<320xi32, #tpu.memory_space<vmem_shared>>
      tpu.enqueue_dma source(%dma_start3A_35 : memref<320xi32, #tpu.memory_space<vmem_shared>>) target(%arg6 : memref<320xi32, #tpu.memory_space<vmem>>) target_semaphore(%run_scoped3A : memref<!tpu.dma_semaphore, #tpu.memory_space<semaphore_mem>>)
      %dma_wait3A = tpu.memref_slice %arg9[%mul3A_27] : memref<10240xi32, #tpu.memory_space<vmem_shared>> -> memref<320xi32, #tpu.memory_space<vmem_shared>>
      %dma_wait3A_36 = tpu.memref_slice %arg9[%mul3A_27] : memref<10240xi32, #tpu.memory_space<vmem_shared>> -> memref<320xi32, #tpu.memory_space<vmem_shared>>
      tpu.wait_dma2 semaphore(%run_scoped3A : memref<!tpu.dma_semaphore, #tpu.memory_space<semaphore_mem>>) src(%dma_wait3A_36 : memref<320xi32, #tpu.memory_space<vmem_shared>>) dst(%arg6 : memref<320xi32, #tpu.memory_space<vmem>>)
      tpu.yield
    }) : () -> ()
    %scan3A_28 = arith.constant 0 : i32
    %scan3A_29 = arith.constant 0 : i32
    %scan3A_30 = arith.constant 20 : i32
    %scan3A_31 = arith.addi %scan3A_29, %scan3A_30 : i32
    %scan3A_32 = arith.constant 1 : i32
    %scan3A_33 = scf.for %scan3A_35 = %scan3A_29 to %scan3A_31 step %scan3A_32 iter_args(%scan3A_36 = %scan3A_28) -> (i32)  : i32 {
      %mul3A_37 = arith.constant 16 : i32
      %mul3A_38 = arith.muli %scan3A_35, %mul3A_37 : i32
      %get3A = arith.index_cast %mul3A_38 : i32 to index
      %get3A_39 = tpu.vector_load %arg6[%get3A] {strides = array<i32>} : memref<320xi32, #tpu.memory_space<vmem>>, vector<16xi32>,
      %get3A_40 = vector.shape_cast %get3A_39 : vector<16xi32> to vector<16xi32>
      %add3A_41 = arith.constant 1 : i32
      %add3A_42 = vector.broadcast %add3A_41 : i32 to vector<16xi32>
      %add3A_43 = arith.addi %get3A_40, %add3A_42 : vector<16xi32>
      %convert_element_type3A = arith.sitofp %add3A_43 : vector<16xi32> to vector<16xf32>
      %mul3A_44 = arith.constant 16 : i32
      %mul3A_45 = arith.muli %scan3A_35, %mul3A_44 : i32
      %add3A_46 = arith.constant 0 : i32
      %add3A_47 = arith.addi %mul3A_45, %add3A_46 : i32
      %slice3A = vector.extract_strided_slice %convert_element_type3A {offsets = [0], sizes = [1], strides = [1]} : vector<16xf32> to vector<1xf32>
      %squeeze3A = vector.extract %slice3A[0] : f32 from vector<1xf32>
      %broadcast_in_dim3A = vector.broadcast %squeeze3A : f32 to vector<16xf32>
      %swap3A = arith.index_cast %add3A_47 : i32 to index
      %swap3A_48 = arith.constant 0 : index
      %swap3A_49 = tpu.vector_load %arg7[%swap3A, %swap3A_48] {strides = array<i32>} : memref<320x128xf32, #tpu.memory_space<vmem>>, vector<1x16xf32>,
      %swap3A_50 = vector.shape_cast %swap3A_49 : vector<1x16xf32> to vector<16xf32>
      %swap3A_51 = vector.shape_cast %broadcast_in_dim3A : vector<16xf32> to vector<1x16xf32>
      tpu.vector_store %arg7[%swap3A, %swap3A_48], %swap3A_51 {strides = array<i32>} : memref<320x128xf32, #tpu.memory_space<vmem>>, vector<1x16xf32>,
      %swap3A_52 = arith.index_cast %add3A_47 : i32 to index
      %swap3A_53 = arith.constant 16 : index
      %swap3A_54 = tpu.vector_load %arg7[%swap3A_52, %swap3A_53] {strides = array<i32>} : memref<320x128xf32, #tpu.memory_space<vmem>>, vector<1x16xf32>,
      %swap3A_55 = vector.shape_cast %swap3A_54 : vector<1x16xf32> to vector<16xf32>
      %swap3A_56 = vector.shape_cast %broadcast_in_dim3A : vector<16xf32> to vector<1x16xf32>
      tpu.vector_store %arg7[%swap3A_52, %swap3A_53], %swap3A_56 {strides = array<i32>} : memref<320x128xf32, #tpu.memory_space<vmem>>, vector<1x16xf32>,
      %swap3A_57 = arith.index_cast %add3A_47 : i32 to index
      %swap3A_58 = arith.constant 32 : index
      %swap3A_59 = tpu.vector_load %arg7[%swap3A_57, %swap3A_58] {strides = array<i32>} : memref<320x128xf32, #tpu.memory_space<vmem>>, vector<1x16xf32>,
      %swap3A_60 = vector.shape_cast %swap3A_59 : vector<1x16xf32> to vector<16xf32>
      %swap3A_61 = vector.shape_cast %broadcast_in_dim3A : vector<16xf32> to vector<1x16xf32>
      tpu.vector_store %arg7[%swap3A_57, %swap3A_58], %swap3A_61 {strides = array<i32>} : memref<320x128xf32, #tpu.memory_space<vmem>>, vector<1x16xf32>,
      %swap3A_62 = arith.index_cast %add3A_47 : i32 to index
      %swap3A_63 = arith.constant 48 : index
      %swap3A_64 = tpu.vector_load %arg7[%swap3A_62, %swap3A_63] {strides = array<i32>} : memref<320x128xf32, #tpu.memory_space<vmem>>, vector<1x16xf32>,
      %swap3A_65 = vector.shape_cast %swap3A_64 : vector<1x16xf32> to vector<16xf32>
      %swap3A_66 = vector.shape_cast %broadcast_in_dim3A : vector<16xf32> to vector<1x16xf32>
      tpu.vector_store %arg7[%swap3A_62, %swap3A_63], %swap3A_66 {strides = array<i32>} : memref<320x128xf32, #tpu.memory_space<vmem>>, vector<1x16xf32>,
      %swap3A_67 = arith.index_cast %add3A_47 : i32 to index
      %swap3A_68 = arith.constant 64 : index
      %swap3A_69 = tpu.vector_load %arg7[%swap3A_67, %swap3A_68] {strides = array<i32>} : memref<320x128xf32, #tpu.memory_space<vmem>>, vector<1x16xf32>,
      %swap3A_70 = vector.shape_cast %swap3A_69 : vector<1x16xf32> to vector<16xf32>
      %swap3A_71 = vector.shape_cast %broadcast_in_dim3A : vector<16xf32> to vector<1x16xf32>
      tpu.vector_store %arg7[%swap3A_67, %swap3A_68], %swap3A_71 {strides = array<i32>} : memref<320x128xf32, #tpu.memory_space<vmem>>, vector<1x16xf32>,
      %swap3A_72 = arith.index_cast %add3A_47 : i32 to index
      %swap3A_73 = arith.constant 80 : index
      %swap3A_74 = tpu.vector_load %arg7[%swap3A_72, %swap3A_73] {strides = array<i32>} : memref<320x128xf32, #tpu.memory_space<vmem>>, vector<1x16xf32>,
      %swap3A_75 = vector.shape_cast %swap3A_74 : vector<1x16xf32> to vector<16xf32>
      %swap3A_76 = vector.shape_cast %broadcast_in_dim3A : vector<16xf32> to vector<1x16xf32>
      tpu.vector_store %arg7[%swap3A_72, %swap3A_73], %swap3A_76 {strides = array<i32>} : memref<320x128xf32, #tpu.memory_space<vmem>>, vector<1x16xf32>,
      %swap3A_77 = arith.index_cast %add3A_47 : i32 to index
      %swap3A_78 = arith.constant 96 : index
      %swap3A_79 = tpu.vector_load %arg7[%swap3A_77, %swap3A_78] {strides = array<i32>} : memref<320x128xf32, #tpu.memory_space<vmem>>, vector<1x16xf32>,
      %swap3A_80 = vector.shape_cast %swap3A_79 : vector<1x16xf32> to vector<16xf32>
      %swap3A_81 = vector.shape_cast %broadcast_in_dim3A : vector<16xf32> to vector<1x16xf32>
      tpu.vector_store %arg7[%swap3A_77, %swap3A_78], %swap3A_81 {strides = array<i32>} : memref<320x128xf32, #tpu.memory_space<vmem>>, vector<1x16xf32>,
      %swap3A_82 = arith.index_cast %add3A_47 : i32 to index
      %swap3A_83 = arith.constant 112 : index
      %swap3A_84 = tpu.vector_load %arg7[%swap3A_82, %swap3A_83] {strides = array<i32>} : memref<320x128xf32, #tpu.memory_space<vmem>>, vector<1x16xf32>,
      %swap3A_85 = vector.shape_cast %swap3A_84 : vector<1x16xf32> to vector<16xf32>
      %swap3A_86 = vector.shape_cast %broadcast_in_dim3A : vector<16xf32> to vector<1x16xf32>
      tpu.vector_store %arg7[%swap3A_82, %swap3A_83], %swap3A_86 {strides = array<i32>} : memref<320x128xf32, #tpu.memory_space<vmem>>, vector<1x16xf32>,
      %mul3A_87 = arith.constant 16 : i32
      %mul3A_88 = arith.muli %scan3A_35, %mul3A_87 : i32
      %add3A_89 = arith.constant 1 : i32
      %add3A_90 = arith.addi %mul3A_88, %add3A_89 : i32
      %slice3A_91 = vector.extract_strided_slice %convert_element_type3A {offsets = [1], sizes = [1], strides = [1]} : vector<16xf32> to vector<1xf32>
      %squeeze3A_92 = vector.extract %slice3A_91[0] : f32 from vector<1xf32>
      %broadcast_in_dim3A_93 = vector.broadcast %squeeze3A_92 : f32 to vector<16xf32>
      %swap3A_94 = arith.index_cast %add3A_90 : i32 to index
      %swap3A_95 = arith.constant 0 : index
      %swap3A_96 = tpu.vector_load %arg7[%swap3A_94, %swap3A_95] {strides = array<i32>} : memref<320x128xf32, #tpu.memory_space<vmem>>, vector<1x16xf32>,
      %swap3A_97 = vector.shape_cast %swap3A_96 : vector<1x16xf32> to vector<16xf32>
      %swap3A_98 = vector.shape_cast %broadcast_in_dim3A_93 : vector<16xf32> to vector<1x16xf32>
      tpu.vector_store %arg7[%swap3A_94, %swap3A_95], %swap3A_98 {strides = array<i32>} : memref<320x128xf32, #tpu.memory_space<vmem>>, vector<1x16xf32>,
      %swap3A_99 = arith.index_cast %add3A_90 : i32 to index
      %swap3A_100 = arith.constant 16 : index
      %swap3A_101 = tpu.vector_load %arg7[%swap3A_99, %swap3A_100] {strides = array<i32>} : memref<320x128xf32, #tpu.memory_space<vmem>>, vector<1x16xf32>,
      %swap3A_102 = vector.shape_cast %swap3A_101 : vector<1x16xf32> to vector<16xf32>
      %swap3A_103 = vector.shape_cast %broadcast_in_dim3A_93 : vector<16xf32> to vector<1x16xf32>
      tpu.vector_store %arg7[%swap3A_99, %swap3A_100], %swap3A_103 {strides = array<i32>} : memref<320x128xf32, #tpu.memory_space<vmem>>, vector<1x16xf32>,
      %swap3A_104 = arith.index_cast %add3A_90 : i32 to index
      %swap3A_105 = arith.constant 32 : index
      %swap3A_106 = tpu.vector_load %arg7[%swap3A_104, %swap3A_105] {strides = array<i32>} : memref<320x128xf32, #tpu.memory_space<vmem>>, vector<1x16xf32>,
      %swap3A_107 = vector.shape_cast %swap3A_106 : vector<1x16xf32> to vector<16xf32>
      %swap3A_108 = vector.shape_cast %broadcast_in_dim3A_93 : vector<16xf32> to vector<1x16xf32>
      tpu.vector_store %arg7[%swap3A_104, %swap3A_105], %swap3A_108 {strides = array<i32>} : memref<320x128xf32, #tpu.memory_space<vmem>>, vector<1x16xf32>,
      %swap3A_109 = arith.index_cast %add3A_90 : i32 to index
      %swap3A_110 = arith.constant 48 : index
      %swap3A_111 = tpu.vector_load %arg7[%swap3A_109, %swap3A_110] {strides = array<i32>} : memref<320x128xf32, #tpu.memory_space<vmem>>, vector<1x16xf32>,
      %swap3A_112 = vector.shape_cast %swap3A_111 : vector<1x16xf32> to vector<16xf32>
      %swap3A_113 = vector.shape_cast %broadcast_in_dim3A_93 : vector<16xf32> to vector<1x16xf32>
      tpu.vector_store %arg7[%swap3A_109, %swap3A_110], %swap3A_113 {strides = array<i32>} : memref<320x128xf32, #tpu.memory_space<vmem>>, vector<1x16xf32>,
      %swap3A_114 = arith.index_cast %add3A_90 : i32 to index
      %swap3A_115 = arith.constant 64 : index
      %swap3A_116 = tpu.vector_load %arg7[%swap3A_114, %swap3A_115] {strides = array<i32>} : memref<320x128xf32, #tpu.memory_space<vmem>>, vector<1x16xf32>,
      %swap3A_117 = vector.shape_cast %swap3A_116 : vector<1x16xf32> to vector<16xf32>
      %swap3A_118 = vector.shape_cast %broadcast_in_dim3A_93 : vector<16xf32> to vector<1x16xf32>
      tpu.vector_store %arg7[%swap3A_114, %swap3A_115], %swap3A_118 {strides = array<i32>} : memref<320x128xf32, #tpu.memory_space<vmem>>, vector<1x16xf32>,
      %swap3A_119 = arith.index_cast %add3A_90 : i32 to index
      %swap3A_120 = arith.constant 80 : index
      %swap3A_121 = tpu.vector_load %arg7[%swap3A_119, %swap3A_120] {strides = array<i32>} : memref<320x128xf32, #tpu.memory_space<vmem>>, vector<1x16xf32>,
      %swap3A_122 = vector.shape_cast %swap3A_121 : vector<1x16xf32> to vector<16xf32>
      %swap3A_123 = vector.shape_cast %broadcast_in_dim3A_93 : vector<16xf32> to vector<1x16xf32>
      tpu.vector_store %arg7[%swap3A_119, %swap3A_120], %swap3A_123 {strides = array<i32>} : memref<320x128xf32, #tpu.memory_space<vmem>>, vector<1x16xf32>,
      %swap3A_124 = arith.index_cast %add3A_90 : i32 to index
      %swap3A_125 = arith.constant 96 : index
      %swap3A_126 = tpu.vector_load %arg7[%swap3A_124, %swap3A_125] {strides = array<i32>} : memref<320x128xf32, #tpu.memory_space<vmem>>, vector<1x16xf32>,
      %swap3A_127 = vector.shape_cast %swap3A_126 : vector<1x16xf32> to vector<16xf32>
      %swap3A_128 = vector.shape_cast %broadcast_in_dim3A_93 : vector<16xf32> to vector<1x16xf32>
      tpu.vector_store %arg7[%swap3A_124, %swap3A_125], %swap3A_128 {strides = array<i32>} : memref<320x128xf32, #tpu.memory_space<vmem>>, vector<1x16xf32>,
      %swap3A_129 = arith.index_cast %add3A_90 : i32 to index
      %swap3A_130 = arith.constant 112 : index
      %swap3A_131 = tpu.vector_load %arg7[%swap3A_129, %swap3A_130] {strides = array<i32>} : memref<320x128xf32, #tpu.memory_space<vmem>>, vector<1x16xf32>,
      %swap3A_132 = vector.shape_cast %swap3A_131 : vector<1x16xf32> to vector<16xf32>
      %swap3A_133 = vector.shape_cast %broadcast_in_dim3A_93 : vector<16xf32> to vector<1x16xf32>
      tpu.vector_store %arg7[%swap3A_129, %swap3A_130], %swap3A_133 {strides = array<i32>} : memref<320x128xf32, #tpu.memory_space<vmem>>, vector<1x16xf32>,
      %mul3A_134 = arith.constant 16 : i32
      %mul3A_135 = arith.muli %scan3A_35, %mul3A_134 : i32
      %add3A_136 = arith.constant 2 : i32
      %add3A_137 = arith.addi %mul3A_135, %add3A_136 : i32
      %slice3A_138 = vector.extract_strided_slice %convert_element_type3A {offsets = [2], sizes = [1], strides = [1]} : vector<16xf32> to vector<1xf32>
      %squeeze3A_139 = vector.extract %slice3A_138[0] : f32 from vector<1xf32>
      %broadcast_in_dim3A_140 = vector.broadcast %squeeze3A_139 : f32 to vector<16xf32>
      %swap3A_141 = arith.index_cast %add3A_137 : i32 to index
      %swap3A_142 = arith.constant 0 : index
      %swap3A_143 = tpu.vector_load %arg7[%swap3A_141, %swap3A_142] {strides = array<i32>} : memref<320x128xf32, #tpu.memory_space<vmem>>, vector<1x16xf32>,
      %swap3A_144 = vector.shape_cast %swap3A_143 : vector<1x16xf32> to vector<16xf32>
      %swap3A_145 = vector.shape_cast %broadcast_in_dim3A_140 : vector<16xf32> to vector<1x16xf32>
      tpu.vector_store %arg7[%swap3A_141, %swap3A_142], %swap3A_145 {strides = array<i32>} : memref<320x128xf32, #tpu.memory_space<vmem>>, vector<1x16xf32>,
      %swap3A_146 = arith.index_cast %add3A_137 : i32 to index
      %swap3A_147 = arith.constant 16 : index
      %swap3A_148 = tpu.vector_load %arg7[%swap3A_146, %swap3A_147] {strides = array<i32>} : memref<320x128xf32, #tpu.memory_space<vmem>>, vector<1x16xf32>,
      %swap3A_149 = vector.shape_cast %swap3A_148 : vector<1x16xf32> to vector<16xf32>
      %swap3A_150 = vector.shape_cast %broadcast_in_dim3A_140 : vector<16xf32> to vector<1x16xf32>
      tpu.vector_store %arg7[%swap3A_146, %swap3A_147], %swap3A_150 {strides = array<i32>} : memref<320x128xf32, #tpu.memory_space<vmem>>, vector<1x16xf32>,
      %swap3A_151 = arith.index_cast %add3A_137 : i32 to index
      %swap3A_152 = arith.constant 32 : index
      %swap3A_153 = tpu.vector_load %arg7[%swap3A_151, %swap3A_152] {strides = array<i32>} : memref<320x128xf32, #tpu.memory_space<vmem>>, vector<1x16xf32>,
      %swap3A_154 = vector.shape_cast %swap3A_153 : vector<1x16xf32> to vector<16xf32>
      %swap3A_155 = vector.shape_cast %broadcast_in_dim3A_140 : vector<16xf32> to vector<1x16xf32>
      tpu.vector_store %arg7[%swap3A_151, %swap3A_152], %swap3A_155 {strides = array<i32>} : memref<320x128xf32, #tpu.memory_space<vmem>>, vector<1x16xf32>,
      %swap3A_156 = arith.index_cast %add3A_137 : i32 to index
      %swap3A_157 = arith.constant 48 : index
      %swap3A_158 = tpu.vector_load %arg7[%swap3A_156, %swap3A_157] {strides = array<i32>} : memref<320x128xf32, #tpu.memory_space<vmem>>, vector<1x16xf32>,
      %swap3A_159 = vector.shape_cast %swap3A_158 : vector<1x16xf32> to vector<16xf32>
      %swap3A_160 = vector.shape_cast %broadcast_in_dim3A_140 : vector<16xf32> to vector<1x16xf32>
      tpu.vector_store %arg7[%swap3A_156, %swap3A_157], %swap3A_160 {strides = array<i32>} : memref<320x128xf32, #tpu.memory_space<vmem>>, vector<1x16xf32>,
      %swap3A_161 = arith.index_cast %add3A_137 : i32 to index
      %swap3A_162 = arith.constant 64 : index
      %swap3A_163 = tpu.vector_load %arg7[%swap3A_161, %swap3A_162] {strides = array<i32>} : memref<320x128xf32, #tpu.memory_space<vmem>>, vector<1x16xf32>,
      %swap3A_164 = vector.shape_cast %swap3A_163 : vector<1x16xf32> to vector<16xf32>
      %swap3A_165 = vector.shape_cast %broadcast_in_dim3A_140 : vector<16xf32> to vector<1x16xf32>
      tpu.vector_store %arg7[%swap3A_161, %swap3A_162], %swap3A_165 {strides = array<i32>} : memref<320x128xf32, #tpu.memory_space<vmem>>, vector<1x16xf32>,
      %swap3A_166 = arith.index_cast %add3A_137 : i32 to index
      %swap3A_167 = arith.constant 80 : index
      %swap3A_168 = tpu.vector_load %arg7[%swap3A_166, %swap3A_167] {strides = array<i32>} : memref<320x128xf32, #tpu.memory_space<vmem>>, vector<1x16xf32>,
      %swap3A_169 = vector.shape_cast %swap3A_168 : vector<1x16xf32> to vector<16xf32>
      %swap3A_170 = vector.shape_cast %broadcast_in_dim3A_140 : vector<16xf32> to vector<1x16xf32>
      tpu.vector_store %arg7[%swap3A_166, %swap3A_167], %swap3A_170 {strides = array<i32>} : memref<320x128xf32, #tpu.memory_space<vmem>>, vector<1x16xf32>,
      %swap3A_171 = arith.index_cast %add3A_137 : i32 to index
      %swap3A_172 = arith.constant 96 : index
      %swap3A_173 = tpu.vector_load %arg7[%swap3A_171, %swap3A_172] {strides = array<i32>} : memref<320x128xf32, #tpu.memory_space<vmem>>, vector<1x16xf32>,
      %swap3A_174 = vector.shape_cast %swap3A_173 : vector<1x16xf32> to vector<16xf32>
      %swap3A_175 = vector.shape_cast %broadcast_in_dim3A_140 : vector<16xf32> to vector<1x16xf32>
      tpu.vector_store %arg7[%swap3A_171, %swap3A_172], %swap3A_175 {strides = array<i32>} : memref<320x128xf32, #tpu.memory_space<vmem>>, vector<1x16xf32>,
      %swap3A_176 = arith.index_cast %add3A_137 : i32 to index
      %swap3A_177 = arith.constant 112 : index
      %swap3A_178 = tpu.vector_load %arg7[%swap3A_176, %swap3A_177] {strides = array<i32>} : memref<320x128xf32, #tpu.memory_space<vmem>>, vector<1x16xf32>,
      %swap3A_179 = vector.shape_cast %swap3A_178 : vector<1x16xf32> to vector<16xf32>
      %swap3A_180 = vector.shape_cast %broadcast_in_dim3A_140 : vector<16xf32> to vector<1x16xf32>
      tpu.vector_store %arg7[%swap3A_176, %swap3A_177], %swap3A_180 {strides = array<i32>} : memref<320x128xf32, #tpu.memory_space<vmem>>, vector<1x16xf32>,
      %mul3A_181 = arith.constant 16 : i32
      %mul3A_182 = arith.muli %scan3A_35, %mul3A_181 : i32
      %add3A_183 = arith.constant 3 : i32
      %add3A_184 = arith.addi %mul3A_182, %add3A_183 : i32
      %slice3A_185 = vector.extract_strided_slice %convert_element_type3A {offsets = [3], sizes = [1], strides = [1]} : vector<16xf32> to vector<1xf32>
      %squeeze3A_186 = vector.extract %slice3A_185[0] : f32 from vector<1xf32>
      %broadcast_in_dim3A_187 = vector.broadcast %squeeze3A_186 : f32 to vector<16xf32>
      %swap3A_188 = arith.index_cast %add3A_184 : i32 to index
      %swap3A_189 = arith.constant 0 : index
      %swap3A_190 = tpu.vector_load %arg7[%swap3A_188, %swap3A_189] {strides = array<i32>} : memref<320x128xf32, #tpu.memory_space<vmem>>, vector<1x16xf32>,
      %swap3A_191 = vector.shape_cast %swap3A_190 : vector<1x16xf32> to vector<16xf32>
      %swap3A_192 = vector.shape_cast %broadcast_in_dim3A_187 : vector<16xf32> to vector<1x16xf32>
      tpu.vector_store %arg7[%swap3A_188, %swap3A_189], %swap3A_192 {strides = array<i32>} : memref<320x128xf32, #tpu.memory_space<vmem>>, vector<1x16xf32>,
      %swap3A_193 = arith.index_cast %add3A_184 : i32 to index
      %swap3A_194 = arith.constant 16 : index
      %swap3A_195 = tpu.vector_load %arg7[%swap3A_193, %swap3A_194] {strides = array<i32>} : memref<320x128xf32, #tpu.memory_space<vmem>>, vector<1x16xf32>,
      %swap3A_196 = vector.shape_cast %swap3A_195 : vector<1x16xf32> to vector<16xf32>
      %swap3A_197 = vector.shape_cast %broadcast_in_dim3A_187 : vector<16xf32> to vector<1x16xf32>
      tpu.vector_store %arg7[%swap3A_193, %swap3A_194], %swap3A_197 {strides = array<i32>} : memref<320x128xf32, #tpu.memory_space<vmem>>, vector<1x16xf32>,
      %swap3A_198 = arith.index_cast %add3A_184 : i32 to index
      %swap3A_199 = arith.constant 32 : index
      %swap3A_200 = tpu.vector_load %arg7[%swap3A_198, %swap3A_199] {strides = array<i32>} : memref<320x128xf32, #tpu.memory_space<vmem>>, vector<1x16xf32>,
      %swap3A_201 = vector.shape_cast %swap3A_200 : vector<1x16xf32> to vector<16xf32>
      %swap3A_202 = vector.shape_cast %broadcast_in_dim3A_187 : vector<16xf32> to vector<1x16xf32>
      tpu.vector_store %arg7[%swap3A_198, %swap3A_199], %swap3A_202 {strides = array<i32>} : memref<320x128xf32, #tpu.memory_space<vmem>>, vector<1x16xf32>,
      %swap3A_203 = arith.index_cast %add3A_184 : i32 to index
      %swap3A_204 = arith.constant 48 : index
      %swap3A_205 = tpu.vector_load %arg7[%swap3A_203, %swap3A_204] {strides = array<i32>} : memref<320x128xf32, #tpu.memory_space<vmem>>, vector<1x16xf32>,
      %swap3A_206 = vector.shape_cast %swap3A_205 : vector<1x16xf32> to vector<16xf32>
      %swap3A_207 = vector.shape_cast %broadcast_in_dim3A_187 : vector<16xf32> to vector<1x16xf32>
      tpu.vector_store %arg7[%swap3A_203, %swap3A_204], %swap3A_207 {strides = array<i32>} : memref<320x128xf32, #tpu.memory_space<vmem>>, vector<1x16xf32>,
      %swap3A_208 = arith.index_cast %add3A_184 : i32 to index
      %swap3A_209 = arith.constant 64 : index
      %swap3A_210 = tpu.vector_load %arg7[%swap3A_208, %swap3A_209] {strides = array<i32>} : memref<320x128xf32, #tpu.memory_space<vmem>>, vector<1x16xf32>,
      %swap3A_211 = vector.shape_cast %swap3A_210 : vector<1x16xf32> to vector<16xf32>
      %swap3A_212 = vector.shape_cast %broadcast_in_dim3A_187 : vector<16xf32> to vector<1x16xf32>
      tpu.vector_store %arg7[%swap3A_208, %swap3A_209], %swap3A_212 {strides = array<i32>} : memref<320x128xf32, #tpu.memory_space<vmem>>, vector<1x16xf32>,
      %swap3A_213 = arith.index_cast %add3A_184 : i32 to index
      %swap3A_214 = arith.constant 80 : index
      %swap3A_215 = tpu.vector_load %arg7[%swap3A_213, %swap3A_214] {strides = array<i32>} : memref<320x128xf32, #tpu.memory_space<vmem>>, vector<1x16xf32>,
      %swap3A_216 = vector.shape_cast %swap3A_215 : vector<1x16xf32> to vector<16xf32>
      %swap3A_217 = vector.shape_cast %broadcast_in_dim3A_187 : vector<16xf32> to vector<1x16xf32>
      tpu.vector_store %arg7[%swap3A_213, %swap3A_214], %swap3A_217 {strides = array<i32>} : memref<320x128xf32, #tpu.memory_space<vmem>>, vector<1x16xf32>,
      %swap3A_218 = arith.index_cast %add3A_184 : i32 to index
      %swap3A_219 = arith.constant 96 : index
      %swap3A_220 = tpu.vector_load %arg7[%swap3A_218, %swap3A_219] {strides = array<i32>} : memref<320x128xf32, #tpu.memory_space<vmem>>, vector<1x16xf32>,
      %swap3A_221 = vector.shape_cast %swap3A_220 : vector<1x16xf32> to vector<16xf32>
      %swap3A_222 = vector.shape_cast %broadcast_in_dim3A_187 : vector<16xf32> to vector<1x16xf32>
      tpu.vector_store %arg7[%swap3A_218, %swap3A_219], %swap3A_222 {strides = array<i32>} : memref<320x128xf32, #tpu.memory_space<vmem>>, vector<1x16xf32>,
      %swap3A_223 = arith.index_cast %add3A_184 : i32 to index
      %swap3A_224 = arith.constant 112 : index
      %swap3A_225 = tpu.vector_load %arg7[%swap3A_223, %swap3A_224] {strides = array<i32>} : memref<320x128xf32, #tpu.memory_space<vmem>>, vector<1x16xf32>,
      %swap3A_226 = vector.shape_cast %swap3A_225 : vector<1x16xf32> to vector<16xf32>
      %swap3A_227 = vector.shape_cast %broadcast_in_dim3A_187 : vector<16xf32> to vector<1x16xf32>
      tpu.vector_store %arg7[%swap3A_223, %swap3A_224], %swap3A_227 {strides = array<i32>} : memref<320x128xf32, #tpu.memory_space<vmem>>, vector<1x16xf32>,
      %mul3A_228 = arith.constant 16 : i32
      %mul3A_229 = arith.muli %scan3A_35, %mul3A_228 : i32
      %add3A_230 = arith.constant 4 : i32
      %add3A_231 = arith.addi %mul3A_229, %add3A_230 : i32
      %slice3A_232 = vector.extract_strided_slice %convert_element_type3A {offsets = [4], sizes = [1], strides = [1]} : vector<16xf32> to vector<1xf32>
      %squeeze3A_233 = vector.extract %slice3A_232[0] : f32 from vector<1xf32>
      %broadcast_in_dim3A_234 = vector.broadcast %squeeze3A_233 : f32 to vector<16xf32>
      %swap3A_235 = arith.index_cast %add3A_231 : i32 to index
      %swap3A_236 = arith.constant 0 : index
      %swap3A_237 = tpu.vector_load %arg7[%swap3A_235, %swap3A_236] {strides = array<i32>} : memref<320x128xf32, #tpu.memory_space<vmem>>, vector<1x16xf32>,
      %swap3A_238 = vector.shape_cast %swap3A_237 : vector<1x16xf32> to vector<16xf32>
      %swap3A_239 = vector.shape_cast %broadcast_in_dim3A_234 : vector<16xf32> to vector<1x16xf32>
      tpu.vector_store %arg7[%swap3A_235, %swap3A_236], %swap3A_239 {strides = array<i32>} : memref<320x128xf32, #tpu.memory_space<vmem>>, vector<1x16xf32>,
      %swap3A_240 = arith.index_cast %add3A_231 : i32 to index
      %swap3A_241 = arith.constant 16 : index
      %swap3A_242 = tpu.vector_load %arg7[%swap3A_240, %swap3A_241] {strides = array<i32>} : memref<320x128xf32, #tpu.memory_space<vmem>>, vector<1x16xf32>,
      %swap3A_243 = vector.shape_cast %swap3A_242 : vector<1x16xf32> to vector<16xf32>
      %swap3A_244 = vector.shape_cast %broadcast_in_dim3A_234 : vector<16xf32> to vector<1x16xf32>
      tpu.vector_store %arg7[%swap3A_240, %swap3A_241], %swap3A_244 {strides = array<i32>} : memref<320x128xf32, #tpu.memory_space<vmem>>, vector<1x16xf32>,
      %swap3A_245 = arith.index_cast %add3A_231 : i32 to index
      %swap3A_246 = arith.constant 32 : index
      %swap3A_247 = tpu.vector_load %arg7[%swap3A_245, %swap3A_246] {strides = array<i32>} : memref<320x128xf32, #tpu.memory_space<vmem>>, vector<1x16xf32>,
      %swap3A_248 = vector.shape_cast %swap3A_247 : vector<1x16xf32> to vector<16xf32>
      %swap3A_249 = vector.shape_cast %broadcast_in_dim3A_234 : vector<16xf32> to vector<1x16xf32>
      tpu.vector_store %arg7[%swap3A_245, %swap3A_246], %swap3A_249 {strides = array<i32>} : memref<320x128xf32, #tpu.memory_space<vmem>>, vector<1x16xf32>,
      %swap3A_250 = arith.index_cast %add3A_231 : i32 to index
      %swap3A_251 = arith.constant 48 : index
      %swap3A_252 = tpu.vector_load %arg7[%swap3A_250, %swap3A_251] {strides = array<i32>} : memref<320x128xf32, #tpu.memory_space<vmem>>, vector<1x16xf32>,
      %swap3A_253 = vector.shape_cast %swap3A_252 : vector<1x16xf32> to vector<16xf32>
      %swap3A_254 = vector.shape_cast %broadcast_in_dim3A_234 : vector<16xf32> to vector<1x16xf32>
      tpu.vector_store %arg7[%swap3A_250, %swap3A_251], %swap3A_254 {strides = array<i32>} : memref<320x128xf32, #tpu.memory_space<vmem>>, vector<1x16xf32>,
      %swap3A_255 = arith.index_cast %add3A_231 : i32 to index
      %swap3A_256 = arith.constant 64 : index
      %swap3A_257 = tpu.vector_load %arg7[%swap3A_255, %swap3A_256] {strides = array<i32>} : memref<320x128xf32, #tpu.memory_space<vmem>>, vector<1x16xf32>,
      %swap3A_258 = vector.shape_cast %swap3A_257 : vector<1x16xf32> to vector<16xf32>
      %swap3A_259 = vector.shape_cast %broadcast_in_dim3A_234 : vector<16xf32> to vector<1x16xf32>
      tpu.vector_store %arg7[%swap3A_255, %swap3A_256], %swap3A_259 {strides = array<i32>} : memref<320x128xf32, #tpu.memory_space<vmem>>, vector<1x16xf32>,
      %swap3A_260 = arith.index_cast %add3A_231 : i32 to index
      %swap3A_261 = arith.constant 80 : index
      %swap3A_262 = tpu.vector_load %arg7[%swap3A_260, %swap3A_261] {strides = array<i32>} : memref<320x128xf32, #tpu.memory_space<vmem>>, vector<1x16xf32>,
      %swap3A_263 = vector.shape_cast %swap3A_262 : vector<1x16xf32> to vector<16xf32>
      %swap3A_264 = vector.shape_cast %broadcast_in_dim3A_234 : vector<16xf32> to vector<1x16xf32>
      tpu.vector_store %arg7[%swap3A_260, %swap3A_261], %swap3A_264 {strides = array<i32>} : memref<320x128xf32, #tpu.memory_space<vmem>>, vector<1x16xf32>,
      %swap3A_265 = arith.index_cast %add3A_231 : i32 to index
      %swap3A_266 = arith.constant 96 : index
      %swap3A_267 = tpu.vector_load %arg7[%swap3A_265, %swap3A_266] {strides = array<i32>} : memref<320x128xf32, #tpu.memory_space<vmem>>, vector<1x16xf32>,
      %swap3A_268 = vector.shape_cast %swap3A_267 : vector<1x16xf32> to vector<16xf32>
      %swap3A_269 = vector.shape_cast %broadcast_in_dim3A_234 : vector<16xf32> to vector<1x16xf32>
      tpu.vector_store %arg7[%swap3A_265, %swap3A_266], %swap3A_269 {strides = array<i32>} : memref<320x128xf32, #tpu.memory_space<vmem>>, vector<1x16xf32>,
      %swap3A_270 = arith.index_cast %add3A_231 : i32 to index
      %swap3A_271 = arith.constant 112 : index
      %swap3A_272 = tpu.vector_load %arg7[%swap3A_270, %swap3A_271] {strides = array<i32>} : memref<320x128xf32, #tpu.memory_space<vmem>>, vector<1x16xf32>,
      %swap3A_273 = vector.shape_cast %swap3A_272 : vector<1x16xf32> to vector<16xf32>
      %swap3A_274 = vector.shape_cast %broadcast_in_dim3A_234 : vector<16xf32> to vector<1x16xf32>
      tpu.vector_store %arg7[%swap3A_270, %swap3A_271], %swap3A_274 {strides = array<i32>} : memref<320x128xf32, #tpu.memory_space<vmem>>, vector<1x16xf32>,
      %mul3A_275 = arith.constant 16 : i32
      %mul3A_276 = arith.muli %scan3A_35, %mul3A_275 : i32
      %add3A_277 = arith.constant 5 : i32
      %add3A_278 = arith.addi %mul3A_276, %add3A_277 : i32
      %slice3A_279 = vector.extract_strided_slice %convert_element_type3A {offsets = [5], sizes = [1], strides = [1]} : vector<16xf32> to vector<1xf32>
      %squeeze3A_280 = vector.extract %slice3A_279[0] : f32 from vector<1xf32>
      %broadcast_in_dim3A_281 = vector.broadcast %squeeze3A_280 : f32 to vector<16xf32>
      %swap3A_282 = arith.index_cast %add3A_278 : i32 to index
      %swap3A_283 = arith.constant 0 : index
      %swap3A_284 = tpu.vector_load %arg7[%swap3A_282, %swap3A_283] {strides = array<i32>} : memref<320x128xf32, #tpu.memory_space<vmem>>, vector<1x16xf32>,
      %swap3A_285 = vector.shape_cast %swap3A_284 : vector<1x16xf32> to vector<16xf32>
      %swap3A_286 = vector.shape_cast %broadcast_in_dim3A_281 : vector<16xf32> to vector<1x16xf32>
      tpu.vector_store %arg7[%swap3A_282, %swap3A_283], %swap3A_286 {strides = array<i32>} : memref<320x128xf32, #tpu.memory_space<vmem>>, vector<1x16xf32>,
      %swap3A_287 = arith.index_cast %add3A_278 : i32 to index
      %swap3A_288 = arith.constant 16 : index
      %swap3A_289 = tpu.vector_load %arg7[%swap3A_287, %swap3A_288] {strides = array<i32>} : memref<320x128xf32, #tpu.memory_space<vmem>>, vector<1x16xf32>,
      %swap3A_290 = vector.shape_cast %swap3A_289 : vector<1x16xf32> to vector<16xf32>
      %swap3A_291 = vector.shape_cast %broadcast_in_dim3A_281 : vector<16xf32> to vector<1x16xf32>
      tpu.vector_store %arg7[%swap3A_287, %swap3A_288], %swap3A_291 {strides = array<i32>} : memref<320x128xf32, #tpu.memory_space<vmem>>, vector<1x16xf32>,
      %swap3A_292 = arith.index_cast %add3A_278 : i32 to index
      %swap3A_293 = arith.constant 32 : index
      %swap3A_294 = tpu.vector_load %arg7[%swap3A_292, %swap3A_293] {strides = array<i32>} : memref<320x128xf32, #tpu.memory_space<vmem>>, vector<1x16xf32>,
      %swap3A_295 = vector.shape_cast %swap3A_294 : vector<1x16xf32> to vector<16xf32>
      %swap3A_296 = vector.shape_cast %broadcast_in_dim3A_281 : vector<16xf32> to vector<1x16xf32>
      tpu.vector_store %arg7[%swap3A_292, %swap3A_293], %swap3A_296 {strides = array<i32>} : memref<320x128xf32, #tpu.memory_space<vmem>>, vector<1x16xf32>,
      %swap3A_297 = arith.index_cast %add3A_278 : i32 to index
      %swap3A_298 = arith.constant 48 : index
      %swap3A_299 = tpu.vector_load %arg7[%swap3A_297, %swap3A_298] {strides = array<i32>} : memref<320x128xf32, #tpu.memory_space<vmem>>, vector<1x16xf32>,
      %swap3A_300 = vector.shape_cast %swap3A_299 : vector<1x16xf32> to vector<16xf32>
      %swap3A_301 = vector.shape_cast %broadcast_in_dim3A_281 : vector<16xf32> to vector<1x16xf32>
      tpu.vector_store %arg7[%swap3A_297, %swap3A_298], %swap3A_301 {strides = array<i32>} : memref<320x128xf32, #tpu.memory_space<vmem>>, vector<1x16xf32>,
      %swap3A_302 = arith.index_cast %add3A_278 : i32 to index
      %swap3A_303 = arith.constant 64 : index
      %swap3A_304 = tpu.vector_load %arg7[%swap3A_302, %swap3A_303] {strides = array<i32>} : memref<320x128xf32, #tpu.memory_space<vmem>>, vector<1x16xf32>,
      %swap3A_305 = vector.shape_cast %swap3A_304 : vector<1x16xf32> to vector<16xf32>
      %swap3A_306 = vector.shape_cast %broadcast_in_dim3A_281 : vector<16xf32> to vector<1x16xf32>
      tpu.vector_store %arg7[%swap3A_302, %swap3A_303], %swap3A_306 {strides = array<i32>} : memref<320x128xf32, #tpu.memory_space<vmem>>, vector<1x16xf32>,
      %swap3A_307 = arith.index_cast %add3A_278 : i32 to index
      %swap3A_308 = arith.constant 80 : index
      %swap3A_309 = tpu.vector_load %arg7[%swap3A_307, %swap3A_308] {strides = array<i32>} : memref<320x128xf32, #tpu.memory_space<vmem>>, vector<1x16xf32>,
      %swap3A_310 = vector.shape_cast %swap3A_309 : vector<1x16xf32> to vector<16xf32>
      %swap3A_311 = vector.shape_cast %broadcast_in_dim3A_281 : vector<16xf32> to vector<1x16xf32>
      tpu.vector_store %arg7[%swap3A_307, %swap3A_308], %swap3A_311 {strides = array<i32>} : memref<320x128xf32, #tpu.memory_space<vmem>>, vector<1x16xf32>,
      %swap3A_312 = arith.index_cast %add3A_278 : i32 to index
      %swap3A_313 = arith.constant 96 : index
      %swap3A_314 = tpu.vector_load %arg7[%swap3A_312, %swap3A_313] {strides = array<i32>} : memref<320x128xf32, #tpu.memory_space<vmem>>, vector<1x16xf32>,
      %swap3A_315 = vector.shape_cast %swap3A_314 : vector<1x16xf32> to vector<16xf32>
      %swap3A_316 = vector.shape_cast %broadcast_in_dim3A_281 : vector<16xf32> to vector<1x16xf32>
      tpu.vector_store %arg7[%swap3A_312, %swap3A_313], %swap3A_316 {strides = array<i32>} : memref<320x128xf32, #tpu.memory_space<vmem>>, vector<1x16xf32>,
      %swap3A_317 = arith.index_cast %add3A_278 : i32 to index
      %swap3A_318 = arith.constant 112 : index
      %swap3A_319 = tpu.vector_load %arg7[%swap3A_317, %swap3A_318] {strides = array<i32>} : memref<320x128xf32, #tpu.memory_space<vmem>>, vector<1x16xf32>,
      %swap3A_320 = vector.shape_cast %swap3A_319 : vector<1x16xf32> to vector<16xf32>
      %swap3A_321 = vector.shape_cast %broadcast_in_dim3A_281 : vector<16xf32> to vector<1x16xf32>
      tpu.vector_store %arg7[%swap3A_317, %swap3A_318], %swap3A_321 {strides = array<i32>} : memref<320x128xf32, #tpu.memory_space<vmem>>, vector<1x16xf32>,
      %mul3A_322 = arith.constant 16 : i32
      %mul3A_323 = arith.muli %scan3A_35, %mul3A_322 : i32
      %add3A_324 = arith.constant 6 : i32
      %add3A_325 = arith.addi %mul3A_323, %add3A_324 : i32
      %slice3A_326 = vector.extract_strided_slice %convert_element_type3A {offsets = [6], sizes = [1], strides = [1]} : vector<16xf32> to vector<1xf32>
      %squeeze3A_327 = vector.extract %slice3A_326[0] : f32 from vector<1xf32>
      %broadcast_in_dim3A_328 = vector.broadcast %squeeze3A_327 : f32 to vector<16xf32>
      %swap3A_329 = arith.index_cast %add3A_325 : i32 to index
      %swap3A_330 = arith.constant 0 : index
      %swap3A_331 = tpu.vector_load %arg7[%swap3A_329, %swap3A_330] {strides = array<i32>} : memref<320x128xf32, #tpu.memory_space<vmem>>, vector<1x16xf32>,
      %swap3A_332 = vector.shape_cast %swap3A_331 : vector<1x16xf32> to vector<16xf32>
      %swap3A_333 = vector.shape_cast %broadcast_in_dim3A_328 : vector<16xf32> to vector<1x16xf32>
      tpu.vector_store %arg7[%swap3A_329, %swap3A_330], %swap3A_333 {strides = array<i32>} : memref<320x128xf32, #tpu.memory_space<vmem>>, vector<1x16xf32>,
      %swap3A_334 = arith.index_cast %add3A_325 : i32 to index
      %swap3A_335 = arith.constant 16 : index
      %swap3A_336 = tpu.vector_load %arg7[%swap3A_334, %swap3A_335] {strides = array<i32>} : memref<320x128xf32, #tpu.memory_space<vmem>>, vector<1x16xf32>,
      %swap3A_337 = vector.shape_cast %swap3A_336 : vector<1x16xf32> to vector<16xf32>
      %swap3A_338 = vector.shape_cast %broadcast_in_dim3A_328 : vector<16xf32> to vector<1x16xf32>
      tpu.vector_store %arg7[%swap3A_334, %swap3A_335], %swap3A_338 {strides = array<i32>} : memref<320x128xf32, #tpu.memory_space<vmem>>, vector<1x16xf32>,
      %swap3A_339 = arith.index_cast %add3A_325 : i32 to index
      %swap3A_340 = arith.constant 32 : index
      %swap3A_341 = tpu.vector_load %arg7[%swap3A_339, %swap3A_340] {strides = array<i32>} : memref<320x128xf32, #tpu.memory_space<vmem>>, vector<1x16xf32>,
      %swap3A_342 = vector.shape_cast %swap3A_341 : vector<1x16xf32> to vector<16xf32>
      %swap3A_343 = vector.shape_cast %broadcast_in_dim3A_328 : vector<16xf32> to vector<1x16xf32>
      tpu.vector_store %arg7[%swap3A_339, %swap3A_340], %swap3A_343 {strides = array<i32>} : memref<320x128xf32, #tpu.memory_space<vmem>>, vector<1x16xf32>,
      %swap3A_344 = arith.index_cast %add3A_325 : i32 to index
      %swap3A_345 = arith.constant 48 : index
      %swap3A_346 = tpu.vector_load %arg7[%swap3A_344, %swap3A_345] {strides = array<i32>} : memref<320x128xf32, #tpu.memory_space<vmem>>, vector<1x16xf32>,
      %swap3A_347 = vector.shape_cast %swap3A_346 : vector<1x16xf32> to vector<16xf32>
      %swap3A_348 = vector.shape_cast %broadcast_in_dim3A_328 : vector<16xf32> to vector<1x16xf32>
      tpu.vector_store %arg7[%swap3A_344, %swap3A_345], %swap3A_348 {strides = array<i32>} : memref<320x128xf32, #tpu.memory_space<vmem>>, vector<1x16xf32>,
      %swap3A_349 = arith.index_cast %add3A_325 : i32 to index
      %swap3A_350 = arith.constant 64 : index
      %swap3A_351 = tpu.vector_load %arg7[%swap3A_349, %swap3A_350] {strides = array<i32>} : memref<320x128xf32, #tpu.memory_space<vmem>>, vector<1x16xf32>,
      %swap3A_352 = vector.shape_cast %swap3A_351 : vector<1x16xf32> to vector<16xf32>
      %swap3A_353 = vector.shape_cast %broadcast_in_dim3A_328 : vector<16xf32> to vector<1x16xf32>
      tpu.vector_store %arg7[%swap3A_349, %swap3A_350], %swap3A_353 {strides = array<i32>} : memref<320x128xf32, #tpu.memory_space<vmem>>, vector<1x16xf32>,
      %swap3A_354 = arith.index_cast %add3A_325 : i32 to index
      %swap3A_355 = arith.constant 80 : index
      %swap3A_356 = tpu.vector_load %arg7[%swap3A_354, %swap3A_355] {strides = array<i32>} : memref<320x128xf32, #tpu.memory_space<vmem>>, vector<1x16xf32>,
      %swap3A_357 = vector.shape_cast %swap3A_356 : vector<1x16xf32> to vector<16xf32>
      %swap3A_358 = vector.shape_cast %broadcast_in_dim3A_328 : vector<16xf32> to vector<1x16xf32>
      tpu.vector_store %arg7[%swap3A_354, %swap3A_355], %swap3A_358 {strides = array<i32>} : memref<320x128xf32, #tpu.memory_space<vmem>>, vector<1x16xf32>,
      %swap3A_359 = arith.index_cast %add3A_325 : i32 to index
      %swap3A_360 = arith.constant 96 : index
      %swap3A_361 = tpu.vector_load %arg7[%swap3A_359, %swap3A_360] {strides = array<i32>} : memref<320x128xf32, #tpu.memory_space<vmem>>, vector<1x16xf32>,
      %swap3A_362 = vector.shape_cast %swap3A_361 : vector<1x16xf32> to vector<16xf32>
      %swap3A_363 = vector.shape_cast %broadcast_in_dim3A_328 : vector<16xf32> to vector<1x16xf32>
      tpu.vector_store %arg7[%swap3A_359, %swap3A_360], %swap3A_363 {strides = array<i32>} : memref<320x128xf32, #tpu.memory_space<vmem>>, vector<1x16xf32>,
      %swap3A_364 = arith.index_cast %add3A_325 : i32 to index
      %swap3A_365 = arith.constant 112 : index
      %swap3A_366 = tpu.vector_load %arg7[%swap3A_364, %swap3A_365] {strides = array<i32>} : memref<320x128xf32, #tpu.memory_space<vmem>>, vector<1x16xf32>,
      %swap3A_367 = vector.shape_cast %swap3A_366 : vector<1x16xf32> to vector<16xf32>
      %swap3A_368 = vector.shape_cast %broadcast_in_dim3A_328 : vector<16xf32> to vector<1x16xf32>
      tpu.vector_store %arg7[%swap3A_364, %swap3A_365], %swap3A_368 {strides = array<i32>} : memref<320x128xf32, #tpu.memory_space<vmem>>, vector<1x16xf32>,
      %mul3A_369 = arith.constant 16 : i32
      %mul3A_370 = arith.muli %scan3A_35, %mul3A_369 : i32
      %add3A_371 = arith.constant 7 : i32
      %add3A_372 = arith.addi %mul3A_370, %add3A_371 : i32
      %slice3A_373 = vector.extract_strided_slice %convert_element_type3A {offsets = [7], sizes = [1], strides = [1]} : vector<16xf32> to vector<1xf32>
      %squeeze3A_374 = vector.extract %slice3A_373[0] : f32 from vector<1xf32>
      %broadcast_in_dim3A_375 = vector.broadcast %squeeze3A_374 : f32 to vector<16xf32>
      %swap3A_376 = arith.index_cast %add3A_372 : i32 to index
      %swap3A_377 = arith.constant 0 : index
      %swap3A_378 = tpu.vector_load %arg7[%swap3A_376, %swap3A_377] {strides = array<i32>} : memref<320x128xf32, #tpu.memory_space<vmem>>, vector<1x16xf32>,
      %swap3A_379 = vector.shape_cast %swap3A_378 : vector<1x16xf32> to vector<16xf32>
      %swap3A_380 = vector.shape_cast %broadcast_in_dim3A_375 : vector<16xf32> to vector<1x16xf32>
      tpu.vector_store %arg7[%swap3A_376, %swap3A_377], %swap3A_380 {strides = array<i32>} : memref<320x128xf32, #tpu.memory_space<vmem>>, vector<1x16xf32>,
      %swap3A_381 = arith.index_cast %add3A_372 : i32 to index
      %swap3A_382 = arith.constant 16 : index
      %swap3A_383 = tpu.vector_load %arg7[%swap3A_381, %swap3A_382] {strides = array<i32>} : memref<320x128xf32, #tpu.memory_space<vmem>>, vector<1x16xf32>,
      %swap3A_384 = vector.shape_cast %swap3A_383 : vector<1x16xf32> to vector<16xf32>
      %swap3A_385 = vector.shape_cast %broadcast_in_dim3A_375 : vector<16xf32> to vector<1x16xf32>
      tpu.vector_store %arg7[%swap3A_381, %swap3A_382], %swap3A_385 {strides = array<i32>} : memref<320x128xf32, #tpu.memory_space<vmem>>, vector<1x16xf32>,
      %swap3A_386 = arith.index_cast %add3A_372 : i32 to index
      %swap3A_387 = arith.constant 32 : index
      %swap3A_388 = tpu.vector_load %arg7[%swap3A_386, %swap3A_387] {strides = array<i32>} : memref<320x128xf32, #tpu.memory_space<vmem>>, vector<1x16xf32>,
      %swap3A_389 = vector.shape_cast %swap3A_388 : vector<1x16xf32> to vector<16xf32>
      %swap3A_390 = vector.shape_cast %broadcast_in_dim3A_375 : vector<16xf32> to vector<1x16xf32>
      tpu.vector_store %arg7[%swap3A_386, %swap3A_387], %swap3A_390 {strides = array<i32>} : memref<320x128xf32, #tpu.memory_space<vmem>>, vector<1x16xf32>,
      %swap3A_391 = arith.index_cast %add3A_372 : i32 to index
      %swap3A_392 = arith.constant 48 : index
      %swap3A_393 = tpu.vector_load %arg7[%swap3A_391, %swap3A_392] {strides = array<i32>} : memref<320x128xf32, #tpu.memory_space<vmem>>, vector<1x16xf32>,
      %swap3A_394 = vector.shape_cast %swap3A_393 : vector<1x16xf32> to vector<16xf32>
      %swap3A_395 = vector.shape_cast %broadcast_in_dim3A_375 : vector<16xf32> to vector<1x16xf32>
      tpu.vector_store %arg7[%swap3A_391, %swap3A_392], %swap3A_395 {strides = array<i32>} : memref<320x128xf32, #tpu.memory_space<vmem>>, vector<1x16xf32>,
      %swap3A_396 = arith.index_cast %add3A_372 : i32 to index
      %swap3A_397 = arith.constant 64 : index
      %swap3A_398 = tpu.vector_load %arg7[%swap3A_396, %swap3A_397] {strides = array<i32>} : memref<320x128xf32, #tpu.memory_space<vmem>>, vector<1x16xf32>,
      %swap3A_399 = vector.shape_cast %swap3A_398 : vector<1x16xf32> to vector<16xf32>
      %swap3A_400 = vector.shape_cast %broadcast_in_dim3A_375 : vector<16xf32> to vector<1x16xf32>
      tpu.vector_store %arg7[%swap3A_396, %swap3A_397], %swap3A_400 {strides = array<i32>} : memref<320x128xf32, #tpu.memory_space<vmem>>, vector<1x16xf32>,
      %swap3A_401 = arith.index_cast %add3A_372 : i32 to index
      %swap3A_402 = arith.constant 80 : index
      %swap3A_403 = tpu.vector_load %arg7[%swap3A_401, %swap3A_402] {strides = array<i32>} : memref<320x128xf32, #tpu.memory_space<vmem>>, vector<1x16xf32>,
      %swap3A_404 = vector.shape_cast %swap3A_403 : vector<1x16xf32> to vector<16xf32>
      %swap3A_405 = vector.shape_cast %broadcast_in_dim3A_375 : vector<16xf32> to vector<1x16xf32>
      tpu.vector_store %arg7[%swap3A_401, %swap3A_402], %swap3A_405 {strides = array<i32>} : memref<320x128xf32, #tpu.memory_space<vmem>>, vector<1x16xf32>,
      %swap3A_406 = arith.index_cast %add3A_372 : i32 to index
      %swap3A_407 = arith.constant 96 : index
      %swap3A_408 = tpu.vector_load %arg7[%swap3A_406, %swap3A_407] {strides = array<i32>} : memref<320x128xf32, #tpu.memory_space<vmem>>, vector<1x16xf32>,
      %swap3A_409 = vector.shape_cast %swap3A_408 : vector<1x16xf32> to vector<16xf32>
      %swap3A_410 = vector.shape_cast %broadcast_in_dim3A_375 : vector<16xf32> to vector<1x16xf32>
      tpu.vector_store %arg7[%swap3A_406, %swap3A_407], %swap3A_410 {strides = array<i32>} : memref<320x128xf32, #tpu.memory_space<vmem>>, vector<1x16xf32>,
      %swap3A_411 = arith.index_cast %add3A_372 : i32 to index
      %swap3A_412 = arith.constant 112 : index
      %swap3A_413 = tpu.vector_load %arg7[%swap3A_411, %swap3A_412] {strides = array<i32>} : memref<320x128xf32, #tpu.memory_space<vmem>>, vector<1x16xf32>,
      %swap3A_414 = vector.shape_cast %swap3A_413 : vector<1x16xf32> to vector<16xf32>
      %swap3A_415 = vector.shape_cast %broadcast_in_dim3A_375 : vector<16xf32> to vector<1x16xf32>
      tpu.vector_store %arg7[%swap3A_411, %swap3A_412], %swap3A_415 {strides = array<i32>} : memref<320x128xf32, #tpu.memory_space<vmem>>, vector<1x16xf32>,
      %mul3A_416 = arith.constant 16 : i32
      %mul3A_417 = arith.muli %scan3A_35, %mul3A_416 : i32
      %add3A_418 = arith.constant 8 : i32
      %add3A_419 = arith.addi %mul3A_417, %add3A_418 : i32
      %slice3A_420 = vector.extract_strided_slice %convert_element_type3A {offsets = [8], sizes = [1], strides = [1]} : vector<16xf32> to vector<1xf32>
      %squeeze3A_421 = vector.extract %slice3A_420[0] : f32 from vector<1xf32>
      %broadcast_in_dim3A_422 = vector.broadcast %squeeze3A_421 : f32 to vector<16xf32>
      %swap3A_423 = arith.index_cast %add3A_419 : i32 to index
      %swap3A_424 = arith.constant 0 : index
      %swap3A_425 = tpu.vector_load %arg7[%swap3A_423, %swap3A_424] {strides = array<i32>} : memref<320x128xf32, #tpu.memory_space<vmem>>, vector<1x16xf32>,
      %swap3A_426 = vector.shape_cast %swap3A_425 : vector<1x16xf32> to vector<16xf32>
      %swap3A_427 = vector.shape_cast %broadcast_in_dim3A_422 : vector<16xf32> to vector<1x16xf32>
      tpu.vector_store %arg7[%swap3A_423, %swap3A_424], %swap3A_427 {strides = array<i32>} : memref<320x128xf32, #tpu.memory_space<vmem>>, vector<1x16xf32>,
      %swap3A_428 = arith.index_cast %add3A_419 : i32 to index
      %swap3A_429 = arith.constant 16 : index
      %swap3A_430 = tpu.vector_load %arg7[%swap3A_428, %swap3A_429] {strides = array<i32>} : memref<320x128xf32, #tpu.memory_space<vmem>>, vector<1x16xf32>,
      %swap3A_431 = vector.shape_cast %swap3A_430 : vector<1x16xf32> to vector<16xf32>
      %swap3A_432 = vector.shape_cast %broadcast_in_dim3A_422 : vector<16xf32> to vector<1x16xf32>
      tpu.vector_store %arg7[%swap3A_428, %swap3A_429], %swap3A_432 {strides = array<i32>} : memref<320x128xf32, #tpu.memory_space<vmem>>, vector<1x16xf32>,
      %swap3A_433 = arith.index_cast %add3A_419 : i32 to index
      %swap3A_434 = arith.constant 32 : index
      %swap3A_435 = tpu.vector_load %arg7[%swap3A_433, %swap3A_434] {strides = array<i32>} : memref<320x128xf32, #tpu.memory_space<vmem>>, vector<1x16xf32>,
      %swap3A_436 = vector.shape_cast %swap3A_435 : vector<1x16xf32> to vector<16xf32>
      %swap3A_437 = vector.shape_cast %broadcast_in_dim3A_422 : vector<16xf32> to vector<1x16xf32>
      tpu.vector_store %arg7[%swap3A_433, %swap3A_434], %swap3A_437 {strides = array<i32>} : memref<320x128xf32, #tpu.memory_space<vmem>>, vector<1x16xf32>,
      %swap3A_438 = arith.index_cast %add3A_419 : i32 to index
      %swap3A_439 = arith.constant 48 : index
      %swap3A_440 = tpu.vector_load %arg7[%swap3A_438, %swap3A_439] {strides = array<i32>} : memref<320x128xf32, #tpu.memory_space<vmem>>, vector<1x16xf32>,
      %swap3A_441 = vector.shape_cast %swap3A_440 : vector<1x16xf32> to vector<16xf32>
      %swap3A_442 = vector.shape_cast %broadcast_in_dim3A_422 : vector<16xf32> to vector<1x16xf32>
      tpu.vector_store %arg7[%swap3A_438, %swap3A_439], %swap3A_442 {strides = array<i32>} : memref<320x128xf32, #tpu.memory_space<vmem>>, vector<1x16xf32>,
      %swap3A_443 = arith.index_cast %add3A_419 : i32 to index
      %swap3A_444 = arith.constant 64 : index
      %swap3A_445 = tpu.vector_load %arg7[%swap3A_443, %swap3A_444] {strides = array<i32>} : memref<320x128xf32, #tpu.memory_space<vmem>>, vector<1x16xf32>,
      %swap3A_446 = vector.shape_cast %swap3A_445 : vector<1x16xf32> to vector<16xf32>
      %swap3A_447 = vector.shape_cast %broadcast_in_dim3A_422 : vector<16xf32> to vector<1x16xf32>
      tpu.vector_store %arg7[%swap3A_443, %swap3A_444], %swap3A_447 {strides = array<i32>} : memref<320x128xf32, #tpu.memory_space<vmem>>, vector<1x16xf32>,
      %swap3A_448 = arith.index_cast %add3A_419 : i32 to index
      %swap3A_449 = arith.constant 80 : index
      %swap3A_450 = tpu.vector_load %arg7[%swap3A_448, %swap3A_449] {strides = array<i32>} : memref<320x128xf32, #tpu.memory_space<vmem>>, vector<1x16xf32>,
      %swap3A_451 = vector.shape_cast %swap3A_450 : vector<1x16xf32> to vector<16xf32>
      %swap3A_452 = vector.shape_cast %broadcast_in_dim3A_422 : vector<16xf32> to vector<1x16xf32>
      tpu.vector_store %arg7[%swap3A_448, %swap3A_449], %swap3A_452 {strides = array<i32>} : memref<320x128xf32, #tpu.memory_space<vmem>>, vector<1x16xf32>,
      %swap3A_453 = arith.index_cast %add3A_419 : i32 to index
      %swap3A_454 = arith.constant 96 : index
      %swap3A_455 = tpu.vector_load %arg7[%swap3A_453, %swap3A_454] {strides = array<i32>} : memref<320x128xf32, #tpu.memory_space<vmem>>, vector<1x16xf32>,
      %swap3A_456 = vector.shape_cast %swap3A_455 : vector<1x16xf32> to vector<16xf32>
      %swap3A_457 = vector.shape_cast %broadcast_in_dim3A_422 : vector<16xf32> to vector<1x16xf32>
      tpu.vector_store %arg7[%swap3A_453, %swap3A_454], %swap3A_457 {strides = array<i32>} : memref<320x128xf32, #tpu.memory_space<vmem>>, vector<1x16xf32>,
      %swap3A_458 = arith.index_cast %add3A_419 : i32 to index
      %swap3A_459 = arith.constant 112 : index
      %swap3A_460 = tpu.vector_load %arg7[%swap3A_458, %swap3A_459] {strides = array<i32>} : memref<320x128xf32, #tpu.memory_space<vmem>>, vector<1x16xf32>,
      %swap3A_461 = vector.shape_cast %swap3A_460 : vector<1x16xf32> to vector<16xf32>
      %swap3A_462 = vector.shape_cast %broadcast_in_dim3A_422 : vector<16xf32> to vector<1x16xf32>
      tpu.vector_store %arg7[%swap3A_458, %swap3A_459], %swap3A_462 {strides = array<i32>} : memref<320x128xf32, #tpu.memory_space<vmem>>, vector<1x16xf32>,
      %mul3A_463 = arith.constant 16 : i32
      %mul3A_464 = arith.muli %scan3A_35, %mul3A_463 : i32
      %add3A_465 = arith.constant 9 : i32
      %add3A_466 = arith.addi %mul3A_464, %add3A_465 : i32
      %slice3A_467 = vector.extract_strided_slice %convert_element_type3A {offsets = [9], sizes = [1], strides = [1]} : vector<16xf32> to vector<1xf32>
      %squeeze3A_468 = vector.extract %slice3A_467[0] : f32 from vector<1xf32>
      %broadcast_in_dim3A_469 = vector.broadcast %squeeze3A_468 : f32 to vector<16xf32>
      %swap3A_470 = arith.index_cast %add3A_466 : i32 to index
      %swap3A_471 = arith.constant 0 : index
      %swap3A_472 = tpu.vector_load %arg7[%swap3A_470, %swap3A_471] {strides = array<i32>} : memref<320x128xf32, #tpu.memory_space<vmem>>, vector<1x16xf32>,
      %swap3A_473 = vector.shape_cast %swap3A_472 : vector<1x16xf32> to vector<16xf32>
      %swap3A_474 = vector.shape_cast %broadcast_in_dim3A_469 : vector<16xf32> to vector<1x16xf32>
      tpu.vector_store %arg7[%swap3A_470, %swap3A_471], %swap3A_474 {strides = array<i32>} : memref<320x128xf32, #tpu.memory_space<vmem>>, vector<1x16xf32>,
      %swap3A_475 = arith.index_cast %add3A_466 : i32 to index
      %swap3A_476 = arith.constant 16 : index
      %swap3A_477 = tpu.vector_load %arg7[%swap3A_475, %swap3A_476] {strides = array<i32>} : memref<320x128xf32, #tpu.memory_space<vmem>>, vector<1x16xf32>,
      %swap3A_478 = vector.shape_cast %swap3A_477 : vector<1x16xf32> to vector<16xf32>
      %swap3A_479 = vector.shape_cast %broadcast_in_dim3A_469 : vector<16xf32> to vector<1x16xf32>
      tpu.vector_store %arg7[%swap3A_475, %swap3A_476], %swap3A_479 {strides = array<i32>} : memref<320x128xf32, #tpu.memory_space<vmem>>, vector<1x16xf32>,
      %swap3A_480 = arith.index_cast %add3A_466 : i32 to index
      %swap3A_481 = arith.constant 32 : index
      %swap3A_482 = tpu.vector_load %arg7[%swap3A_480, %swap3A_481] {strides = array<i32>} : memref<320x128xf32, #tpu.memory_space<vmem>>, vector<1x16xf32>,
      %swap3A_483 = vector.shape_cast %swap3A_482 : vector<1x16xf32> to vector<16xf32>
      %swap3A_484 = vector.shape_cast %broadcast_in_dim3A_469 : vector<16xf32> to vector<1x16xf32>
      tpu.vector_store %arg7[%swap3A_480, %swap3A_481], %swap3A_484 {strides = array<i32>} : memref<320x128xf32, #tpu.memory_space<vmem>>, vector<1x16xf32>,
      %swap3A_485 = arith.index_cast %add3A_466 : i32 to index
      %swap3A_486 = arith.constant 48 : index
      %swap3A_487 = tpu.vector_load %arg7[%swap3A_485, %swap3A_486] {strides = array<i32>} : memref<320x128xf32, #tpu.memory_space<vmem>>, vector<1x16xf32>,
      %swap3A_488 = vector.shape_cast %swap3A_487 : vector<1x16xf32> to vector<16xf32>
      %swap3A_489 = vector.shape_cast %broadcast_in_dim3A_469 : vector<16xf32> to vector<1x16xf32>
      tpu.vector_store %arg7[%swap3A_485, %swap3A_486], %swap3A_489 {strides = array<i32>} : memref<320x128xf32, #tpu.memory_space<vmem>>, vector<1x16xf32>,
      %swap3A_490 = arith.index_cast %add3A_466 : i32 to index
      %swap3A_491 = arith.constant 64 : index
      %swap3A_492 = tpu.vector_load %arg7[%swap3A_490, %swap3A_491] {strides = array<i32>} : memref<320x128xf32, #tpu.memory_space<vmem>>, vector<1x16xf32>,
      %swap3A_493 = vector.shape_cast %swap3A_492 : vector<1x16xf32> to vector<16xf32>
      %swap3A_494 = vector.shape_cast %broadcast_in_dim3A_469 : vector<16xf32> to vector<1x16xf32>
      tpu.vector_store %arg7[%swap3A_490, %swap3A_491], %swap3A_494 {strides = array<i32>} : memref<320x128xf32, #tpu.memory_space<vmem>>, vector<1x16xf32>,
      %swap3A_495 = arith.index_cast %add3A_466 : i32 to index
      %swap3A_496 = arith.constant 80 : index
      %swap3A_497 = tpu.vector_load %arg7[%swap3A_495, %swap3A_496] {strides = array<i32>} : memref<320x128xf32, #tpu.memory_space<vmem>>, vector<1x16xf32>,
      %swap3A_498 = vector.shape_cast %swap3A_497 : vector<1x16xf32> to vector<16xf32>
      %swap3A_499 = vector.shape_cast %broadcast_in_dim3A_469 : vector<16xf32> to vector<1x16xf32>
      tpu.vector_store %arg7[%swap3A_495, %swap3A_496], %swap3A_499 {strides = array<i32>} : memref<320x128xf32, #tpu.memory_space<vmem>>, vector<1x16xf32>,
      %swap3A_500 = arith.index_cast %add3A_466 : i32 to index
      %swap3A_501 = arith.constant 96 : index
      %swap3A_502 = tpu.vector_load %arg7[%swap3A_500, %swap3A_501] {strides = array<i32>} : memref<320x128xf32, #tpu.memory_space<vmem>>, vector<1x16xf32>,
      %swap3A_503 = vector.shape_cast %swap3A_502 : vector<1x16xf32> to vector<16xf32>
      %swap3A_504 = vector.shape_cast %broadcast_in_dim3A_469 : vector<16xf32> to vector<1x16xf32>
      tpu.vector_store %arg7[%swap3A_500, %swap3A_501], %swap3A_504 {strides = array<i32>} : memref<320x128xf32, #tpu.memory_space<vmem>>, vector<1x16xf32>,
      %swap3A_505 = arith.index_cast %add3A_466 : i32 to index
      %swap3A_506 = arith.constant 112 : index
      %swap3A_507 = tpu.vector_load %arg7[%swap3A_505, %swap3A_506] {strides = array<i32>} : memref<320x128xf32, #tpu.memory_space<vmem>>, vector<1x16xf32>,
      %swap3A_508 = vector.shape_cast %swap3A_507 : vector<1x16xf32> to vector<16xf32>
      %swap3A_509 = vector.shape_cast %broadcast_in_dim3A_469 : vector<16xf32> to vector<1x16xf32>
      tpu.vector_store %arg7[%swap3A_505, %swap3A_506], %swap3A_509 {strides = array<i32>} : memref<320x128xf32, #tpu.memory_space<vmem>>, vector<1x16xf32>,
      %mul3A_510 = arith.constant 16 : i32
      %mul3A_511 = arith.muli %scan3A_35, %mul3A_510 : i32
      %add3A_512 = arith.constant 10 : i32
      %add3A_513 = arith.addi %mul3A_511, %add3A_512 : i32
      %slice3A_514 = vector.extract_strided_slice %convert_element_type3A {offsets = [10], sizes = [1], strides = [1]} : vector<16xf32> to vector<1xf32>
      %squeeze3A_515 = vector.extract %slice3A_514[0] : f32 from vector<1xf32>
      %broadcast_in_dim3A_516 = vector.broadcast %squeeze3A_515 : f32 to vector<16xf32>
      %swap3A_517 = arith.index_cast %add3A_513 : i32 to index
      %swap3A_518 = arith.constant 0 : index
      %swap3A_519 = tpu.vector_load %arg7[%swap3A_517, %swap3A_518] {strides = array<i32>} : memref<320x128xf32, #tpu.memory_space<vmem>>, vector<1x16xf32>,
      %swap3A_520 = vector.shape_cast %swap3A_519 : vector<1x16xf32> to vector<16xf32>
      %swap3A_521 = vector.shape_cast %broadcast_in_dim3A_516 : vector<16xf32> to vector<1x16xf32>
      tpu.vector_store %arg7[%swap3A_517, %swap3A_518], %swap3A_521 {strides = array<i32>} : memref<320x128xf32, #tpu.memory_space<vmem>>, vector<1x16xf32>,
      %swap3A_522 = arith.index_cast %add3A_513 : i32 to index
      %swap3A_523 = arith.constant 16 : index
      %swap3A_524 = tpu.vector_load %arg7[%swap3A_522, %swap3A_523] {strides = array<i32>} : memref<320x128xf32, #tpu.memory_space<vmem>>, vector<1x16xf32>,
      %swap3A_525 = vector.shape_cast %swap3A_524 : vector<1x16xf32> to vector<16xf32>
      %swap3A_526 = vector.shape_cast %broadcast_in_dim3A_516 : vector<16xf32> to vector<1x16xf32>
      tpu.vector_store %arg7[%swap3A_522, %swap3A_523], %swap3A_526 {strides = array<i32>} : memref<320x128xf32, #tpu.memory_space<vmem>>, vector<1x16xf32>,
      %swap3A_527 = arith.index_cast %add3A_513 : i32 to index
      %swap3A_528 = arith.constant 32 : index
      %swap3A_529 = tpu.vector_load %arg7[%swap3A_527, %swap3A_528] {strides = array<i32>} : memref<320x128xf32, #tpu.memory_space<vmem>>, vector<1x16xf32>,
      %swap3A_530 = vector.shape_cast %swap3A_529 : vector<1x16xf32> to vector<16xf32>
      %swap3A_531 = vector.shape_cast %broadcast_in_dim3A_516 : vector<16xf32> to vector<1x16xf32>
      tpu.vector_store %arg7[%swap3A_527, %swap3A_528], %swap3A_531 {strides = array<i32>} : memref<320x128xf32, #tpu.memory_space<vmem>>, vector<1x16xf32>,
      %swap3A_532 = arith.index_cast %add3A_513 : i32 to index
      %swap3A_533 = arith.constant 48 : index
      %swap3A_534 = tpu.vector_load %arg7[%swap3A_532, %swap3A_533] {strides = array<i32>} : memref<320x128xf32, #tpu.memory_space<vmem>>, vector<1x16xf32>,
      %swap3A_535 = vector.shape_cast %swap3A_534 : vector<1x16xf32> to vector<16xf32>
      %swap3A_536 = vector.shape_cast %broadcast_in_dim3A_516 : vector<16xf32> to vector<1x16xf32>
      tpu.vector_store %arg7[%swap3A_532, %swap3A_533], %swap3A_536 {strides = array<i32>} : memref<320x128xf32, #tpu.memory_space<vmem>>, vector<1x16xf32>,
      %swap3A_537 = arith.index_cast %add3A_513 : i32 to index
      %swap3A_538 = arith.constant 64 : index
      %swap3A_539 = tpu.vector_load %arg7[%swap3A_537, %swap3A_538] {strides = array<i32>} : memref<320x128xf32, #tpu.memory_space<vmem>>, vector<1x16xf32>,
      %swap3A_540 = vector.shape_cast %swap3A_539 : vector<1x16xf32> to vector<16xf32>
      %swap3A_541 = vector.shape_cast %broadcast_in_dim3A_516 : vector<16xf32> to vector<1x16xf32>
      tpu.vector_store %arg7[%swap3A_537, %swap3A_538], %swap3A_541 {strides = array<i32>} : memref<320x128xf32, #tpu.memory_space<vmem>>, vector<1x16xf32>,
      %swap3A_542 = arith.index_cast %add3A_513 : i32 to index
      %swap3A_543 = arith.constant 80 : index
      %swap3A_544 = tpu.vector_load %arg7[%swap3A_542, %swap3A_543] {strides = array<i32>} : memref<320x128xf32, #tpu.memory_space<vmem>>, vector<1x16xf32>,
      %swap3A_545 = vector.shape_cast %swap3A_544 : vector<1x16xf32> to vector<16xf32>
      %swap3A_546 = vector.shape_cast %broadcast_in_dim3A_516 : vector<16xf32> to vector<1x16xf32>
      tpu.vector_store %arg7[%swap3A_542, %swap3A_543], %swap3A_546 {strides = array<i32>} : memref<320x128xf32, #tpu.memory_space<vmem>>, vector<1x16xf32>,
      %swap3A_547 = arith.index_cast %add3A_513 : i32 to index
      %swap3A_548 = arith.constant 96 : index
      %swap3A_549 = tpu.vector_load %arg7[%swap3A_547, %swap3A_548] {strides = array<i32>} : memref<320x128xf32, #tpu.memory_space<vmem>>, vector<1x16xf32>,
      %swap3A_550 = vector.shape_cast %swap3A_549 : vector<1x16xf32> to vector<16xf32>
      %swap3A_551 = vector.shape_cast %broadcast_in_dim3A_516 : vector<16xf32> to vector<1x16xf32>
      tpu.vector_store %arg7[%swap3A_547, %swap3A_548], %swap3A_551 {strides = array<i32>} : memref<320x128xf32, #tpu.memory_space<vmem>>, vector<1x16xf32>,
      %swap3A_552 = arith.index_cast %add3A_513 : i32 to index
      %swap3A_553 = arith.constant 112 : index
      %swap3A_554 = tpu.vector_load %arg7[%swap3A_552, %swap3A_553] {strides = array<i32>} : memref<320x128xf32, #tpu.memory_space<vmem>>, vector<1x16xf32>,
      %swap3A_555 = vector.shape_cast %swap3A_554 : vector<1x16xf32> to vector<16xf32>
      %swap3A_556 = vector.shape_cast %broadcast_in_dim3A_516 : vector<16xf32> to vector<1x16xf32>
      tpu.vector_store %arg7[%swap3A_552, %swap3A_553], %swap3A_556 {strides = array<i32>} : memref<320x128xf32, #tpu.memory_space<vmem>>, vector<1x16xf32>,
      %mul3A_557 = arith.constant 16 : i32
      %mul3A_558 = arith.muli %scan3A_35, %mul3A_557 : i32
      %add3A_559 = arith.constant 11 : i32
      %add3A_560 = arith.addi %mul3A_558, %add3A_559 : i32
      %slice3A_561 = vector.extract_strided_slice %convert_element_type3A {offsets = [11], sizes = [1], strides = [1]} : vector<16xf32> to vector<1xf32>
      %squeeze3A_562 = vector.extract %slice3A_561[0] : f32 from vector<1xf32>
      %broadcast_in_dim3A_563 = vector.broadcast %squeeze3A_562 : f32 to vector<16xf32>
      %swap3A_564 = arith.index_cast %add3A_560 : i32 to index
      %swap3A_565 = arith.constant 0 : index
      %swap3A_566 = tpu.vector_load %arg7[%swap3A_564, %swap3A_565] {strides = array<i32>} : memref<320x128xf32, #tpu.memory_space<vmem>>, vector<1x16xf32>,
      %swap3A_567 = vector.shape_cast %swap3A_566 : vector<1x16xf32> to vector<16xf32>
      %swap3A_568 = vector.shape_cast %broadcast_in_dim3A_563 : vector<16xf32> to vector<1x16xf32>
      tpu.vector_store %arg7[%swap3A_564, %swap3A_565], %swap3A_568 {strides = array<i32>} : memref<320x128xf32, #tpu.memory_space<vmem>>, vector<1x16xf32>,
      %swap3A_569 = arith.index_cast %add3A_560 : i32 to index
      %swap3A_570 = arith.constant 16 : index
      %swap3A_571 = tpu.vector_load %arg7[%swap3A_569, %swap3A_570] {strides = array<i32>} : memref<320x128xf32, #tpu.memory_space<vmem>>, vector<1x16xf32>,
      %swap3A_572 = vector.shape_cast %swap3A_571 : vector<1x16xf32> to vector<16xf32>
      %swap3A_573 = vector.shape_cast %broadcast_in_dim3A_563 : vector<16xf32> to vector<1x16xf32>
      tpu.vector_store %arg7[%swap3A_569, %swap3A_570], %swap3A_573 {strides = array<i32>} : memref<320x128xf32, #tpu.memory_space<vmem>>, vector<1x16xf32>,
      %swap3A_574 = arith.index_cast %add3A_560 : i32 to index
      %swap3A_575 = arith.constant 32 : index
      %swap3A_576 = tpu.vector_load %arg7[%swap3A_574, %swap3A_575] {strides = array<i32>} : memref<320x128xf32, #tpu.memory_space<vmem>>, vector<1x16xf32>,
      %swap3A_577 = vector.shape_cast %swap3A_576 : vector<1x16xf32> to vector<16xf32>
      %swap3A_578 = vector.shape_cast %broadcast_in_dim3A_563 : vector<16xf32> to vector<1x16xf32>
      tpu.vector_store %arg7[%swap3A_574, %swap3A_575], %swap3A_578 {strides = array<i32>} : memref<320x128xf32, #tpu.memory_space<vmem>>, vector<1x16xf32>,
      %swap3A_579 = arith.index_cast %add3A_560 : i32 to index
      %swap3A_580 = arith.constant 48 : index
      %swap3A_581 = tpu.vector_load %arg7[%swap3A_579, %swap3A_580] {strides = array<i32>} : memref<320x128xf32, #tpu.memory_space<vmem>>, vector<1x16xf32>,
      %swap3A_582 = vector.shape_cast %swap3A_581 : vector<1x16xf32> to vector<16xf32>
      %swap3A_583 = vector.shape_cast %broadcast_in_dim3A_563 : vector<16xf32> to vector<1x16xf32>
      tpu.vector_store %arg7[%swap3A_579, %swap3A_580], %swap3A_583 {strides = array<i32>} : memref<320x128xf32, #tpu.memory_space<vmem>>, vector<1x16xf32>,
      %swap3A_584 = arith.index_cast %add3A_560 : i32 to index
      %swap3A_585 = arith.constant 64 : index
      %swap3A_586 = tpu.vector_load %arg7[%swap3A_584, %swap3A_585] {strides = array<i32>} : memref<320x128xf32, #tpu.memory_space<vmem>>, vector<1x16xf32>,
      %swap3A_587 = vector.shape_cast %swap3A_586 : vector<1x16xf32> to vector<16xf32>
      %swap3A_588 = vector.shape_cast %broadcast_in_dim3A_563 : vector<16xf32> to vector<1x16xf32>
      tpu.vector_store %arg7[%swap3A_584, %swap3A_585], %swap3A_588 {strides = array<i32>} : memref<320x128xf32, #tpu.memory_space<vmem>>, vector<1x16xf32>,
      %swap3A_589 = arith.index_cast %add3A_560 : i32 to index
      %swap3A_590 = arith.constant 80 : index
      %swap3A_591 = tpu.vector_load %arg7[%swap3A_589, %swap3A_590] {strides = array<i32>} : memref<320x128xf32, #tpu.memory_space<vmem>>, vector<1x16xf32>,
      %swap3A_592 = vector.shape_cast %swap3A_591 : vector<1x16xf32> to vector<16xf32>
      %swap3A_593 = vector.shape_cast %broadcast_in_dim3A_563 : vector<16xf32> to vector<1x16xf32>
      tpu.vector_store %arg7[%swap3A_589, %swap3A_590], %swap3A_593 {strides = array<i32>} : memref<320x128xf32, #tpu.memory_space<vmem>>, vector<1x16xf32>,
      %swap3A_594 = arith.index_cast %add3A_560 : i32 to index
      %swap3A_595 = arith.constant 96 : index
      %swap3A_596 = tpu.vector_load %arg7[%swap3A_594, %swap3A_595] {strides = array<i32>} : memref<320x128xf32, #tpu.memory_space<vmem>>, vector<1x16xf32>,
      %swap3A_597 = vector.shape_cast %swap3A_596 : vector<1x16xf32> to vector<16xf32>
      %swap3A_598 = vector.shape_cast %broadcast_in_dim3A_563 : vector<16xf32> to vector<1x16xf32>
      tpu.vector_store %arg7[%swap3A_594, %swap3A_595], %swap3A_598 {strides = array<i32>} : memref<320x128xf32, #tpu.memory_space<vmem>>, vector<1x16xf32>,
      %swap3A_599 = arith.index_cast %add3A_560 : i32 to index
      %swap3A_600 = arith.constant 112 : index
      %swap3A_601 = tpu.vector_load %arg7[%swap3A_599, %swap3A_600] {strides = array<i32>} : memref<320x128xf32, #tpu.memory_space<vmem>>, vector<1x16xf32>,
      %swap3A_602 = vector.shape_cast %swap3A_601 : vector<1x16xf32> to vector<16xf32>
      %swap3A_603 = vector.shape_cast %broadcast_in_dim3A_563 : vector<16xf32> to vector<1x16xf32>
      tpu.vector_store %arg7[%swap3A_599, %swap3A_600], %swap3A_603 {strides = array<i32>} : memref<320x128xf32, #tpu.memory_space<vmem>>, vector<1x16xf32>,
      %mul3A_604 = arith.constant 16 : i32
      %mul3A_605 = arith.muli %scan3A_35, %mul3A_604 : i32
      %add3A_606 = arith.constant 12 : i32
      %add3A_607 = arith.addi %mul3A_605, %add3A_606 : i32
      %slice3A_608 = vector.extract_strided_slice %convert_element_type3A {offsets = [12], sizes = [1], strides = [1]} : vector<16xf32> to vector<1xf32>
      %squeeze3A_609 = vector.extract %slice3A_608[0] : f32 from vector<1xf32>
      %broadcast_in_dim3A_610 = vector.broadcast %squeeze3A_609 : f32 to vector<16xf32>
      %swap3A_611 = arith.index_cast %add3A_607 : i32 to index
      %swap3A_612 = arith.constant 0 : index
      %swap3A_613 = tpu.vector_load %arg7[%swap3A_611, %swap3A_612] {strides = array<i32>} : memref<320x128xf32, #tpu.memory_space<vmem>>, vector<1x16xf32>,
      %swap3A_614 = vector.shape_cast %swap3A_613 : vector<1x16xf32> to vector<16xf32>
      %swap3A_615 = vector.shape_cast %broadcast_in_dim3A_610 : vector<16xf32> to vector<1x16xf32>
      tpu.vector_store %arg7[%swap3A_611, %swap3A_612], %swap3A_615 {strides = array<i32>} : memref<320x128xf32, #tpu.memory_space<vmem>>, vector<1x16xf32>,
      %swap3A_616 = arith.index_cast %add3A_607 : i32 to index
      %swap3A_617 = arith.constant 16 : index
      %swap3A_618 = tpu.vector_load %arg7[%swap3A_616, %swap3A_617] {strides = array<i32>} : memref<320x128xf32, #tpu.memory_space<vmem>>, vector<1x16xf32>,
      %swap3A_619 = vector.shape_cast %swap3A_618 : vector<1x16xf32> to vector<16xf32>
      %swap3A_620 = vector.shape_cast %broadcast_in_dim3A_610 : vector<16xf32> to vector<1x16xf32>
      tpu.vector_store %arg7[%swap3A_616, %swap3A_617], %swap3A_620 {strides = array<i32>} : memref<320x128xf32, #tpu.memory_space<vmem>>, vector<1x16xf32>,
      %swap3A_621 = arith.index_cast %add3A_607 : i32 to index
      %swap3A_622 = arith.constant 32 : index
      %swap3A_623 = tpu.vector_load %arg7[%swap3A_621, %swap3A_622] {strides = array<i32>} : memref<320x128xf32, #tpu.memory_space<vmem>>, vector<1x16xf32>,
      %swap3A_624 = vector.shape_cast %swap3A_623 : vector<1x16xf32> to vector<16xf32>
      %swap3A_625 = vector.shape_cast %broadcast_in_dim3A_610 : vector<16xf32> to vector<1x16xf32>
      tpu.vector_store %arg7[%swap3A_621, %swap3A_622], %swap3A_625 {strides = array<i32>} : memref<320x128xf32, #tpu.memory_space<vmem>>, vector<1x16xf32>,
      %swap3A_626 = arith.index_cast %add3A_607 : i32 to index
      %swap3A_627 = arith.constant 48 : index
      %swap3A_628 = tpu.vector_load %arg7[%swap3A_626, %swap3A_627] {strides = array<i32>} : memref<320x128xf32, #tpu.memory_space<vmem>>, vector<1x16xf32>,
      %swap3A_629 = vector.shape_cast %swap3A_628 : vector<1x16xf32> to vector<16xf32>
      %swap3A_630 = vector.shape_cast %broadcast_in_dim3A_610 : vector<16xf32> to vector<1x16xf32>
      tpu.vector_store %arg7[%swap3A_626, %swap3A_627], %swap3A_630 {strides = array<i32>} : memref<320x128xf32, #tpu.memory_space<vmem>>, vector<1x16xf32>,
      %swap3A_631 = arith.index_cast %add3A_607 : i32 to index
      %swap3A_632 = arith.constant 64 : index
      %swap3A_633 = tpu.vector_load %arg7[%swap3A_631, %swap3A_632] {strides = array<i32>} : memref<320x128xf32, #tpu.memory_space<vmem>>, vector<1x16xf32>,
      %swap3A_634 = vector.shape_cast %swap3A_633 : vector<1x16xf32> to vector<16xf32>
      %swap3A_635 = vector.shape_cast %broadcast_in_dim3A_610 : vector<16xf32> to vector<1x16xf32>
      tpu.vector_store %arg7[%swap3A_631, %swap3A_632], %swap3A_635 {strides = array<i32>} : memref<320x128xf32, #tpu.memory_space<vmem>>, vector<1x16xf32>,
      %swap3A_636 = arith.index_cast %add3A_607 : i32 to index
      %swap3A_637 = arith.constant 80 : index
      %swap3A_638 = tpu.vector_load %arg7[%swap3A_636, %swap3A_637] {strides = array<i32>} : memref<320x128xf32, #tpu.memory_space<vmem>>, vector<1x16xf32>,
      %swap3A_639 = vector.shape_cast %swap3A_638 : vector<1x16xf32> to vector<16xf32>
      %swap3A_640 = vector.shape_cast %broadcast_in_dim3A_610 : vector<16xf32> to vector<1x16xf32>
      tpu.vector_store %arg7[%swap3A_636, %swap3A_637], %swap3A_640 {strides = array<i32>} : memref<320x128xf32, #tpu.memory_space<vmem>>, vector<1x16xf32>,
      %swap3A_641 = arith.index_cast %add3A_607 : i32 to index
      %swap3A_642 = arith.constant 96 : index
      %swap3A_643 = tpu.vector_load %arg7[%swap3A_641, %swap3A_642] {strides = array<i32>} : memref<320x128xf32, #tpu.memory_space<vmem>>, vector<1x16xf32>,
      %swap3A_644 = vector.shape_cast %swap3A_643 : vector<1x16xf32> to vector<16xf32>
      %swap3A_645 = vector.shape_cast %broadcast_in_dim3A_610 : vector<16xf32> to vector<1x16xf32>
      tpu.vector_store %arg7[%swap3A_641, %swap3A_642], %swap3A_645 {strides = array<i32>} : memref<320x128xf32, #tpu.memory_space<vmem>>, vector<1x16xf32>,
      %swap3A_646 = arith.index_cast %add3A_607 : i32 to index
      %swap3A_647 = arith.constant 112 : index
      %swap3A_648 = tpu.vector_load %arg7[%swap3A_646, %swap3A_647] {strides = array<i32>} : memref<320x128xf32, #tpu.memory_space<vmem>>, vector<1x16xf32>,
      %swap3A_649 = vector.shape_cast %swap3A_648 : vector<1x16xf32> to vector<16xf32>
      %swap3A_650 = vector.shape_cast %broadcast_in_dim3A_610 : vector<16xf32> to vector<1x16xf32>
      tpu.vector_store %arg7[%swap3A_646, %swap3A_647], %swap3A_650 {strides = array<i32>} : memref<320x128xf32, #tpu.memory_space<vmem>>, vector<1x16xf32>,
      %mul3A_651 = arith.constant 16 : i32
      %mul3A_652 = arith.muli %scan3A_35, %mul3A_651 : i32
      %add3A_653 = arith.constant 13 : i32
      %add3A_654 = arith.addi %mul3A_652, %add3A_653 : i32
      %slice3A_655 = vector.extract_strided_slice %convert_element_type3A {offsets = [13], sizes = [1], strides = [1]} : vector<16xf32> to vector<1xf32>
      %squeeze3A_656 = vector.extract %slice3A_655[0] : f32 from vector<1xf32>
      %broadcast_in_dim3A_657 = vector.broadcast %squeeze3A_656 : f32 to vector<16xf32>
      %swap3A_658 = arith.index_cast %add3A_654 : i32 to index
      %swap3A_659 = arith.constant 0 : index
      %swap3A_660 = tpu.vector_load %arg7[%swap3A_658, %swap3A_659] {strides = array<i32>} : memref<320x128xf32, #tpu.memory_space<vmem>>, vector<1x16xf32>,
      %swap3A_661 = vector.shape_cast %swap3A_660 : vector<1x16xf32> to vector<16xf32>
      %swap3A_662 = vector.shape_cast %broadcast_in_dim3A_657 : vector<16xf32> to vector<1x16xf32>
      tpu.vector_store %arg7[%swap3A_658, %swap3A_659], %swap3A_662 {strides = array<i32>} : memref<320x128xf32, #tpu.memory_space<vmem>>, vector<1x16xf32>,
      %swap3A_663 = arith.index_cast %add3A_654 : i32 to index
      %swap3A_664 = arith.constant 16 : index
      %swap3A_665 = tpu.vector_load %arg7[%swap3A_663, %swap3A_664] {strides = array<i32>} : memref<320x128xf32, #tpu.memory_space<vmem>>, vector<1x16xf32>,
      %swap3A_666 = vector.shape_cast %swap3A_665 : vector<1x16xf32> to vector<16xf32>
      %swap3A_667 = vector.shape_cast %broadcast_in_dim3A_657 : vector<16xf32> to vector<1x16xf32>
      tpu.vector_store %arg7[%swap3A_663, %swap3A_664], %swap3A_667 {strides = array<i32>} : memref<320x128xf32, #tpu.memory_space<vmem>>, vector<1x16xf32>,
      %swap3A_668 = arith.index_cast %add3A_654 : i32 to index
      %swap3A_669 = arith.constant 32 : index
      %swap3A_670 = tpu.vector_load %arg7[%swap3A_668, %swap3A_669] {strides = array<i32>} : memref<320x128xf32, #tpu.memory_space<vmem>>, vector<1x16xf32>,
      %swap3A_671 = vector.shape_cast %swap3A_670 : vector<1x16xf32> to vector<16xf32>
      %swap3A_672 = vector.shape_cast %broadcast_in_dim3A_657 : vector<16xf32> to vector<1x16xf32>
      tpu.vector_store %arg7[%swap3A_668, %swap3A_669], %swap3A_672 {strides = array<i32>} : memref<320x128xf32, #tpu.memory_space<vmem>>, vector<1x16xf32>,
      %swap3A_673 = arith.index_cast %add3A_654 : i32 to index
      %swap3A_674 = arith.constant 48 : index
      %swap3A_675 = tpu.vector_load %arg7[%swap3A_673, %swap3A_674] {strides = array<i32>} : memref<320x128xf32, #tpu.memory_space<vmem>>, vector<1x16xf32>,
      %swap3A_676 = vector.shape_cast %swap3A_675 : vector<1x16xf32> to vector<16xf32>
      %swap3A_677 = vector.shape_cast %broadcast_in_dim3A_657 : vector<16xf32> to vector<1x16xf32>
      tpu.vector_store %arg7[%swap3A_673, %swap3A_674], %swap3A_677 {strides = array<i32>} : memref<320x128xf32, #tpu.memory_space<vmem>>, vector<1x16xf32>,
      %swap3A_678 = arith.index_cast %add3A_654 : i32 to index
      %swap3A_679 = arith.constant 64 : index
      %swap3A_680 = tpu.vector_load %arg7[%swap3A_678, %swap3A_679] {strides = array<i32>} : memref<320x128xf32, #tpu.memory_space<vmem>>, vector<1x16xf32>,
      %swap3A_681 = vector.shape_cast %swap3A_680 : vector<1x16xf32> to vector<16xf32>
      %swap3A_682 = vector.shape_cast %broadcast_in_dim3A_657 : vector<16xf32> to vector<1x16xf32>
      tpu.vector_store %arg7[%swap3A_678, %swap3A_679], %swap3A_682 {strides = array<i32>} : memref<320x128xf32, #tpu.memory_space<vmem>>, vector<1x16xf32>,
      %swap3A_683 = arith.index_cast %add3A_654 : i32 to index
      %swap3A_684 = arith.constant 80 : index
      %swap3A_685 = tpu.vector_load %arg7[%swap3A_683, %swap3A_684] {strides = array<i32>} : memref<320x128xf32, #tpu.memory_space<vmem>>, vector<1x16xf32>,
      %swap3A_686 = vector.shape_cast %swap3A_685 : vector<1x16xf32> to vector<16xf32>
      %swap3A_687 = vector.shape_cast %broadcast_in_dim3A_657 : vector<16xf32> to vector<1x16xf32>
      tpu.vector_store %arg7[%swap3A_683, %swap3A_684], %swap3A_687 {strides = array<i32>} : memref<320x128xf32, #tpu.memory_space<vmem>>, vector<1x16xf32>,
      %swap3A_688 = arith.index_cast %add3A_654 : i32 to index
      %swap3A_689 = arith.constant 96 : index
      %swap3A_690 = tpu.vector_load %arg7[%swap3A_688, %swap3A_689] {strides = array<i32>} : memref<320x128xf32, #tpu.memory_space<vmem>>, vector<1x16xf32>,
      %swap3A_691 = vector.shape_cast %swap3A_690 : vector<1x16xf32> to vector<16xf32>
      %swap3A_692 = vector.shape_cast %broadcast_in_dim3A_657 : vector<16xf32> to vector<1x16xf32>
      tpu.vector_store %arg7[%swap3A_688, %swap3A_689], %swap3A_692 {strides = array<i32>} : memref<320x128xf32, #tpu.memory_space<vmem>>, vector<1x16xf32>,
      %swap3A_693 = arith.index_cast %add3A_654 : i32 to index
      %swap3A_694 = arith.constant 112 : index
      %swap3A_695 = tpu.vector_load %arg7[%swap3A_693, %swap3A_694] {strides = array<i32>} : memref<320x128xf32, #tpu.memory_space<vmem>>, vector<1x16xf32>,
      %swap3A_696 = vector.shape_cast %swap3A_695 : vector<1x16xf32> to vector<16xf32>
      %swap3A_697 = vector.shape_cast %broadcast_in_dim3A_657 : vector<16xf32> to vector<1x16xf32>
      tpu.vector_store %arg7[%swap3A_693, %swap3A_694], %swap3A_697 {strides = array<i32>} : memref<320x128xf32, #tpu.memory_space<vmem>>, vector<1x16xf32>,
      %mul3A_698 = arith.constant 16 : i32
      %mul3A_699 = arith.muli %scan3A_35, %mul3A_698 : i32
      %add3A_700 = arith.constant 14 : i32
      %add3A_701 = arith.addi %mul3A_699, %add3A_700 : i32
      %slice3A_702 = vector.extract_strided_slice %convert_element_type3A {offsets = [14], sizes = [1], strides = [1]} : vector<16xf32> to vector<1xf32>
      %squeeze3A_703 = vector.extract %slice3A_702[0] : f32 from vector<1xf32>
      %broadcast_in_dim3A_704 = vector.broadcast %squeeze3A_703 : f32 to vector<16xf32>
      %swap3A_705 = arith.index_cast %add3A_701 : i32 to index
      %swap3A_706 = arith.constant 0 : index
      %swap3A_707 = tpu.vector_load %arg7[%swap3A_705, %swap3A_706] {strides = array<i32>} : memref<320x128xf32, #tpu.memory_space<vmem>>, vector<1x16xf32>,
      %swap3A_708 = vector.shape_cast %swap3A_707 : vector<1x16xf32> to vector<16xf32>
      %swap3A_709 = vector.shape_cast %broadcast_in_dim3A_704 : vector<16xf32> to vector<1x16xf32>
      tpu.vector_store %arg7[%swap3A_705, %swap3A_706], %swap3A_709 {strides = array<i32>} : memref<320x128xf32, #tpu.memory_space<vmem>>, vector<1x16xf32>,
      %swap3A_710 = arith.index_cast %add3A_701 : i32 to index
      %swap3A_711 = arith.constant 16 : index
      %swap3A_712 = tpu.vector_load %arg7[%swap3A_710, %swap3A_711] {strides = array<i32>} : memref<320x128xf32, #tpu.memory_space<vmem>>, vector<1x16xf32>,
      %swap3A_713 = vector.shape_cast %swap3A_712 : vector<1x16xf32> to vector<16xf32>
      %swap3A_714 = vector.shape_cast %broadcast_in_dim3A_704 : vector<16xf32> to vector<1x16xf32>
      tpu.vector_store %arg7[%swap3A_710, %swap3A_711], %swap3A_714 {strides = array<i32>} : memref<320x128xf32, #tpu.memory_space<vmem>>, vector<1x16xf32>,
      %swap3A_715 = arith.index_cast %add3A_701 : i32 to index
      %swap3A_716 = arith.constant 32 : index
      %swap3A_717 = tpu.vector_load %arg7[%swap3A_715, %swap3A_716] {strides = array<i32>} : memref<320x128xf32, #tpu.memory_space<vmem>>, vector<1x16xf32>,
      %swap3A_718 = vector.shape_cast %swap3A_717 : vector<1x16xf32> to vector<16xf32>
      %swap3A_719 = vector.shape_cast %broadcast_in_dim3A_704 : vector<16xf32> to vector<1x16xf32>
      tpu.vector_store %arg7[%swap3A_715, %swap3A_716], %swap3A_719 {strides = array<i32>} : memref<320x128xf32, #tpu.memory_space<vmem>>, vector<1x16xf32>,
      %swap3A_720 = arith.index_cast %add3A_701 : i32 to index
      %swap3A_721 = arith.constant 48 : index
      %swap3A_722 = tpu.vector_load %arg7[%swap3A_720, %swap3A_721] {strides = array<i32>} : memref<320x128xf32, #tpu.memory_space<vmem>>, vector<1x16xf32>,
      %swap3A_723 = vector.shape_cast %swap3A_722 : vector<1x16xf32> to vector<16xf32>
      %swap3A_724 = vector.shape_cast %broadcast_in_dim3A_704 : vector<16xf32> to vector<1x16xf32>
      tpu.vector_store %arg7[%swap3A_720, %swap3A_721], %swap3A_724 {strides = array<i32>} : memref<320x128xf32, #tpu.memory_space<vmem>>, vector<1x16xf32>,
      %swap3A_725 = arith.index_cast %add3A_701 : i32 to index
      %swap3A_726 = arith.constant 64 : index
      %swap3A_727 = tpu.vector_load %arg7[%swap3A_725, %swap3A_726] {strides = array<i32>} : memref<320x128xf32, #tpu.memory_space<vmem>>, vector<1x16xf32>,
      %swap3A_728 = vector.shape_cast %swap3A_727 : vector<1x16xf32> to vector<16xf32>
      %swap3A_729 = vector.shape_cast %broadcast_in_dim3A_704 : vector<16xf32> to vector<1x16xf32>
      tpu.vector_store %arg7[%swap3A_725, %swap3A_726], %swap3A_729 {strides = array<i32>} : memref<320x128xf32, #tpu.memory_space<vmem>>, vector<1x16xf32>,
      %swap3A_730 = arith.index_cast %add3A_701 : i32 to index
      %swap3A_731 = arith.constant 80 : index
      %swap3A_732 = tpu.vector_load %arg7[%swap3A_730, %swap3A_731] {strides = array<i32>} : memref<320x128xf32, #tpu.memory_space<vmem>>, vector<1x16xf32>,
      %swap3A_733 = vector.shape_cast %swap3A_732 : vector<1x16xf32> to vector<16xf32>
      %swap3A_734 = vector.shape_cast %broadcast_in_dim3A_704 : vector<16xf32> to vector<1x16xf32>
      tpu.vector_store %arg7[%swap3A_730, %swap3A_731], %swap3A_734 {strides = array<i32>} : memref<320x128xf32, #tpu.memory_space<vmem>>, vector<1x16xf32>,
      %swap3A_735 = arith.index_cast %add3A_701 : i32 to index
      %swap3A_736 = arith.constant 96 : index
      %swap3A_737 = tpu.vector_load %arg7[%swap3A_735, %swap3A_736] {strides = array<i32>} : memref<320x128xf32, #tpu.memory_space<vmem>>, vector<1x16xf32>,
      %swap3A_738 = vector.shape_cast %swap3A_737 : vector<1x16xf32> to vector<16xf32>
      %swap3A_739 = vector.shape_cast %broadcast_in_dim3A_704 : vector<16xf32> to vector<1x16xf32>
      tpu.vector_store %arg7[%swap3A_735, %swap3A_736], %swap3A_739 {strides = array<i32>} : memref<320x128xf32, #tpu.memory_space<vmem>>, vector<1x16xf32>,
      %swap3A_740 = arith.index_cast %add3A_701 : i32 to index
      %swap3A_741 = arith.constant 112 : index
      %swap3A_742 = tpu.vector_load %arg7[%swap3A_740, %swap3A_741] {strides = array<i32>} : memref<320x128xf32, #tpu.memory_space<vmem>>, vector<1x16xf32>,
      %swap3A_743 = vector.shape_cast %swap3A_742 : vector<1x16xf32> to vector<16xf32>
      %swap3A_744 = vector.shape_cast %broadcast_in_dim3A_704 : vector<16xf32> to vector<1x16xf32>
      tpu.vector_store %arg7[%swap3A_740, %swap3A_741], %swap3A_744 {strides = array<i32>} : memref<320x128xf32, #tpu.memory_space<vmem>>, vector<1x16xf32>,
      %mul3A_745 = arith.constant 16 : i32
      %mul3A_746 = arith.muli %scan3A_35, %mul3A_745 : i32
      %add3A_747 = arith.constant 15 : i32
      %add3A_748 = arith.addi %mul3A_746, %add3A_747 : i32
      %slice3A_749 = vector.extract_strided_slice %convert_element_type3A {offsets = [15], sizes = [1], strides = [1]} : vector<16xf32> to vector<1xf32>
      %squeeze3A_750 = vector.extract %slice3A_749[0] : f32 from vector<1xf32>
      %broadcast_in_dim3A_751 = vector.broadcast %squeeze3A_750 : f32 to vector<16xf32>
      %swap3A_752 = arith.index_cast %add3A_748 : i32 to index
      %swap3A_753 = arith.constant 0 : index
      %swap3A_754 = tpu.vector_load %arg7[%swap3A_752, %swap3A_753] {strides = array<i32>} : memref<320x128xf32, #tpu.memory_space<vmem>>, vector<1x16xf32>,
      %swap3A_755 = vector.shape_cast %swap3A_754 : vector<1x16xf32> to vector<16xf32>
      %swap3A_756 = vector.shape_cast %broadcast_in_dim3A_751 : vector<16xf32> to vector<1x16xf32>
      tpu.vector_store %arg7[%swap3A_752, %swap3A_753], %swap3A_756 {strides = array<i32>} : memref<320x128xf32, #tpu.memory_space<vmem>>, vector<1x16xf32>,
      %swap3A_757 = arith.index_cast %add3A_748 : i32 to index
      %swap3A_758 = arith.constant 16 : index
      %swap3A_759 = tpu.vector_load %arg7[%swap3A_757, %swap3A_758] {strides = array<i32>} : memref<320x128xf32, #tpu.memory_space<vmem>>, vector<1x16xf32>,
      %swap3A_760 = vector.shape_cast %swap3A_759 : vector<1x16xf32> to vector<16xf32>
      %swap3A_761 = vector.shape_cast %broadcast_in_dim3A_751 : vector<16xf32> to vector<1x16xf32>
      tpu.vector_store %arg7[%swap3A_757, %swap3A_758], %swap3A_761 {strides = array<i32>} : memref<320x128xf32, #tpu.memory_space<vmem>>, vector<1x16xf32>,
      %swap3A_762 = arith.index_cast %add3A_748 : i32 to index
      %swap3A_763 = arith.constant 32 : index
      %swap3A_764 = tpu.vector_load %arg7[%swap3A_762, %swap3A_763] {strides = array<i32>} : memref<320x128xf32, #tpu.memory_space<vmem>>, vector<1x16xf32>,
      %swap3A_765 = vector.shape_cast %swap3A_764 : vector<1x16xf32> to vector<16xf32>
      %swap3A_766 = vector.shape_cast %broadcast_in_dim3A_751 : vector<16xf32> to vector<1x16xf32>
      tpu.vector_store %arg7[%swap3A_762, %swap3A_763], %swap3A_766 {strides = array<i32>} : memref<320x128xf32, #tpu.memory_space<vmem>>, vector<1x16xf32>,
      %swap3A_767 = arith.index_cast %add3A_748 : i32 to index
      %swap3A_768 = arith.constant 48 : index
      %swap3A_769 = tpu.vector_load %arg7[%swap3A_767, %swap3A_768] {strides = array<i32>} : memref<320x128xf32, #tpu.memory_space<vmem>>, vector<1x16xf32>,
      %swap3A_770 = vector.shape_cast %swap3A_769 : vector<1x16xf32> to vector<16xf32>
      %swap3A_771 = vector.shape_cast %broadcast_in_dim3A_751 : vector<16xf32> to vector<1x16xf32>
      tpu.vector_store %arg7[%swap3A_767, %swap3A_768], %swap3A_771 {strides = array<i32>} : memref<320x128xf32, #tpu.memory_space<vmem>>, vector<1x16xf32>,
      %swap3A_772 = arith.index_cast %add3A_748 : i32 to index
      %swap3A_773 = arith.constant 64 : index
      %swap3A_774 = tpu.vector_load %arg7[%swap3A_772, %swap3A_773] {strides = array<i32>} : memref<320x128xf32, #tpu.memory_space<vmem>>, vector<1x16xf32>,
      %swap3A_775 = vector.shape_cast %swap3A_774 : vector<1x16xf32> to vector<16xf32>
      %swap3A_776 = vector.shape_cast %broadcast_in_dim3A_751 : vector<16xf32> to vector<1x16xf32>
      tpu.vector_store %arg7[%swap3A_772, %swap3A_773], %swap3A_776 {strides = array<i32>} : memref<320x128xf32, #tpu.memory_space<vmem>>, vector<1x16xf32>,
      %swap3A_777 = arith.index_cast %add3A_748 : i32 to index
      %swap3A_778 = arith.constant 80 : index
      %swap3A_779 = tpu.vector_load %arg7[%swap3A_777, %swap3A_778] {strides = array<i32>} : memref<320x128xf32, #tpu.memory_space<vmem>>, vector<1x16xf32>,
      %swap3A_780 = vector.shape_cast %swap3A_779 : vector<1x16xf32> to vector<16xf32>
      %swap3A_781 = vector.shape_cast %broadcast_in_dim3A_751 : vector<16xf32> to vector<1x16xf32>
      tpu.vector_store %arg7[%swap3A_777, %swap3A_778], %swap3A_781 {strides = array<i32>} : memref<320x128xf32, #tpu.memory_space<vmem>>, vector<1x16xf32>,
      %swap3A_782 = arith.index_cast %add3A_748 : i32 to index
      %swap3A_783 = arith.constant 96 : index
      %swap3A_784 = tpu.vector_load %arg7[%swap3A_782, %swap3A_783] {strides = array<i32>} : memref<320x128xf32, #tpu.memory_space<vmem>>, vector<1x16xf32>,
      %swap3A_785 = vector.shape_cast %swap3A_784 : vector<1x16xf32> to vector<16xf32>
      %swap3A_786 = vector.shape_cast %broadcast_in_dim3A_751 : vector<16xf32> to vector<1x16xf32>
      tpu.vector_store %arg7[%swap3A_782, %swap3A_783], %swap3A_786 {strides = array<i32>} : memref<320x128xf32, #tpu.memory_space<vmem>>, vector<1x16xf32>,
      %swap3A_787 = arith.index_cast %add3A_748 : i32 to index
      %swap3A_788 = arith.constant 112 : index
      %swap3A_789 = tpu.vector_load %arg7[%swap3A_787, %swap3A_788] {strides = array<i32>} : memref<320x128xf32, #tpu.memory_space<vmem>>, vector<1x16xf32>,
      %swap3A_790 = vector.shape_cast %swap3A_789 : vector<1x16xf32> to vector<16xf32>
      %swap3A_791 = vector.shape_cast %broadcast_in_dim3A_751 : vector<16xf32> to vector<1x16xf32>
      tpu.vector_store %arg7[%swap3A_787, %swap3A_788], %swap3A_791 {strides = array<i32>} : memref<320x128xf32, #tpu.memory_space<vmem>>, vector<1x16xf32>,
      %scan3A_792 = arith.constant 0 : i32
      scf.yield %scan3A_792 : i32
    }
    %scan3A_34 = arith.constant 20 : i32
    "tpu.region"() ({
      %run_scoped3A = tpu.sem_alloc : memref<!tpu.dma_semaphore, #tpu.memory_space<semaphore_mem>>
      %dma_start3A = arith.constant 0 : i32
      %dma_start3A_35 = tpu.memref_slice %arg3[%mul3A_27, %dma_start3A] : memref<10240x128xf32, #tpu.memory_space<hbm>> -> memref<320x128xf32, #tpu.memory_space<hbm>>
      %dma_start3A_36 = arith.constant 0 : i32
      %dma_start3A_37 = tpu.memref_slice %arg3[%mul3A_27, %dma_start3A_36] : memref<10240x128xf32, #tpu.memory_space<hbm>> -> memref<320x128xf32, #tpu.memory_space<hbm>>
      tpu.enqueue_dma source(%arg7 : memref<320x128xf32, #tpu.memory_space<vmem>>) target(%dma_start3A_37 : memref<320x128xf32, #tpu.memory_space<hbm>>) target_semaphore(%run_scoped3A : memref<!tpu.dma_semaphore, #tpu.memory_space<semaphore_mem>>)
      %dma_wait3A = arith.constant 0 : i32
      %dma_wait3A_38 = tpu.memref_slice %arg3[%mul3A_27, %dma_wait3A] : memref<10240x128xf32, #tpu.memory_space<hbm>> -> memref<320x128xf32, #tpu.memory_space<hbm>>
      %dma_wait3A_39 = arith.constant 0 : i32
      %dma_wait3A_40 = tpu.memref_slice %arg3[%mul3A_27, %dma_wait3A_39] : memref<10240x128xf32, #tpu.memory_space<hbm>> -> memref<320x128xf32, #tpu.memory_space<hbm>>
      tpu.wait_dma2 semaphore(%run_scoped3A : memref<!tpu.dma_semaphore, #tpu.memory_space<semaphore_mem>>) src(%arg7 : memref<320x128xf32, #tpu.memory_space<vmem>>) dst(%dma_wait3A_40 : memref<320x128xf32, #tpu.memory_space<hbm>>)
      tpu.yield
    }) : () -> ()
    return
  }
}

#map = affine_map<(d0, d1) -> (0, 0)>
#map1 = affine_map<(d0, d1) -> (0, 0, 0)>
module attributes {stable_mosaic.version = 14 : i64} {
  func.func @_agg_kernel(%arg0: i32, %arg1: i32, %arg2: memref<20480x64xbf16, #tpu.memory_space<hbm>>, %arg3: memref<64x80x128xi32, #tpu.memory_space<hbm>>, %arg4: memref<32x80x128xi32, #tpu.memory_space<hbm>>, %arg5: memref<40960x64xbf16, #tpu.memory_space<hbm>>, %arg6: memref<80x128xi32, #tpu.memory_space<vmem>>, %arg7: memref<80x128xi32, #tpu.memory_space<vmem>>, %arg8: memref<128x64xbf16, #tpu.memory_space<vmem>>, %arg9: memref<128x64xbf16, #tpu.memory_space<vmem>>, %arg10: memref<128x64xbf16, #tpu.memory_space<vmem>>, %arg11: memref<128x64xbf16, #tpu.memory_space<vmem>>, %arg12: memref<128x64xbf16, #tpu.memory_space<vmem>>, %arg13: memref<128x64xbf16, #tpu.memory_space<vmem>>, %arg14: memref<!tpu.dma_semaphore, #tpu.memory_space<semaphore_mem>>, %arg15: memref<!tpu.dma_semaphore, #tpu.memory_space<semaphore_mem>>, %arg16: memref<!tpu.dma_semaphore, #tpu.memory_space<semaphore_mem>>, %arg17: memref<!tpu.dma_semaphore, #tpu.memory_space<semaphore_mem>>, %arg18: memref<!tpu.dma_semaphore, #tpu.memory_space<semaphore_mem>>, %arg19: memref<!tpu.dma_semaphore, #tpu.memory_space<semaphore_mem>>, %arg20: memref<10240x64xbf16, #tpu.memory_space<vmem_shared>>, %arg21: memref<10240x64xbf16, #tpu.memory_space<vmem_shared>>) attributes {dimension_semantics = [#tpu.dimension_semantics<core_parallel>, #tpu.dimension_semantics<subcore_parallel>], iteration_bounds = array<i64: 2, 16>, scalar_prefetch = 0 : i64, scratch_operands = 16 : i64, tpu.core_type = #tpu.core_type<sc_vector_subcore>, window_params = [{transform_indices = #map}, {transform_indices = #map1}, {transform_indices = #map1}, {transform_indices = #map}]} {
    %broadcast_in_dim3A = arith.constant 0.000000e+00 : bf16
    %broadcast_in_dim3A_0 = vector.broadcast %broadcast_in_dim3A : bf16 to vector<32xbf16>
    %scan3A = arith.constant 0 : i32
    %scan3A_1 = arith.constant 0 : i32
    %scan3A_2 = arith.constant 128 : i32
    %scan3A_3 = arith.addi %scan3A_1, %scan3A_2 : i32
    %scan3A_4 = arith.constant 1 : i32
    %scan3A_5 = scf.for %scan3A_246 = %scan3A_1 to %scan3A_3 step %scan3A_4 iter_args(%scan3A_247 = %scan3A) -> (i32)  : i32 {
      %swap3A = arith.index_cast %scan3A_246 : i32 to index
      %swap3A_248 = arith.constant 0 : index
      %swap3A_249 = tpu.vector_load %arg13[%swap3A, %swap3A_248] {strides = array<i32>} : memref<128x64xbf16, #tpu.memory_space<vmem>>, vector<32xbf16>,
      tpu.vector_store %arg13[%swap3A, %swap3A_248], %broadcast_in_dim3A_0 {strides = array<i32>} : memref<128x64xbf16, #tpu.memory_space<vmem>>, vector<32xbf16>,
      %swap3A_250 = arith.index_cast %scan3A_246 : i32 to index
      %swap3A_251 = arith.constant 32 : index
      %swap3A_252 = tpu.vector_load %arg13[%swap3A_250, %swap3A_251] {strides = array<i32>} : memref<128x64xbf16, #tpu.memory_space<vmem>>, vector<32xbf16>,
      tpu.vector_store %arg13[%swap3A_250, %swap3A_251], %broadcast_in_dim3A_0 {strides = array<i32>} : memref<128x64xbf16, #tpu.memory_space<vmem>>, vector<32xbf16>,
      %scan3A_253 = arith.constant 0 : i32
      scf.yield %scan3A_253 : i32
    }
    %scan3A_6 = arith.constant 128 : i32
    %mul3A = arith.constant 640 : i32
    %mul3A_7 = arith.muli %arg1, %mul3A : i32
    %add3A = arith.constant 0 : i32
    %add3A_8 = arith.addi %mul3A_7, %add3A : i32
    %dma_start3A = arith.constant 0 : i32
    %dma_start3A_9 = tpu.memref_slice %arg20[%add3A_8, %dma_start3A] : memref<10240x64xbf16, #tpu.memory_space<vmem_shared>> -> memref<128x64xbf16, #tpu.memory_space<vmem_shared>>
    %dma_start3A_10 = arith.constant 0 : i32
    %dma_start3A_11 = tpu.memref_slice %arg20[%add3A_8, %dma_start3A_10] : memref<10240x64xbf16, #tpu.memory_space<vmem_shared>> -> memref<128x64xbf16, #tpu.memory_space<vmem_shared>>
    tpu.enqueue_dma source(%arg13 : memref<128x64xbf16, #tpu.memory_space<vmem>>) target(%dma_start3A_11 : memref<128x64xbf16, #tpu.memory_space<vmem_shared>>) target_semaphore(%arg19 : memref<!tpu.dma_semaphore, #tpu.memory_space<semaphore_mem>>)
    %mul3A_12 = arith.constant 640 : i32
    %mul3A_13 = arith.muli %arg1, %mul3A_12 : i32
    %add3A_14 = arith.constant 128 : i32
    %add3A_15 = arith.addi %mul3A_13, %add3A_14 : i32
    %dma_start3A_16 = arith.constant 0 : i32
    %dma_start3A_17 = tpu.memref_slice %arg20[%add3A_15, %dma_start3A_16] : memref<10240x64xbf16, #tpu.memory_space<vmem_shared>> -> memref<128x64xbf16, #tpu.memory_space<vmem_shared>>
    %dma_start3A_18 = arith.constant 0 : i32
    %dma_start3A_19 = tpu.memref_slice %arg20[%add3A_15, %dma_start3A_18] : memref<10240x64xbf16, #tpu.memory_space<vmem_shared>> -> memref<128x64xbf16, #tpu.memory_space<vmem_shared>>
    tpu.enqueue_dma source(%arg13 : memref<128x64xbf16, #tpu.memory_space<vmem>>) target(%dma_start3A_19 : memref<128x64xbf16, #tpu.memory_space<vmem_shared>>) target_semaphore(%arg19 : memref<!tpu.dma_semaphore, #tpu.memory_space<semaphore_mem>>)
    %mul3A_20 = arith.constant 640 : i32
    %mul3A_21 = arith.muli %arg1, %mul3A_20 : i32
    %add3A_22 = arith.constant 256 : i32
    %add3A_23 = arith.addi %mul3A_21, %add3A_22 : i32
    %dma_start3A_24 = arith.constant 0 : i32
    %dma_start3A_25 = tpu.memref_slice %arg20[%add3A_23, %dma_start3A_24] : memref<10240x64xbf16, #tpu.memory_space<vmem_shared>> -> memref<128x64xbf16, #tpu.memory_space<vmem_shared>>
    %dma_start3A_26 = arith.constant 0 : i32
    %dma_start3A_27 = tpu.memref_slice %arg20[%add3A_23, %dma_start3A_26] : memref<10240x64xbf16, #tpu.memory_space<vmem_shared>> -> memref<128x64xbf16, #tpu.memory_space<vmem_shared>>
    tpu.enqueue_dma source(%arg13 : memref<128x64xbf16, #tpu.memory_space<vmem>>) target(%dma_start3A_27 : memref<128x64xbf16, #tpu.memory_space<vmem_shared>>) target_semaphore(%arg19 : memref<!tpu.dma_semaphore, #tpu.memory_space<semaphore_mem>>)
    %mul3A_28 = arith.constant 640 : i32
    %mul3A_29 = arith.muli %arg1, %mul3A_28 : i32
    %add3A_30 = arith.constant 384 : i32
    %add3A_31 = arith.addi %mul3A_29, %add3A_30 : i32
    %dma_start3A_32 = arith.constant 0 : i32
    %dma_start3A_33 = tpu.memref_slice %arg20[%add3A_31, %dma_start3A_32] : memref<10240x64xbf16, #tpu.memory_space<vmem_shared>> -> memref<128x64xbf16, #tpu.memory_space<vmem_shared>>
    %dma_start3A_34 = arith.constant 0 : i32
    %dma_start3A_35 = tpu.memref_slice %arg20[%add3A_31, %dma_start3A_34] : memref<10240x64xbf16, #tpu.memory_space<vmem_shared>> -> memref<128x64xbf16, #tpu.memory_space<vmem_shared>>
    tpu.enqueue_dma source(%arg13 : memref<128x64xbf16, #tpu.memory_space<vmem>>) target(%dma_start3A_35 : memref<128x64xbf16, #tpu.memory_space<vmem_shared>>) target_semaphore(%arg19 : memref<!tpu.dma_semaphore, #tpu.memory_space<semaphore_mem>>)
    %mul3A_36 = arith.constant 640 : i32
    %mul3A_37 = arith.muli %arg1, %mul3A_36 : i32
    %add3A_38 = arith.constant 512 : i32
    %add3A_39 = arith.addi %mul3A_37, %add3A_38 : i32
    %dma_start3A_40 = arith.constant 0 : i32
    %dma_start3A_41 = tpu.memref_slice %arg20[%add3A_39, %dma_start3A_40] : memref<10240x64xbf16, #tpu.memory_space<vmem_shared>> -> memref<128x64xbf16, #tpu.memory_space<vmem_shared>>
    %dma_start3A_42 = arith.constant 0 : i32
    %dma_start3A_43 = tpu.memref_slice %arg20[%add3A_39, %dma_start3A_42] : memref<10240x64xbf16, #tpu.memory_space<vmem_shared>> -> memref<128x64xbf16, #tpu.memory_space<vmem_shared>>
    tpu.enqueue_dma source(%arg13 : memref<128x64xbf16, #tpu.memory_space<vmem>>) target(%dma_start3A_43 : memref<128x64xbf16, #tpu.memory_space<vmem_shared>>) target_semaphore(%arg19 : memref<!tpu.dma_semaphore, #tpu.memory_space<semaphore_mem>>)
    %mul3A_44 = arith.constant 640 : i32
    %mul3A_45 = arith.muli %arg1, %mul3A_44 : i32
    %add3A_46 = arith.constant 0 : i32
    %add3A_47 = arith.addi %mul3A_45, %add3A_46 : i32
    %dma_start3A_48 = arith.constant 0 : i32
    %dma_start3A_49 = tpu.memref_slice %arg21[%add3A_47, %dma_start3A_48] : memref<10240x64xbf16, #tpu.memory_space<vmem_shared>> -> memref<128x64xbf16, #tpu.memory_space<vmem_shared>>
    %dma_start3A_50 = arith.constant 0 : i32
    %dma_start3A_51 = tpu.memref_slice %arg21[%add3A_47, %dma_start3A_50] : memref<10240x64xbf16, #tpu.memory_space<vmem_shared>> -> memref<128x64xbf16, #tpu.memory_space<vmem_shared>>
    tpu.enqueue_dma source(%arg13 : memref<128x64xbf16, #tpu.memory_space<vmem>>) target(%dma_start3A_51 : memref<128x64xbf16, #tpu.memory_space<vmem_shared>>) target_semaphore(%arg19 : memref<!tpu.dma_semaphore, #tpu.memory_space<semaphore_mem>>)
    %mul3A_52 = arith.constant 640 : i32
    %mul3A_53 = arith.muli %arg1, %mul3A_52 : i32
    %add3A_54 = arith.constant 128 : i32
    %add3A_55 = arith.addi %mul3A_53, %add3A_54 : i32
    %dma_start3A_56 = arith.constant 0 : i32
    %dma_start3A_57 = tpu.memref_slice %arg21[%add3A_55, %dma_start3A_56] : memref<10240x64xbf16, #tpu.memory_space<vmem_shared>> -> memref<128x64xbf16, #tpu.memory_space<vmem_shared>>
    %dma_start3A_58 = arith.constant 0 : i32
    %dma_start3A_59 = tpu.memref_slice %arg21[%add3A_55, %dma_start3A_58] : memref<10240x64xbf16, #tpu.memory_space<vmem_shared>> -> memref<128x64xbf16, #tpu.memory_space<vmem_shared>>
    tpu.enqueue_dma source(%arg13 : memref<128x64xbf16, #tpu.memory_space<vmem>>) target(%dma_start3A_59 : memref<128x64xbf16, #tpu.memory_space<vmem_shared>>) target_semaphore(%arg19 : memref<!tpu.dma_semaphore, #tpu.memory_space<semaphore_mem>>)
    %mul3A_60 = arith.constant 640 : i32
    %mul3A_61 = arith.muli %arg1, %mul3A_60 : i32
    %add3A_62 = arith.constant 256 : i32
    %add3A_63 = arith.addi %mul3A_61, %add3A_62 : i32
    %dma_start3A_64 = arith.constant 0 : i32
    %dma_start3A_65 = tpu.memref_slice %arg21[%add3A_63, %dma_start3A_64] : memref<10240x64xbf16, #tpu.memory_space<vmem_shared>> -> memref<128x64xbf16, #tpu.memory_space<vmem_shared>>
    %dma_start3A_66 = arith.constant 0 : i32
    %dma_start3A_67 = tpu.memref_slice %arg21[%add3A_63, %dma_start3A_66] : memref<10240x64xbf16, #tpu.memory_space<vmem_shared>> -> memref<128x64xbf16, #tpu.memory_space<vmem_shared>>
    tpu.enqueue_dma source(%arg13 : memref<128x64xbf16, #tpu.memory_space<vmem>>) target(%dma_start3A_67 : memref<128x64xbf16, #tpu.memory_space<vmem_shared>>) target_semaphore(%arg19 : memref<!tpu.dma_semaphore, #tpu.memory_space<semaphore_mem>>)
    %mul3A_68 = arith.constant 640 : i32
    %mul3A_69 = arith.muli %arg1, %mul3A_68 : i32
    %add3A_70 = arith.constant 384 : i32
    %add3A_71 = arith.addi %mul3A_69, %add3A_70 : i32
    %dma_start3A_72 = arith.constant 0 : i32
    %dma_start3A_73 = tpu.memref_slice %arg21[%add3A_71, %dma_start3A_72] : memref<10240x64xbf16, #tpu.memory_space<vmem_shared>> -> memref<128x64xbf16, #tpu.memory_space<vmem_shared>>
    %dma_start3A_74 = arith.constant 0 : i32
    %dma_start3A_75 = tpu.memref_slice %arg21[%add3A_71, %dma_start3A_74] : memref<10240x64xbf16, #tpu.memory_space<vmem_shared>> -> memref<128x64xbf16, #tpu.memory_space<vmem_shared>>
    tpu.enqueue_dma source(%arg13 : memref<128x64xbf16, #tpu.memory_space<vmem>>) target(%dma_start3A_75 : memref<128x64xbf16, #tpu.memory_space<vmem_shared>>) target_semaphore(%arg19 : memref<!tpu.dma_semaphore, #tpu.memory_space<semaphore_mem>>)
    %mul3A_76 = arith.constant 640 : i32
    %mul3A_77 = arith.muli %arg1, %mul3A_76 : i32
    %add3A_78 = arith.constant 512 : i32
    %add3A_79 = arith.addi %mul3A_77, %add3A_78 : i32
    %dma_start3A_80 = arith.constant 0 : i32
    %dma_start3A_81 = tpu.memref_slice %arg21[%add3A_79, %dma_start3A_80] : memref<10240x64xbf16, #tpu.memory_space<vmem_shared>> -> memref<128x64xbf16, #tpu.memory_space<vmem_shared>>
    %dma_start3A_82 = arith.constant 0 : i32
    %dma_start3A_83 = tpu.memref_slice %arg21[%add3A_79, %dma_start3A_82] : memref<10240x64xbf16, #tpu.memory_space<vmem_shared>> -> memref<128x64xbf16, #tpu.memory_space<vmem_shared>>
    tpu.enqueue_dma source(%arg13 : memref<128x64xbf16, #tpu.memory_space<vmem>>) target(%dma_start3A_83 : memref<128x64xbf16, #tpu.memory_space<vmem_shared>>) target_semaphore(%arg19 : memref<!tpu.dma_semaphore, #tpu.memory_space<semaphore_mem>>)
    %mul3A_84 = arith.constant 16 : i32
    %mul3A_85 = arith.muli %arg0, %mul3A_84 : i32
    %add3A_86 = arith.addi %mul3A_85, %arg1 : i32
    %mul3A_87 = arith.constant 2 : i32
    %mul3A_88 = arith.muli %add3A_86, %mul3A_87 : i32
    %add3A_89 = arith.constant 0 : i32
    %add3A_90 = arith.addi %mul3A_88, %add3A_89 : i32
    "tpu.region"() ({
      %run_scoped3A = tpu.sem_alloc : memref<!tpu.dma_semaphore, #tpu.memory_space<semaphore_mem>>
      %dma_start3A_246 = arith.constant 0 : i32
      %dma_start3A_247 = arith.constant 0 : i32
      %dma_start3A_248 = tpu.memref_slice %arg3[%add3A_90, %dma_start3A_246, %dma_start3A_247] : memref<64x80x128xi32, #tpu.memory_space<hbm>> -> memref<1x80x128xi32, #tpu.memory_space<hbm>>
      %dma_start3A_249 = tpu.memref_squeeze %dma_start3A_248 : memref<1x80x128xi32, #tpu.memory_space<hbm>> -> memref<80x128xi32, #tpu.memory_space<hbm>>
      %dma_start3A_250 = arith.constant 0 : i32
      %dma_start3A_251 = arith.constant 0 : i32
      %dma_start3A_252 = tpu.memref_slice %arg3[%add3A_90, %dma_start3A_250, %dma_start3A_251] : memref<64x80x128xi32, #tpu.memory_space<hbm>> -> memref<1x80x128xi32, #tpu.memory_space<hbm>>
      %dma_start3A_253 = tpu.memref_squeeze %dma_start3A_252 : memref<1x80x128xi32, #tpu.memory_space<hbm>> -> memref<80x128xi32, #tpu.memory_space<hbm>>
      tpu.enqueue_dma source(%dma_start3A_253 : memref<80x128xi32, #tpu.memory_space<hbm>>) target(%arg6 : memref<80x128xi32, #tpu.memory_space<vmem>>) target_semaphore(%run_scoped3A : memref<!tpu.dma_semaphore, #tpu.memory_space<semaphore_mem>>)
      %dma_wait3A_254 = arith.constant 0 : i32
      %dma_wait3A_255 = arith.constant 0 : i32
      %dma_wait3A_256 = tpu.memref_slice %arg3[%add3A_90, %dma_wait3A_254, %dma_wait3A_255] : memref<64x80x128xi32, #tpu.memory_space<hbm>> -> memref<1x80x128xi32, #tpu.memory_space<hbm>>
      %dma_wait3A_257 = tpu.memref_squeeze %dma_wait3A_256 : memref<1x80x128xi32, #tpu.memory_space<hbm>> -> memref<80x128xi32, #tpu.memory_space<hbm>>
      %dma_wait3A_258 = arith.constant 0 : i32
      %dma_wait3A_259 = arith.constant 0 : i32
      %dma_wait3A_260 = tpu.memref_slice %arg3[%add3A_90, %dma_wait3A_258, %dma_wait3A_259] : memref<64x80x128xi32, #tpu.memory_space<hbm>> -> memref<1x80x128xi32, #tpu.memory_space<hbm>>
      %dma_wait3A_261 = tpu.memref_squeeze %dma_wait3A_260 : memref<1x80x128xi32, #tpu.memory_space<hbm>> -> memref<80x128xi32, #tpu.memory_space<hbm>>
      tpu.wait_dma2 semaphore(%run_scoped3A : memref<!tpu.dma_semaphore, #tpu.memory_space<semaphore_mem>>) src(%dma_wait3A_261 : memref<80x128xi32, #tpu.memory_space<hbm>>) dst(%arg6 : memref<80x128xi32, #tpu.memory_space<vmem>>)
      tpu.yield
    }) : () -> ()
    %mul3A_91 = arith.constant 2 : i32
    %mul3A_92 = arith.muli %arg1, %mul3A_91 : i32
    %add3A_93 = arith.constant 0 : i32
    %add3A_94 = arith.addi %mul3A_92, %add3A_93 : i32
    "tpu.region"() ({
      %run_scoped3A = tpu.sem_alloc : memref<!tpu.dma_semaphore, #tpu.memory_space<semaphore_mem>>
      %dma_start3A_246 = arith.constant 0 : i32
      %dma_start3A_247 = arith.constant 0 : i32
      %dma_start3A_248 = tpu.memref_slice %arg4[%add3A_94, %dma_start3A_246, %dma_start3A_247] : memref<32x80x128xi32, #tpu.memory_space<hbm>> -> memref<1x80x128xi32, #tpu.memory_space<hbm>>
      %dma_start3A_249 = tpu.memref_squeeze %dma_start3A_248 : memref<1x80x128xi32, #tpu.memory_space<hbm>> -> memref<80x128xi32, #tpu.memory_space<hbm>>
      %dma_start3A_250 = arith.constant 0 : i32
      %dma_start3A_251 = arith.constant 0 : i32
      %dma_start3A_252 = tpu.memref_slice %arg4[%add3A_94, %dma_start3A_250, %dma_start3A_251] : memref<32x80x128xi32, #tpu.memory_space<hbm>> -> memref<1x80x128xi32, #tpu.memory_space<hbm>>
      %dma_start3A_253 = tpu.memref_squeeze %dma_start3A_252 : memref<1x80x128xi32, #tpu.memory_space<hbm>> -> memref<80x128xi32, #tpu.memory_space<hbm>>
      tpu.enqueue_dma source(%dma_start3A_253 : memref<80x128xi32, #tpu.memory_space<hbm>>) target(%arg7 : memref<80x128xi32, #tpu.memory_space<vmem>>) target_semaphore(%run_scoped3A : memref<!tpu.dma_semaphore, #tpu.memory_space<semaphore_mem>>)
      %dma_wait3A_254 = arith.constant 0 : i32
      %dma_wait3A_255 = arith.constant 0 : i32
      %dma_wait3A_256 = tpu.memref_slice %arg4[%add3A_94, %dma_wait3A_254, %dma_wait3A_255] : memref<32x80x128xi32, #tpu.memory_space<hbm>> -> memref<1x80x128xi32, #tpu.memory_space<hbm>>
      %dma_wait3A_257 = tpu.memref_squeeze %dma_wait3A_256 : memref<1x80x128xi32, #tpu.memory_space<hbm>> -> memref<80x128xi32, #tpu.memory_space<hbm>>
      %dma_wait3A_258 = arith.constant 0 : i32
      %dma_wait3A_259 = arith.constant 0 : i32
      %dma_wait3A_260 = tpu.memref_slice %arg4[%add3A_94, %dma_wait3A_258, %dma_wait3A_259] : memref<32x80x128xi32, #tpu.memory_space<hbm>> -> memref<1x80x128xi32, #tpu.memory_space<hbm>>
      %dma_wait3A_261 = tpu.memref_squeeze %dma_wait3A_260 : memref<1x80x128xi32, #tpu.memory_space<hbm>> -> memref<80x128xi32, #tpu.memory_space<hbm>>
      tpu.wait_dma2 semaphore(%run_scoped3A : memref<!tpu.dma_semaphore, #tpu.memory_space<semaphore_mem>>) src(%dma_wait3A_261 : memref<80x128xi32, #tpu.memory_space<hbm>>) dst(%arg7 : memref<80x128xi32, #tpu.memory_space<vmem>>)
      tpu.yield
    }) : () -> ()
    %dma_start3A_95 = arith.constant 0 : i32
    %dma_start3A_96 = arith.constant 0 : i32
    %dma_start3A_97 = tpu.memref_slice %arg6[%dma_start3A_95, %dma_start3A_96] : memref<80x128xi32, #tpu.memory_space<vmem>> -> memref<1x128xi32, #tpu.memory_space<vmem>>
    %dma_start3A_98 = tpu.memref_squeeze %dma_start3A_97 : memref<1x128xi32, #tpu.memory_space<vmem>> -> memref<128xi32, #tpu.memory_space<vmem>>
    %dma_start3A_99 = arith.constant 0 : i32
    %dma_start3A_100 = arith.constant 0 : i32
    %dma_start3A_101 = tpu.memref_slice %arg2[%dma_start3A_99, %dma_start3A_100] : memref<20480x64xbf16, #tpu.memory_space<hbm>> -> memref<20480x64xbf16, #tpu.memory_space<hbm>>
    tpu.enqueue_indirect_dma source(%dma_start3A_101 : memref<20480x64xbf16, #tpu.memory_space<hbm>>) target(%arg8 : memref<128x64xbf16, #tpu.memory_space<vmem>>) offsets(%dma_start3A_98 : memref<128xi32, #tpu.memory_space<vmem>>) semaphore(%arg14 : memref<!tpu.dma_semaphore, #tpu.memory_space<semaphore_mem>>)
    %dma_start3A_102 = arith.constant 1 : i32
    %dma_start3A_103 = arith.constant 0 : i32
    %dma_start3A_104 = tpu.memref_slice %arg6[%dma_start3A_102, %dma_start3A_103] : memref<80x128xi32, #tpu.memory_space<vmem>> -> memref<1x128xi32, #tpu.memory_space<vmem>>
    %dma_start3A_105 = tpu.memref_squeeze %dma_start3A_104 : memref<1x128xi32, #tpu.memory_space<vmem>> -> memref<128xi32, #tpu.memory_space<vmem>>
    %dma_start3A_106 = arith.constant 0 : i32
    %dma_start3A_107 = arith.constant 0 : i32
    %dma_start3A_108 = tpu.memref_slice %arg2[%dma_start3A_106, %dma_start3A_107] : memref<20480x64xbf16, #tpu.memory_space<hbm>> -> memref<20480x64xbf16, #tpu.memory_space<hbm>>
    tpu.enqueue_indirect_dma source(%dma_start3A_108 : memref<20480x64xbf16, #tpu.memory_space<hbm>>) target(%arg9 : memref<128x64xbf16, #tpu.memory_space<vmem>>) offsets(%dma_start3A_105 : memref<128xi32, #tpu.memory_space<vmem>>) semaphore(%arg15 : memref<!tpu.dma_semaphore, #tpu.memory_space<semaphore_mem>>)
    %dma_start3A_109 = arith.constant 2 : i32
    %dma_start3A_110 = arith.constant 0 : i32
    %dma_start3A_111 = tpu.memref_slice %arg6[%dma_start3A_109, %dma_start3A_110] : memref<80x128xi32, #tpu.memory_space<vmem>> -> memref<1x128xi32, #tpu.memory_space<vmem>>
    %dma_start3A_112 = tpu.memref_squeeze %dma_start3A_111 : memref<1x128xi32, #tpu.memory_space<vmem>> -> memref<128xi32, #tpu.memory_space<vmem>>
    %dma_start3A_113 = arith.constant 0 : i32
    %dma_start3A_114 = arith.constant 0 : i32
    %dma_start3A_115 = tpu.memref_slice %arg2[%dma_start3A_113, %dma_start3A_114] : memref<20480x64xbf16, #tpu.memory_space<hbm>> -> memref<20480x64xbf16, #tpu.memory_space<hbm>>
    tpu.enqueue_indirect_dma source(%dma_start3A_115 : memref<20480x64xbf16, #tpu.memory_space<hbm>>) target(%arg10 : memref<128x64xbf16, #tpu.memory_space<vmem>>) offsets(%dma_start3A_112 : memref<128xi32, #tpu.memory_space<vmem>>) semaphore(%arg16 : memref<!tpu.dma_semaphore, #tpu.memory_space<semaphore_mem>>)
    %dma_start3A_116 = arith.constant 3 : i32
    %dma_start3A_117 = arith.constant 0 : i32
    %dma_start3A_118 = tpu.memref_slice %arg6[%dma_start3A_116, %dma_start3A_117] : memref<80x128xi32, #tpu.memory_space<vmem>> -> memref<1x128xi32, #tpu.memory_space<vmem>>
    %dma_start3A_119 = tpu.memref_squeeze %dma_start3A_118 : memref<1x128xi32, #tpu.memory_space<vmem>> -> memref<128xi32, #tpu.memory_space<vmem>>
    %dma_start3A_120 = arith.constant 0 : i32
    %dma_start3A_121 = arith.constant 0 : i32
    %dma_start3A_122 = tpu.memref_slice %arg2[%dma_start3A_120, %dma_start3A_121] : memref<20480x64xbf16, #tpu.memory_space<hbm>> -> memref<20480x64xbf16, #tpu.memory_space<hbm>>
    tpu.enqueue_indirect_dma source(%dma_start3A_122 : memref<20480x64xbf16, #tpu.memory_space<hbm>>) target(%arg11 : memref<128x64xbf16, #tpu.memory_space<vmem>>) offsets(%dma_start3A_119 : memref<128xi32, #tpu.memory_space<vmem>>) semaphore(%arg17 : memref<!tpu.dma_semaphore, #tpu.memory_space<semaphore_mem>>)
    %dma_start3A_123 = arith.constant 4 : i32
    %dma_start3A_124 = arith.constant 0 : i32
    %dma_start3A_125 = tpu.memref_slice %arg6[%dma_start3A_123, %dma_start3A_124] : memref<80x128xi32, #tpu.memory_space<vmem>> -> memref<1x128xi32, #tpu.memory_space<vmem>>
    %dma_start3A_126 = tpu.memref_squeeze %dma_start3A_125 : memref<1x128xi32, #tpu.memory_space<vmem>> -> memref<128xi32, #tpu.memory_space<vmem>>
    %dma_start3A_127 = arith.constant 0 : i32
    %dma_start3A_128 = arith.constant 0 : i32
    %dma_start3A_129 = tpu.memref_slice %arg2[%dma_start3A_127, %dma_start3A_128] : memref<20480x64xbf16, #tpu.memory_space<hbm>> -> memref<20480x64xbf16, #tpu.memory_space<hbm>>
    tpu.enqueue_indirect_dma source(%dma_start3A_129 : memref<20480x64xbf16, #tpu.memory_space<hbm>>) target(%arg12 : memref<128x64xbf16, #tpu.memory_space<vmem>>) offsets(%dma_start3A_126 : memref<128xi32, #tpu.memory_space<vmem>>) semaphore(%arg18 : memref<!tpu.dma_semaphore, #tpu.memory_space<semaphore_mem>>)
    %dma_wait3A = arith.constant 0 : i32
    %dma_wait3A_130 = tpu.memref_slice %arg20[%add3A_8, %dma_wait3A] : memref<10240x64xbf16, #tpu.memory_space<vmem_shared>> -> memref<128x64xbf16, #tpu.memory_space<vmem_shared>>
    %dma_wait3A_131 = arith.constant 0 : i32
    %dma_wait3A_132 = tpu.memref_slice %arg20[%add3A_8, %dma_wait3A_131] : memref<10240x64xbf16, #tpu.memory_space<vmem_shared>> -> memref<128x64xbf16, #tpu.memory_space<vmem_shared>>
    tpu.wait_dma2 semaphore(%arg19 : memref<!tpu.dma_semaphore, #tpu.memory_space<semaphore_mem>>) src(%arg13 : memref<128x64xbf16, #tpu.memory_space<vmem>>) dst(%dma_wait3A_132 : memref<128x64xbf16, #tpu.memory_space<vmem_shared>>)
    %dma_wait3A_133 = arith.constant 0 : i32
    %dma_wait3A_134 = tpu.memref_slice %arg20[%add3A_15, %dma_wait3A_133] : memref<10240x64xbf16, #tpu.memory_space<vmem_shared>> -> memref<128x64xbf16, #tpu.memory_space<vmem_shared>>
    %dma_wait3A_135 = arith.constant 0 : i32
    %dma_wait3A_136 = tpu.memref_slice %arg20[%add3A_15, %dma_wait3A_135] : memref<10240x64xbf16, #tpu.memory_space<vmem_shared>> -> memref<128x64xbf16, #tpu.memory_space<vmem_shared>>
    tpu.wait_dma2 semaphore(%arg19 : memref<!tpu.dma_semaphore, #tpu.memory_space<semaphore_mem>>) src(%arg13 : memref<128x64xbf16, #tpu.memory_space<vmem>>) dst(%dma_wait3A_136 : memref<128x64xbf16, #tpu.memory_space<vmem_shared>>)
    %dma_wait3A_137 = arith.constant 0 : i32
    %dma_wait3A_138 = tpu.memref_slice %arg20[%add3A_23, %dma_wait3A_137] : memref<10240x64xbf16, #tpu.memory_space<vmem_shared>> -> memref<128x64xbf16, #tpu.memory_space<vmem_shared>>
    %dma_wait3A_139 = arith.constant 0 : i32
    %dma_wait3A_140 = tpu.memref_slice %arg20[%add3A_23, %dma_wait3A_139] : memref<10240x64xbf16, #tpu.memory_space<vmem_shared>> -> memref<128x64xbf16, #tpu.memory_space<vmem_shared>>
    tpu.wait_dma2 semaphore(%arg19 : memref<!tpu.dma_semaphore, #tpu.memory_space<semaphore_mem>>) src(%arg13 : memref<128x64xbf16, #tpu.memory_space<vmem>>) dst(%dma_wait3A_140 : memref<128x64xbf16, #tpu.memory_space<vmem_shared>>)
    %dma_wait3A_141 = arith.constant 0 : i32
    %dma_wait3A_142 = tpu.memref_slice %arg20[%add3A_31, %dma_wait3A_141] : memref<10240x64xbf16, #tpu.memory_space<vmem_shared>> -> memref<128x64xbf16, #tpu.memory_space<vmem_shared>>
    %dma_wait3A_143 = arith.constant 0 : i32
    %dma_wait3A_144 = tpu.memref_slice %arg20[%add3A_31, %dma_wait3A_143] : memref<10240x64xbf16, #tpu.memory_space<vmem_shared>> -> memref<128x64xbf16, #tpu.memory_space<vmem_shared>>
    tpu.wait_dma2 semaphore(%arg19 : memref<!tpu.dma_semaphore, #tpu.memory_space<semaphore_mem>>) src(%arg13 : memref<128x64xbf16, #tpu.memory_space<vmem>>) dst(%dma_wait3A_144 : memref<128x64xbf16, #tpu.memory_space<vmem_shared>>)
    %dma_wait3A_145 = arith.constant 0 : i32
    %dma_wait3A_146 = tpu.memref_slice %arg20[%add3A_39, %dma_wait3A_145] : memref<10240x64xbf16, #tpu.memory_space<vmem_shared>> -> memref<128x64xbf16, #tpu.memory_space<vmem_shared>>
    %dma_wait3A_147 = arith.constant 0 : i32
    %dma_wait3A_148 = tpu.memref_slice %arg20[%add3A_39, %dma_wait3A_147] : memref<10240x64xbf16, #tpu.memory_space<vmem_shared>> -> memref<128x64xbf16, #tpu.memory_space<vmem_shared>>
    tpu.wait_dma2 semaphore(%arg19 : memref<!tpu.dma_semaphore, #tpu.memory_space<semaphore_mem>>) src(%arg13 : memref<128x64xbf16, #tpu.memory_space<vmem>>) dst(%dma_wait3A_148 : memref<128x64xbf16, #tpu.memory_space<vmem_shared>>)
    %dma_wait3A_149 = arith.constant 0 : i32
    %dma_wait3A_150 = tpu.memref_slice %arg21[%add3A_47, %dma_wait3A_149] : memref<10240x64xbf16, #tpu.memory_space<vmem_shared>> -> memref<128x64xbf16, #tpu.memory_space<vmem_shared>>
    %dma_wait3A_151 = arith.constant 0 : i32
    %dma_wait3A_152 = tpu.memref_slice %arg21[%add3A_47, %dma_wait3A_151] : memref<10240x64xbf16, #tpu.memory_space<vmem_shared>> -> memref<128x64xbf16, #tpu.memory_space<vmem_shared>>
    tpu.wait_dma2 semaphore(%arg19 : memref<!tpu.dma_semaphore, #tpu.memory_space<semaphore_mem>>) src(%arg13 : memref<128x64xbf16, #tpu.memory_space<vmem>>) dst(%dma_wait3A_152 : memref<128x64xbf16, #tpu.memory_space<vmem_shared>>)
    %dma_wait3A_153 = arith.constant 0 : i32
    %dma_wait3A_154 = tpu.memref_slice %arg21[%add3A_55, %dma_wait3A_153] : memref<10240x64xbf16, #tpu.memory_space<vmem_shared>> -> memref<128x64xbf16, #tpu.memory_space<vmem_shared>>
    %dma_wait3A_155 = arith.constant 0 : i32
    %dma_wait3A_156 = tpu.memref_slice %arg21[%add3A_55, %dma_wait3A_155] : memref<10240x64xbf16, #tpu.memory_space<vmem_shared>> -> memref<128x64xbf16, #tpu.memory_space<vmem_shared>>
    tpu.wait_dma2 semaphore(%arg19 : memref<!tpu.dma_semaphore, #tpu.memory_space<semaphore_mem>>) src(%arg13 : memref<128x64xbf16, #tpu.memory_space<vmem>>) dst(%dma_wait3A_156 : memref<128x64xbf16, #tpu.memory_space<vmem_shared>>)
    %dma_wait3A_157 = arith.constant 0 : i32
    %dma_wait3A_158 = tpu.memref_slice %arg21[%add3A_63, %dma_wait3A_157] : memref<10240x64xbf16, #tpu.memory_space<vmem_shared>> -> memref<128x64xbf16, #tpu.memory_space<vmem_shared>>
    %dma_wait3A_159 = arith.constant 0 : i32
    %dma_wait3A_160 = tpu.memref_slice %arg21[%add3A_63, %dma_wait3A_159] : memref<10240x64xbf16, #tpu.memory_space<vmem_shared>> -> memref<128x64xbf16, #tpu.memory_space<vmem_shared>>
    tpu.wait_dma2 semaphore(%arg19 : memref<!tpu.dma_semaphore, #tpu.memory_space<semaphore_mem>>) src(%arg13 : memref<128x64xbf16, #tpu.memory_space<vmem>>) dst(%dma_wait3A_160 : memref<128x64xbf16, #tpu.memory_space<vmem_shared>>)
    %dma_wait3A_161 = arith.constant 0 : i32
    %dma_wait3A_162 = tpu.memref_slice %arg21[%add3A_71, %dma_wait3A_161] : memref<10240x64xbf16, #tpu.memory_space<vmem_shared>> -> memref<128x64xbf16, #tpu.memory_space<vmem_shared>>
    %dma_wait3A_163 = arith.constant 0 : i32
    %dma_wait3A_164 = tpu.memref_slice %arg21[%add3A_71, %dma_wait3A_163] : memref<10240x64xbf16, #tpu.memory_space<vmem_shared>> -> memref<128x64xbf16, #tpu.memory_space<vmem_shared>>
    tpu.wait_dma2 semaphore(%arg19 : memref<!tpu.dma_semaphore, #tpu.memory_space<semaphore_mem>>) src(%arg13 : memref<128x64xbf16, #tpu.memory_space<vmem>>) dst(%dma_wait3A_164 : memref<128x64xbf16, #tpu.memory_space<vmem_shared>>)
    %dma_wait3A_165 = arith.constant 0 : i32
    %dma_wait3A_166 = tpu.memref_slice %arg21[%add3A_79, %dma_wait3A_165] : memref<10240x64xbf16, #tpu.memory_space<vmem_shared>> -> memref<128x64xbf16, #tpu.memory_space<vmem_shared>>
    %dma_wait3A_167 = arith.constant 0 : i32
    %dma_wait3A_168 = tpu.memref_slice %arg21[%add3A_79, %dma_wait3A_167] : memref<10240x64xbf16, #tpu.memory_space<vmem_shared>> -> memref<128x64xbf16, #tpu.memory_space<vmem_shared>>
    tpu.wait_dma2 semaphore(%arg19 : memref<!tpu.dma_semaphore, #tpu.memory_space<semaphore_mem>>) src(%arg13 : memref<128x64xbf16, #tpu.memory_space<vmem>>) dst(%dma_wait3A_168 : memref<128x64xbf16, #tpu.memory_space<vmem_shared>>)
    %barrier3A = arith.constant 0 : index
    tpu.barrier barrier_id(%barrier3A)
    %scan3A_169 = arith.constant 0 : i32
    %scan3A_170 = arith.constant 0 : i32
    %scan3A_171 = arith.constant 80 : i32
    %scan3A_172 = arith.addi %scan3A_170, %scan3A_171 : i32
    %scan3A_173 = arith.constant 1 : i32
    %scan3A_174 = scf.for %scan3A_246 = %scan3A_170 to %scan3A_172 step %scan3A_173 iter_args(%scan3A_247 = %scan3A_169) -> (i32)  : i32 {
      %add3A_248 = arith.constant 6 : i32
      %add3A_249 = arith.addi %scan3A_246, %add3A_248 : i32
      %sub3A = arith.constant 1 : i32
      %sub3A_250 = arith.subi %add3A_249, %sub3A : i32
      %lt3A = arith.constant 80 : i32
      %lt3A_251 = arith.cmpi slt, %sub3A_250, %lt3A : i32
      %jit3A = arith.constant 6 : i32
      %eq3A = arith.constant 0 : i32
      %eq3A_252 = arith.cmpi eq, %jit3A, %eq3A : i32
      %jit3A_253 = arith.constant 1 : i32
      %select_n3A = arith.select %eq3A_252, %jit3A_253, %jit3A : i32
      %rem3A = arith.remsi %sub3A_250, %select_n3A : i32
      %ne3A = arith.constant 0 : i32
      %ne3A_254 = arith.cmpi ne, %rem3A, %ne3A : i32
      %lt3A_255 = arith.constant 0 : i32
      %lt3A_256 = arith.cmpi slt, %rem3A, %lt3A_255 : i32
      %lt3A_257 = arith.constant 0 : i32
      %lt3A_258 = arith.cmpi slt, %select_n3A, %lt3A_257 : i32
      %ne3A_259 = arith.xori %lt3A_256, %lt3A_258 : i1
      %and3A = arith.andi %ne3A_259, %ne3A_254 : i1
      %add3A_260 = arith.addi %rem3A, %select_n3A : i32
      %select_n3A_261 = arith.select %and3A, %add3A_260, %rem3A : i32
      %eq3A_262 = arith.constant 0 : i32
      %eq3A_263 = arith.cmpi eq, %select_n3A_261, %eq3A_262 : i32
      %and3A_264 = arith.andi %lt3A_251, %eq3A_263 : i1
      %convert_element_type3A = arith.extui %and3A_264 : i1 to i32
      %cond3A = arith.constant 0 : i32
      %cond3A_265 = arith.cmpi ne, %convert_element_type3A, %cond3A : i32
      scf.if %cond3A_265 {
        %dma_start3A_513 = arith.constant 0 : i32
        %dma_start3A_514 = tpu.memref_slice %arg6[%sub3A_250, %dma_start3A_513] : memref<80x128xi32, #tpu.memory_space<vmem>> -> memref<1x128xi32, #tpu.memory_space<vmem>>
        %dma_start3A_515 = tpu.memref_squeeze %dma_start3A_514 : memref<1x128xi32, #tpu.memory_space<vmem>> -> memref<128xi32, #tpu.memory_space<vmem>>
        %dma_start3A_516 = arith.constant 0 : i32
        %dma_start3A_517 = arith.constant 0 : i32
        %dma_start3A_518 = tpu.memref_slice %arg2[%dma_start3A_516, %dma_start3A_517] : memref<20480x64xbf16, #tpu.memory_space<hbm>> -> memref<20480x64xbf16, #tpu.memory_space<hbm>>
        tpu.enqueue_indirect_dma source(%dma_start3A_518 : memref<20480x64xbf16, #tpu.memory_space<hbm>>) target(%arg8 : memref<128x64xbf16, #tpu.memory_space<vmem>>) offsets(%dma_start3A_515 : memref<128xi32, #tpu.memory_space<vmem>>) semaphore(%arg14 : memref<!tpu.dma_semaphore, #tpu.memory_space<semaphore_mem>>)
      } else {
      }
      %lt3A_266 = arith.constant 80 : i32
      %lt3A_267 = arith.cmpi slt, %sub3A_250, %lt3A_266 : i32
      %jit3A_268 = arith.constant 6 : i32
      %eq3A_269 = arith.constant 0 : i32
      %eq3A_270 = arith.cmpi eq, %jit3A_268, %eq3A_269 : i32
      %jit3A_271 = arith.constant 1 : i32
      %select_n3A_272 = arith.select %eq3A_270, %jit3A_271, %jit3A_268 : i32
      %rem3A_273 = arith.remsi %sub3A_250, %select_n3A_272 : i32
      %ne3A_274 = arith.constant 0 : i32
      %ne3A_275 = arith.cmpi ne, %rem3A_273, %ne3A_274 : i32
      %lt3A_276 = arith.constant 0 : i32
      %lt3A_277 = arith.cmpi slt, %rem3A_273, %lt3A_276 : i32
      %lt3A_278 = arith.constant 0 : i32
      %lt3A_279 = arith.cmpi slt, %select_n3A_272, %lt3A_278 : i32
      %ne3A_280 = arith.xori %lt3A_277, %lt3A_279 : i1
      %and3A_281 = arith.andi %ne3A_280, %ne3A_275 : i1
      %add3A_282 = arith.addi %rem3A_273, %select_n3A_272 : i32
      %select_n3A_283 = arith.select %and3A_281, %add3A_282, %rem3A_273 : i32
      %eq3A_284 = arith.constant 1 : i32
      %eq3A_285 = arith.cmpi eq, %select_n3A_283, %eq3A_284 : i32
      %and3A_286 = arith.andi %lt3A_267, %eq3A_285 : i1
      %convert_element_type3A_287 = arith.extui %and3A_286 : i1 to i32
      %cond3A_288 = arith.constant 0 : i32
      %cond3A_289 = arith.cmpi ne, %convert_element_type3A_287, %cond3A_288 : i32
      scf.if %cond3A_289 {
        %dma_start3A_513 = arith.constant 0 : i32
        %dma_start3A_514 = tpu.memref_slice %arg6[%sub3A_250, %dma_start3A_513] : memref<80x128xi32, #tpu.memory_space<vmem>> -> memref<1x128xi32, #tpu.memory_space<vmem>>
        %dma_start3A_515 = tpu.memref_squeeze %dma_start3A_514 : memref<1x128xi32, #tpu.memory_space<vmem>> -> memref<128xi32, #tpu.memory_space<vmem>>
        %dma_start3A_516 = arith.constant 0 : i32
        %dma_start3A_517 = arith.constant 0 : i32
        %dma_start3A_518 = tpu.memref_slice %arg2[%dma_start3A_516, %dma_start3A_517] : memref<20480x64xbf16, #tpu.memory_space<hbm>> -> memref<20480x64xbf16, #tpu.memory_space<hbm>>
        tpu.enqueue_indirect_dma source(%dma_start3A_518 : memref<20480x64xbf16, #tpu.memory_space<hbm>>) target(%arg9 : memref<128x64xbf16, #tpu.memory_space<vmem>>) offsets(%dma_start3A_515 : memref<128xi32, #tpu.memory_space<vmem>>) semaphore(%arg15 : memref<!tpu.dma_semaphore, #tpu.memory_space<semaphore_mem>>)
      } else {
      }
      %lt3A_290 = arith.constant 80 : i32
      %lt3A_291 = arith.cmpi slt, %sub3A_250, %lt3A_290 : i32
      %jit3A_292 = arith.constant 6 : i32
      %eq3A_293 = arith.constant 0 : i32
      %eq3A_294 = arith.cmpi eq, %jit3A_292, %eq3A_293 : i32
      %jit3A_295 = arith.constant 1 : i32
      %select_n3A_296 = arith.select %eq3A_294, %jit3A_295, %jit3A_292 : i32
      %rem3A_297 = arith.remsi %sub3A_250, %select_n3A_296 : i32
      %ne3A_298 = arith.constant 0 : i32
      %ne3A_299 = arith.cmpi ne, %rem3A_297, %ne3A_298 : i32
      %lt3A_300 = arith.constant 0 : i32
      %lt3A_301 = arith.cmpi slt, %rem3A_297, %lt3A_300 : i32
      %lt3A_302 = arith.constant 0 : i32
      %lt3A_303 = arith.cmpi slt, %select_n3A_296, %lt3A_302 : i32
      %ne3A_304 = arith.xori %lt3A_301, %lt3A_303 : i1
      %and3A_305 = arith.andi %ne3A_304, %ne3A_299 : i1
      %add3A_306 = arith.addi %rem3A_297, %select_n3A_296 : i32
      %select_n3A_307 = arith.select %and3A_305, %add3A_306, %rem3A_297 : i32
      %eq3A_308 = arith.constant 2 : i32
      %eq3A_309 = arith.cmpi eq, %select_n3A_307, %eq3A_308 : i32
      %and3A_310 = arith.andi %lt3A_291, %eq3A_309 : i1
      %convert_element_type3A_311 = arith.extui %and3A_310 : i1 to i32
      %cond3A_312 = arith.constant 0 : i32
      %cond3A_313 = arith.cmpi ne, %convert_element_type3A_311, %cond3A_312 : i32
      scf.if %cond3A_313 {
        %dma_start3A_513 = arith.constant 0 : i32
        %dma_start3A_514 = tpu.memref_slice %arg6[%sub3A_250, %dma_start3A_513] : memref<80x128xi32, #tpu.memory_space<vmem>> -> memref<1x128xi32, #tpu.memory_space<vmem>>
        %dma_start3A_515 = tpu.memref_squeeze %dma_start3A_514 : memref<1x128xi32, #tpu.memory_space<vmem>> -> memref<128xi32, #tpu.memory_space<vmem>>
        %dma_start3A_516 = arith.constant 0 : i32
        %dma_start3A_517 = arith.constant 0 : i32
        %dma_start3A_518 = tpu.memref_slice %arg2[%dma_start3A_516, %dma_start3A_517] : memref<20480x64xbf16, #tpu.memory_space<hbm>> -> memref<20480x64xbf16, #tpu.memory_space<hbm>>
        tpu.enqueue_indirect_dma source(%dma_start3A_518 : memref<20480x64xbf16, #tpu.memory_space<hbm>>) target(%arg10 : memref<128x64xbf16, #tpu.memory_space<vmem>>) offsets(%dma_start3A_515 : memref<128xi32, #tpu.memory_space<vmem>>) semaphore(%arg16 : memref<!tpu.dma_semaphore, #tpu.memory_space<semaphore_mem>>)
      } else {
      }
      %lt3A_314 = arith.constant 80 : i32
      %lt3A_315 = arith.cmpi slt, %sub3A_250, %lt3A_314 : i32
      %jit3A_316 = arith.constant 6 : i32
      %eq3A_317 = arith.constant 0 : i32
      %eq3A_318 = arith.cmpi eq, %jit3A_316, %eq3A_317 : i32
      %jit3A_319 = arith.constant 1 : i32
      %select_n3A_320 = arith.select %eq3A_318, %jit3A_319, %jit3A_316 : i32
      %rem3A_321 = arith.remsi %sub3A_250, %select_n3A_320 : i32
      %ne3A_322 = arith.constant 0 : i32
      %ne3A_323 = arith.cmpi ne, %rem3A_321, %ne3A_322 : i32
      %lt3A_324 = arith.constant 0 : i32
      %lt3A_325 = arith.cmpi slt, %rem3A_321, %lt3A_324 : i32
      %lt3A_326 = arith.constant 0 : i32
      %lt3A_327 = arith.cmpi slt, %select_n3A_320, %lt3A_326 : i32
      %ne3A_328 = arith.xori %lt3A_325, %lt3A_327 : i1
      %and3A_329 = arith.andi %ne3A_328, %ne3A_323 : i1
      %add3A_330 = arith.addi %rem3A_321, %select_n3A_320 : i32
      %select_n3A_331 = arith.select %and3A_329, %add3A_330, %rem3A_321 : i32
      %eq3A_332 = arith.constant 3 : i32
      %eq3A_333 = arith.cmpi eq, %select_n3A_331, %eq3A_332 : i32
      %and3A_334 = arith.andi %lt3A_315, %eq3A_333 : i1
      %convert_element_type3A_335 = arith.extui %and3A_334 : i1 to i32
      %cond3A_336 = arith.constant 0 : i32
      %cond3A_337 = arith.cmpi ne, %convert_element_type3A_335, %cond3A_336 : i32
      scf.if %cond3A_337 {
        %dma_start3A_513 = arith.constant 0 : i32
        %dma_start3A_514 = tpu.memref_slice %arg6[%sub3A_250, %dma_start3A_513] : memref<80x128xi32, #tpu.memory_space<vmem>> -> memref<1x128xi32, #tpu.memory_space<vmem>>
        %dma_start3A_515 = tpu.memref_squeeze %dma_start3A_514 : memref<1x128xi32, #tpu.memory_space<vmem>> -> memref<128xi32, #tpu.memory_space<vmem>>
        %dma_start3A_516 = arith.constant 0 : i32
        %dma_start3A_517 = arith.constant 0 : i32
        %dma_start3A_518 = tpu.memref_slice %arg2[%dma_start3A_516, %dma_start3A_517] : memref<20480x64xbf16, #tpu.memory_space<hbm>> -> memref<20480x64xbf16, #tpu.memory_space<hbm>>
        tpu.enqueue_indirect_dma source(%dma_start3A_518 : memref<20480x64xbf16, #tpu.memory_space<hbm>>) target(%arg11 : memref<128x64xbf16, #tpu.memory_space<vmem>>) offsets(%dma_start3A_515 : memref<128xi32, #tpu.memory_space<vmem>>) semaphore(%arg17 : memref<!tpu.dma_semaphore, #tpu.memory_space<semaphore_mem>>)
      } else {
      }
      %lt3A_338 = arith.constant 80 : i32
      %lt3A_339 = arith.cmpi slt, %sub3A_250, %lt3A_338 : i32
      %jit3A_340 = arith.constant 6 : i32
      %eq3A_341 = arith.constant 0 : i32
      %eq3A_342 = arith.cmpi eq, %jit3A_340, %eq3A_341 : i32
      %jit3A_343 = arith.constant 1 : i32
      %select_n3A_344 = arith.select %eq3A_342, %jit3A_343, %jit3A_340 : i32
      %rem3A_345 = arith.remsi %sub3A_250, %select_n3A_344 : i32
      %ne3A_346 = arith.constant 0 : i32
      %ne3A_347 = arith.cmpi ne, %rem3A_345, %ne3A_346 : i32
      %lt3A_348 = arith.constant 0 : i32
      %lt3A_349 = arith.cmpi slt, %rem3A_345, %lt3A_348 : i32
      %lt3A_350 = arith.constant 0 : i32
      %lt3A_351 = arith.cmpi slt, %select_n3A_344, %lt3A_350 : i32
      %ne3A_352 = arith.xori %lt3A_349, %lt3A_351 : i1
      %and3A_353 = arith.andi %ne3A_352, %ne3A_347 : i1
      %add3A_354 = arith.addi %rem3A_345, %select_n3A_344 : i32
      %select_n3A_355 = arith.select %and3A_353, %add3A_354, %rem3A_345 : i32
      %eq3A_356 = arith.constant 4 : i32
      %eq3A_357 = arith.cmpi eq, %select_n3A_355, %eq3A_356 : i32
      %and3A_358 = arith.andi %lt3A_339, %eq3A_357 : i1
      %convert_element_type3A_359 = arith.extui %and3A_358 : i1 to i32
      %cond3A_360 = arith.constant 0 : i32
      %cond3A_361 = arith.cmpi ne, %convert_element_type3A_359, %cond3A_360 : i32
      scf.if %cond3A_361 {
        %dma_start3A_513 = arith.constant 0 : i32
        %dma_start3A_514 = tpu.memref_slice %arg6[%sub3A_250, %dma_start3A_513] : memref<80x128xi32, #tpu.memory_space<vmem>> -> memref<1x128xi32, #tpu.memory_space<vmem>>
        %dma_start3A_515 = tpu.memref_squeeze %dma_start3A_514 : memref<1x128xi32, #tpu.memory_space<vmem>> -> memref<128xi32, #tpu.memory_space<vmem>>
        %dma_start3A_516 = arith.constant 0 : i32
        %dma_start3A_517 = arith.constant 0 : i32
        %dma_start3A_518 = tpu.memref_slice %arg2[%dma_start3A_516, %dma_start3A_517] : memref<20480x64xbf16, #tpu.memory_space<hbm>> -> memref<20480x64xbf16, #tpu.memory_space<hbm>>
        tpu.enqueue_indirect_dma source(%dma_start3A_518 : memref<20480x64xbf16, #tpu.memory_space<hbm>>) target(%arg12 : memref<128x64xbf16, #tpu.memory_space<vmem>>) offsets(%dma_start3A_515 : memref<128xi32, #tpu.memory_space<vmem>>) semaphore(%arg18 : memref<!tpu.dma_semaphore, #tpu.memory_space<semaphore_mem>>)
      } else {
      }
      %lt3A_362 = arith.constant 80 : i32
      %lt3A_363 = arith.cmpi slt, %sub3A_250, %lt3A_362 : i32
      %jit3A_364 = arith.constant 6 : i32
      %eq3A_365 = arith.constant 0 : i32
      %eq3A_366 = arith.cmpi eq, %jit3A_364, %eq3A_365 : i32
      %jit3A_367 = arith.constant 1 : i32
      %select_n3A_368 = arith.select %eq3A_366, %jit3A_367, %jit3A_364 : i32
      %rem3A_369 = arith.remsi %sub3A_250, %select_n3A_368 : i32
      %ne3A_370 = arith.constant 0 : i32
      %ne3A_371 = arith.cmpi ne, %rem3A_369, %ne3A_370 : i32
      %lt3A_372 = arith.constant 0 : i32
      %lt3A_373 = arith.cmpi slt, %rem3A_369, %lt3A_372 : i32
      %lt3A_374 = arith.constant 0 : i32
      %lt3A_375 = arith.cmpi slt, %select_n3A_368, %lt3A_374 : i32
      %ne3A_376 = arith.xori %lt3A_373, %lt3A_375 : i1
      %and3A_377 = arith.andi %ne3A_376, %ne3A_371 : i1
      %add3A_378 = arith.addi %rem3A_369, %select_n3A_368 : i32
      %select_n3A_379 = arith.select %and3A_377, %add3A_378, %rem3A_369 : i32
      %eq3A_380 = arith.constant 5 : i32
      %eq3A_381 = arith.cmpi eq, %select_n3A_379, %eq3A_380 : i32
      %and3A_382 = arith.andi %lt3A_363, %eq3A_381 : i1
      %convert_element_type3A_383 = arith.extui %and3A_382 : i1 to i32
      %cond3A_384 = arith.constant 0 : i32
      %cond3A_385 = arith.cmpi ne, %convert_element_type3A_383, %cond3A_384 : i32
      scf.if %cond3A_385 {
        %dma_start3A_513 = arith.constant 0 : i32
        %dma_start3A_514 = tpu.memref_slice %arg6[%sub3A_250, %dma_start3A_513] : memref<80x128xi32, #tpu.memory_space<vmem>> -> memref<1x128xi32, #tpu.memory_space<vmem>>
        %dma_start3A_515 = tpu.memref_squeeze %dma_start3A_514 : memref<1x128xi32, #tpu.memory_space<vmem>> -> memref<128xi32, #tpu.memory_space<vmem>>
        %dma_start3A_516 = arith.constant 0 : i32
        %dma_start3A_517 = arith.constant 0 : i32
        %dma_start3A_518 = tpu.memref_slice %arg2[%dma_start3A_516, %dma_start3A_517] : memref<20480x64xbf16, #tpu.memory_space<hbm>> -> memref<20480x64xbf16, #tpu.memory_space<hbm>>
        tpu.enqueue_indirect_dma source(%dma_start3A_518 : memref<20480x64xbf16, #tpu.memory_space<hbm>>) target(%arg13 : memref<128x64xbf16, #tpu.memory_space<vmem>>) offsets(%dma_start3A_515 : memref<128xi32, #tpu.memory_space<vmem>>) semaphore(%arg19 : memref<!tpu.dma_semaphore, #tpu.memory_space<semaphore_mem>>)
      } else {
      }
      %jit3A_386 = arith.constant 6 : i32
      %eq3A_387 = arith.constant 0 : i32
      %eq3A_388 = arith.cmpi eq, %jit3A_386, %eq3A_387 : i32
      %jit3A_389 = arith.constant 1 : i32
      %select_n3A_390 = arith.select %eq3A_388, %jit3A_389, %jit3A_386 : i32
      %rem3A_391 = arith.remsi %scan3A_246, %select_n3A_390 : i32
      %ne3A_392 = arith.constant 0 : i32
      %ne3A_393 = arith.cmpi ne, %rem3A_391, %ne3A_392 : i32
      %lt3A_394 = arith.constant 0 : i32
      %lt3A_395 = arith.cmpi slt, %rem3A_391, %lt3A_394 : i32
      %lt3A_396 = arith.constant 0 : i32
      %lt3A_397 = arith.cmpi slt, %select_n3A_390, %lt3A_396 : i32
      %ne3A_398 = arith.xori %lt3A_395, %lt3A_397 : i1
      %and3A_399 = arith.andi %ne3A_398, %ne3A_393 : i1
      %add3A_400 = arith.addi %rem3A_391, %select_n3A_390 : i32
      %select_n3A_401 = arith.select %and3A_399, %add3A_400, %rem3A_391 : i32
      %eq3A_402 = arith.constant 0 : i32
      %eq3A_403 = arith.cmpi eq, %select_n3A_401, %eq3A_402 : i32
      %convert_element_type3A_404 = arith.extui %eq3A_403 : i1 to i32
      %cond3A_405 = arith.constant 0 : i32
      %cond3A_406 = arith.cmpi ne, %convert_element_type3A_404, %cond3A_405 : i32
      scf.if %cond3A_406 {
        %dma_wait3A_513 = arith.constant 0 : i32
        %dma_wait3A_514 = tpu.memref_slice %arg6[%scan3A_246, %dma_wait3A_513] : memref<80x128xi32, #tpu.memory_space<vmem>> -> memref<1x128xi32, #tpu.memory_space<vmem>>
        %dma_wait3A_515 = tpu.memref_squeeze %dma_wait3A_514 : memref<1x128xi32, #tpu.memory_space<vmem>> -> memref<128xi32, #tpu.memory_space<vmem>>
        %dma_wait3A_516 = arith.constant 0 : i32
        %dma_wait3A_517 = arith.constant 0 : i32
        %dma_wait3A_518 = tpu.memref_slice %arg2[%dma_wait3A_516, %dma_wait3A_517] : memref<20480x64xbf16, #tpu.memory_space<hbm>> -> memref<20480x64xbf16, #tpu.memory_space<hbm>>
        tpu.wait_indirect_dma semaphore(%arg14 : memref<!tpu.dma_semaphore, #tpu.memory_space<semaphore_mem>>) src(%dma_wait3A_518 : memref<20480x64xbf16, #tpu.memory_space<hbm>>) dst(%arg8 : memref<128x64xbf16, #tpu.memory_space<vmem>>)
        "tpu.region"() ({
          %run_scoped3A = tpu.sem_alloc : memref<!tpu.dma_semaphore, #tpu.memory_space<semaphore_mem>>
          %dma_start3A_519 = arith.constant 0 : i32
          %dma_start3A_520 = tpu.memref_slice %arg7[%scan3A_246, %dma_start3A_519] : memref<80x128xi32, #tpu.memory_space<vmem>> -> memref<1x128xi32, #tpu.memory_space<vmem>>
          %dma_start3A_521 = tpu.memref_squeeze %dma_start3A_520 : memref<1x128xi32, #tpu.memory_space<vmem>> -> memref<128xi32, #tpu.memory_space<vmem>>
          %dma_start3A_522 = arith.constant 0 : i32
          %dma_start3A_523 = arith.constant 0 : i32
          %dma_start3A_524 = tpu.memref_slice %arg20[%dma_start3A_522, %dma_start3A_523] : memref<10240x64xbf16, #tpu.memory_space<vmem_shared>> -> memref<10240x64xbf16, #tpu.memory_space<vmem_shared>>
          tpu.enqueue_indirect_dma source(%arg8 : memref<128x64xbf16, #tpu.memory_space<vmem>>) target(%dma_start3A_524 : memref<10240x64xbf16, #tpu.memory_space<vmem_shared>>) offsets(%dma_start3A_521 : memref<128xi32, #tpu.memory_space<vmem>>) semaphore(%run_scoped3A : memref<!tpu.dma_semaphore, #tpu.memory_space<semaphore_mem>>) {add = true}
          %dma_wait3A_525 = arith.constant 0 : i32
          %dma_wait3A_526 = tpu.memref_slice %arg7[%scan3A_246, %dma_wait3A_525] : memref<80x128xi32, #tpu.memory_space<vmem>> -> memref<1x128xi32, #tpu.memory_space<vmem>>
          %dma_wait3A_527 = tpu.memref_squeeze %dma_wait3A_526 : memref<1x128xi32, #tpu.memory_space<vmem>> -> memref<128xi32, #tpu.memory_space<vmem>>
          %dma_wait3A_528 = arith.constant 0 : i32
          %dma_wait3A_529 = arith.constant 0 : i32
          %dma_wait3A_530 = tpu.memref_slice %arg20[%dma_wait3A_528, %dma_wait3A_529] : memref<10240x64xbf16, #tpu.memory_space<vmem_shared>> -> memref<10240x64xbf16, #tpu.memory_space<vmem_shared>>
          tpu.wait_indirect_dma semaphore(%run_scoped3A : memref<!tpu.dma_semaphore, #tpu.memory_space<semaphore_mem>>) src(%arg8 : memref<128x64xbf16, #tpu.memory_space<vmem>>) dst(%dma_wait3A_530 : memref<10240x64xbf16, #tpu.memory_space<vmem_shared>>)
          tpu.yield
        }) : () -> ()
      } else {
      }
      %jit3A_407 = arith.constant 6 : i32
      %eq3A_408 = arith.constant 0 : i32
      %eq3A_409 = arith.cmpi eq, %jit3A_407, %eq3A_408 : i32
      %jit3A_410 = arith.constant 1 : i32
      %select_n3A_411 = arith.select %eq3A_409, %jit3A_410, %jit3A_407 : i32
      %rem3A_412 = arith.remsi %scan3A_246, %select_n3A_411 : i32
      %ne3A_413 = arith.constant 0 : i32
      %ne3A_414 = arith.cmpi ne, %rem3A_412, %ne3A_413 : i32
      %lt3A_415 = arith.constant 0 : i32
      %lt3A_416 = arith.cmpi slt, %rem3A_412, %lt3A_415 : i32
      %lt3A_417 = arith.constant 0 : i32
      %lt3A_418 = arith.cmpi slt, %select_n3A_411, %lt3A_417 : i32
      %ne3A_419 = arith.xori %lt3A_416, %lt3A_418 : i1
      %and3A_420 = arith.andi %ne3A_419, %ne3A_414 : i1
      %add3A_421 = arith.addi %rem3A_412, %select_n3A_411 : i32
      %select_n3A_422 = arith.select %and3A_420, %add3A_421, %rem3A_412 : i32
      %eq3A_423 = arith.constant 1 : i32
      %eq3A_424 = arith.cmpi eq, %select_n3A_422, %eq3A_423 : i32
      %convert_element_type3A_425 = arith.extui %eq3A_424 : i1 to i32
      %cond3A_426 = arith.constant 0 : i32
      %cond3A_427 = arith.cmpi ne, %convert_element_type3A_425, %cond3A_426 : i32
      scf.if %cond3A_427 {
        %dma_wait3A_513 = arith.constant 0 : i32
        %dma_wait3A_514 = tpu.memref_slice %arg6[%scan3A_246, %dma_wait3A_513] : memref<80x128xi32, #tpu.memory_space<vmem>> -> memref<1x128xi32, #tpu.memory_space<vmem>>
        %dma_wait3A_515 = tpu.memref_squeeze %dma_wait3A_514 : memref<1x128xi32, #tpu.memory_space<vmem>> -> memref<128xi32, #tpu.memory_space<vmem>>
        %dma_wait3A_516 = arith.constant 0 : i32
        %dma_wait3A_517 = arith.constant 0 : i32
        %dma_wait3A_518 = tpu.memref_slice %arg2[%dma_wait3A_516, %dma_wait3A_517] : memref<20480x64xbf16, #tpu.memory_space<hbm>> -> memref<20480x64xbf16, #tpu.memory_space<hbm>>
        tpu.wait_indirect_dma semaphore(%arg15 : memref<!tpu.dma_semaphore, #tpu.memory_space<semaphore_mem>>) src(%dma_wait3A_518 : memref<20480x64xbf16, #tpu.memory_space<hbm>>) dst(%arg9 : memref<128x64xbf16, #tpu.memory_space<vmem>>)
        "tpu.region"() ({
          %run_scoped3A = tpu.sem_alloc : memref<!tpu.dma_semaphore, #tpu.memory_space<semaphore_mem>>
          %dma_start3A_519 = arith.constant 0 : i32
          %dma_start3A_520 = tpu.memref_slice %arg7[%scan3A_246, %dma_start3A_519] : memref<80x128xi32, #tpu.memory_space<vmem>> -> memref<1x128xi32, #tpu.memory_space<vmem>>
          %dma_start3A_521 = tpu.memref_squeeze %dma_start3A_520 : memref<1x128xi32, #tpu.memory_space<vmem>> -> memref<128xi32, #tpu.memory_space<vmem>>
          %dma_start3A_522 = arith.constant 0 : i32
          %dma_start3A_523 = arith.constant 0 : i32
          %dma_start3A_524 = tpu.memref_slice %arg21[%dma_start3A_522, %dma_start3A_523] : memref<10240x64xbf16, #tpu.memory_space<vmem_shared>> -> memref<10240x64xbf16, #tpu.memory_space<vmem_shared>>
          tpu.enqueue_indirect_dma source(%arg9 : memref<128x64xbf16, #tpu.memory_space<vmem>>) target(%dma_start3A_524 : memref<10240x64xbf16, #tpu.memory_space<vmem_shared>>) offsets(%dma_start3A_521 : memref<128xi32, #tpu.memory_space<vmem>>) semaphore(%run_scoped3A : memref<!tpu.dma_semaphore, #tpu.memory_space<semaphore_mem>>) {add = true}
          %dma_wait3A_525 = arith.constant 0 : i32
          %dma_wait3A_526 = tpu.memref_slice %arg7[%scan3A_246, %dma_wait3A_525] : memref<80x128xi32, #tpu.memory_space<vmem>> -> memref<1x128xi32, #tpu.memory_space<vmem>>
          %dma_wait3A_527 = tpu.memref_squeeze %dma_wait3A_526 : memref<1x128xi32, #tpu.memory_space<vmem>> -> memref<128xi32, #tpu.memory_space<vmem>>
          %dma_wait3A_528 = arith.constant 0 : i32
          %dma_wait3A_529 = arith.constant 0 : i32
          %dma_wait3A_530 = tpu.memref_slice %arg21[%dma_wait3A_528, %dma_wait3A_529] : memref<10240x64xbf16, #tpu.memory_space<vmem_shared>> -> memref<10240x64xbf16, #tpu.memory_space<vmem_shared>>
          tpu.wait_indirect_dma semaphore(%run_scoped3A : memref<!tpu.dma_semaphore, #tpu.memory_space<semaphore_mem>>) src(%arg9 : memref<128x64xbf16, #tpu.memory_space<vmem>>) dst(%dma_wait3A_530 : memref<10240x64xbf16, #tpu.memory_space<vmem_shared>>)
          tpu.yield
        }) : () -> ()
      } else {
      }
      %jit3A_428 = arith.constant 6 : i32
      %eq3A_429 = arith.constant 0 : i32
      %eq3A_430 = arith.cmpi eq, %jit3A_428, %eq3A_429 : i32
      %jit3A_431 = arith.constant 1 : i32
      %select_n3A_432 = arith.select %eq3A_430, %jit3A_431, %jit3A_428 : i32
      %rem3A_433 = arith.remsi %scan3A_246, %select_n3A_432 : i32
      %ne3A_434 = arith.constant 0 : i32
      %ne3A_435 = arith.cmpi ne, %rem3A_433, %ne3A_434 : i32
      %lt3A_436 = arith.constant 0 : i32
      %lt3A_437 = arith.cmpi slt, %rem3A_433, %lt3A_436 : i32
      %lt3A_438 = arith.constant 0 : i32
      %lt3A_439 = arith.cmpi slt, %select_n3A_432, %lt3A_438 : i32
      %ne3A_440 = arith.xori %lt3A_437, %lt3A_439 : i1
      %and3A_441 = arith.andi %ne3A_440, %ne3A_435 : i1
      %add3A_442 = arith.addi %rem3A_433, %select_n3A_432 : i32
      %select_n3A_443 = arith.select %and3A_441, %add3A_442, %rem3A_433 : i32
      %eq3A_444 = arith.constant 2 : i32
      %eq3A_445 = arith.cmpi eq, %select_n3A_443, %eq3A_444 : i32
      %convert_element_type3A_446 = arith.extui %eq3A_445 : i1 to i32
      %cond3A_447 = arith.constant 0 : i32
      %cond3A_448 = arith.cmpi ne, %convert_element_type3A_446, %cond3A_447 : i32
      scf.if %cond3A_448 {
        %dma_wait3A_513 = arith.constant 0 : i32
        %dma_wait3A_514 = tpu.memref_slice %arg6[%scan3A_246, %dma_wait3A_513] : memref<80x128xi32, #tpu.memory_space<vmem>> -> memref<1x128xi32, #tpu.memory_space<vmem>>
        %dma_wait3A_515 = tpu.memref_squeeze %dma_wait3A_514 : memref<1x128xi32, #tpu.memory_space<vmem>> -> memref<128xi32, #tpu.memory_space<vmem>>
        %dma_wait3A_516 = arith.constant 0 : i32
        %dma_wait3A_517 = arith.constant 0 : i32
        %dma_wait3A_518 = tpu.memref_slice %arg2[%dma_wait3A_516, %dma_wait3A_517] : memref<20480x64xbf16, #tpu.memory_space<hbm>> -> memref<20480x64xbf16, #tpu.memory_space<hbm>>
        tpu.wait_indirect_dma semaphore(%arg16 : memref<!tpu.dma_semaphore, #tpu.memory_space<semaphore_mem>>) src(%dma_wait3A_518 : memref<20480x64xbf16, #tpu.memory_space<hbm>>) dst(%arg10 : memref<128x64xbf16, #tpu.memory_space<vmem>>)
        "tpu.region"() ({
          %run_scoped3A = tpu.sem_alloc : memref<!tpu.dma_semaphore, #tpu.memory_space<semaphore_mem>>
          %dma_start3A_519 = arith.constant 0 : i32
          %dma_start3A_520 = tpu.memref_slice %arg7[%scan3A_246, %dma_start3A_519] : memref<80x128xi32, #tpu.memory_space<vmem>> -> memref<1x128xi32, #tpu.memory_space<vmem>>
          %dma_start3A_521 = tpu.memref_squeeze %dma_start3A_520 : memref<1x128xi32, #tpu.memory_space<vmem>> -> memref<128xi32, #tpu.memory_space<vmem>>
          %dma_start3A_522 = arith.constant 0 : i32
          %dma_start3A_523 = arith.constant 0 : i32
          %dma_start3A_524 = tpu.memref_slice %arg20[%dma_start3A_522, %dma_start3A_523] : memref<10240x64xbf16, #tpu.memory_space<vmem_shared>> -> memref<10240x64xbf16, #tpu.memory_space<vmem_shared>>
          tpu.enqueue_indirect_dma source(%arg10 : memref<128x64xbf16, #tpu.memory_space<vmem>>) target(%dma_start3A_524 : memref<10240x64xbf16, #tpu.memory_space<vmem_shared>>) offsets(%dma_start3A_521 : memref<128xi32, #tpu.memory_space<vmem>>) semaphore(%run_scoped3A : memref<!tpu.dma_semaphore, #tpu.memory_space<semaphore_mem>>) {add = true}
          %dma_wait3A_525 = arith.constant 0 : i32
          %dma_wait3A_526 = tpu.memref_slice %arg7[%scan3A_246, %dma_wait3A_525] : memref<80x128xi32, #tpu.memory_space<vmem>> -> memref<1x128xi32, #tpu.memory_space<vmem>>
          %dma_wait3A_527 = tpu.memref_squeeze %dma_wait3A_526 : memref<1x128xi32, #tpu.memory_space<vmem>> -> memref<128xi32, #tpu.memory_space<vmem>>
          %dma_wait3A_528 = arith.constant 0 : i32
          %dma_wait3A_529 = arith.constant 0 : i32
          %dma_wait3A_530 = tpu.memref_slice %arg20[%dma_wait3A_528, %dma_wait3A_529] : memref<10240x64xbf16, #tpu.memory_space<vmem_shared>> -> memref<10240x64xbf16, #tpu.memory_space<vmem_shared>>
          tpu.wait_indirect_dma semaphore(%run_scoped3A : memref<!tpu.dma_semaphore, #tpu.memory_space<semaphore_mem>>) src(%arg10 : memref<128x64xbf16, #tpu.memory_space<vmem>>) dst(%dma_wait3A_530 : memref<10240x64xbf16, #tpu.memory_space<vmem_shared>>)
          tpu.yield
        }) : () -> ()
      } else {
      }
      %jit3A_449 = arith.constant 6 : i32
      %eq3A_450 = arith.constant 0 : i32
      %eq3A_451 = arith.cmpi eq, %jit3A_449, %eq3A_450 : i32
      %jit3A_452 = arith.constant 1 : i32
      %select_n3A_453 = arith.select %eq3A_451, %jit3A_452, %jit3A_449 : i32
      %rem3A_454 = arith.remsi %scan3A_246, %select_n3A_453 : i32
      %ne3A_455 = arith.constant 0 : i32
      %ne3A_456 = arith.cmpi ne, %rem3A_454, %ne3A_455 : i32
      %lt3A_457 = arith.constant 0 : i32
      %lt3A_458 = arith.cmpi slt, %rem3A_454, %lt3A_457 : i32
      %lt3A_459 = arith.constant 0 : i32
      %lt3A_460 = arith.cmpi slt, %select_n3A_453, %lt3A_459 : i32
      %ne3A_461 = arith.xori %lt3A_458, %lt3A_460 : i1
      %and3A_462 = arith.andi %ne3A_461, %ne3A_456 : i1
      %add3A_463 = arith.addi %rem3A_454, %select_n3A_453 : i32
      %select_n3A_464 = arith.select %and3A_462, %add3A_463, %rem3A_454 : i32
      %eq3A_465 = arith.constant 3 : i32
      %eq3A_466 = arith.cmpi eq, %select_n3A_464, %eq3A_465 : i32
      %convert_element_type3A_467 = arith.extui %eq3A_466 : i1 to i32
      %cond3A_468 = arith.constant 0 : i32
      %cond3A_469 = arith.cmpi ne, %convert_element_type3A_467, %cond3A_468 : i32
      scf.if %cond3A_469 {
        %dma_wait3A_513 = arith.constant 0 : i32
        %dma_wait3A_514 = tpu.memref_slice %arg6[%scan3A_246, %dma_wait3A_513] : memref<80x128xi32, #tpu.memory_space<vmem>> -> memref<1x128xi32, #tpu.memory_space<vmem>>
        %dma_wait3A_515 = tpu.memref_squeeze %dma_wait3A_514 : memref<1x128xi32, #tpu.memory_space<vmem>> -> memref<128xi32, #tpu.memory_space<vmem>>
        %dma_wait3A_516 = arith.constant 0 : i32
        %dma_wait3A_517 = arith.constant 0 : i32
        %dma_wait3A_518 = tpu.memref_slice %arg2[%dma_wait3A_516, %dma_wait3A_517] : memref<20480x64xbf16, #tpu.memory_space<hbm>> -> memref<20480x64xbf16, #tpu.memory_space<hbm>>
        tpu.wait_indirect_dma semaphore(%arg17 : memref<!tpu.dma_semaphore, #tpu.memory_space<semaphore_mem>>) src(%dma_wait3A_518 : memref<20480x64xbf16, #tpu.memory_space<hbm>>) dst(%arg11 : memref<128x64xbf16, #tpu.memory_space<vmem>>)
        "tpu.region"() ({
          %run_scoped3A = tpu.sem_alloc : memref<!tpu.dma_semaphore, #tpu.memory_space<semaphore_mem>>
          %dma_start3A_519 = arith.constant 0 : i32
          %dma_start3A_520 = tpu.memref_slice %arg7[%scan3A_246, %dma_start3A_519] : memref<80x128xi32, #tpu.memory_space<vmem>> -> memref<1x128xi32, #tpu.memory_space<vmem>>
          %dma_start3A_521 = tpu.memref_squeeze %dma_start3A_520 : memref<1x128xi32, #tpu.memory_space<vmem>> -> memref<128xi32, #tpu.memory_space<vmem>>
          %dma_start3A_522 = arith.constant 0 : i32
          %dma_start3A_523 = arith.constant 0 : i32
          %dma_start3A_524 = tpu.memref_slice %arg21[%dma_start3A_522, %dma_start3A_523] : memref<10240x64xbf16, #tpu.memory_space<vmem_shared>> -> memref<10240x64xbf16, #tpu.memory_space<vmem_shared>>
          tpu.enqueue_indirect_dma source(%arg11 : memref<128x64xbf16, #tpu.memory_space<vmem>>) target(%dma_start3A_524 : memref<10240x64xbf16, #tpu.memory_space<vmem_shared>>) offsets(%dma_start3A_521 : memref<128xi32, #tpu.memory_space<vmem>>) semaphore(%run_scoped3A : memref<!tpu.dma_semaphore, #tpu.memory_space<semaphore_mem>>) {add = true}
          %dma_wait3A_525 = arith.constant 0 : i32
          %dma_wait3A_526 = tpu.memref_slice %arg7[%scan3A_246, %dma_wait3A_525] : memref<80x128xi32, #tpu.memory_space<vmem>> -> memref<1x128xi32, #tpu.memory_space<vmem>>
          %dma_wait3A_527 = tpu.memref_squeeze %dma_wait3A_526 : memref<1x128xi32, #tpu.memory_space<vmem>> -> memref<128xi32, #tpu.memory_space<vmem>>
          %dma_wait3A_528 = arith.constant 0 : i32
          %dma_wait3A_529 = arith.constant 0 : i32
          %dma_wait3A_530 = tpu.memref_slice %arg21[%dma_wait3A_528, %dma_wait3A_529] : memref<10240x64xbf16, #tpu.memory_space<vmem_shared>> -> memref<10240x64xbf16, #tpu.memory_space<vmem_shared>>
          tpu.wait_indirect_dma semaphore(%run_scoped3A : memref<!tpu.dma_semaphore, #tpu.memory_space<semaphore_mem>>) src(%arg11 : memref<128x64xbf16, #tpu.memory_space<vmem>>) dst(%dma_wait3A_530 : memref<10240x64xbf16, #tpu.memory_space<vmem_shared>>)
          tpu.yield
        }) : () -> ()
      } else {
      }
      %jit3A_470 = arith.constant 6 : i32
      %eq3A_471 = arith.constant 0 : i32
      %eq3A_472 = arith.cmpi eq, %jit3A_470, %eq3A_471 : i32
      %jit3A_473 = arith.constant 1 : i32
      %select_n3A_474 = arith.select %eq3A_472, %jit3A_473, %jit3A_470 : i32
      %rem3A_475 = arith.remsi %scan3A_246, %select_n3A_474 : i32
      %ne3A_476 = arith.constant 0 : i32
      %ne3A_477 = arith.cmpi ne, %rem3A_475, %ne3A_476 : i32
      %lt3A_478 = arith.constant 0 : i32
      %lt3A_479 = arith.cmpi slt, %rem3A_475, %lt3A_478 : i32
      %lt3A_480 = arith.constant 0 : i32
      %lt3A_481 = arith.cmpi slt, %select_n3A_474, %lt3A_480 : i32
      %ne3A_482 = arith.xori %lt3A_479, %lt3A_481 : i1
      %and3A_483 = arith.andi %ne3A_482, %ne3A_477 : i1
      %add3A_484 = arith.addi %rem3A_475, %select_n3A_474 : i32
      %select_n3A_485 = arith.select %and3A_483, %add3A_484, %rem3A_475 : i32
      %eq3A_486 = arith.constant 4 : i32
      %eq3A_487 = arith.cmpi eq, %select_n3A_485, %eq3A_486 : i32
      %convert_element_type3A_488 = arith.extui %eq3A_487 : i1 to i32
      %cond3A_489 = arith.constant 0 : i32
      %cond3A_490 = arith.cmpi ne, %convert_element_type3A_488, %cond3A_489 : i32
      scf.if %cond3A_490 {
        %dma_wait3A_513 = arith.constant 0 : i32
        %dma_wait3A_514 = tpu.memref_slice %arg6[%scan3A_246, %dma_wait3A_513] : memref<80x128xi32, #tpu.memory_space<vmem>> -> memref<1x128xi32, #tpu.memory_space<vmem>>
        %dma_wait3A_515 = tpu.memref_squeeze %dma_wait3A_514 : memref<1x128xi32, #tpu.memory_space<vmem>> -> memref<128xi32, #tpu.memory_space<vmem>>
        %dma_wait3A_516 = arith.constant 0 : i32
        %dma_wait3A_517 = arith.constant 0 : i32
        %dma_wait3A_518 = tpu.memref_slice %arg2[%dma_wait3A_516, %dma_wait3A_517] : memref<20480x64xbf16, #tpu.memory_space<hbm>> -> memref<20480x64xbf16, #tpu.memory_space<hbm>>
        tpu.wait_indirect_dma semaphore(%arg18 : memref<!tpu.dma_semaphore, #tpu.memory_space<semaphore_mem>>) src(%dma_wait3A_518 : memref<20480x64xbf16, #tpu.memory_space<hbm>>) dst(%arg12 : memref<128x64xbf16, #tpu.memory_space<vmem>>)
        "tpu.region"() ({
          %run_scoped3A = tpu.sem_alloc : memref<!tpu.dma_semaphore, #tpu.memory_space<semaphore_mem>>
          %dma_start3A_519 = arith.constant 0 : i32
          %dma_start3A_520 = tpu.memref_slice %arg7[%scan3A_246, %dma_start3A_519] : memref<80x128xi32, #tpu.memory_space<vmem>> -> memref<1x128xi32, #tpu.memory_space<vmem>>
          %dma_start3A_521 = tpu.memref_squeeze %dma_start3A_520 : memref<1x128xi32, #tpu.memory_space<vmem>> -> memref<128xi32, #tpu.memory_space<vmem>>
          %dma_start3A_522 = arith.constant 0 : i32
          %dma_start3A_523 = arith.constant 0 : i32
          %dma_start3A_524 = tpu.memref_slice %arg20[%dma_start3A_522, %dma_start3A_523] : memref<10240x64xbf16, #tpu.memory_space<vmem_shared>> -> memref<10240x64xbf16, #tpu.memory_space<vmem_shared>>
          tpu.enqueue_indirect_dma source(%arg12 : memref<128x64xbf16, #tpu.memory_space<vmem>>) target(%dma_start3A_524 : memref<10240x64xbf16, #tpu.memory_space<vmem_shared>>) offsets(%dma_start3A_521 : memref<128xi32, #tpu.memory_space<vmem>>) semaphore(%run_scoped3A : memref<!tpu.dma_semaphore, #tpu.memory_space<semaphore_mem>>) {add = true}
          %dma_wait3A_525 = arith.constant 0 : i32
          %dma_wait3A_526 = tpu.memref_slice %arg7[%scan3A_246, %dma_wait3A_525] : memref<80x128xi32, #tpu.memory_space<vmem>> -> memref<1x128xi32, #tpu.memory_space<vmem>>
          %dma_wait3A_527 = tpu.memref_squeeze %dma_wait3A_526 : memref<1x128xi32, #tpu.memory_space<vmem>> -> memref<128xi32, #tpu.memory_space<vmem>>
          %dma_wait3A_528 = arith.constant 0 : i32
          %dma_wait3A_529 = arith.constant 0 : i32
          %dma_wait3A_530 = tpu.memref_slice %arg20[%dma_wait3A_528, %dma_wait3A_529] : memref<10240x64xbf16, #tpu.memory_space<vmem_shared>> -> memref<10240x64xbf16, #tpu.memory_space<vmem_shared>>
          tpu.wait_indirect_dma semaphore(%run_scoped3A : memref<!tpu.dma_semaphore, #tpu.memory_space<semaphore_mem>>) src(%arg12 : memref<128x64xbf16, #tpu.memory_space<vmem>>) dst(%dma_wait3A_530 : memref<10240x64xbf16, #tpu.memory_space<vmem_shared>>)
          tpu.yield
        }) : () -> ()
      } else {
      }
      %jit3A_491 = arith.constant 6 : i32
      %eq3A_492 = arith.constant 0 : i32
      %eq3A_493 = arith.cmpi eq, %jit3A_491, %eq3A_492 : i32
      %jit3A_494 = arith.constant 1 : i32
      %select_n3A_495 = arith.select %eq3A_493, %jit3A_494, %jit3A_491 : i32
      %rem3A_496 = arith.remsi %scan3A_246, %select_n3A_495 : i32
      %ne3A_497 = arith.constant 0 : i32
      %ne3A_498 = arith.cmpi ne, %rem3A_496, %ne3A_497 : i32
      %lt3A_499 = arith.constant 0 : i32
      %lt3A_500 = arith.cmpi slt, %rem3A_496, %lt3A_499 : i32
      %lt3A_501 = arith.constant 0 : i32
      %lt3A_502 = arith.cmpi slt, %select_n3A_495, %lt3A_501 : i32
      %ne3A_503 = arith.xori %lt3A_500, %lt3A_502 : i1
      %and3A_504 = arith.andi %ne3A_503, %ne3A_498 : i1
      %add3A_505 = arith.addi %rem3A_496, %select_n3A_495 : i32
      %select_n3A_506 = arith.select %and3A_504, %add3A_505, %rem3A_496 : i32
      %eq3A_507 = arith.constant 5 : i32
      %eq3A_508 = arith.cmpi eq, %select_n3A_506, %eq3A_507 : i32
      %convert_element_type3A_509 = arith.extui %eq3A_508 : i1 to i32
      %cond3A_510 = arith.constant 0 : i32
      %cond3A_511 = arith.cmpi ne, %convert_element_type3A_509, %cond3A_510 : i32
      scf.if %cond3A_511 {
        %dma_wait3A_513 = arith.constant 0 : i32
        %dma_wait3A_514 = tpu.memref_slice %arg6[%scan3A_246, %dma_wait3A_513] : memref<80x128xi32, #tpu.memory_space<vmem>> -> memref<1x128xi32, #tpu.memory_space<vmem>>
        %dma_wait3A_515 = tpu.memref_squeeze %dma_wait3A_514 : memref<1x128xi32, #tpu.memory_space<vmem>> -> memref<128xi32, #tpu.memory_space<vmem>>
        %dma_wait3A_516 = arith.constant 0 : i32
        %dma_wait3A_517 = arith.constant 0 : i32
        %dma_wait3A_518 = tpu.memref_slice %arg2[%dma_wait3A_516, %dma_wait3A_517] : memref<20480x64xbf16, #tpu.memory_space<hbm>> -> memref<20480x64xbf16, #tpu.memory_space<hbm>>
        tpu.wait_indirect_dma semaphore(%arg19 : memref<!tpu.dma_semaphore, #tpu.memory_space<semaphore_mem>>) src(%dma_wait3A_518 : memref<20480x64xbf16, #tpu.memory_space<hbm>>) dst(%arg13 : memref<128x64xbf16, #tpu.memory_space<vmem>>)
        "tpu.region"() ({
          %run_scoped3A = tpu.sem_alloc : memref<!tpu.dma_semaphore, #tpu.memory_space<semaphore_mem>>
          %dma_start3A_519 = arith.constant 0 : i32
          %dma_start3A_520 = tpu.memref_slice %arg7[%scan3A_246, %dma_start3A_519] : memref<80x128xi32, #tpu.memory_space<vmem>> -> memref<1x128xi32, #tpu.memory_space<vmem>>
          %dma_start3A_521 = tpu.memref_squeeze %dma_start3A_520 : memref<1x128xi32, #tpu.memory_space<vmem>> -> memref<128xi32, #tpu.memory_space<vmem>>
          %dma_start3A_522 = arith.constant 0 : i32
          %dma_start3A_523 = arith.constant 0 : i32
          %dma_start3A_524 = tpu.memref_slice %arg21[%dma_start3A_522, %dma_start3A_523] : memref<10240x64xbf16, #tpu.memory_space<vmem_shared>> -> memref<10240x64xbf16, #tpu.memory_space<vmem_shared>>
          tpu.enqueue_indirect_dma source(%arg13 : memref<128x64xbf16, #tpu.memory_space<vmem>>) target(%dma_start3A_524 : memref<10240x64xbf16, #tpu.memory_space<vmem_shared>>) offsets(%dma_start3A_521 : memref<128xi32, #tpu.memory_space<vmem>>) semaphore(%run_scoped3A : memref<!tpu.dma_semaphore, #tpu.memory_space<semaphore_mem>>) {add = true}
          %dma_wait3A_525 = arith.constant 0 : i32
          %dma_wait3A_526 = tpu.memref_slice %arg7[%scan3A_246, %dma_wait3A_525] : memref<80x128xi32, #tpu.memory_space<vmem>> -> memref<1x128xi32, #tpu.memory_space<vmem>>
          %dma_wait3A_527 = tpu.memref_squeeze %dma_wait3A_526 : memref<1x128xi32, #tpu.memory_space<vmem>> -> memref<128xi32, #tpu.memory_space<vmem>>
          %dma_wait3A_528 = arith.constant 0 : i32
          %dma_wait3A_529 = arith.constant 0 : i32
          %dma_wait3A_530 = tpu.memref_slice %arg21[%dma_wait3A_528, %dma_wait3A_529] : memref<10240x64xbf16, #tpu.memory_space<vmem_shared>> -> memref<10240x64xbf16, #tpu.memory_space<vmem_shared>>
          tpu.wait_indirect_dma semaphore(%run_scoped3A : memref<!tpu.dma_semaphore, #tpu.memory_space<semaphore_mem>>) src(%arg13 : memref<128x64xbf16, #tpu.memory_space<vmem>>) dst(%dma_wait3A_530 : memref<10240x64xbf16, #tpu.memory_space<vmem_shared>>)
          tpu.yield
        }) : () -> ()
      } else {
      }
      %scan3A_512 = arith.constant 0 : i32
      scf.yield %scan3A_512 : i32
    }
    %scan3A_175 = arith.constant 80 : i32
    %mul3A_176 = arith.constant 16 : i32
    %mul3A_177 = arith.muli %arg0, %mul3A_176 : i32
    %add3A_178 = arith.addi %mul3A_177, %arg1 : i32
    %mul3A_179 = arith.constant 2 : i32
    %mul3A_180 = arith.muli %add3A_178, %mul3A_179 : i32
    %add3A_181 = arith.constant 1 : i32
    %add3A_182 = arith.addi %mul3A_180, %add3A_181 : i32
    "tpu.region"() ({
      %run_scoped3A = tpu.sem_alloc : memref<!tpu.dma_semaphore, #tpu.memory_space<semaphore_mem>>
      %dma_start3A_246 = arith.constant 0 : i32
      %dma_start3A_247 = arith.constant 0 : i32
      %dma_start3A_248 = tpu.memref_slice %arg3[%add3A_182, %dma_start3A_246, %dma_start3A_247] : memref<64x80x128xi32, #tpu.memory_space<hbm>> -> memref<1x80x128xi32, #tpu.memory_space<hbm>>
      %dma_start3A_249 = tpu.memref_squeeze %dma_start3A_248 : memref<1x80x128xi32, #tpu.memory_space<hbm>> -> memref<80x128xi32, #tpu.memory_space<hbm>>
      %dma_start3A_250 = arith.constant 0 : i32
      %dma_start3A_251 = arith.constant 0 : i32
      %dma_start3A_252 = tpu.memref_slice %arg3[%add3A_182, %dma_start3A_250, %dma_start3A_251] : memref<64x80x128xi32, #tpu.memory_space<hbm>> -> memref<1x80x128xi32, #tpu.memory_space<hbm>>
      %dma_start3A_253 = tpu.memref_squeeze %dma_start3A_252 : memref<1x80x128xi32, #tpu.memory_space<hbm>> -> memref<80x128xi32, #tpu.memory_space<hbm>>
      tpu.enqueue_dma source(%dma_start3A_253 : memref<80x128xi32, #tpu.memory_space<hbm>>) target(%arg6 : memref<80x128xi32, #tpu.memory_space<vmem>>) target_semaphore(%run_scoped3A : memref<!tpu.dma_semaphore, #tpu.memory_space<semaphore_mem>>)
      %dma_wait3A_254 = arith.constant 0 : i32
      %dma_wait3A_255 = arith.constant 0 : i32
      %dma_wait3A_256 = tpu.memref_slice %arg3[%add3A_182, %dma_wait3A_254, %dma_wait3A_255] : memref<64x80x128xi32, #tpu.memory_space<hbm>> -> memref<1x80x128xi32, #tpu.memory_space<hbm>>
      %dma_wait3A_257 = tpu.memref_squeeze %dma_wait3A_256 : memref<1x80x128xi32, #tpu.memory_space<hbm>> -> memref<80x128xi32, #tpu.memory_space<hbm>>
      %dma_wait3A_258 = arith.constant 0 : i32
      %dma_wait3A_259 = arith.constant 0 : i32
      %dma_wait3A_260 = tpu.memref_slice %arg3[%add3A_182, %dma_wait3A_258, %dma_wait3A_259] : memref<64x80x128xi32, #tpu.memory_space<hbm>> -> memref<1x80x128xi32, #tpu.memory_space<hbm>>
      %dma_wait3A_261 = tpu.memref_squeeze %dma_wait3A_260 : memref<1x80x128xi32, #tpu.memory_space<hbm>> -> memref<80x128xi32, #tpu.memory_space<hbm>>
      tpu.wait_dma2 semaphore(%run_scoped3A : memref<!tpu.dma_semaphore, #tpu.memory_space<semaphore_mem>>) src(%dma_wait3A_261 : memref<80x128xi32, #tpu.memory_space<hbm>>) dst(%arg6 : memref<80x128xi32, #tpu.memory_space<vmem>>)
      tpu.yield
    }) : () -> ()
    %mul3A_183 = arith.constant 2 : i32
    %mul3A_184 = arith.muli %arg1, %mul3A_183 : i32
    %add3A_185 = arith.constant 1 : i32
    %add3A_186 = arith.addi %mul3A_184, %add3A_185 : i32
    "tpu.region"() ({
      %run_scoped3A = tpu.sem_alloc : memref<!tpu.dma_semaphore, #tpu.memory_space<semaphore_mem>>
      %dma_start3A_246 = arith.constant 0 : i32
      %dma_start3A_247 = arith.constant 0 : i32
      %dma_start3A_248 = tpu.memref_slice %arg4[%add3A_186, %dma_start3A_246, %dma_start3A_247] : memref<32x80x128xi32, #tpu.memory_space<hbm>> -> memref<1x80x128xi32, #tpu.memory_space<hbm>>
      %dma_start3A_249 = tpu.memref_squeeze %dma_start3A_248 : memref<1x80x128xi32, #tpu.memory_space<hbm>> -> memref<80x128xi32, #tpu.memory_space<hbm>>
      %dma_start3A_250 = arith.constant 0 : i32
      %dma_start3A_251 = arith.constant 0 : i32
      %dma_start3A_252 = tpu.memref_slice %arg4[%add3A_186, %dma_start3A_250, %dma_start3A_251] : memref<32x80x128xi32, #tpu.memory_space<hbm>> -> memref<1x80x128xi32, #tpu.memory_space<hbm>>
      %dma_start3A_253 = tpu.memref_squeeze %dma_start3A_252 : memref<1x80x128xi32, #tpu.memory_space<hbm>> -> memref<80x128xi32, #tpu.memory_space<hbm>>
      tpu.enqueue_dma source(%dma_start3A_253 : memref<80x128xi32, #tpu.memory_space<hbm>>) target(%arg7 : memref<80x128xi32, #tpu.memory_space<vmem>>) target_semaphore(%run_scoped3A : memref<!tpu.dma_semaphore, #tpu.memory_space<semaphore_mem>>)
      %dma_wait3A_254 = arith.constant 0 : i32
      %dma_wait3A_255 = arith.constant 0 : i32
      %dma_wait3A_256 = tpu.memref_slice %arg4[%add3A_186, %dma_wait3A_254, %dma_wait3A_255] : memref<32x80x128xi32, #tpu.memory_space<hbm>> -> memref<1x80x128xi32, #tpu.memory_space<hbm>>
      %dma_wait3A_257 = tpu.memref_squeeze %dma_wait3A_256 : memref<1x80x128xi32, #tpu.memory_space<hbm>> -> memref<80x128xi32, #tpu.memory_space<hbm>>
      %dma_wait3A_258 = arith.constant 0 : i32
      %dma_wait3A_259 = arith.constant 0 : i32
      %dma_wait3A_260 = tpu.memref_slice %arg4[%add3A_186, %dma_wait3A_258, %dma_wait3A_259] : memref<32x80x128xi32, #tpu.memory_space<hbm>> -> memref<1x80x128xi32, #tpu.memory_space<hbm>>
      %dma_wait3A_261 = tpu.memref_squeeze %dma_wait3A_260 : memref<1x80x128xi32, #tpu.memory_space<hbm>> -> memref<80x128xi32, #tpu.memory_space<hbm>>
      tpu.wait_dma2 semaphore(%run_scoped3A : memref<!tpu.dma_semaphore, #tpu.memory_space<semaphore_mem>>) src(%dma_wait3A_261 : memref<80x128xi32, #tpu.memory_space<hbm>>) dst(%arg7 : memref<80x128xi32, #tpu.memory_space<vmem>>)
      tpu.yield
    }) : () -> ()
    %dma_start3A_187 = arith.constant 0 : i32
    %dma_start3A_188 = arith.constant 0 : i32
    %dma_start3A_189 = tpu.memref_slice %arg6[%dma_start3A_187, %dma_start3A_188] : memref<80x128xi32, #tpu.memory_space<vmem>> -> memref<1x128xi32, #tpu.memory_space<vmem>>
    %dma_start3A_190 = tpu.memref_squeeze %dma_start3A_189 : memref<1x128xi32, #tpu.memory_space<vmem>> -> memref<128xi32, #tpu.memory_space<vmem>>
    %dma_start3A_191 = arith.constant 0 : i32
    %dma_start3A_192 = arith.constant 0 : i32
    %dma_start3A_193 = tpu.memref_slice %arg2[%dma_start3A_191, %dma_start3A_192] : memref<20480x64xbf16, #tpu.memory_space<hbm>> -> memref<20480x64xbf16, #tpu.memory_space<hbm>>
    tpu.enqueue_indirect_dma source(%dma_start3A_193 : memref<20480x64xbf16, #tpu.memory_space<hbm>>) target(%arg8 : memref<128x64xbf16, #tpu.memory_space<vmem>>) offsets(%dma_start3A_190 : memref<128xi32, #tpu.memory_space<vmem>>) semaphore(%arg14 : memref<!tpu.dma_semaphore, #tpu.memory_space<semaphore_mem>>)
    %dma_start3A_194 = arith.constant 1 : i32
    %dma_start3A_195 = arith.constant 0 : i32
    %dma_start3A_196 = tpu.memref_slice %arg6[%dma_start3A_194, %dma_start3A_195] : memref<80x128xi32, #tpu.memory_space<vmem>> -> memref<1x128xi32, #tpu.memory_space<vmem>>
    %dma_start3A_197 = tpu.memref_squeeze %dma_start3A_196 : memref<1x128xi32, #tpu.memory_space<vmem>> -> memref<128xi32, #tpu.memory_space<vmem>>
    %dma_start3A_198 = arith.constant 0 : i32
    %dma_start3A_199 = arith.constant 0 : i32
    %dma_start3A_200 = tpu.memref_slice %arg2[%dma_start3A_198, %dma_start3A_199] : memref<20480x64xbf16, #tpu.memory_space<hbm>> -> memref<20480x64xbf16, #tpu.memory_space<hbm>>
    tpu.enqueue_indirect_dma source(%dma_start3A_200 : memref<20480x64xbf16, #tpu.memory_space<hbm>>) target(%arg9 : memref<128x64xbf16, #tpu.memory_space<vmem>>) offsets(%dma_start3A_197 : memref<128xi32, #tpu.memory_space<vmem>>) semaphore(%arg15 : memref<!tpu.dma_semaphore, #tpu.memory_space<semaphore_mem>>)
    %dma_start3A_201 = arith.constant 2 : i32
    %dma_start3A_202 = arith.constant 0 : i32
    %dma_start3A_203 = tpu.memref_slice %arg6[%dma_start3A_201, %dma_start3A_202] : memref<80x128xi32, #tpu.memory_space<vmem>> -> memref<1x128xi32, #tpu.memory_space<vmem>>
    %dma_start3A_204 = tpu.memref_squeeze %dma_start3A_203 : memref<1x128xi32, #tpu.memory_space<vmem>> -> memref<128xi32, #tpu.memory_space<vmem>>
    %dma_start3A_205 = arith.constant 0 : i32
    %dma_start3A_206 = arith.constant 0 : i32
    %dma_start3A_207 = tpu.memref_slice %arg2[%dma_start3A_205, %dma_start3A_206] : memref<20480x64xbf16, #tpu.memory_space<hbm>> -> memref<20480x64xbf16, #tpu.memory_space<hbm>>
    tpu.enqueue_indirect_dma source(%dma_start3A_207 : memref<20480x64xbf16, #tpu.memory_space<hbm>>) target(%arg10 : memref<128x64xbf16, #tpu.memory_space<vmem>>) offsets(%dma_start3A_204 : memref<128xi32, #tpu.memory_space<vmem>>) semaphore(%arg16 : memref<!tpu.dma_semaphore, #tpu.memory_space<semaphore_mem>>)
    %dma_start3A_208 = arith.constant 3 : i32
    %dma_start3A_209 = arith.constant 0 : i32
    %dma_start3A_210 = tpu.memref_slice %arg6[%dma_start3A_208, %dma_start3A_209] : memref<80x128xi32, #tpu.memory_space<vmem>> -> memref<1x128xi32, #tpu.memory_space<vmem>>
    %dma_start3A_211 = tpu.memref_squeeze %dma_start3A_210 : memref<1x128xi32, #tpu.memory_space<vmem>> -> memref<128xi32, #tpu.memory_space<vmem>>
    %dma_start3A_212 = arith.constant 0 : i32
    %dma_start3A_213 = arith.constant 0 : i32
    %dma_start3A_214 = tpu.memref_slice %arg2[%dma_start3A_212, %dma_start3A_213] : memref<20480x64xbf16, #tpu.memory_space<hbm>> -> memref<20480x64xbf16, #tpu.memory_space<hbm>>
    tpu.enqueue_indirect_dma source(%dma_start3A_214 : memref<20480x64xbf16, #tpu.memory_space<hbm>>) target(%arg11 : memref<128x64xbf16, #tpu.memory_space<vmem>>) offsets(%dma_start3A_211 : memref<128xi32, #tpu.memory_space<vmem>>) semaphore(%arg17 : memref<!tpu.dma_semaphore, #tpu.memory_space<semaphore_mem>>)
    %dma_start3A_215 = arith.constant 4 : i32
    %dma_start3A_216 = arith.constant 0 : i32
    %dma_start3A_217 = tpu.memref_slice %arg6[%dma_start3A_215, %dma_start3A_216] : memref<80x128xi32, #tpu.memory_space<vmem>> -> memref<1x128xi32, #tpu.memory_space<vmem>>
    %dma_start3A_218 = tpu.memref_squeeze %dma_start3A_217 : memref<1x128xi32, #tpu.memory_space<vmem>> -> memref<128xi32, #tpu.memory_space<vmem>>
    %dma_start3A_219 = arith.constant 0 : i32
    %dma_start3A_220 = arith.constant 0 : i32
    %dma_start3A_221 = tpu.memref_slice %arg2[%dma_start3A_219, %dma_start3A_220] : memref<20480x64xbf16, #tpu.memory_space<hbm>> -> memref<20480x64xbf16, #tpu.memory_space<hbm>>
    tpu.enqueue_indirect_dma source(%dma_start3A_221 : memref<20480x64xbf16, #tpu.memory_space<hbm>>) target(%arg12 : memref<128x64xbf16, #tpu.memory_space<vmem>>) offsets(%dma_start3A_218 : memref<128xi32, #tpu.memory_space<vmem>>) semaphore(%arg18 : memref<!tpu.dma_semaphore, #tpu.memory_space<semaphore_mem>>)
    %scan3A_222 = arith.constant 0 : i32
    %scan3A_223 = arith.constant 0 : i32
    %scan3A_224 = arith.constant 80 : i32
    %scan3A_225 = arith.addi %scan3A_223, %scan3A_224 : i32
    %scan3A_226 = arith.constant 1 : i32
    %scan3A_227 = scf.for %scan3A_246 = %scan3A_223 to %scan3A_225 step %scan3A_226 iter_args(%scan3A_247 = %scan3A_222) -> (i32)  : i32 {
      %add3A_248 = arith.constant 6 : i32
      %add3A_249 = arith.addi %scan3A_246, %add3A_248 : i32
      %sub3A = arith.constant 1 : i32
      %sub3A_250 = arith.subi %add3A_249, %sub3A : i32
      %lt3A = arith.constant 80 : i32
      %lt3A_251 = arith.cmpi slt, %sub3A_250, %lt3A : i32
      %jit3A = arith.constant 6 : i32
      %eq3A = arith.constant 0 : i32
      %eq3A_252 = arith.cmpi eq, %jit3A, %eq3A : i32
      %jit3A_253 = arith.constant 1 : i32
      %select_n3A = arith.select %eq3A_252, %jit3A_253, %jit3A : i32
      %rem3A = arith.remsi %sub3A_250, %select_n3A : i32
      %ne3A = arith.constant 0 : i32
      %ne3A_254 = arith.cmpi ne, %rem3A, %ne3A : i32
      %lt3A_255 = arith.constant 0 : i32
      %lt3A_256 = arith.cmpi slt, %rem3A, %lt3A_255 : i32
      %lt3A_257 = arith.constant 0 : i32
      %lt3A_258 = arith.cmpi slt, %select_n3A, %lt3A_257 : i32
      %ne3A_259 = arith.xori %lt3A_256, %lt3A_258 : i1
      %and3A = arith.andi %ne3A_259, %ne3A_254 : i1
      %add3A_260 = arith.addi %rem3A, %select_n3A : i32
      %select_n3A_261 = arith.select %and3A, %add3A_260, %rem3A : i32
      %eq3A_262 = arith.constant 0 : i32
      %eq3A_263 = arith.cmpi eq, %select_n3A_261, %eq3A_262 : i32
      %and3A_264 = arith.andi %lt3A_251, %eq3A_263 : i1
      %convert_element_type3A = arith.extui %and3A_264 : i1 to i32
      %cond3A = arith.constant 0 : i32
      %cond3A_265 = arith.cmpi ne, %convert_element_type3A, %cond3A : i32
      scf.if %cond3A_265 {
        %dma_start3A_513 = arith.constant 0 : i32
        %dma_start3A_514 = tpu.memref_slice %arg6[%sub3A_250, %dma_start3A_513] : memref<80x128xi32, #tpu.memory_space<vmem>> -> memref<1x128xi32, #tpu.memory_space<vmem>>
        %dma_start3A_515 = tpu.memref_squeeze %dma_start3A_514 : memref<1x128xi32, #tpu.memory_space<vmem>> -> memref<128xi32, #tpu.memory_space<vmem>>
        %dma_start3A_516 = arith.constant 0 : i32
        %dma_start3A_517 = arith.constant 0 : i32
        %dma_start3A_518 = tpu.memref_slice %arg2[%dma_start3A_516, %dma_start3A_517] : memref<20480x64xbf16, #tpu.memory_space<hbm>> -> memref<20480x64xbf16, #tpu.memory_space<hbm>>
        tpu.enqueue_indirect_dma source(%dma_start3A_518 : memref<20480x64xbf16, #tpu.memory_space<hbm>>) target(%arg8 : memref<128x64xbf16, #tpu.memory_space<vmem>>) offsets(%dma_start3A_515 : memref<128xi32, #tpu.memory_space<vmem>>) semaphore(%arg14 : memref<!tpu.dma_semaphore, #tpu.memory_space<semaphore_mem>>)
      } else {
      }
      %lt3A_266 = arith.constant 80 : i32
      %lt3A_267 = arith.cmpi slt, %sub3A_250, %lt3A_266 : i32
      %jit3A_268 = arith.constant 6 : i32
      %eq3A_269 = arith.constant 0 : i32
      %eq3A_270 = arith.cmpi eq, %jit3A_268, %eq3A_269 : i32
      %jit3A_271 = arith.constant 1 : i32
      %select_n3A_272 = arith.select %eq3A_270, %jit3A_271, %jit3A_268 : i32
      %rem3A_273 = arith.remsi %sub3A_250, %select_n3A_272 : i32
      %ne3A_274 = arith.constant 0 : i32
      %ne3A_275 = arith.cmpi ne, %rem3A_273, %ne3A_274 : i32
      %lt3A_276 = arith.constant 0 : i32
      %lt3A_277 = arith.cmpi slt, %rem3A_273, %lt3A_276 : i32
      %lt3A_278 = arith.constant 0 : i32
      %lt3A_279 = arith.cmpi slt, %select_n3A_272, %lt3A_278 : i32
      %ne3A_280 = arith.xori %lt3A_277, %lt3A_279 : i1
      %and3A_281 = arith.andi %ne3A_280, %ne3A_275 : i1
      %add3A_282 = arith.addi %rem3A_273, %select_n3A_272 : i32
      %select_n3A_283 = arith.select %and3A_281, %add3A_282, %rem3A_273 : i32
      %eq3A_284 = arith.constant 1 : i32
      %eq3A_285 = arith.cmpi eq, %select_n3A_283, %eq3A_284 : i32
      %and3A_286 = arith.andi %lt3A_267, %eq3A_285 : i1
      %convert_element_type3A_287 = arith.extui %and3A_286 : i1 to i32
      %cond3A_288 = arith.constant 0 : i32
      %cond3A_289 = arith.cmpi ne, %convert_element_type3A_287, %cond3A_288 : i32
      scf.if %cond3A_289 {
        %dma_start3A_513 = arith.constant 0 : i32
        %dma_start3A_514 = tpu.memref_slice %arg6[%sub3A_250, %dma_start3A_513] : memref<80x128xi32, #tpu.memory_space<vmem>> -> memref<1x128xi32, #tpu.memory_space<vmem>>
        %dma_start3A_515 = tpu.memref_squeeze %dma_start3A_514 : memref<1x128xi32, #tpu.memory_space<vmem>> -> memref<128xi32, #tpu.memory_space<vmem>>
        %dma_start3A_516 = arith.constant 0 : i32
        %dma_start3A_517 = arith.constant 0 : i32
        %dma_start3A_518 = tpu.memref_slice %arg2[%dma_start3A_516, %dma_start3A_517] : memref<20480x64xbf16, #tpu.memory_space<hbm>> -> memref<20480x64xbf16, #tpu.memory_space<hbm>>
        tpu.enqueue_indirect_dma source(%dma_start3A_518 : memref<20480x64xbf16, #tpu.memory_space<hbm>>) target(%arg9 : memref<128x64xbf16, #tpu.memory_space<vmem>>) offsets(%dma_start3A_515 : memref<128xi32, #tpu.memory_space<vmem>>) semaphore(%arg15 : memref<!tpu.dma_semaphore, #tpu.memory_space<semaphore_mem>>)
      } else {
      }
      %lt3A_290 = arith.constant 80 : i32
      %lt3A_291 = arith.cmpi slt, %sub3A_250, %lt3A_290 : i32
      %jit3A_292 = arith.constant 6 : i32
      %eq3A_293 = arith.constant 0 : i32
      %eq3A_294 = arith.cmpi eq, %jit3A_292, %eq3A_293 : i32
      %jit3A_295 = arith.constant 1 : i32
      %select_n3A_296 = arith.select %eq3A_294, %jit3A_295, %jit3A_292 : i32
      %rem3A_297 = arith.remsi %sub3A_250, %select_n3A_296 : i32
      %ne3A_298 = arith.constant 0 : i32
      %ne3A_299 = arith.cmpi ne, %rem3A_297, %ne3A_298 : i32
      %lt3A_300 = arith.constant 0 : i32
      %lt3A_301 = arith.cmpi slt, %rem3A_297, %lt3A_300 : i32
      %lt3A_302 = arith.constant 0 : i32
      %lt3A_303 = arith.cmpi slt, %select_n3A_296, %lt3A_302 : i32
      %ne3A_304 = arith.xori %lt3A_301, %lt3A_303 : i1
      %and3A_305 = arith.andi %ne3A_304, %ne3A_299 : i1
      %add3A_306 = arith.addi %rem3A_297, %select_n3A_296 : i32
      %select_n3A_307 = arith.select %and3A_305, %add3A_306, %rem3A_297 : i32
      %eq3A_308 = arith.constant 2 : i32
      %eq3A_309 = arith.cmpi eq, %select_n3A_307, %eq3A_308 : i32
      %and3A_310 = arith.andi %lt3A_291, %eq3A_309 : i1
      %convert_element_type3A_311 = arith.extui %and3A_310 : i1 to i32
      %cond3A_312 = arith.constant 0 : i32
      %cond3A_313 = arith.cmpi ne, %convert_element_type3A_311, %cond3A_312 : i32
      scf.if %cond3A_313 {
        %dma_start3A_513 = arith.constant 0 : i32
        %dma_start3A_514 = tpu.memref_slice %arg6[%sub3A_250, %dma_start3A_513] : memref<80x128xi32, #tpu.memory_space<vmem>> -> memref<1x128xi32, #tpu.memory_space<vmem>>
        %dma_start3A_515 = tpu.memref_squeeze %dma_start3A_514 : memref<1x128xi32, #tpu.memory_space<vmem>> -> memref<128xi32, #tpu.memory_space<vmem>>
        %dma_start3A_516 = arith.constant 0 : i32
        %dma_start3A_517 = arith.constant 0 : i32
        %dma_start3A_518 = tpu.memref_slice %arg2[%dma_start3A_516, %dma_start3A_517] : memref<20480x64xbf16, #tpu.memory_space<hbm>> -> memref<20480x64xbf16, #tpu.memory_space<hbm>>
        tpu.enqueue_indirect_dma source(%dma_start3A_518 : memref<20480x64xbf16, #tpu.memory_space<hbm>>) target(%arg10 : memref<128x64xbf16, #tpu.memory_space<vmem>>) offsets(%dma_start3A_515 : memref<128xi32, #tpu.memory_space<vmem>>) semaphore(%arg16 : memref<!tpu.dma_semaphore, #tpu.memory_space<semaphore_mem>>)
      } else {
      }
      %lt3A_314 = arith.constant 80 : i32
      %lt3A_315 = arith.cmpi slt, %sub3A_250, %lt3A_314 : i32
      %jit3A_316 = arith.constant 6 : i32
      %eq3A_317 = arith.constant 0 : i32
      %eq3A_318 = arith.cmpi eq, %jit3A_316, %eq3A_317 : i32
      %jit3A_319 = arith.constant 1 : i32
      %select_n3A_320 = arith.select %eq3A_318, %jit3A_319, %jit3A_316 : i32
      %rem3A_321 = arith.remsi %sub3A_250, %select_n3A_320 : i32
      %ne3A_322 = arith.constant 0 : i32
      %ne3A_323 = arith.cmpi ne, %rem3A_321, %ne3A_322 : i32
      %lt3A_324 = arith.constant 0 : i32
      %lt3A_325 = arith.cmpi slt, %rem3A_321, %lt3A_324 : i32
      %lt3A_326 = arith.constant 0 : i32
      %lt3A_327 = arith.cmpi slt, %select_n3A_320, %lt3A_326 : i32
      %ne3A_328 = arith.xori %lt3A_325, %lt3A_327 : i1
      %and3A_329 = arith.andi %ne3A_328, %ne3A_323 : i1
      %add3A_330 = arith.addi %rem3A_321, %select_n3A_320 : i32
      %select_n3A_331 = arith.select %and3A_329, %add3A_330, %rem3A_321 : i32
      %eq3A_332 = arith.constant 3 : i32
      %eq3A_333 = arith.cmpi eq, %select_n3A_331, %eq3A_332 : i32
      %and3A_334 = arith.andi %lt3A_315, %eq3A_333 : i1
      %convert_element_type3A_335 = arith.extui %and3A_334 : i1 to i32
      %cond3A_336 = arith.constant 0 : i32
      %cond3A_337 = arith.cmpi ne, %convert_element_type3A_335, %cond3A_336 : i32
      scf.if %cond3A_337 {
        %dma_start3A_513 = arith.constant 0 : i32
        %dma_start3A_514 = tpu.memref_slice %arg6[%sub3A_250, %dma_start3A_513] : memref<80x128xi32, #tpu.memory_space<vmem>> -> memref<1x128xi32, #tpu.memory_space<vmem>>
        %dma_start3A_515 = tpu.memref_squeeze %dma_start3A_514 : memref<1x128xi32, #tpu.memory_space<vmem>> -> memref<128xi32, #tpu.memory_space<vmem>>
        %dma_start3A_516 = arith.constant 0 : i32
        %dma_start3A_517 = arith.constant 0 : i32
        %dma_start3A_518 = tpu.memref_slice %arg2[%dma_start3A_516, %dma_start3A_517] : memref<20480x64xbf16, #tpu.memory_space<hbm>> -> memref<20480x64xbf16, #tpu.memory_space<hbm>>
        tpu.enqueue_indirect_dma source(%dma_start3A_518 : memref<20480x64xbf16, #tpu.memory_space<hbm>>) target(%arg11 : memref<128x64xbf16, #tpu.memory_space<vmem>>) offsets(%dma_start3A_515 : memref<128xi32, #tpu.memory_space<vmem>>) semaphore(%arg17 : memref<!tpu.dma_semaphore, #tpu.memory_space<semaphore_mem>>)
      } else {
      }
      %lt3A_338 = arith.constant 80 : i32
      %lt3A_339 = arith.cmpi slt, %sub3A_250, %lt3A_338 : i32
      %jit3A_340 = arith.constant 6 : i32
      %eq3A_341 = arith.constant 0 : i32
      %eq3A_342 = arith.cmpi eq, %jit3A_340, %eq3A_341 : i32
      %jit3A_343 = arith.constant 1 : i32
      %select_n3A_344 = arith.select %eq3A_342, %jit3A_343, %jit3A_340 : i32
      %rem3A_345 = arith.remsi %sub3A_250, %select_n3A_344 : i32
      %ne3A_346 = arith.constant 0 : i32
      %ne3A_347 = arith.cmpi ne, %rem3A_345, %ne3A_346 : i32
      %lt3A_348 = arith.constant 0 : i32
      %lt3A_349 = arith.cmpi slt, %rem3A_345, %lt3A_348 : i32
      %lt3A_350 = arith.constant 0 : i32
      %lt3A_351 = arith.cmpi slt, %select_n3A_344, %lt3A_350 : i32
      %ne3A_352 = arith.xori %lt3A_349, %lt3A_351 : i1
      %and3A_353 = arith.andi %ne3A_352, %ne3A_347 : i1
      %add3A_354 = arith.addi %rem3A_345, %select_n3A_344 : i32
      %select_n3A_355 = arith.select %and3A_353, %add3A_354, %rem3A_345 : i32
      %eq3A_356 = arith.constant 4 : i32
      %eq3A_357 = arith.cmpi eq, %select_n3A_355, %eq3A_356 : i32
      %and3A_358 = arith.andi %lt3A_339, %eq3A_357 : i1
      %convert_element_type3A_359 = arith.extui %and3A_358 : i1 to i32
      %cond3A_360 = arith.constant 0 : i32
      %cond3A_361 = arith.cmpi ne, %convert_element_type3A_359, %cond3A_360 : i32
      scf.if %cond3A_361 {
        %dma_start3A_513 = arith.constant 0 : i32
        %dma_start3A_514 = tpu.memref_slice %arg6[%sub3A_250, %dma_start3A_513] : memref<80x128xi32, #tpu.memory_space<vmem>> -> memref<1x128xi32, #tpu.memory_space<vmem>>
        %dma_start3A_515 = tpu.memref_squeeze %dma_start3A_514 : memref<1x128xi32, #tpu.memory_space<vmem>> -> memref<128xi32, #tpu.memory_space<vmem>>
        %dma_start3A_516 = arith.constant 0 : i32
        %dma_start3A_517 = arith.constant 0 : i32
        %dma_start3A_518 = tpu.memref_slice %arg2[%dma_start3A_516, %dma_start3A_517] : memref<20480x64xbf16, #tpu.memory_space<hbm>> -> memref<20480x64xbf16, #tpu.memory_space<hbm>>
        tpu.enqueue_indirect_dma source(%dma_start3A_518 : memref<20480x64xbf16, #tpu.memory_space<hbm>>) target(%arg12 : memref<128x64xbf16, #tpu.memory_space<vmem>>) offsets(%dma_start3A_515 : memref<128xi32, #tpu.memory_space<vmem>>) semaphore(%arg18 : memref<!tpu.dma_semaphore, #tpu.memory_space<semaphore_mem>>)
      } else {
      }
      %lt3A_362 = arith.constant 80 : i32
      %lt3A_363 = arith.cmpi slt, %sub3A_250, %lt3A_362 : i32
      %jit3A_364 = arith.constant 6 : i32
      %eq3A_365 = arith.constant 0 : i32
      %eq3A_366 = arith.cmpi eq, %jit3A_364, %eq3A_365 : i32
      %jit3A_367 = arith.constant 1 : i32
      %select_n3A_368 = arith.select %eq3A_366, %jit3A_367, %jit3A_364 : i32
      %rem3A_369 = arith.remsi %sub3A_250, %select_n3A_368 : i32
      %ne3A_370 = arith.constant 0 : i32
      %ne3A_371 = arith.cmpi ne, %rem3A_369, %ne3A_370 : i32
      %lt3A_372 = arith.constant 0 : i32
      %lt3A_373 = arith.cmpi slt, %rem3A_369, %lt3A_372 : i32
      %lt3A_374 = arith.constant 0 : i32
      %lt3A_375 = arith.cmpi slt, %select_n3A_368, %lt3A_374 : i32
      %ne3A_376 = arith.xori %lt3A_373, %lt3A_375 : i1
      %and3A_377 = arith.andi %ne3A_376, %ne3A_371 : i1
      %add3A_378 = arith.addi %rem3A_369, %select_n3A_368 : i32
      %select_n3A_379 = arith.select %and3A_377, %add3A_378, %rem3A_369 : i32
      %eq3A_380 = arith.constant 5 : i32
      %eq3A_381 = arith.cmpi eq, %select_n3A_379, %eq3A_380 : i32
      %and3A_382 = arith.andi %lt3A_363, %eq3A_381 : i1
      %convert_element_type3A_383 = arith.extui %and3A_382 : i1 to i32
      %cond3A_384 = arith.constant 0 : i32
      %cond3A_385 = arith.cmpi ne, %convert_element_type3A_383, %cond3A_384 : i32
      scf.if %cond3A_385 {
        %dma_start3A_513 = arith.constant 0 : i32
        %dma_start3A_514 = tpu.memref_slice %arg6[%sub3A_250, %dma_start3A_513] : memref<80x128xi32, #tpu.memory_space<vmem>> -> memref<1x128xi32, #tpu.memory_space<vmem>>
        %dma_start3A_515 = tpu.memref_squeeze %dma_start3A_514 : memref<1x128xi32, #tpu.memory_space<vmem>> -> memref<128xi32, #tpu.memory_space<vmem>>
        %dma_start3A_516 = arith.constant 0 : i32
        %dma_start3A_517 = arith.constant 0 : i32
        %dma_start3A_518 = tpu.memref_slice %arg2[%dma_start3A_516, %dma_start3A_517] : memref<20480x64xbf16, #tpu.memory_space<hbm>> -> memref<20480x64xbf16, #tpu.memory_space<hbm>>
        tpu.enqueue_indirect_dma source(%dma_start3A_518 : memref<20480x64xbf16, #tpu.memory_space<hbm>>) target(%arg13 : memref<128x64xbf16, #tpu.memory_space<vmem>>) offsets(%dma_start3A_515 : memref<128xi32, #tpu.memory_space<vmem>>) semaphore(%arg19 : memref<!tpu.dma_semaphore, #tpu.memory_space<semaphore_mem>>)
      } else {
      }
      %jit3A_386 = arith.constant 6 : i32
      %eq3A_387 = arith.constant 0 : i32
      %eq3A_388 = arith.cmpi eq, %jit3A_386, %eq3A_387 : i32
      %jit3A_389 = arith.constant 1 : i32
      %select_n3A_390 = arith.select %eq3A_388, %jit3A_389, %jit3A_386 : i32
      %rem3A_391 = arith.remsi %scan3A_246, %select_n3A_390 : i32
      %ne3A_392 = arith.constant 0 : i32
      %ne3A_393 = arith.cmpi ne, %rem3A_391, %ne3A_392 : i32
      %lt3A_394 = arith.constant 0 : i32
      %lt3A_395 = arith.cmpi slt, %rem3A_391, %lt3A_394 : i32
      %lt3A_396 = arith.constant 0 : i32
      %lt3A_397 = arith.cmpi slt, %select_n3A_390, %lt3A_396 : i32
      %ne3A_398 = arith.xori %lt3A_395, %lt3A_397 : i1
      %and3A_399 = arith.andi %ne3A_398, %ne3A_393 : i1
      %add3A_400 = arith.addi %rem3A_391, %select_n3A_390 : i32
      %select_n3A_401 = arith.select %and3A_399, %add3A_400, %rem3A_391 : i32
      %eq3A_402 = arith.constant 0 : i32
      %eq3A_403 = arith.cmpi eq, %select_n3A_401, %eq3A_402 : i32
      %convert_element_type3A_404 = arith.extui %eq3A_403 : i1 to i32
      %cond3A_405 = arith.constant 0 : i32
      %cond3A_406 = arith.cmpi ne, %convert_element_type3A_404, %cond3A_405 : i32
      scf.if %cond3A_406 {
        %dma_wait3A_513 = arith.constant 0 : i32
        %dma_wait3A_514 = tpu.memref_slice %arg6[%scan3A_246, %dma_wait3A_513] : memref<80x128xi32, #tpu.memory_space<vmem>> -> memref<1x128xi32, #tpu.memory_space<vmem>>
        %dma_wait3A_515 = tpu.memref_squeeze %dma_wait3A_514 : memref<1x128xi32, #tpu.memory_space<vmem>> -> memref<128xi32, #tpu.memory_space<vmem>>
        %dma_wait3A_516 = arith.constant 0 : i32
        %dma_wait3A_517 = arith.constant 0 : i32
        %dma_wait3A_518 = tpu.memref_slice %arg2[%dma_wait3A_516, %dma_wait3A_517] : memref<20480x64xbf16, #tpu.memory_space<hbm>> -> memref<20480x64xbf16, #tpu.memory_space<hbm>>
        tpu.wait_indirect_dma semaphore(%arg14 : memref<!tpu.dma_semaphore, #tpu.memory_space<semaphore_mem>>) src(%dma_wait3A_518 : memref<20480x64xbf16, #tpu.memory_space<hbm>>) dst(%arg8 : memref<128x64xbf16, #tpu.memory_space<vmem>>)
        "tpu.region"() ({
          %run_scoped3A = tpu.sem_alloc : memref<!tpu.dma_semaphore, #tpu.memory_space<semaphore_mem>>
          %dma_start3A_519 = arith.constant 0 : i32
          %dma_start3A_520 = tpu.memref_slice %arg7[%scan3A_246, %dma_start3A_519] : memref<80x128xi32, #tpu.memory_space<vmem>> -> memref<1x128xi32, #tpu.memory_space<vmem>>
          %dma_start3A_521 = tpu.memref_squeeze %dma_start3A_520 : memref<1x128xi32, #tpu.memory_space<vmem>> -> memref<128xi32, #tpu.memory_space<vmem>>
          %dma_start3A_522 = arith.constant 0 : i32
          %dma_start3A_523 = arith.constant 0 : i32
          %dma_start3A_524 = tpu.memref_slice %arg20[%dma_start3A_522, %dma_start3A_523] : memref<10240x64xbf16, #tpu.memory_space<vmem_shared>> -> memref<10240x64xbf16, #tpu.memory_space<vmem_shared>>
          tpu.enqueue_indirect_dma source(%arg8 : memref<128x64xbf16, #tpu.memory_space<vmem>>) target(%dma_start3A_524 : memref<10240x64xbf16, #tpu.memory_space<vmem_shared>>) offsets(%dma_start3A_521 : memref<128xi32, #tpu.memory_space<vmem>>) semaphore(%run_scoped3A : memref<!tpu.dma_semaphore, #tpu.memory_space<semaphore_mem>>) {add = true}
          %dma_wait3A_525 = arith.constant 0 : i32
          %dma_wait3A_526 = tpu.memref_slice %arg7[%scan3A_246, %dma_wait3A_525] : memref<80x128xi32, #tpu.memory_space<vmem>> -> memref<1x128xi32, #tpu.memory_space<vmem>>
          %dma_wait3A_527 = tpu.memref_squeeze %dma_wait3A_526 : memref<1x128xi32, #tpu.memory_space<vmem>> -> memref<128xi32, #tpu.memory_space<vmem>>
          %dma_wait3A_528 = arith.constant 0 : i32
          %dma_wait3A_529 = arith.constant 0 : i32
          %dma_wait3A_530 = tpu.memref_slice %arg20[%dma_wait3A_528, %dma_wait3A_529] : memref<10240x64xbf16, #tpu.memory_space<vmem_shared>> -> memref<10240x64xbf16, #tpu.memory_space<vmem_shared>>
          tpu.wait_indirect_dma semaphore(%run_scoped3A : memref<!tpu.dma_semaphore, #tpu.memory_space<semaphore_mem>>) src(%arg8 : memref<128x64xbf16, #tpu.memory_space<vmem>>) dst(%dma_wait3A_530 : memref<10240x64xbf16, #tpu.memory_space<vmem_shared>>)
          tpu.yield
        }) : () -> ()
      } else {
      }
      %jit3A_407 = arith.constant 6 : i32
      %eq3A_408 = arith.constant 0 : i32
      %eq3A_409 = arith.cmpi eq, %jit3A_407, %eq3A_408 : i32
      %jit3A_410 = arith.constant 1 : i32
      %select_n3A_411 = arith.select %eq3A_409, %jit3A_410, %jit3A_407 : i32
      %rem3A_412 = arith.remsi %scan3A_246, %select_n3A_411 : i32
      %ne3A_413 = arith.constant 0 : i32
      %ne3A_414 = arith.cmpi ne, %rem3A_412, %ne3A_413 : i32
      %lt3A_415 = arith.constant 0 : i32
      %lt3A_416 = arith.cmpi slt, %rem3A_412, %lt3A_415 : i32
      %lt3A_417 = arith.constant 0 : i32
      %lt3A_418 = arith.cmpi slt, %select_n3A_411, %lt3A_417 : i32
      %ne3A_419 = arith.xori %lt3A_416, %lt3A_418 : i1
      %and3A_420 = arith.andi %ne3A_419, %ne3A_414 : i1
      %add3A_421 = arith.addi %rem3A_412, %select_n3A_411 : i32
      %select_n3A_422 = arith.select %and3A_420, %add3A_421, %rem3A_412 : i32
      %eq3A_423 = arith.constant 1 : i32
      %eq3A_424 = arith.cmpi eq, %select_n3A_422, %eq3A_423 : i32
      %convert_element_type3A_425 = arith.extui %eq3A_424 : i1 to i32
      %cond3A_426 = arith.constant 0 : i32
      %cond3A_427 = arith.cmpi ne, %convert_element_type3A_425, %cond3A_426 : i32
      scf.if %cond3A_427 {
        %dma_wait3A_513 = arith.constant 0 : i32
        %dma_wait3A_514 = tpu.memref_slice %arg6[%scan3A_246, %dma_wait3A_513] : memref<80x128xi32, #tpu.memory_space<vmem>> -> memref<1x128xi32, #tpu.memory_space<vmem>>
        %dma_wait3A_515 = tpu.memref_squeeze %dma_wait3A_514 : memref<1x128xi32, #tpu.memory_space<vmem>> -> memref<128xi32, #tpu.memory_space<vmem>>
        %dma_wait3A_516 = arith.constant 0 : i32
        %dma_wait3A_517 = arith.constant 0 : i32
        %dma_wait3A_518 = tpu.memref_slice %arg2[%dma_wait3A_516, %dma_wait3A_517] : memref<20480x64xbf16, #tpu.memory_space<hbm>> -> memref<20480x64xbf16, #tpu.memory_space<hbm>>
        tpu.wait_indirect_dma semaphore(%arg15 : memref<!tpu.dma_semaphore, #tpu.memory_space<semaphore_mem>>) src(%dma_wait3A_518 : memref<20480x64xbf16, #tpu.memory_space<hbm>>) dst(%arg9 : memref<128x64xbf16, #tpu.memory_space<vmem>>)
        "tpu.region"() ({
          %run_scoped3A = tpu.sem_alloc : memref<!tpu.dma_semaphore, #tpu.memory_space<semaphore_mem>>
          %dma_start3A_519 = arith.constant 0 : i32
          %dma_start3A_520 = tpu.memref_slice %arg7[%scan3A_246, %dma_start3A_519] : memref<80x128xi32, #tpu.memory_space<vmem>> -> memref<1x128xi32, #tpu.memory_space<vmem>>
          %dma_start3A_521 = tpu.memref_squeeze %dma_start3A_520 : memref<1x128xi32, #tpu.memory_space<vmem>> -> memref<128xi32, #tpu.memory_space<vmem>>
          %dma_start3A_522 = arith.constant 0 : i32
          %dma_start3A_523 = arith.constant 0 : i32
          %dma_start3A_524 = tpu.memref_slice %arg21[%dma_start3A_522, %dma_start3A_523] : memref<10240x64xbf16, #tpu.memory_space<vmem_shared>> -> memref<10240x64xbf16, #tpu.memory_space<vmem_shared>>
          tpu.enqueue_indirect_dma source(%arg9 : memref<128x64xbf16, #tpu.memory_space<vmem>>) target(%dma_start3A_524 : memref<10240x64xbf16, #tpu.memory_space<vmem_shared>>) offsets(%dma_start3A_521 : memref<128xi32, #tpu.memory_space<vmem>>) semaphore(%run_scoped3A : memref<!tpu.dma_semaphore, #tpu.memory_space<semaphore_mem>>) {add = true}
          %dma_wait3A_525 = arith.constant 0 : i32
          %dma_wait3A_526 = tpu.memref_slice %arg7[%scan3A_246, %dma_wait3A_525] : memref<80x128xi32, #tpu.memory_space<vmem>> -> memref<1x128xi32, #tpu.memory_space<vmem>>
          %dma_wait3A_527 = tpu.memref_squeeze %dma_wait3A_526 : memref<1x128xi32, #tpu.memory_space<vmem>> -> memref<128xi32, #tpu.memory_space<vmem>>
          %dma_wait3A_528 = arith.constant 0 : i32
          %dma_wait3A_529 = arith.constant 0 : i32
          %dma_wait3A_530 = tpu.memref_slice %arg21[%dma_wait3A_528, %dma_wait3A_529] : memref<10240x64xbf16, #tpu.memory_space<vmem_shared>> -> memref<10240x64xbf16, #tpu.memory_space<vmem_shared>>
          tpu.wait_indirect_dma semaphore(%run_scoped3A : memref<!tpu.dma_semaphore, #tpu.memory_space<semaphore_mem>>) src(%arg9 : memref<128x64xbf16, #tpu.memory_space<vmem>>) dst(%dma_wait3A_530 : memref<10240x64xbf16, #tpu.memory_space<vmem_shared>>)
          tpu.yield
        }) : () -> ()
      } else {
      }
      %jit3A_428 = arith.constant 6 : i32
      %eq3A_429 = arith.constant 0 : i32
      %eq3A_430 = arith.cmpi eq, %jit3A_428, %eq3A_429 : i32
      %jit3A_431 = arith.constant 1 : i32
      %select_n3A_432 = arith.select %eq3A_430, %jit3A_431, %jit3A_428 : i32
      %rem3A_433 = arith.remsi %scan3A_246, %select_n3A_432 : i32
      %ne3A_434 = arith.constant 0 : i32
      %ne3A_435 = arith.cmpi ne, %rem3A_433, %ne3A_434 : i32
      %lt3A_436 = arith.constant 0 : i32
      %lt3A_437 = arith.cmpi slt, %rem3A_433, %lt3A_436 : i32
      %lt3A_438 = arith.constant 0 : i32
      %lt3A_439 = arith.cmpi slt, %select_n3A_432, %lt3A_438 : i32
      %ne3A_440 = arith.xori %lt3A_437, %lt3A_439 : i1
      %and3A_441 = arith.andi %ne3A_440, %ne3A_435 : i1
      %add3A_442 = arith.addi %rem3A_433, %select_n3A_432 : i32
      %select_n3A_443 = arith.select %and3A_441, %add3A_442, %rem3A_433 : i32
      %eq3A_444 = arith.constant 2 : i32
      %eq3A_445 = arith.cmpi eq, %select_n3A_443, %eq3A_444 : i32
      %convert_element_type3A_446 = arith.extui %eq3A_445 : i1 to i32
      %cond3A_447 = arith.constant 0 : i32
      %cond3A_448 = arith.cmpi ne, %convert_element_type3A_446, %cond3A_447 : i32
      scf.if %cond3A_448 {
        %dma_wait3A_513 = arith.constant 0 : i32
        %dma_wait3A_514 = tpu.memref_slice %arg6[%scan3A_246, %dma_wait3A_513] : memref<80x128xi32, #tpu.memory_space<vmem>> -> memref<1x128xi32, #tpu.memory_space<vmem>>
        %dma_wait3A_515 = tpu.memref_squeeze %dma_wait3A_514 : memref<1x128xi32, #tpu.memory_space<vmem>> -> memref<128xi32, #tpu.memory_space<vmem>>
        %dma_wait3A_516 = arith.constant 0 : i32
        %dma_wait3A_517 = arith.constant 0 : i32
        %dma_wait3A_518 = tpu.memref_slice %arg2[%dma_wait3A_516, %dma_wait3A_517] : memref<20480x64xbf16, #tpu.memory_space<hbm>> -> memref<20480x64xbf16, #tpu.memory_space<hbm>>
        tpu.wait_indirect_dma semaphore(%arg16 : memref<!tpu.dma_semaphore, #tpu.memory_space<semaphore_mem>>) src(%dma_wait3A_518 : memref<20480x64xbf16, #tpu.memory_space<hbm>>) dst(%arg10 : memref<128x64xbf16, #tpu.memory_space<vmem>>)
        "tpu.region"() ({
          %run_scoped3A = tpu.sem_alloc : memref<!tpu.dma_semaphore, #tpu.memory_space<semaphore_mem>>
          %dma_start3A_519 = arith.constant 0 : i32
          %dma_start3A_520 = tpu.memref_slice %arg7[%scan3A_246, %dma_start3A_519] : memref<80x128xi32, #tpu.memory_space<vmem>> -> memref<1x128xi32, #tpu.memory_space<vmem>>
          %dma_start3A_521 = tpu.memref_squeeze %dma_start3A_520 : memref<1x128xi32, #tpu.memory_space<vmem>> -> memref<128xi32, #tpu.memory_space<vmem>>
          %dma_start3A_522 = arith.constant 0 : i32
          %dma_start3A_523 = arith.constant 0 : i32
          %dma_start3A_524 = tpu.memref_slice %arg20[%dma_start3A_522, %dma_start3A_523] : memref<10240x64xbf16, #tpu.memory_space<vmem_shared>> -> memref<10240x64xbf16, #tpu.memory_space<vmem_shared>>
          tpu.enqueue_indirect_dma source(%arg10 : memref<128x64xbf16, #tpu.memory_space<vmem>>) target(%dma_start3A_524 : memref<10240x64xbf16, #tpu.memory_space<vmem_shared>>) offsets(%dma_start3A_521 : memref<128xi32, #tpu.memory_space<vmem>>) semaphore(%run_scoped3A : memref<!tpu.dma_semaphore, #tpu.memory_space<semaphore_mem>>) {add = true}
          %dma_wait3A_525 = arith.constant 0 : i32
          %dma_wait3A_526 = tpu.memref_slice %arg7[%scan3A_246, %dma_wait3A_525] : memref<80x128xi32, #tpu.memory_space<vmem>> -> memref<1x128xi32, #tpu.memory_space<vmem>>
          %dma_wait3A_527 = tpu.memref_squeeze %dma_wait3A_526 : memref<1x128xi32, #tpu.memory_space<vmem>> -> memref<128xi32, #tpu.memory_space<vmem>>
          %dma_wait3A_528 = arith.constant 0 : i32
          %dma_wait3A_529 = arith.constant 0 : i32
          %dma_wait3A_530 = tpu.memref_slice %arg20[%dma_wait3A_528, %dma_wait3A_529] : memref<10240x64xbf16, #tpu.memory_space<vmem_shared>> -> memref<10240x64xbf16, #tpu.memory_space<vmem_shared>>
          tpu.wait_indirect_dma semaphore(%run_scoped3A : memref<!tpu.dma_semaphore, #tpu.memory_space<semaphore_mem>>) src(%arg10 : memref<128x64xbf16, #tpu.memory_space<vmem>>) dst(%dma_wait3A_530 : memref<10240x64xbf16, #tpu.memory_space<vmem_shared>>)
          tpu.yield
        }) : () -> ()
      } else {
      }
      %jit3A_449 = arith.constant 6 : i32
      %eq3A_450 = arith.constant 0 : i32
      %eq3A_451 = arith.cmpi eq, %jit3A_449, %eq3A_450 : i32
      %jit3A_452 = arith.constant 1 : i32
      %select_n3A_453 = arith.select %eq3A_451, %jit3A_452, %jit3A_449 : i32
      %rem3A_454 = arith.remsi %scan3A_246, %select_n3A_453 : i32
      %ne3A_455 = arith.constant 0 : i32
      %ne3A_456 = arith.cmpi ne, %rem3A_454, %ne3A_455 : i32
      %lt3A_457 = arith.constant 0 : i32
      %lt3A_458 = arith.cmpi slt, %rem3A_454, %lt3A_457 : i32
      %lt3A_459 = arith.constant 0 : i32
      %lt3A_460 = arith.cmpi slt, %select_n3A_453, %lt3A_459 : i32
      %ne3A_461 = arith.xori %lt3A_458, %lt3A_460 : i1
      %and3A_462 = arith.andi %ne3A_461, %ne3A_456 : i1
      %add3A_463 = arith.addi %rem3A_454, %select_n3A_453 : i32
      %select_n3A_464 = arith.select %and3A_462, %add3A_463, %rem3A_454 : i32
      %eq3A_465 = arith.constant 3 : i32
      %eq3A_466 = arith.cmpi eq, %select_n3A_464, %eq3A_465 : i32
      %convert_element_type3A_467 = arith.extui %eq3A_466 : i1 to i32
      %cond3A_468 = arith.constant 0 : i32
      %cond3A_469 = arith.cmpi ne, %convert_element_type3A_467, %cond3A_468 : i32
      scf.if %cond3A_469 {
        %dma_wait3A_513 = arith.constant 0 : i32
        %dma_wait3A_514 = tpu.memref_slice %arg6[%scan3A_246, %dma_wait3A_513] : memref<80x128xi32, #tpu.memory_space<vmem>> -> memref<1x128xi32, #tpu.memory_space<vmem>>
        %dma_wait3A_515 = tpu.memref_squeeze %dma_wait3A_514 : memref<1x128xi32, #tpu.memory_space<vmem>> -> memref<128xi32, #tpu.memory_space<vmem>>
        %dma_wait3A_516 = arith.constant 0 : i32
        %dma_wait3A_517 = arith.constant 0 : i32
        %dma_wait3A_518 = tpu.memref_slice %arg2[%dma_wait3A_516, %dma_wait3A_517] : memref<20480x64xbf16, #tpu.memory_space<hbm>> -> memref<20480x64xbf16, #tpu.memory_space<hbm>>
        tpu.wait_indirect_dma semaphore(%arg17 : memref<!tpu.dma_semaphore, #tpu.memory_space<semaphore_mem>>) src(%dma_wait3A_518 : memref<20480x64xbf16, #tpu.memory_space<hbm>>) dst(%arg11 : memref<128x64xbf16, #tpu.memory_space<vmem>>)
        "tpu.region"() ({
          %run_scoped3A = tpu.sem_alloc : memref<!tpu.dma_semaphore, #tpu.memory_space<semaphore_mem>>
          %dma_start3A_519 = arith.constant 0 : i32
          %dma_start3A_520 = tpu.memref_slice %arg7[%scan3A_246, %dma_start3A_519] : memref<80x128xi32, #tpu.memory_space<vmem>> -> memref<1x128xi32, #tpu.memory_space<vmem>>
          %dma_start3A_521 = tpu.memref_squeeze %dma_start3A_520 : memref<1x128xi32, #tpu.memory_space<vmem>> -> memref<128xi32, #tpu.memory_space<vmem>>
          %dma_start3A_522 = arith.constant 0 : i32
          %dma_start3A_523 = arith.constant 0 : i32
          %dma_start3A_524 = tpu.memref_slice %arg21[%dma_start3A_522, %dma_start3A_523] : memref<10240x64xbf16, #tpu.memory_space<vmem_shared>> -> memref<10240x64xbf16, #tpu.memory_space<vmem_shared>>
          tpu.enqueue_indirect_dma source(%arg11 : memref<128x64xbf16, #tpu.memory_space<vmem>>) target(%dma_start3A_524 : memref<10240x64xbf16, #tpu.memory_space<vmem_shared>>) offsets(%dma_start3A_521 : memref<128xi32, #tpu.memory_space<vmem>>) semaphore(%run_scoped3A : memref<!tpu.dma_semaphore, #tpu.memory_space<semaphore_mem>>) {add = true}
          %dma_wait3A_525 = arith.constant 0 : i32
          %dma_wait3A_526 = tpu.memref_slice %arg7[%scan3A_246, %dma_wait3A_525] : memref<80x128xi32, #tpu.memory_space<vmem>> -> memref<1x128xi32, #tpu.memory_space<vmem>>
          %dma_wait3A_527 = tpu.memref_squeeze %dma_wait3A_526 : memref<1x128xi32, #tpu.memory_space<vmem>> -> memref<128xi32, #tpu.memory_space<vmem>>
          %dma_wait3A_528 = arith.constant 0 : i32
          %dma_wait3A_529 = arith.constant 0 : i32
          %dma_wait3A_530 = tpu.memref_slice %arg21[%dma_wait3A_528, %dma_wait3A_529] : memref<10240x64xbf16, #tpu.memory_space<vmem_shared>> -> memref<10240x64xbf16, #tpu.memory_space<vmem_shared>>
          tpu.wait_indirect_dma semaphore(%run_scoped3A : memref<!tpu.dma_semaphore, #tpu.memory_space<semaphore_mem>>) src(%arg11 : memref<128x64xbf16, #tpu.memory_space<vmem>>) dst(%dma_wait3A_530 : memref<10240x64xbf16, #tpu.memory_space<vmem_shared>>)
          tpu.yield
        }) : () -> ()
      } else {
      }
      %jit3A_470 = arith.constant 6 : i32
      %eq3A_471 = arith.constant 0 : i32
      %eq3A_472 = arith.cmpi eq, %jit3A_470, %eq3A_471 : i32
      %jit3A_473 = arith.constant 1 : i32
      %select_n3A_474 = arith.select %eq3A_472, %jit3A_473, %jit3A_470 : i32
      %rem3A_475 = arith.remsi %scan3A_246, %select_n3A_474 : i32
      %ne3A_476 = arith.constant 0 : i32
      %ne3A_477 = arith.cmpi ne, %rem3A_475, %ne3A_476 : i32
      %lt3A_478 = arith.constant 0 : i32
      %lt3A_479 = arith.cmpi slt, %rem3A_475, %lt3A_478 : i32
      %lt3A_480 = arith.constant 0 : i32
      %lt3A_481 = arith.cmpi slt, %select_n3A_474, %lt3A_480 : i32
      %ne3A_482 = arith.xori %lt3A_479, %lt3A_481 : i1
      %and3A_483 = arith.andi %ne3A_482, %ne3A_477 : i1
      %add3A_484 = arith.addi %rem3A_475, %select_n3A_474 : i32
      %select_n3A_485 = arith.select %and3A_483, %add3A_484, %rem3A_475 : i32
      %eq3A_486 = arith.constant 4 : i32
      %eq3A_487 = arith.cmpi eq, %select_n3A_485, %eq3A_486 : i32
      %convert_element_type3A_488 = arith.extui %eq3A_487 : i1 to i32
      %cond3A_489 = arith.constant 0 : i32
      %cond3A_490 = arith.cmpi ne, %convert_element_type3A_488, %cond3A_489 : i32
      scf.if %cond3A_490 {
        %dma_wait3A_513 = arith.constant 0 : i32
        %dma_wait3A_514 = tpu.memref_slice %arg6[%scan3A_246, %dma_wait3A_513] : memref<80x128xi32, #tpu.memory_space<vmem>> -> memref<1x128xi32, #tpu.memory_space<vmem>>
        %dma_wait3A_515 = tpu.memref_squeeze %dma_wait3A_514 : memref<1x128xi32, #tpu.memory_space<vmem>> -> memref<128xi32, #tpu.memory_space<vmem>>
        %dma_wait3A_516 = arith.constant 0 : i32
        %dma_wait3A_517 = arith.constant 0 : i32
        %dma_wait3A_518 = tpu.memref_slice %arg2[%dma_wait3A_516, %dma_wait3A_517] : memref<20480x64xbf16, #tpu.memory_space<hbm>> -> memref<20480x64xbf16, #tpu.memory_space<hbm>>
        tpu.wait_indirect_dma semaphore(%arg18 : memref<!tpu.dma_semaphore, #tpu.memory_space<semaphore_mem>>) src(%dma_wait3A_518 : memref<20480x64xbf16, #tpu.memory_space<hbm>>) dst(%arg12 : memref<128x64xbf16, #tpu.memory_space<vmem>>)
        "tpu.region"() ({
          %run_scoped3A = tpu.sem_alloc : memref<!tpu.dma_semaphore, #tpu.memory_space<semaphore_mem>>
          %dma_start3A_519 = arith.constant 0 : i32
          %dma_start3A_520 = tpu.memref_slice %arg7[%scan3A_246, %dma_start3A_519] : memref<80x128xi32, #tpu.memory_space<vmem>> -> memref<1x128xi32, #tpu.memory_space<vmem>>
          %dma_start3A_521 = tpu.memref_squeeze %dma_start3A_520 : memref<1x128xi32, #tpu.memory_space<vmem>> -> memref<128xi32, #tpu.memory_space<vmem>>
          %dma_start3A_522 = arith.constant 0 : i32
          %dma_start3A_523 = arith.constant 0 : i32
          %dma_start3A_524 = tpu.memref_slice %arg20[%dma_start3A_522, %dma_start3A_523] : memref<10240x64xbf16, #tpu.memory_space<vmem_shared>> -> memref<10240x64xbf16, #tpu.memory_space<vmem_shared>>
          tpu.enqueue_indirect_dma source(%arg12 : memref<128x64xbf16, #tpu.memory_space<vmem>>) target(%dma_start3A_524 : memref<10240x64xbf16, #tpu.memory_space<vmem_shared>>) offsets(%dma_start3A_521 : memref<128xi32, #tpu.memory_space<vmem>>) semaphore(%run_scoped3A : memref<!tpu.dma_semaphore, #tpu.memory_space<semaphore_mem>>) {add = true}
          %dma_wait3A_525 = arith.constant 0 : i32
          %dma_wait3A_526 = tpu.memref_slice %arg7[%scan3A_246, %dma_wait3A_525] : memref<80x128xi32, #tpu.memory_space<vmem>> -> memref<1x128xi32, #tpu.memory_space<vmem>>
          %dma_wait3A_527 = tpu.memref_squeeze %dma_wait3A_526 : memref<1x128xi32, #tpu.memory_space<vmem>> -> memref<128xi32, #tpu.memory_space<vmem>>
          %dma_wait3A_528 = arith.constant 0 : i32
          %dma_wait3A_529 = arith.constant 0 : i32
          %dma_wait3A_530 = tpu.memref_slice %arg20[%dma_wait3A_528, %dma_wait3A_529] : memref<10240x64xbf16, #tpu.memory_space<vmem_shared>> -> memref<10240x64xbf16, #tpu.memory_space<vmem_shared>>
          tpu.wait_indirect_dma semaphore(%run_scoped3A : memref<!tpu.dma_semaphore, #tpu.memory_space<semaphore_mem>>) src(%arg12 : memref<128x64xbf16, #tpu.memory_space<vmem>>) dst(%dma_wait3A_530 : memref<10240x64xbf16, #tpu.memory_space<vmem_shared>>)
          tpu.yield
        }) : () -> ()
      } else {
      }
      %jit3A_491 = arith.constant 6 : i32
      %eq3A_492 = arith.constant 0 : i32
      %eq3A_493 = arith.cmpi eq, %jit3A_491, %eq3A_492 : i32
      %jit3A_494 = arith.constant 1 : i32
      %select_n3A_495 = arith.select %eq3A_493, %jit3A_494, %jit3A_491 : i32
      %rem3A_496 = arith.remsi %scan3A_246, %select_n3A_495 : i32
      %ne3A_497 = arith.constant 0 : i32
      %ne3A_498 = arith.cmpi ne, %rem3A_496, %ne3A_497 : i32
      %lt3A_499 = arith.constant 0 : i32
      %lt3A_500 = arith.cmpi slt, %rem3A_496, %lt3A_499 : i32
      %lt3A_501 = arith.constant 0 : i32
      %lt3A_502 = arith.cmpi slt, %select_n3A_495, %lt3A_501 : i32
      %ne3A_503 = arith.xori %lt3A_500, %lt3A_502 : i1
      %and3A_504 = arith.andi %ne3A_503, %ne3A_498 : i1
      %add3A_505 = arith.addi %rem3A_496, %select_n3A_495 : i32
      %select_n3A_506 = arith.select %and3A_504, %add3A_505, %rem3A_496 : i32
      %eq3A_507 = arith.constant 5 : i32
      %eq3A_508 = arith.cmpi eq, %select_n3A_506, %eq3A_507 : i32
      %convert_element_type3A_509 = arith.extui %eq3A_508 : i1 to i32
      %cond3A_510 = arith.constant 0 : i32
      %cond3A_511 = arith.cmpi ne, %convert_element_type3A_509, %cond3A_510 : i32
      scf.if %cond3A_511 {
        %dma_wait3A_513 = arith.constant 0 : i32
        %dma_wait3A_514 = tpu.memref_slice %arg6[%scan3A_246, %dma_wait3A_513] : memref<80x128xi32, #tpu.memory_space<vmem>> -> memref<1x128xi32, #tpu.memory_space<vmem>>
        %dma_wait3A_515 = tpu.memref_squeeze %dma_wait3A_514 : memref<1x128xi32, #tpu.memory_space<vmem>> -> memref<128xi32, #tpu.memory_space<vmem>>
        %dma_wait3A_516 = arith.constant 0 : i32
        %dma_wait3A_517 = arith.constant 0 : i32
        %dma_wait3A_518 = tpu.memref_slice %arg2[%dma_wait3A_516, %dma_wait3A_517] : memref<20480x64xbf16, #tpu.memory_space<hbm>> -> memref<20480x64xbf16, #tpu.memory_space<hbm>>
        tpu.wait_indirect_dma semaphore(%arg19 : memref<!tpu.dma_semaphore, #tpu.memory_space<semaphore_mem>>) src(%dma_wait3A_518 : memref<20480x64xbf16, #tpu.memory_space<hbm>>) dst(%arg13 : memref<128x64xbf16, #tpu.memory_space<vmem>>)
        "tpu.region"() ({
          %run_scoped3A = tpu.sem_alloc : memref<!tpu.dma_semaphore, #tpu.memory_space<semaphore_mem>>
          %dma_start3A_519 = arith.constant 0 : i32
          %dma_start3A_520 = tpu.memref_slice %arg7[%scan3A_246, %dma_start3A_519] : memref<80x128xi32, #tpu.memory_space<vmem>> -> memref<1x128xi32, #tpu.memory_space<vmem>>
          %dma_start3A_521 = tpu.memref_squeeze %dma_start3A_520 : memref<1x128xi32, #tpu.memory_space<vmem>> -> memref<128xi32, #tpu.memory_space<vmem>>
          %dma_start3A_522 = arith.constant 0 : i32
          %dma_start3A_523 = arith.constant 0 : i32
          %dma_start3A_524 = tpu.memref_slice %arg21[%dma_start3A_522, %dma_start3A_523] : memref<10240x64xbf16, #tpu.memory_space<vmem_shared>> -> memref<10240x64xbf16, #tpu.memory_space<vmem_shared>>
          tpu.enqueue_indirect_dma source(%arg13 : memref<128x64xbf16, #tpu.memory_space<vmem>>) target(%dma_start3A_524 : memref<10240x64xbf16, #tpu.memory_space<vmem_shared>>) offsets(%dma_start3A_521 : memref<128xi32, #tpu.memory_space<vmem>>) semaphore(%run_scoped3A : memref<!tpu.dma_semaphore, #tpu.memory_space<semaphore_mem>>) {add = true}
          %dma_wait3A_525 = arith.constant 0 : i32
          %dma_wait3A_526 = tpu.memref_slice %arg7[%scan3A_246, %dma_wait3A_525] : memref<80x128xi32, #tpu.memory_space<vmem>> -> memref<1x128xi32, #tpu.memory_space<vmem>>
          %dma_wait3A_527 = tpu.memref_squeeze %dma_wait3A_526 : memref<1x128xi32, #tpu.memory_space<vmem>> -> memref<128xi32, #tpu.memory_space<vmem>>
          %dma_wait3A_528 = arith.constant 0 : i32
          %dma_wait3A_529 = arith.constant 0 : i32
          %dma_wait3A_530 = tpu.memref_slice %arg21[%dma_wait3A_528, %dma_wait3A_529] : memref<10240x64xbf16, #tpu.memory_space<vmem_shared>> -> memref<10240x64xbf16, #tpu.memory_space<vmem_shared>>
          tpu.wait_indirect_dma semaphore(%run_scoped3A : memref<!tpu.dma_semaphore, #tpu.memory_space<semaphore_mem>>) src(%arg13 : memref<128x64xbf16, #tpu.memory_space<vmem>>) dst(%dma_wait3A_530 : memref<10240x64xbf16, #tpu.memory_space<vmem_shared>>)
          tpu.yield
        }) : () -> ()
      } else {
      }
      %scan3A_512 = arith.constant 0 : i32
      scf.yield %scan3A_512 : i32
    }
    %scan3A_228 = arith.constant 80 : i32
    %barrier3A_229 = arith.constant 0 : index
    tpu.barrier barrier_id(%barrier3A_229)
    %mul3A_230 = arith.constant 640 : i32
    %mul3A_231 = arith.muli %arg1, %mul3A_230 : i32
    %mul3A_232 = arith.constant 2 : i32
    %mul3A_233 = arith.muli %arg0, %mul3A_232 : i32
    %add3A_234 = arith.constant 0 : i32
    %add3A_235 = arith.addi %mul3A_233, %add3A_234 : i32
    %mul3A_236 = arith.constant 10240 : i32
    %mul3A_237 = arith.muli %add3A_235, %mul3A_236 : i32
    %add3A_238 = arith.addi %mul3A_237, %mul3A_231 : i32
    "tpu.region"() ({
      %run_scoped3A = tpu.sem_alloc : memref<!tpu.dma_semaphore, #tpu.memory_space<semaphore_mem>>
      %dma_start3A_246 = arith.constant 0 : i32
      %dma_start3A_247 = tpu.memref_slice %arg5[%add3A_238, %dma_start3A_246] : memref<40960x64xbf16, #tpu.memory_space<hbm>> -> memref<640x64xbf16, #tpu.memory_space<hbm>>
      %dma_start3A_248 = arith.constant 0 : i32
      %dma_start3A_249 = tpu.memref_slice %arg20[%mul3A_231, %dma_start3A_248] : memref<10240x64xbf16, #tpu.memory_space<vmem_shared>> -> memref<640x64xbf16, #tpu.memory_space<vmem_shared>>
      tpu.enqueue_dma source(%dma_start3A_249 : memref<640x64xbf16, #tpu.memory_space<vmem_shared>>) target(%dma_start3A_247 : memref<640x64xbf16, #tpu.memory_space<hbm>>) target_semaphore(%run_scoped3A : memref<!tpu.dma_semaphore, #tpu.memory_space<semaphore_mem>>)
      %dma_wait3A_250 = arith.constant 0 : i32
      %dma_wait3A_251 = tpu.memref_slice %arg5[%add3A_238, %dma_wait3A_250] : memref<40960x64xbf16, #tpu.memory_space<hbm>> -> memref<640x64xbf16, #tpu.memory_space<hbm>>
      %dma_wait3A_252 = arith.constant 0 : i32
      %dma_wait3A_253 = tpu.memref_slice %arg20[%mul3A_231, %dma_wait3A_252] : memref<10240x64xbf16, #tpu.memory_space<vmem_shared>> -> memref<640x64xbf16, #tpu.memory_space<vmem_shared>>
      tpu.wait_dma2 semaphore(%run_scoped3A : memref<!tpu.dma_semaphore, #tpu.memory_space<semaphore_mem>>) src(%dma_wait3A_253 : memref<640x64xbf16, #tpu.memory_space<vmem_shared>>) dst(%dma_wait3A_251 : memref<640x64xbf16, #tpu.memory_space<hbm>>)
      tpu.yield
    }) : () -> ()
    %mul3A_239 = arith.constant 2 : i32
    %mul3A_240 = arith.muli %arg0, %mul3A_239 : i32
    %add3A_241 = arith.constant 1 : i32
    %add3A_242 = arith.addi %mul3A_240, %add3A_241 : i32
    %mul3A_243 = arith.constant 10240 : i32
    %mul3A_244 = arith.muli %add3A_242, %mul3A_243 : i32
    %add3A_245 = arith.addi %mul3A_244, %mul3A_231 : i32
    "tpu.region"() ({
      %run_scoped3A = tpu.sem_alloc : memref<!tpu.dma_semaphore, #tpu.memory_space<semaphore_mem>>
      %dma_start3A_246 = arith.constant 0 : i32
      %dma_start3A_247 = tpu.memref_slice %arg5[%add3A_245, %dma_start3A_246] : memref<40960x64xbf16, #tpu.memory_space<hbm>> -> memref<640x64xbf16, #tpu.memory_space<hbm>>
      %dma_start3A_248 = arith.constant 0 : i32
      %dma_start3A_249 = tpu.memref_slice %arg21[%mul3A_231, %dma_start3A_248] : memref<10240x64xbf16, #tpu.memory_space<vmem_shared>> -> memref<640x64xbf16, #tpu.memory_space<vmem_shared>>
      tpu.enqueue_dma source(%dma_start3A_249 : memref<640x64xbf16, #tpu.memory_space<vmem_shared>>) target(%dma_start3A_247 : memref<640x64xbf16, #tpu.memory_space<hbm>>) target_semaphore(%run_scoped3A : memref<!tpu.dma_semaphore, #tpu.memory_space<semaphore_mem>>)
      %dma_wait3A_250 = arith.constant 0 : i32
      %dma_wait3A_251 = tpu.memref_slice %arg5[%add3A_245, %dma_wait3A_250] : memref<40960x64xbf16, #tpu.memory_space<hbm>> -> memref<640x64xbf16, #tpu.memory_space<hbm>>
      %dma_wait3A_252 = arith.constant 0 : i32
      %dma_wait3A_253 = tpu.memref_slice %arg21[%mul3A_231, %dma_wait3A_252] : memref<10240x64xbf16, #tpu.memory_space<vmem_shared>> -> memref<640x64xbf16, #tpu.memory_space<vmem_shared>>
      tpu.wait_dma2 semaphore(%run_scoped3A : memref<!tpu.dma_semaphore, #tpu.memory_space<semaphore_mem>>) src(%dma_wait3A_253 : memref<640x64xbf16, #tpu.memory_space<vmem_shared>>) dst(%dma_wait3A_251 : memref<640x64xbf16, #tpu.memory_space<hbm>>)
      tpu.yield
    }) : () -> ()
    return
  }
}

#map = affine_map<(d0, d1) -> (0, 0)>
#map1 = affine_map<(d0, d1) -> (0, 0, 0)>
module attributes {stable_mosaic.version = 14 : i64} {
  func.func @_agg_kernel(%arg0: i32, %arg1: i32, %arg2: memref<20480x64xbf16, #tpu.memory_space<hbm>>, %arg3: memref<64x80x128xi32, #tpu.memory_space<hbm>>, %arg4: memref<32x80x128xi32, #tpu.memory_space<hbm>>, %arg5: memref<40960x64xbf16, #tpu.memory_space<hbm>>, %arg6: memref<80x128xi32, #tpu.memory_space<vmem>>, %arg7: memref<80x128xi32, #tpu.memory_space<vmem>>, %arg8: memref<128x64xbf16, #tpu.memory_space<vmem>>, %arg9: memref<128x64xbf16, #tpu.memory_space<vmem>>, %arg10: memref<128x64xbf16, #tpu.memory_space<vmem>>, %arg11: memref<128x64xbf16, #tpu.memory_space<vmem>>, %arg12: memref<128x64xbf16, #tpu.memory_space<vmem>>, %arg13: memref<128x64xbf16, #tpu.memory_space<vmem>>, %arg14: memref<!tpu.dma_semaphore, #tpu.memory_space<semaphore_mem>>, %arg15: memref<!tpu.dma_semaphore, #tpu.memory_space<semaphore_mem>>, %arg16: memref<!tpu.dma_semaphore, #tpu.memory_space<semaphore_mem>>, %arg17: memref<!tpu.dma_semaphore, #tpu.memory_space<semaphore_mem>>, %arg18: memref<!tpu.dma_semaphore, #tpu.memory_space<semaphore_mem>>, %arg19: memref<!tpu.dma_semaphore, #tpu.memory_space<semaphore_mem>>, %arg20: memref<10240x64xbf16, #tpu.memory_space<vmem_shared>>, %arg21: memref<10240x64xbf16, #tpu.memory_space<vmem_shared>>) attributes {dimension_semantics = [#tpu.dimension_semantics<core_parallel>, #tpu.dimension_semantics<subcore_parallel>], iteration_bounds = array<i64: 2, 16>, scalar_prefetch = 0 : i64, scratch_operands = 16 : i64, tpu.core_type = #tpu.core_type<sc_vector_subcore>, window_params = [{transform_indices = #map}, {transform_indices = #map1}, {transform_indices = #map1}, {transform_indices = #map}]} {
    %broadcast_in_dim3A = arith.constant 0.000000e+00 : bf16
    %broadcast_in_dim3A_0 = vector.broadcast %broadcast_in_dim3A : bf16 to vector<32xbf16>
    %scan3A = arith.constant 0 : i32
    %scan3A_1 = arith.constant 0 : i32
    %scan3A_2 = arith.constant 128 : i32
    %scan3A_3 = arith.addi %scan3A_1, %scan3A_2 : i32
    %scan3A_4 = arith.constant 1 : i32
    %scan3A_5 = scf.for %scan3A_246 = %scan3A_1 to %scan3A_3 step %scan3A_4 iter_args(%scan3A_247 = %scan3A) -> (i32)  : i32 {
      %swap3A = arith.index_cast %scan3A_246 : i32 to index
      %swap3A_248 = arith.constant 0 : index
      %swap3A_249 = tpu.vector_load %arg13[%swap3A, %swap3A_248] {strides = array<i32>} : memref<128x64xbf16, #tpu.memory_space<vmem>>, vector<32xbf16>,
      tpu.vector_store %arg13[%swap3A, %swap3A_248], %broadcast_in_dim3A_0 {strides = array<i32>} : memref<128x64xbf16, #tpu.memory_space<vmem>>, vector<32xbf16>,
      %swap3A_250 = arith.index_cast %scan3A_246 : i32 to index
      %swap3A_251 = arith.constant 32 : index
      %swap3A_252 = tpu.vector_load %arg13[%swap3A_250, %swap3A_251] {strides = array<i32>} : memref<128x64xbf16, #tpu.memory_space<vmem>>, vector<32xbf16>,
      tpu.vector_store %arg13[%swap3A_250, %swap3A_251], %broadcast_in_dim3A_0 {strides = array<i32>} : memref<128x64xbf16, #tpu.memory_space<vmem>>, vector<32xbf16>,
      %scan3A_253 = arith.constant 0 : i32
      scf.yield %scan3A_253 : i32
    }
    %scan3A_6 = arith.constant 128 : i32
    %mul3A = arith.constant 640 : i32
    %mul3A_7 = arith.muli %arg1, %mul3A : i32
    %add3A = arith.constant 0 : i32
    %add3A_8 = arith.addi %mul3A_7, %add3A : i32
    %dma_start3A = arith.constant 0 : i32
    %dma_start3A_9 = tpu.memref_slice %arg20[%add3A_8, %dma_start3A] : memref<10240x64xbf16, #tpu.memory_space<vmem_shared>> -> memref<128x64xbf16, #tpu.memory_space<vmem_shared>>
    %dma_start3A_10 = arith.constant 0 : i32
    %dma_start3A_11 = tpu.memref_slice %arg20[%add3A_8, %dma_start3A_10] : memref<10240x64xbf16, #tpu.memory_space<vmem_shared>> -> memref<128x64xbf16, #tpu.memory_space<vmem_shared>>
    tpu.enqueue_dma source(%arg13 : memref<128x64xbf16, #tpu.memory_space<vmem>>) target(%dma_start3A_11 : memref<128x64xbf16, #tpu.memory_space<vmem_shared>>) target_semaphore(%arg19 : memref<!tpu.dma_semaphore, #tpu.memory_space<semaphore_mem>>)
    %mul3A_12 = arith.constant 640 : i32
    %mul3A_13 = arith.muli %arg1, %mul3A_12 : i32
    %add3A_14 = arith.constant 128 : i32
    %add3A_15 = arith.addi %mul3A_13, %add3A_14 : i32
    %dma_start3A_16 = arith.constant 0 : i32
    %dma_start3A_17 = tpu.memref_slice %arg20[%add3A_15, %dma_start3A_16] : memref<10240x64xbf16, #tpu.memory_space<vmem_shared>> -> memref<128x64xbf16, #tpu.memory_space<vmem_shared>>
    %dma_start3A_18 = arith.constant 0 : i32
    %dma_start3A_19 = tpu.memref_slice %arg20[%add3A_15, %dma_start3A_18] : memref<10240x64xbf16, #tpu.memory_space<vmem_shared>> -> memref<128x64xbf16, #tpu.memory_space<vmem_shared>>
    tpu.enqueue_dma source(%arg13 : memref<128x64xbf16, #tpu.memory_space<vmem>>) target(%dma_start3A_19 : memref<128x64xbf16, #tpu.memory_space<vmem_shared>>) target_semaphore(%arg19 : memref<!tpu.dma_semaphore, #tpu.memory_space<semaphore_mem>>)
    %mul3A_20 = arith.constant 640 : i32
    %mul3A_21 = arith.muli %arg1, %mul3A_20 : i32
    %add3A_22 = arith.constant 256 : i32
    %add3A_23 = arith.addi %mul3A_21, %add3A_22 : i32
    %dma_start3A_24 = arith.constant 0 : i32
    %dma_start3A_25 = tpu.memref_slice %arg20[%add3A_23, %dma_start3A_24] : memref<10240x64xbf16, #tpu.memory_space<vmem_shared>> -> memref<128x64xbf16, #tpu.memory_space<vmem_shared>>
    %dma_start3A_26 = arith.constant 0 : i32
    %dma_start3A_27 = tpu.memref_slice %arg20[%add3A_23, %dma_start3A_26] : memref<10240x64xbf16, #tpu.memory_space<vmem_shared>> -> memref<128x64xbf16, #tpu.memory_space<vmem_shared>>
    tpu.enqueue_dma source(%arg13 : memref<128x64xbf16, #tpu.memory_space<vmem>>) target(%dma_start3A_27 : memref<128x64xbf16, #tpu.memory_space<vmem_shared>>) target_semaphore(%arg19 : memref<!tpu.dma_semaphore, #tpu.memory_space<semaphore_mem>>)
    %mul3A_28 = arith.constant 640 : i32
    %mul3A_29 = arith.muli %arg1, %mul3A_28 : i32
    %add3A_30 = arith.constant 384 : i32
    %add3A_31 = arith.addi %mul3A_29, %add3A_30 : i32
    %dma_start3A_32 = arith.constant 0 : i32
    %dma_start3A_33 = tpu.memref_slice %arg20[%add3A_31, %dma_start3A_32] : memref<10240x64xbf16, #tpu.memory_space<vmem_shared>> -> memref<128x64xbf16, #tpu.memory_space<vmem_shared>>
    %dma_start3A_34 = arith.constant 0 : i32
    %dma_start3A_35 = tpu.memref_slice %arg20[%add3A_31, %dma_start3A_34] : memref<10240x64xbf16, #tpu.memory_space<vmem_shared>> -> memref<128x64xbf16, #tpu.memory_space<vmem_shared>>
    tpu.enqueue_dma source(%arg13 : memref<128x64xbf16, #tpu.memory_space<vmem>>) target(%dma_start3A_35 : memref<128x64xbf16, #tpu.memory_space<vmem_shared>>) target_semaphore(%arg19 : memref<!tpu.dma_semaphore, #tpu.memory_space<semaphore_mem>>)
    %mul3A_36 = arith.constant 640 : i32
    %mul3A_37 = arith.muli %arg1, %mul3A_36 : i32
    %add3A_38 = arith.constant 512 : i32
    %add3A_39 = arith.addi %mul3A_37, %add3A_38 : i32
    %dma_start3A_40 = arith.constant 0 : i32
    %dma_start3A_41 = tpu.memref_slice %arg20[%add3A_39, %dma_start3A_40] : memref<10240x64xbf16, #tpu.memory_space<vmem_shared>> -> memref<128x64xbf16, #tpu.memory_space<vmem_shared>>
    %dma_start3A_42 = arith.constant 0 : i32
    %dma_start3A_43 = tpu.memref_slice %arg20[%add3A_39, %dma_start3A_42] : memref<10240x64xbf16, #tpu.memory_space<vmem_shared>> -> memref<128x64xbf16, #tpu.memory_space<vmem_shared>>
    tpu.enqueue_dma source(%arg13 : memref<128x64xbf16, #tpu.memory_space<vmem>>) target(%dma_start3A_43 : memref<128x64xbf16, #tpu.memory_space<vmem_shared>>) target_semaphore(%arg19 : memref<!tpu.dma_semaphore, #tpu.memory_space<semaphore_mem>>)
    %mul3A_44 = arith.constant 640 : i32
    %mul3A_45 = arith.muli %arg1, %mul3A_44 : i32
    %add3A_46 = arith.constant 0 : i32
    %add3A_47 = arith.addi %mul3A_45, %add3A_46 : i32
    %dma_start3A_48 = arith.constant 0 : i32
    %dma_start3A_49 = tpu.memref_slice %arg21[%add3A_47, %dma_start3A_48] : memref<10240x64xbf16, #tpu.memory_space<vmem_shared>> -> memref<128x64xbf16, #tpu.memory_space<vmem_shared>>
    %dma_start3A_50 = arith.constant 0 : i32
    %dma_start3A_51 = tpu.memref_slice %arg21[%add3A_47, %dma_start3A_50] : memref<10240x64xbf16, #tpu.memory_space<vmem_shared>> -> memref<128x64xbf16, #tpu.memory_space<vmem_shared>>
    tpu.enqueue_dma source(%arg13 : memref<128x64xbf16, #tpu.memory_space<vmem>>) target(%dma_start3A_51 : memref<128x64xbf16, #tpu.memory_space<vmem_shared>>) target_semaphore(%arg19 : memref<!tpu.dma_semaphore, #tpu.memory_space<semaphore_mem>>)
    %mul3A_52 = arith.constant 640 : i32
    %mul3A_53 = arith.muli %arg1, %mul3A_52 : i32
    %add3A_54 = arith.constant 128 : i32
    %add3A_55 = arith.addi %mul3A_53, %add3A_54 : i32
    %dma_start3A_56 = arith.constant 0 : i32
    %dma_start3A_57 = tpu.memref_slice %arg21[%add3A_55, %dma_start3A_56] : memref<10240x64xbf16, #tpu.memory_space<vmem_shared>> -> memref<128x64xbf16, #tpu.memory_space<vmem_shared>>
    %dma_start3A_58 = arith.constant 0 : i32
    %dma_start3A_59 = tpu.memref_slice %arg21[%add3A_55, %dma_start3A_58] : memref<10240x64xbf16, #tpu.memory_space<vmem_shared>> -> memref<128x64xbf16, #tpu.memory_space<vmem_shared>>
    tpu.enqueue_dma source(%arg13 : memref<128x64xbf16, #tpu.memory_space<vmem>>) target(%dma_start3A_59 : memref<128x64xbf16, #tpu.memory_space<vmem_shared>>) target_semaphore(%arg19 : memref<!tpu.dma_semaphore, #tpu.memory_space<semaphore_mem>>)
    %mul3A_60 = arith.constant 640 : i32
    %mul3A_61 = arith.muli %arg1, %mul3A_60 : i32
    %add3A_62 = arith.constant 256 : i32
    %add3A_63 = arith.addi %mul3A_61, %add3A_62 : i32
    %dma_start3A_64 = arith.constant 0 : i32
    %dma_start3A_65 = tpu.memref_slice %arg21[%add3A_63, %dma_start3A_64] : memref<10240x64xbf16, #tpu.memory_space<vmem_shared>> -> memref<128x64xbf16, #tpu.memory_space<vmem_shared>>
    %dma_start3A_66 = arith.constant 0 : i32
    %dma_start3A_67 = tpu.memref_slice %arg21[%add3A_63, %dma_start3A_66] : memref<10240x64xbf16, #tpu.memory_space<vmem_shared>> -> memref<128x64xbf16, #tpu.memory_space<vmem_shared>>
    tpu.enqueue_dma source(%arg13 : memref<128x64xbf16, #tpu.memory_space<vmem>>) target(%dma_start3A_67 : memref<128x64xbf16, #tpu.memory_space<vmem_shared>>) target_semaphore(%arg19 : memref<!tpu.dma_semaphore, #tpu.memory_space<semaphore_mem>>)
    %mul3A_68 = arith.constant 640 : i32
    %mul3A_69 = arith.muli %arg1, %mul3A_68 : i32
    %add3A_70 = arith.constant 384 : i32
    %add3A_71 = arith.addi %mul3A_69, %add3A_70 : i32
    %dma_start3A_72 = arith.constant 0 : i32
    %dma_start3A_73 = tpu.memref_slice %arg21[%add3A_71, %dma_start3A_72] : memref<10240x64xbf16, #tpu.memory_space<vmem_shared>> -> memref<128x64xbf16, #tpu.memory_space<vmem_shared>>
    %dma_start3A_74 = arith.constant 0 : i32
    %dma_start3A_75 = tpu.memref_slice %arg21[%add3A_71, %dma_start3A_74] : memref<10240x64xbf16, #tpu.memory_space<vmem_shared>> -> memref<128x64xbf16, #tpu.memory_space<vmem_shared>>
    tpu.enqueue_dma source(%arg13 : memref<128x64xbf16, #tpu.memory_space<vmem>>) target(%dma_start3A_75 : memref<128x64xbf16, #tpu.memory_space<vmem_shared>>) target_semaphore(%arg19 : memref<!tpu.dma_semaphore, #tpu.memory_space<semaphore_mem>>)
    %mul3A_76 = arith.constant 640 : i32
    %mul3A_77 = arith.muli %arg1, %mul3A_76 : i32
    %add3A_78 = arith.constant 512 : i32
    %add3A_79 = arith.addi %mul3A_77, %add3A_78 : i32
    %dma_start3A_80 = arith.constant 0 : i32
    %dma_start3A_81 = tpu.memref_slice %arg21[%add3A_79, %dma_start3A_80] : memref<10240x64xbf16, #tpu.memory_space<vmem_shared>> -> memref<128x64xbf16, #tpu.memory_space<vmem_shared>>
    %dma_start3A_82 = arith.constant 0 : i32
    %dma_start3A_83 = tpu.memref_slice %arg21[%add3A_79, %dma_start3A_82] : memref<10240x64xbf16, #tpu.memory_space<vmem_shared>> -> memref<128x64xbf16, #tpu.memory_space<vmem_shared>>
    tpu.enqueue_dma source(%arg13 : memref<128x64xbf16, #tpu.memory_space<vmem>>) target(%dma_start3A_83 : memref<128x64xbf16, #tpu.memory_space<vmem_shared>>) target_semaphore(%arg19 : memref<!tpu.dma_semaphore, #tpu.memory_space<semaphore_mem>>)
    %mul3A_84 = arith.constant 16 : i32
    %mul3A_85 = arith.muli %arg0, %mul3A_84 : i32
    %add3A_86 = arith.addi %mul3A_85, %arg1 : i32
    %mul3A_87 = arith.constant 2 : i32
    %mul3A_88 = arith.muli %add3A_86, %mul3A_87 : i32
    %add3A_89 = arith.constant 0 : i32
    %add3A_90 = arith.addi %mul3A_88, %add3A_89 : i32
    "tpu.region"() ({
      %run_scoped3A = tpu.sem_alloc : memref<!tpu.dma_semaphore, #tpu.memory_space<semaphore_mem>>
      %dma_start3A_246 = arith.constant 0 : i32
      %dma_start3A_247 = arith.constant 0 : i32
      %dma_start3A_248 = tpu.memref_slice %arg3[%add3A_90, %dma_start3A_246, %dma_start3A_247] : memref<64x80x128xi32, #tpu.memory_space<hbm>> -> memref<1x80x128xi32, #tpu.memory_space<hbm>>
      %dma_start3A_249 = tpu.memref_squeeze %dma_start3A_248 : memref<1x80x128xi32, #tpu.memory_space<hbm>> -> memref<80x128xi32, #tpu.memory_space<hbm>>
      %dma_start3A_250 = arith.constant 0 : i32
      %dma_start3A_251 = arith.constant 0 : i32
      %dma_start3A_252 = tpu.memref_slice %arg3[%add3A_90, %dma_start3A_250, %dma_start3A_251] : memref<64x80x128xi32, #tpu.memory_space<hbm>> -> memref<1x80x128xi32, #tpu.memory_space<hbm>>
      %dma_start3A_253 = tpu.memref_squeeze %dma_start3A_252 : memref<1x80x128xi32, #tpu.memory_space<hbm>> -> memref<80x128xi32, #tpu.memory_space<hbm>>
      tpu.enqueue_dma source(%dma_start3A_253 : memref<80x128xi32, #tpu.memory_space<hbm>>) target(%arg6 : memref<80x128xi32, #tpu.memory_space<vmem>>) target_semaphore(%run_scoped3A : memref<!tpu.dma_semaphore, #tpu.memory_space<semaphore_mem>>)
      %dma_wait3A_254 = arith.constant 0 : i32
      %dma_wait3A_255 = arith.constant 0 : i32
      %dma_wait3A_256 = tpu.memref_slice %arg3[%add3A_90, %dma_wait3A_254, %dma_wait3A_255] : memref<64x80x128xi32, #tpu.memory_space<hbm>> -> memref<1x80x128xi32, #tpu.memory_space<hbm>>
      %dma_wait3A_257 = tpu.memref_squeeze %dma_wait3A_256 : memref<1x80x128xi32, #tpu.memory_space<hbm>> -> memref<80x128xi32, #tpu.memory_space<hbm>>
      %dma_wait3A_258 = arith.constant 0 : i32
      %dma_wait3A_259 = arith.constant 0 : i32
      %dma_wait3A_260 = tpu.memref_slice %arg3[%add3A_90, %dma_wait3A_258, %dma_wait3A_259] : memref<64x80x128xi32, #tpu.memory_space<hbm>> -> memref<1x80x128xi32, #tpu.memory_space<hbm>>
      %dma_wait3A_261 = tpu.memref_squeeze %dma_wait3A_260 : memref<1x80x128xi32, #tpu.memory_space<hbm>> -> memref<80x128xi32, #tpu.memory_space<hbm>>
      tpu.wait_dma2 semaphore(%run_scoped3A : memref<!tpu.dma_semaphore, #tpu.memory_space<semaphore_mem>>) src(%dma_wait3A_261 : memref<80x128xi32, #tpu.memory_space<hbm>>) dst(%arg6 : memref<80x128xi32, #tpu.memory_space<vmem>>)
      tpu.yield
    }) : () -> ()
    %mul3A_91 = arith.constant 2 : i32
    %mul3A_92 = arith.muli %arg1, %mul3A_91 : i32
    %add3A_93 = arith.constant 0 : i32
    %add3A_94 = arith.addi %mul3A_92, %add3A_93 : i32
    "tpu.region"() ({
      %run_scoped3A = tpu.sem_alloc : memref<!tpu.dma_semaphore, #tpu.memory_space<semaphore_mem>>
      %dma_start3A_246 = arith.constant 0 : i32
      %dma_start3A_247 = arith.constant 0 : i32
      %dma_start3A_248 = tpu.memref_slice %arg4[%add3A_94, %dma_start3A_246, %dma_start3A_247] : memref<32x80x128xi32, #tpu.memory_space<hbm>> -> memref<1x80x128xi32, #tpu.memory_space<hbm>>
      %dma_start3A_249 = tpu.memref_squeeze %dma_start3A_248 : memref<1x80x128xi32, #tpu.memory_space<hbm>> -> memref<80x128xi32, #tpu.memory_space<hbm>>
      %dma_start3A_250 = arith.constant 0 : i32
      %dma_start3A_251 = arith.constant 0 : i32
      %dma_start3A_252 = tpu.memref_slice %arg4[%add3A_94, %dma_start3A_250, %dma_start3A_251] : memref<32x80x128xi32, #tpu.memory_space<hbm>> -> memref<1x80x128xi32, #tpu.memory_space<hbm>>
      %dma_start3A_253 = tpu.memref_squeeze %dma_start3A_252 : memref<1x80x128xi32, #tpu.memory_space<hbm>> -> memref<80x128xi32, #tpu.memory_space<hbm>>
      tpu.enqueue_dma source(%dma_start3A_253 : memref<80x128xi32, #tpu.memory_space<hbm>>) target(%arg7 : memref<80x128xi32, #tpu.memory_space<vmem>>) target_semaphore(%run_scoped3A : memref<!tpu.dma_semaphore, #tpu.memory_space<semaphore_mem>>)
      %dma_wait3A_254 = arith.constant 0 : i32
      %dma_wait3A_255 = arith.constant 0 : i32
      %dma_wait3A_256 = tpu.memref_slice %arg4[%add3A_94, %dma_wait3A_254, %dma_wait3A_255] : memref<32x80x128xi32, #tpu.memory_space<hbm>> -> memref<1x80x128xi32, #tpu.memory_space<hbm>>
      %dma_wait3A_257 = tpu.memref_squeeze %dma_wait3A_256 : memref<1x80x128xi32, #tpu.memory_space<hbm>> -> memref<80x128xi32, #tpu.memory_space<hbm>>
      %dma_wait3A_258 = arith.constant 0 : i32
      %dma_wait3A_259 = arith.constant 0 : i32
      %dma_wait3A_260 = tpu.memref_slice %arg4[%add3A_94, %dma_wait3A_258, %dma_wait3A_259] : memref<32x80x128xi32, #tpu.memory_space<hbm>> -> memref<1x80x128xi32, #tpu.memory_space<hbm>>
      %dma_wait3A_261 = tpu.memref_squeeze %dma_wait3A_260 : memref<1x80x128xi32, #tpu.memory_space<hbm>> -> memref<80x128xi32, #tpu.memory_space<hbm>>
      tpu.wait_dma2 semaphore(%run_scoped3A : memref<!tpu.dma_semaphore, #tpu.memory_space<semaphore_mem>>) src(%dma_wait3A_261 : memref<80x128xi32, #tpu.memory_space<hbm>>) dst(%arg7 : memref<80x128xi32, #tpu.memory_space<vmem>>)
      tpu.yield
    }) : () -> ()
    %dma_start3A_95 = arith.constant 0 : i32
    %dma_start3A_96 = arith.constant 0 : i32
    %dma_start3A_97 = tpu.memref_slice %arg6[%dma_start3A_95, %dma_start3A_96] : memref<80x128xi32, #tpu.memory_space<vmem>> -> memref<1x128xi32, #tpu.memory_space<vmem>>
    %dma_start3A_98 = tpu.memref_squeeze %dma_start3A_97 : memref<1x128xi32, #tpu.memory_space<vmem>> -> memref<128xi32, #tpu.memory_space<vmem>>
    %dma_start3A_99 = arith.constant 0 : i32
    %dma_start3A_100 = arith.constant 0 : i32
    %dma_start3A_101 = tpu.memref_slice %arg2[%dma_start3A_99, %dma_start3A_100] : memref<20480x64xbf16, #tpu.memory_space<hbm>> -> memref<20480x64xbf16, #tpu.memory_space<hbm>>
    tpu.enqueue_indirect_dma source(%dma_start3A_101 : memref<20480x64xbf16, #tpu.memory_space<hbm>>) target(%arg8 : memref<128x64xbf16, #tpu.memory_space<vmem>>) offsets(%dma_start3A_98 : memref<128xi32, #tpu.memory_space<vmem>>) semaphore(%arg14 : memref<!tpu.dma_semaphore, #tpu.memory_space<semaphore_mem>>)
    %dma_start3A_102 = arith.constant 1 : i32
    %dma_start3A_103 = arith.constant 0 : i32
    %dma_start3A_104 = tpu.memref_slice %arg6[%dma_start3A_102, %dma_start3A_103] : memref<80x128xi32, #tpu.memory_space<vmem>> -> memref<1x128xi32, #tpu.memory_space<vmem>>
    %dma_start3A_105 = tpu.memref_squeeze %dma_start3A_104 : memref<1x128xi32, #tpu.memory_space<vmem>> -> memref<128xi32, #tpu.memory_space<vmem>>
    %dma_start3A_106 = arith.constant 0 : i32
    %dma_start3A_107 = arith.constant 0 : i32
    %dma_start3A_108 = tpu.memref_slice %arg2[%dma_start3A_106, %dma_start3A_107] : memref<20480x64xbf16, #tpu.memory_space<hbm>> -> memref<20480x64xbf16, #tpu.memory_space<hbm>>
    tpu.enqueue_indirect_dma source(%dma_start3A_108 : memref<20480x64xbf16, #tpu.memory_space<hbm>>) target(%arg9 : memref<128x64xbf16, #tpu.memory_space<vmem>>) offsets(%dma_start3A_105 : memref<128xi32, #tpu.memory_space<vmem>>) semaphore(%arg15 : memref<!tpu.dma_semaphore, #tpu.memory_space<semaphore_mem>>)
    %dma_start3A_109 = arith.constant 2 : i32
    %dma_start3A_110 = arith.constant 0 : i32
    %dma_start3A_111 = tpu.memref_slice %arg6[%dma_start3A_109, %dma_start3A_110] : memref<80x128xi32, #tpu.memory_space<vmem>> -> memref<1x128xi32, #tpu.memory_space<vmem>>
    %dma_start3A_112 = tpu.memref_squeeze %dma_start3A_111 : memref<1x128xi32, #tpu.memory_space<vmem>> -> memref<128xi32, #tpu.memory_space<vmem>>
    %dma_start3A_113 = arith.constant 0 : i32
    %dma_start3A_114 = arith.constant 0 : i32
    %dma_start3A_115 = tpu.memref_slice %arg2[%dma_start3A_113, %dma_start3A_114] : memref<20480x64xbf16, #tpu.memory_space<hbm>> -> memref<20480x64xbf16, #tpu.memory_space<hbm>>
    tpu.enqueue_indirect_dma source(%dma_start3A_115 : memref<20480x64xbf16, #tpu.memory_space<hbm>>) target(%arg10 : memref<128x64xbf16, #tpu.memory_space<vmem>>) offsets(%dma_start3A_112 : memref<128xi32, #tpu.memory_space<vmem>>) semaphore(%arg16 : memref<!tpu.dma_semaphore, #tpu.memory_space<semaphore_mem>>)
    %dma_start3A_116 = arith.constant 3 : i32
    %dma_start3A_117 = arith.constant 0 : i32
    %dma_start3A_118 = tpu.memref_slice %arg6[%dma_start3A_116, %dma_start3A_117] : memref<80x128xi32, #tpu.memory_space<vmem>> -> memref<1x128xi32, #tpu.memory_space<vmem>>
    %dma_start3A_119 = tpu.memref_squeeze %dma_start3A_118 : memref<1x128xi32, #tpu.memory_space<vmem>> -> memref<128xi32, #tpu.memory_space<vmem>>
    %dma_start3A_120 = arith.constant 0 : i32
    %dma_start3A_121 = arith.constant 0 : i32
    %dma_start3A_122 = tpu.memref_slice %arg2[%dma_start3A_120, %dma_start3A_121] : memref<20480x64xbf16, #tpu.memory_space<hbm>> -> memref<20480x64xbf16, #tpu.memory_space<hbm>>
    tpu.enqueue_indirect_dma source(%dma_start3A_122 : memref<20480x64xbf16, #tpu.memory_space<hbm>>) target(%arg11 : memref<128x64xbf16, #tpu.memory_space<vmem>>) offsets(%dma_start3A_119 : memref<128xi32, #tpu.memory_space<vmem>>) semaphore(%arg17 : memref<!tpu.dma_semaphore, #tpu.memory_space<semaphore_mem>>)
    %dma_start3A_123 = arith.constant 4 : i32
    %dma_start3A_124 = arith.constant 0 : i32
    %dma_start3A_125 = tpu.memref_slice %arg6[%dma_start3A_123, %dma_start3A_124] : memref<80x128xi32, #tpu.memory_space<vmem>> -> memref<1x128xi32, #tpu.memory_space<vmem>>
    %dma_start3A_126 = tpu.memref_squeeze %dma_start3A_125 : memref<1x128xi32, #tpu.memory_space<vmem>> -> memref<128xi32, #tpu.memory_space<vmem>>
    %dma_start3A_127 = arith.constant 0 : i32
    %dma_start3A_128 = arith.constant 0 : i32
    %dma_start3A_129 = tpu.memref_slice %arg2[%dma_start3A_127, %dma_start3A_128] : memref<20480x64xbf16, #tpu.memory_space<hbm>> -> memref<20480x64xbf16, #tpu.memory_space<hbm>>
    tpu.enqueue_indirect_dma source(%dma_start3A_129 : memref<20480x64xbf16, #tpu.memory_space<hbm>>) target(%arg12 : memref<128x64xbf16, #tpu.memory_space<vmem>>) offsets(%dma_start3A_126 : memref<128xi32, #tpu.memory_space<vmem>>) semaphore(%arg18 : memref<!tpu.dma_semaphore, #tpu.memory_space<semaphore_mem>>)
    %dma_wait3A = arith.constant 0 : i32
    %dma_wait3A_130 = tpu.memref_slice %arg20[%add3A_8, %dma_wait3A] : memref<10240x64xbf16, #tpu.memory_space<vmem_shared>> -> memref<128x64xbf16, #tpu.memory_space<vmem_shared>>
    %dma_wait3A_131 = arith.constant 0 : i32
    %dma_wait3A_132 = tpu.memref_slice %arg20[%add3A_8, %dma_wait3A_131] : memref<10240x64xbf16, #tpu.memory_space<vmem_shared>> -> memref<128x64xbf16, #tpu.memory_space<vmem_shared>>
    tpu.wait_dma2 semaphore(%arg19 : memref<!tpu.dma_semaphore, #tpu.memory_space<semaphore_mem>>) src(%arg13 : memref<128x64xbf16, #tpu.memory_space<vmem>>) dst(%dma_wait3A_132 : memref<128x64xbf16, #tpu.memory_space<vmem_shared>>)
    %dma_wait3A_133 = arith.constant 0 : i32
    %dma_wait3A_134 = tpu.memref_slice %arg20[%add3A_15, %dma_wait3A_133] : memref<10240x64xbf16, #tpu.memory_space<vmem_shared>> -> memref<128x64xbf16, #tpu.memory_space<vmem_shared>>
    %dma_wait3A_135 = arith.constant 0 : i32
    %dma_wait3A_136 = tpu.memref_slice %arg20[%add3A_15, %dma_wait3A_135] : memref<10240x64xbf16, #tpu.memory_space<vmem_shared>> -> memref<128x64xbf16, #tpu.memory_space<vmem_shared>>
    tpu.wait_dma2 semaphore(%arg19 : memref<!tpu.dma_semaphore, #tpu.memory_space<semaphore_mem>>) src(%arg13 : memref<128x64xbf16, #tpu.memory_space<vmem>>) dst(%dma_wait3A_136 : memref<128x64xbf16, #tpu.memory_space<vmem_shared>>)
    %dma_wait3A_137 = arith.constant 0 : i32
    %dma_wait3A_138 = tpu.memref_slice %arg20[%add3A_23, %dma_wait3A_137] : memref<10240x64xbf16, #tpu.memory_space<vmem_shared>> -> memref<128x64xbf16, #tpu.memory_space<vmem_shared>>
    %dma_wait3A_139 = arith.constant 0 : i32
    %dma_wait3A_140 = tpu.memref_slice %arg20[%add3A_23, %dma_wait3A_139] : memref<10240x64xbf16, #tpu.memory_space<vmem_shared>> -> memref<128x64xbf16, #tpu.memory_space<vmem_shared>>
    tpu.wait_dma2 semaphore(%arg19 : memref<!tpu.dma_semaphore, #tpu.memory_space<semaphore_mem>>) src(%arg13 : memref<128x64xbf16, #tpu.memory_space<vmem>>) dst(%dma_wait3A_140 : memref<128x64xbf16, #tpu.memory_space<vmem_shared>>)
    %dma_wait3A_141 = arith.constant 0 : i32
    %dma_wait3A_142 = tpu.memref_slice %arg20[%add3A_31, %dma_wait3A_141] : memref<10240x64xbf16, #tpu.memory_space<vmem_shared>> -> memref<128x64xbf16, #tpu.memory_space<vmem_shared>>
    %dma_wait3A_143 = arith.constant 0 : i32
    %dma_wait3A_144 = tpu.memref_slice %arg20[%add3A_31, %dma_wait3A_143] : memref<10240x64xbf16, #tpu.memory_space<vmem_shared>> -> memref<128x64xbf16, #tpu.memory_space<vmem_shared>>
    tpu.wait_dma2 semaphore(%arg19 : memref<!tpu.dma_semaphore, #tpu.memory_space<semaphore_mem>>) src(%arg13 : memref<128x64xbf16, #tpu.memory_space<vmem>>) dst(%dma_wait3A_144 : memref<128x64xbf16, #tpu.memory_space<vmem_shared>>)
    %dma_wait3A_145 = arith.constant 0 : i32
    %dma_wait3A_146 = tpu.memref_slice %arg20[%add3A_39, %dma_wait3A_145] : memref<10240x64xbf16, #tpu.memory_space<vmem_shared>> -> memref<128x64xbf16, #tpu.memory_space<vmem_shared>>
    %dma_wait3A_147 = arith.constant 0 : i32
    %dma_wait3A_148 = tpu.memref_slice %arg20[%add3A_39, %dma_wait3A_147] : memref<10240x64xbf16, #tpu.memory_space<vmem_shared>> -> memref<128x64xbf16, #tpu.memory_space<vmem_shared>>
    tpu.wait_dma2 semaphore(%arg19 : memref<!tpu.dma_semaphore, #tpu.memory_space<semaphore_mem>>) src(%arg13 : memref<128x64xbf16, #tpu.memory_space<vmem>>) dst(%dma_wait3A_148 : memref<128x64xbf16, #tpu.memory_space<vmem_shared>>)
    %dma_wait3A_149 = arith.constant 0 : i32
    %dma_wait3A_150 = tpu.memref_slice %arg21[%add3A_47, %dma_wait3A_149] : memref<10240x64xbf16, #tpu.memory_space<vmem_shared>> -> memref<128x64xbf16, #tpu.memory_space<vmem_shared>>
    %dma_wait3A_151 = arith.constant 0 : i32
    %dma_wait3A_152 = tpu.memref_slice %arg21[%add3A_47, %dma_wait3A_151] : memref<10240x64xbf16, #tpu.memory_space<vmem_shared>> -> memref<128x64xbf16, #tpu.memory_space<vmem_shared>>
    tpu.wait_dma2 semaphore(%arg19 : memref<!tpu.dma_semaphore, #tpu.memory_space<semaphore_mem>>) src(%arg13 : memref<128x64xbf16, #tpu.memory_space<vmem>>) dst(%dma_wait3A_152 : memref<128x64xbf16, #tpu.memory_space<vmem_shared>>)
    %dma_wait3A_153 = arith.constant 0 : i32
    %dma_wait3A_154 = tpu.memref_slice %arg21[%add3A_55, %dma_wait3A_153] : memref<10240x64xbf16, #tpu.memory_space<vmem_shared>> -> memref<128x64xbf16, #tpu.memory_space<vmem_shared>>
    %dma_wait3A_155 = arith.constant 0 : i32
    %dma_wait3A_156 = tpu.memref_slice %arg21[%add3A_55, %dma_wait3A_155] : memref<10240x64xbf16, #tpu.memory_space<vmem_shared>> -> memref<128x64xbf16, #tpu.memory_space<vmem_shared>>
    tpu.wait_dma2 semaphore(%arg19 : memref<!tpu.dma_semaphore, #tpu.memory_space<semaphore_mem>>) src(%arg13 : memref<128x64xbf16, #tpu.memory_space<vmem>>) dst(%dma_wait3A_156 : memref<128x64xbf16, #tpu.memory_space<vmem_shared>>)
    %dma_wait3A_157 = arith.constant 0 : i32
    %dma_wait3A_158 = tpu.memref_slice %arg21[%add3A_63, %dma_wait3A_157] : memref<10240x64xbf16, #tpu.memory_space<vmem_shared>> -> memref<128x64xbf16, #tpu.memory_space<vmem_shared>>
    %dma_wait3A_159 = arith.constant 0 : i32
    %dma_wait3A_160 = tpu.memref_slice %arg21[%add3A_63, %dma_wait3A_159] : memref<10240x64xbf16, #tpu.memory_space<vmem_shared>> -> memref<128x64xbf16, #tpu.memory_space<vmem_shared>>
    tpu.wait_dma2 semaphore(%arg19 : memref<!tpu.dma_semaphore, #tpu.memory_space<semaphore_mem>>) src(%arg13 : memref<128x64xbf16, #tpu.memory_space<vmem>>) dst(%dma_wait3A_160 : memref<128x64xbf16, #tpu.memory_space<vmem_shared>>)
    %dma_wait3A_161 = arith.constant 0 : i32
    %dma_wait3A_162 = tpu.memref_slice %arg21[%add3A_71, %dma_wait3A_161] : memref<10240x64xbf16, #tpu.memory_space<vmem_shared>> -> memref<128x64xbf16, #tpu.memory_space<vmem_shared>>
    %dma_wait3A_163 = arith.constant 0 : i32
    %dma_wait3A_164 = tpu.memref_slice %arg21[%add3A_71, %dma_wait3A_163] : memref<10240x64xbf16, #tpu.memory_space<vmem_shared>> -> memref<128x64xbf16, #tpu.memory_space<vmem_shared>>
    tpu.wait_dma2 semaphore(%arg19 : memref<!tpu.dma_semaphore, #tpu.memory_space<semaphore_mem>>) src(%arg13 : memref<128x64xbf16, #tpu.memory_space<vmem>>) dst(%dma_wait3A_164 : memref<128x64xbf16, #tpu.memory_space<vmem_shared>>)
    %dma_wait3A_165 = arith.constant 0 : i32
    %dma_wait3A_166 = tpu.memref_slice %arg21[%add3A_79, %dma_wait3A_165] : memref<10240x64xbf16, #tpu.memory_space<vmem_shared>> -> memref<128x64xbf16, #tpu.memory_space<vmem_shared>>
    %dma_wait3A_167 = arith.constant 0 : i32
    %dma_wait3A_168 = tpu.memref_slice %arg21[%add3A_79, %dma_wait3A_167] : memref<10240x64xbf16, #tpu.memory_space<vmem_shared>> -> memref<128x64xbf16, #tpu.memory_space<vmem_shared>>
    tpu.wait_dma2 semaphore(%arg19 : memref<!tpu.dma_semaphore, #tpu.memory_space<semaphore_mem>>) src(%arg13 : memref<128x64xbf16, #tpu.memory_space<vmem>>) dst(%dma_wait3A_168 : memref<128x64xbf16, #tpu.memory_space<vmem_shared>>)
    %barrier3A = arith.constant 0 : index
    tpu.barrier barrier_id(%barrier3A)
    %scan3A_169 = arith.constant 0 : i32
    %scan3A_170 = arith.constant 0 : i32
    %scan3A_171 = arith.constant 80 : i32
    %scan3A_172 = arith.addi %scan3A_170, %scan3A_171 : i32
    %scan3A_173 = arith.constant 1 : i32
    %scan3A_174 = scf.for %scan3A_246 = %scan3A_170 to %scan3A_172 step %scan3A_173 iter_args(%scan3A_247 = %scan3A_169) -> (i32)  : i32 {
      %add3A_248 = arith.constant 6 : i32
      %add3A_249 = arith.addi %scan3A_246, %add3A_248 : i32
      %sub3A = arith.constant 1 : i32
      %sub3A_250 = arith.subi %add3A_249, %sub3A : i32
      %lt3A = arith.constant 80 : i32
      %lt3A_251 = arith.cmpi slt, %sub3A_250, %lt3A : i32
      %jit3A = arith.constant 6 : i32
      %eq3A = arith.constant 0 : i32
      %eq3A_252 = arith.cmpi eq, %jit3A, %eq3A : i32
      %jit3A_253 = arith.constant 1 : i32
      %select_n3A = arith.select %eq3A_252, %jit3A_253, %jit3A : i32
      %rem3A = arith.remsi %sub3A_250, %select_n3A : i32
      %ne3A = arith.constant 0 : i32
      %ne3A_254 = arith.cmpi ne, %rem3A, %ne3A : i32
      %lt3A_255 = arith.constant 0 : i32
      %lt3A_256 = arith.cmpi slt, %rem3A, %lt3A_255 : i32
      %lt3A_257 = arith.constant 0 : i32
      %lt3A_258 = arith.cmpi slt, %select_n3A, %lt3A_257 : i32
      %ne3A_259 = arith.xori %lt3A_256, %lt3A_258 : i1
      %and3A = arith.andi %ne3A_259, %ne3A_254 : i1
      %add3A_260 = arith.addi %rem3A, %select_n3A : i32
      %select_n3A_261 = arith.select %and3A, %add3A_260, %rem3A : i32
      %eq3A_262 = arith.constant 0 : i32
      %eq3A_263 = arith.cmpi eq, %select_n3A_261, %eq3A_262 : i32
      %and3A_264 = arith.andi %lt3A_251, %eq3A_263 : i1
      %convert_element_type3A = arith.extui %and3A_264 : i1 to i32
      %cond3A = arith.constant 0 : i32
      %cond3A_265 = arith.cmpi ne, %convert_element_type3A, %cond3A : i32
      scf.if %cond3A_265 {
        %dma_start3A_513 = arith.constant 0 : i32
        %dma_start3A_514 = tpu.memref_slice %arg6[%sub3A_250, %dma_start3A_513] : memref<80x128xi32, #tpu.memory_space<vmem>> -> memref<1x128xi32, #tpu.memory_space<vmem>>
        %dma_start3A_515 = tpu.memref_squeeze %dma_start3A_514 : memref<1x128xi32, #tpu.memory_space<vmem>> -> memref<128xi32, #tpu.memory_space<vmem>>
        %dma_start3A_516 = arith.constant 0 : i32
        %dma_start3A_517 = arith.constant 0 : i32
        %dma_start3A_518 = tpu.memref_slice %arg2[%dma_start3A_516, %dma_start3A_517] : memref<20480x64xbf16, #tpu.memory_space<hbm>> -> memref<20480x64xbf16, #tpu.memory_space<hbm>>
        tpu.enqueue_indirect_dma source(%dma_start3A_518 : memref<20480x64xbf16, #tpu.memory_space<hbm>>) target(%arg8 : memref<128x64xbf16, #tpu.memory_space<vmem>>) offsets(%dma_start3A_515 : memref<128xi32, #tpu.memory_space<vmem>>) semaphore(%arg14 : memref<!tpu.dma_semaphore, #tpu.memory_space<semaphore_mem>>)
      } else {
      }
      %lt3A_266 = arith.constant 80 : i32
      %lt3A_267 = arith.cmpi slt, %sub3A_250, %lt3A_266 : i32
      %jit3A_268 = arith.constant 6 : i32
      %eq3A_269 = arith.constant 0 : i32
      %eq3A_270 = arith.cmpi eq, %jit3A_268, %eq3A_269 : i32
      %jit3A_271 = arith.constant 1 : i32
      %select_n3A_272 = arith.select %eq3A_270, %jit3A_271, %jit3A_268 : i32
      %rem3A_273 = arith.remsi %sub3A_250, %select_n3A_272 : i32
      %ne3A_274 = arith.constant 0 : i32
      %ne3A_275 = arith.cmpi ne, %rem3A_273, %ne3A_274 : i32
      %lt3A_276 = arith.constant 0 : i32
      %lt3A_277 = arith.cmpi slt, %rem3A_273, %lt3A_276 : i32
      %lt3A_278 = arith.constant 0 : i32
      %lt3A_279 = arith.cmpi slt, %select_n3A_272, %lt3A_278 : i32
      %ne3A_280 = arith.xori %lt3A_277, %lt3A_279 : i1
      %and3A_281 = arith.andi %ne3A_280, %ne3A_275 : i1
      %add3A_282 = arith.addi %rem3A_273, %select_n3A_272 : i32
      %select_n3A_283 = arith.select %and3A_281, %add3A_282, %rem3A_273 : i32
      %eq3A_284 = arith.constant 1 : i32
      %eq3A_285 = arith.cmpi eq, %select_n3A_283, %eq3A_284 : i32
      %and3A_286 = arith.andi %lt3A_267, %eq3A_285 : i1
      %convert_element_type3A_287 = arith.extui %and3A_286 : i1 to i32
      %cond3A_288 = arith.constant 0 : i32
      %cond3A_289 = arith.cmpi ne, %convert_element_type3A_287, %cond3A_288 : i32
      scf.if %cond3A_289 {
        %dma_start3A_513 = arith.constant 0 : i32
        %dma_start3A_514 = tpu.memref_slice %arg6[%sub3A_250, %dma_start3A_513] : memref<80x128xi32, #tpu.memory_space<vmem>> -> memref<1x128xi32, #tpu.memory_space<vmem>>
        %dma_start3A_515 = tpu.memref_squeeze %dma_start3A_514 : memref<1x128xi32, #tpu.memory_space<vmem>> -> memref<128xi32, #tpu.memory_space<vmem>>
        %dma_start3A_516 = arith.constant 0 : i32
        %dma_start3A_517 = arith.constant 0 : i32
        %dma_start3A_518 = tpu.memref_slice %arg2[%dma_start3A_516, %dma_start3A_517] : memref<20480x64xbf16, #tpu.memory_space<hbm>> -> memref<20480x64xbf16, #tpu.memory_space<hbm>>
        tpu.enqueue_indirect_dma source(%dma_start3A_518 : memref<20480x64xbf16, #tpu.memory_space<hbm>>) target(%arg9 : memref<128x64xbf16, #tpu.memory_space<vmem>>) offsets(%dma_start3A_515 : memref<128xi32, #tpu.memory_space<vmem>>) semaphore(%arg15 : memref<!tpu.dma_semaphore, #tpu.memory_space<semaphore_mem>>)
      } else {
      }
      %lt3A_290 = arith.constant 80 : i32
      %lt3A_291 = arith.cmpi slt, %sub3A_250, %lt3A_290 : i32
      %jit3A_292 = arith.constant 6 : i32
      %eq3A_293 = arith.constant 0 : i32
      %eq3A_294 = arith.cmpi eq, %jit3A_292, %eq3A_293 : i32
      %jit3A_295 = arith.constant 1 : i32
      %select_n3A_296 = arith.select %eq3A_294, %jit3A_295, %jit3A_292 : i32
      %rem3A_297 = arith.remsi %sub3A_250, %select_n3A_296 : i32
      %ne3A_298 = arith.constant 0 : i32
      %ne3A_299 = arith.cmpi ne, %rem3A_297, %ne3A_298 : i32
      %lt3A_300 = arith.constant 0 : i32
      %lt3A_301 = arith.cmpi slt, %rem3A_297, %lt3A_300 : i32
      %lt3A_302 = arith.constant 0 : i32
      %lt3A_303 = arith.cmpi slt, %select_n3A_296, %lt3A_302 : i32
      %ne3A_304 = arith.xori %lt3A_301, %lt3A_303 : i1
      %and3A_305 = arith.andi %ne3A_304, %ne3A_299 : i1
      %add3A_306 = arith.addi %rem3A_297, %select_n3A_296 : i32
      %select_n3A_307 = arith.select %and3A_305, %add3A_306, %rem3A_297 : i32
      %eq3A_308 = arith.constant 2 : i32
      %eq3A_309 = arith.cmpi eq, %select_n3A_307, %eq3A_308 : i32
      %and3A_310 = arith.andi %lt3A_291, %eq3A_309 : i1
      %convert_element_type3A_311 = arith.extui %and3A_310 : i1 to i32
      %cond3A_312 = arith.constant 0 : i32
      %cond3A_313 = arith.cmpi ne, %convert_element_type3A_311, %cond3A_312 : i32
      scf.if %cond3A_313 {
        %dma_start3A_513 = arith.constant 0 : i32
        %dma_start3A_514 = tpu.memref_slice %arg6[%sub3A_250, %dma_start3A_513] : memref<80x128xi32, #tpu.memory_space<vmem>> -> memref<1x128xi32, #tpu.memory_space<vmem>>
        %dma_start3A_515 = tpu.memref_squeeze %dma_start3A_514 : memref<1x128xi32, #tpu.memory_space<vmem>> -> memref<128xi32, #tpu.memory_space<vmem>>
        %dma_start3A_516 = arith.constant 0 : i32
        %dma_start3A_517 = arith.constant 0 : i32
        %dma_start3A_518 = tpu.memref_slice %arg2[%dma_start3A_516, %dma_start3A_517] : memref<20480x64xbf16, #tpu.memory_space<hbm>> -> memref<20480x64xbf16, #tpu.memory_space<hbm>>
        tpu.enqueue_indirect_dma source(%dma_start3A_518 : memref<20480x64xbf16, #tpu.memory_space<hbm>>) target(%arg10 : memref<128x64xbf16, #tpu.memory_space<vmem>>) offsets(%dma_start3A_515 : memref<128xi32, #tpu.memory_space<vmem>>) semaphore(%arg16 : memref<!tpu.dma_semaphore, #tpu.memory_space<semaphore_mem>>)
      } else {
      }
      %lt3A_314 = arith.constant 80 : i32
      %lt3A_315 = arith.cmpi slt, %sub3A_250, %lt3A_314 : i32
      %jit3A_316 = arith.constant 6 : i32
      %eq3A_317 = arith.constant 0 : i32
      %eq3A_318 = arith.cmpi eq, %jit3A_316, %eq3A_317 : i32
      %jit3A_319 = arith.constant 1 : i32
      %select_n3A_320 = arith.select %eq3A_318, %jit3A_319, %jit3A_316 : i32
      %rem3A_321 = arith.remsi %sub3A_250, %select_n3A_320 : i32
      %ne3A_322 = arith.constant 0 : i32
      %ne3A_323 = arith.cmpi ne, %rem3A_321, %ne3A_322 : i32
      %lt3A_324 = arith.constant 0 : i32
      %lt3A_325 = arith.cmpi slt, %rem3A_321, %lt3A_324 : i32
      %lt3A_326 = arith.constant 0 : i32
      %lt3A_327 = arith.cmpi slt, %select_n3A_320, %lt3A_326 : i32
      %ne3A_328 = arith.xori %lt3A_325, %lt3A_327 : i1
      %and3A_329 = arith.andi %ne3A_328, %ne3A_323 : i1
      %add3A_330 = arith.addi %rem3A_321, %select_n3A_320 : i32
      %select_n3A_331 = arith.select %and3A_329, %add3A_330, %rem3A_321 : i32
      %eq3A_332 = arith.constant 3 : i32
      %eq3A_333 = arith.cmpi eq, %select_n3A_331, %eq3A_332 : i32
      %and3A_334 = arith.andi %lt3A_315, %eq3A_333 : i1
      %convert_element_type3A_335 = arith.extui %and3A_334 : i1 to i32
      %cond3A_336 = arith.constant 0 : i32
      %cond3A_337 = arith.cmpi ne, %convert_element_type3A_335, %cond3A_336 : i32
      scf.if %cond3A_337 {
        %dma_start3A_513 = arith.constant 0 : i32
        %dma_start3A_514 = tpu.memref_slice %arg6[%sub3A_250, %dma_start3A_513] : memref<80x128xi32, #tpu.memory_space<vmem>> -> memref<1x128xi32, #tpu.memory_space<vmem>>
        %dma_start3A_515 = tpu.memref_squeeze %dma_start3A_514 : memref<1x128xi32, #tpu.memory_space<vmem>> -> memref<128xi32, #tpu.memory_space<vmem>>
        %dma_start3A_516 = arith.constant 0 : i32
        %dma_start3A_517 = arith.constant 0 : i32
        %dma_start3A_518 = tpu.memref_slice %arg2[%dma_start3A_516, %dma_start3A_517] : memref<20480x64xbf16, #tpu.memory_space<hbm>> -> memref<20480x64xbf16, #tpu.memory_space<hbm>>
        tpu.enqueue_indirect_dma source(%dma_start3A_518 : memref<20480x64xbf16, #tpu.memory_space<hbm>>) target(%arg11 : memref<128x64xbf16, #tpu.memory_space<vmem>>) offsets(%dma_start3A_515 : memref<128xi32, #tpu.memory_space<vmem>>) semaphore(%arg17 : memref<!tpu.dma_semaphore, #tpu.memory_space<semaphore_mem>>)
      } else {
      }
      %lt3A_338 = arith.constant 80 : i32
      %lt3A_339 = arith.cmpi slt, %sub3A_250, %lt3A_338 : i32
      %jit3A_340 = arith.constant 6 : i32
      %eq3A_341 = arith.constant 0 : i32
      %eq3A_342 = arith.cmpi eq, %jit3A_340, %eq3A_341 : i32
      %jit3A_343 = arith.constant 1 : i32
      %select_n3A_344 = arith.select %eq3A_342, %jit3A_343, %jit3A_340 : i32
      %rem3A_345 = arith.remsi %sub3A_250, %select_n3A_344 : i32
      %ne3A_346 = arith.constant 0 : i32
      %ne3A_347 = arith.cmpi ne, %rem3A_345, %ne3A_346 : i32
      %lt3A_348 = arith.constant 0 : i32
      %lt3A_349 = arith.cmpi slt, %rem3A_345, %lt3A_348 : i32
      %lt3A_350 = arith.constant 0 : i32
      %lt3A_351 = arith.cmpi slt, %select_n3A_344, %lt3A_350 : i32
      %ne3A_352 = arith.xori %lt3A_349, %lt3A_351 : i1
      %and3A_353 = arith.andi %ne3A_352, %ne3A_347 : i1
      %add3A_354 = arith.addi %rem3A_345, %select_n3A_344 : i32
      %select_n3A_355 = arith.select %and3A_353, %add3A_354, %rem3A_345 : i32
      %eq3A_356 = arith.constant 4 : i32
      %eq3A_357 = arith.cmpi eq, %select_n3A_355, %eq3A_356 : i32
      %and3A_358 = arith.andi %lt3A_339, %eq3A_357 : i1
      %convert_element_type3A_359 = arith.extui %and3A_358 : i1 to i32
      %cond3A_360 = arith.constant 0 : i32
      %cond3A_361 = arith.cmpi ne, %convert_element_type3A_359, %cond3A_360 : i32
      scf.if %cond3A_361 {
        %dma_start3A_513 = arith.constant 0 : i32
        %dma_start3A_514 = tpu.memref_slice %arg6[%sub3A_250, %dma_start3A_513] : memref<80x128xi32, #tpu.memory_space<vmem>> -> memref<1x128xi32, #tpu.memory_space<vmem>>
        %dma_start3A_515 = tpu.memref_squeeze %dma_start3A_514 : memref<1x128xi32, #tpu.memory_space<vmem>> -> memref<128xi32, #tpu.memory_space<vmem>>
        %dma_start3A_516 = arith.constant 0 : i32
        %dma_start3A_517 = arith.constant 0 : i32
        %dma_start3A_518 = tpu.memref_slice %arg2[%dma_start3A_516, %dma_start3A_517] : memref<20480x64xbf16, #tpu.memory_space<hbm>> -> memref<20480x64xbf16, #tpu.memory_space<hbm>>
        tpu.enqueue_indirect_dma source(%dma_start3A_518 : memref<20480x64xbf16, #tpu.memory_space<hbm>>) target(%arg12 : memref<128x64xbf16, #tpu.memory_space<vmem>>) offsets(%dma_start3A_515 : memref<128xi32, #tpu.memory_space<vmem>>) semaphore(%arg18 : memref<!tpu.dma_semaphore, #tpu.memory_space<semaphore_mem>>)
      } else {
      }
      %lt3A_362 = arith.constant 80 : i32
      %lt3A_363 = arith.cmpi slt, %sub3A_250, %lt3A_362 : i32
      %jit3A_364 = arith.constant 6 : i32
      %eq3A_365 = arith.constant 0 : i32
      %eq3A_366 = arith.cmpi eq, %jit3A_364, %eq3A_365 : i32
      %jit3A_367 = arith.constant 1 : i32
      %select_n3A_368 = arith.select %eq3A_366, %jit3A_367, %jit3A_364 : i32
      %rem3A_369 = arith.remsi %sub3A_250, %select_n3A_368 : i32
      %ne3A_370 = arith.constant 0 : i32
      %ne3A_371 = arith.cmpi ne, %rem3A_369, %ne3A_370 : i32
      %lt3A_372 = arith.constant 0 : i32
      %lt3A_373 = arith.cmpi slt, %rem3A_369, %lt3A_372 : i32
      %lt3A_374 = arith.constant 0 : i32
      %lt3A_375 = arith.cmpi slt, %select_n3A_368, %lt3A_374 : i32
      %ne3A_376 = arith.xori %lt3A_373, %lt3A_375 : i1
      %and3A_377 = arith.andi %ne3A_376, %ne3A_371 : i1
      %add3A_378 = arith.addi %rem3A_369, %select_n3A_368 : i32
      %select_n3A_379 = arith.select %and3A_377, %add3A_378, %rem3A_369 : i32
      %eq3A_380 = arith.constant 5 : i32
      %eq3A_381 = arith.cmpi eq, %select_n3A_379, %eq3A_380 : i32
      %and3A_382 = arith.andi %lt3A_363, %eq3A_381 : i1
      %convert_element_type3A_383 = arith.extui %and3A_382 : i1 to i32
      %cond3A_384 = arith.constant 0 : i32
      %cond3A_385 = arith.cmpi ne, %convert_element_type3A_383, %cond3A_384 : i32
      scf.if %cond3A_385 {
        %dma_start3A_513 = arith.constant 0 : i32
        %dma_start3A_514 = tpu.memref_slice %arg6[%sub3A_250, %dma_start3A_513] : memref<80x128xi32, #tpu.memory_space<vmem>> -> memref<1x128xi32, #tpu.memory_space<vmem>>
        %dma_start3A_515 = tpu.memref_squeeze %dma_start3A_514 : memref<1x128xi32, #tpu.memory_space<vmem>> -> memref<128xi32, #tpu.memory_space<vmem>>
        %dma_start3A_516 = arith.constant 0 : i32
        %dma_start3A_517 = arith.constant 0 : i32
        %dma_start3A_518 = tpu.memref_slice %arg2[%dma_start3A_516, %dma_start3A_517] : memref<20480x64xbf16, #tpu.memory_space<hbm>> -> memref<20480x64xbf16, #tpu.memory_space<hbm>>
        tpu.enqueue_indirect_dma source(%dma_start3A_518 : memref<20480x64xbf16, #tpu.memory_space<hbm>>) target(%arg13 : memref<128x64xbf16, #tpu.memory_space<vmem>>) offsets(%dma_start3A_515 : memref<128xi32, #tpu.memory_space<vmem>>) semaphore(%arg19 : memref<!tpu.dma_semaphore, #tpu.memory_space<semaphore_mem>>)
      } else {
      }
      %jit3A_386 = arith.constant 6 : i32
      %eq3A_387 = arith.constant 0 : i32
      %eq3A_388 = arith.cmpi eq, %jit3A_386, %eq3A_387 : i32
      %jit3A_389 = arith.constant 1 : i32
      %select_n3A_390 = arith.select %eq3A_388, %jit3A_389, %jit3A_386 : i32
      %rem3A_391 = arith.remsi %scan3A_246, %select_n3A_390 : i32
      %ne3A_392 = arith.constant 0 : i32
      %ne3A_393 = arith.cmpi ne, %rem3A_391, %ne3A_392 : i32
      %lt3A_394 = arith.constant 0 : i32
      %lt3A_395 = arith.cmpi slt, %rem3A_391, %lt3A_394 : i32
      %lt3A_396 = arith.constant 0 : i32
      %lt3A_397 = arith.cmpi slt, %select_n3A_390, %lt3A_396 : i32
      %ne3A_398 = arith.xori %lt3A_395, %lt3A_397 : i1
      %and3A_399 = arith.andi %ne3A_398, %ne3A_393 : i1
      %add3A_400 = arith.addi %rem3A_391, %select_n3A_390 : i32
      %select_n3A_401 = arith.select %and3A_399, %add3A_400, %rem3A_391 : i32
      %eq3A_402 = arith.constant 0 : i32
      %eq3A_403 = arith.cmpi eq, %select_n3A_401, %eq3A_402 : i32
      %convert_element_type3A_404 = arith.extui %eq3A_403 : i1 to i32
      %cond3A_405 = arith.constant 0 : i32
      %cond3A_406 = arith.cmpi ne, %convert_element_type3A_404, %cond3A_405 : i32
      scf.if %cond3A_406 {
        %dma_wait3A_513 = arith.constant 0 : i32
        %dma_wait3A_514 = tpu.memref_slice %arg6[%scan3A_246, %dma_wait3A_513] : memref<80x128xi32, #tpu.memory_space<vmem>> -> memref<1x128xi32, #tpu.memory_space<vmem>>
        %dma_wait3A_515 = tpu.memref_squeeze %dma_wait3A_514 : memref<1x128xi32, #tpu.memory_space<vmem>> -> memref<128xi32, #tpu.memory_space<vmem>>
        %dma_wait3A_516 = arith.constant 0 : i32
        %dma_wait3A_517 = arith.constant 0 : i32
        %dma_wait3A_518 = tpu.memref_slice %arg2[%dma_wait3A_516, %dma_wait3A_517] : memref<20480x64xbf16, #tpu.memory_space<hbm>> -> memref<20480x64xbf16, #tpu.memory_space<hbm>>
        tpu.wait_indirect_dma semaphore(%arg14 : memref<!tpu.dma_semaphore, #tpu.memory_space<semaphore_mem>>) src(%dma_wait3A_518 : memref<20480x64xbf16, #tpu.memory_space<hbm>>) dst(%arg8 : memref<128x64xbf16, #tpu.memory_space<vmem>>)
        "tpu.region"() ({
          %run_scoped3A = tpu.sem_alloc : memref<!tpu.dma_semaphore, #tpu.memory_space<semaphore_mem>>
          %dma_start3A_519 = arith.constant 0 : i32
          %dma_start3A_520 = tpu.memref_slice %arg7[%scan3A_246, %dma_start3A_519] : memref<80x128xi32, #tpu.memory_space<vmem>> -> memref<1x128xi32, #tpu.memory_space<vmem>>
          %dma_start3A_521 = tpu.memref_squeeze %dma_start3A_520 : memref<1x128xi32, #tpu.memory_space<vmem>> -> memref<128xi32, #tpu.memory_space<vmem>>
          %dma_start3A_522 = arith.constant 0 : i32
          %dma_start3A_523 = arith.constant 0 : i32
          %dma_start3A_524 = tpu.memref_slice %arg20[%dma_start3A_522, %dma_start3A_523] : memref<10240x64xbf16, #tpu.memory_space<vmem_shared>> -> memref<10240x64xbf16, #tpu.memory_space<vmem_shared>>
          tpu.enqueue_indirect_dma source(%arg8 : memref<128x64xbf16, #tpu.memory_space<vmem>>) target(%dma_start3A_524 : memref<10240x64xbf16, #tpu.memory_space<vmem_shared>>) offsets(%dma_start3A_521 : memref<128xi32, #tpu.memory_space<vmem>>) semaphore(%run_scoped3A : memref<!tpu.dma_semaphore, #tpu.memory_space<semaphore_mem>>) {add = true}
          %dma_wait3A_525 = arith.constant 0 : i32
          %dma_wait3A_526 = tpu.memref_slice %arg7[%scan3A_246, %dma_wait3A_525] : memref<80x128xi32, #tpu.memory_space<vmem>> -> memref<1x128xi32, #tpu.memory_space<vmem>>
          %dma_wait3A_527 = tpu.memref_squeeze %dma_wait3A_526 : memref<1x128xi32, #tpu.memory_space<vmem>> -> memref<128xi32, #tpu.memory_space<vmem>>
          %dma_wait3A_528 = arith.constant 0 : i32
          %dma_wait3A_529 = arith.constant 0 : i32
          %dma_wait3A_530 = tpu.memref_slice %arg20[%dma_wait3A_528, %dma_wait3A_529] : memref<10240x64xbf16, #tpu.memory_space<vmem_shared>> -> memref<10240x64xbf16, #tpu.memory_space<vmem_shared>>
          tpu.wait_indirect_dma semaphore(%run_scoped3A : memref<!tpu.dma_semaphore, #tpu.memory_space<semaphore_mem>>) src(%arg8 : memref<128x64xbf16, #tpu.memory_space<vmem>>) dst(%dma_wait3A_530 : memref<10240x64xbf16, #tpu.memory_space<vmem_shared>>)
          tpu.yield
        }) : () -> ()
      } else {
      }
      %jit3A_407 = arith.constant 6 : i32
      %eq3A_408 = arith.constant 0 : i32
      %eq3A_409 = arith.cmpi eq, %jit3A_407, %eq3A_408 : i32
      %jit3A_410 = arith.constant 1 : i32
      %select_n3A_411 = arith.select %eq3A_409, %jit3A_410, %jit3A_407 : i32
      %rem3A_412 = arith.remsi %scan3A_246, %select_n3A_411 : i32
      %ne3A_413 = arith.constant 0 : i32
      %ne3A_414 = arith.cmpi ne, %rem3A_412, %ne3A_413 : i32
      %lt3A_415 = arith.constant 0 : i32
      %lt3A_416 = arith.cmpi slt, %rem3A_412, %lt3A_415 : i32
      %lt3A_417 = arith.constant 0 : i32
      %lt3A_418 = arith.cmpi slt, %select_n3A_411, %lt3A_417 : i32
      %ne3A_419 = arith.xori %lt3A_416, %lt3A_418 : i1
      %and3A_420 = arith.andi %ne3A_419, %ne3A_414 : i1
      %add3A_421 = arith.addi %rem3A_412, %select_n3A_411 : i32
      %select_n3A_422 = arith.select %and3A_420, %add3A_421, %rem3A_412 : i32
      %eq3A_423 = arith.constant 1 : i32
      %eq3A_424 = arith.cmpi eq, %select_n3A_422, %eq3A_423 : i32
      %convert_element_type3A_425 = arith.extui %eq3A_424 : i1 to i32
      %cond3A_426 = arith.constant 0 : i32
      %cond3A_427 = arith.cmpi ne, %convert_element_type3A_425, %cond3A_426 : i32
      scf.if %cond3A_427 {
        %dma_wait3A_513 = arith.constant 0 : i32
        %dma_wait3A_514 = tpu.memref_slice %arg6[%scan3A_246, %dma_wait3A_513] : memref<80x128xi32, #tpu.memory_space<vmem>> -> memref<1x128xi32, #tpu.memory_space<vmem>>
        %dma_wait3A_515 = tpu.memref_squeeze %dma_wait3A_514 : memref<1x128xi32, #tpu.memory_space<vmem>> -> memref<128xi32, #tpu.memory_space<vmem>>
        %dma_wait3A_516 = arith.constant 0 : i32
        %dma_wait3A_517 = arith.constant 0 : i32
        %dma_wait3A_518 = tpu.memref_slice %arg2[%dma_wait3A_516, %dma_wait3A_517] : memref<20480x64xbf16, #tpu.memory_space<hbm>> -> memref<20480x64xbf16, #tpu.memory_space<hbm>>
        tpu.wait_indirect_dma semaphore(%arg15 : memref<!tpu.dma_semaphore, #tpu.memory_space<semaphore_mem>>) src(%dma_wait3A_518 : memref<20480x64xbf16, #tpu.memory_space<hbm>>) dst(%arg9 : memref<128x64xbf16, #tpu.memory_space<vmem>>)
        "tpu.region"() ({
          %run_scoped3A = tpu.sem_alloc : memref<!tpu.dma_semaphore, #tpu.memory_space<semaphore_mem>>
          %dma_start3A_519 = arith.constant 0 : i32
          %dma_start3A_520 = tpu.memref_slice %arg7[%scan3A_246, %dma_start3A_519] : memref<80x128xi32, #tpu.memory_space<vmem>> -> memref<1x128xi32, #tpu.memory_space<vmem>>
          %dma_start3A_521 = tpu.memref_squeeze %dma_start3A_520 : memref<1x128xi32, #tpu.memory_space<vmem>> -> memref<128xi32, #tpu.memory_space<vmem>>
          %dma_start3A_522 = arith.constant 0 : i32
          %dma_start3A_523 = arith.constant 0 : i32
          %dma_start3A_524 = tpu.memref_slice %arg21[%dma_start3A_522, %dma_start3A_523] : memref<10240x64xbf16, #tpu.memory_space<vmem_shared>> -> memref<10240x64xbf16, #tpu.memory_space<vmem_shared>>
          tpu.enqueue_indirect_dma source(%arg9 : memref<128x64xbf16, #tpu.memory_space<vmem>>) target(%dma_start3A_524 : memref<10240x64xbf16, #tpu.memory_space<vmem_shared>>) offsets(%dma_start3A_521 : memref<128xi32, #tpu.memory_space<vmem>>) semaphore(%run_scoped3A : memref<!tpu.dma_semaphore, #tpu.memory_space<semaphore_mem>>) {add = true}
          %dma_wait3A_525 = arith.constant 0 : i32
          %dma_wait3A_526 = tpu.memref_slice %arg7[%scan3A_246, %dma_wait3A_525] : memref<80x128xi32, #tpu.memory_space<vmem>> -> memref<1x128xi32, #tpu.memory_space<vmem>>
          %dma_wait3A_527 = tpu.memref_squeeze %dma_wait3A_526 : memref<1x128xi32, #tpu.memory_space<vmem>> -> memref<128xi32, #tpu.memory_space<vmem>>
          %dma_wait3A_528 = arith.constant 0 : i32
          %dma_wait3A_529 = arith.constant 0 : i32
          %dma_wait3A_530 = tpu.memref_slice %arg21[%dma_wait3A_528, %dma_wait3A_529] : memref<10240x64xbf16, #tpu.memory_space<vmem_shared>> -> memref<10240x64xbf16, #tpu.memory_space<vmem_shared>>
          tpu.wait_indirect_dma semaphore(%run_scoped3A : memref<!tpu.dma_semaphore, #tpu.memory_space<semaphore_mem>>) src(%arg9 : memref<128x64xbf16, #tpu.memory_space<vmem>>) dst(%dma_wait3A_530 : memref<10240x64xbf16, #tpu.memory_space<vmem_shared>>)
          tpu.yield
        }) : () -> ()
      } else {
      }
      %jit3A_428 = arith.constant 6 : i32
      %eq3A_429 = arith.constant 0 : i32
      %eq3A_430 = arith.cmpi eq, %jit3A_428, %eq3A_429 : i32
      %jit3A_431 = arith.constant 1 : i32
      %select_n3A_432 = arith.select %eq3A_430, %jit3A_431, %jit3A_428 : i32
      %rem3A_433 = arith.remsi %scan3A_246, %select_n3A_432 : i32
      %ne3A_434 = arith.constant 0 : i32
      %ne3A_435 = arith.cmpi ne, %rem3A_433, %ne3A_434 : i32
      %lt3A_436 = arith.constant 0 : i32
      %lt3A_437 = arith.cmpi slt, %rem3A_433, %lt3A_436 : i32
      %lt3A_438 = arith.constant 0 : i32
      %lt3A_439 = arith.cmpi slt, %select_n3A_432, %lt3A_438 : i32
      %ne3A_440 = arith.xori %lt3A_437, %lt3A_439 : i1
      %and3A_441 = arith.andi %ne3A_440, %ne3A_435 : i1
      %add3A_442 = arith.addi %rem3A_433, %select_n3A_432 : i32
      %select_n3A_443 = arith.select %and3A_441, %add3A_442, %rem3A_433 : i32
      %eq3A_444 = arith.constant 2 : i32
      %eq3A_445 = arith.cmpi eq, %select_n3A_443, %eq3A_444 : i32
      %convert_element_type3A_446 = arith.extui %eq3A_445 : i1 to i32
      %cond3A_447 = arith.constant 0 : i32
      %cond3A_448 = arith.cmpi ne, %convert_element_type3A_446, %cond3A_447 : i32
      scf.if %cond3A_448 {
        %dma_wait3A_513 = arith.constant 0 : i32
        %dma_wait3A_514 = tpu.memref_slice %arg6[%scan3A_246, %dma_wait3A_513] : memref<80x128xi32, #tpu.memory_space<vmem>> -> memref<1x128xi32, #tpu.memory_space<vmem>>
        %dma_wait3A_515 = tpu.memref_squeeze %dma_wait3A_514 : memref<1x128xi32, #tpu.memory_space<vmem>> -> memref<128xi32, #tpu.memory_space<vmem>>
        %dma_wait3A_516 = arith.constant 0 : i32
        %dma_wait3A_517 = arith.constant 0 : i32
        %dma_wait3A_518 = tpu.memref_slice %arg2[%dma_wait3A_516, %dma_wait3A_517] : memref<20480x64xbf16, #tpu.memory_space<hbm>> -> memref<20480x64xbf16, #tpu.memory_space<hbm>>
        tpu.wait_indirect_dma semaphore(%arg16 : memref<!tpu.dma_semaphore, #tpu.memory_space<semaphore_mem>>) src(%dma_wait3A_518 : memref<20480x64xbf16, #tpu.memory_space<hbm>>) dst(%arg10 : memref<128x64xbf16, #tpu.memory_space<vmem>>)
        "tpu.region"() ({
          %run_scoped3A = tpu.sem_alloc : memref<!tpu.dma_semaphore, #tpu.memory_space<semaphore_mem>>
          %dma_start3A_519 = arith.constant 0 : i32
          %dma_start3A_520 = tpu.memref_slice %arg7[%scan3A_246, %dma_start3A_519] : memref<80x128xi32, #tpu.memory_space<vmem>> -> memref<1x128xi32, #tpu.memory_space<vmem>>
          %dma_start3A_521 = tpu.memref_squeeze %dma_start3A_520 : memref<1x128xi32, #tpu.memory_space<vmem>> -> memref<128xi32, #tpu.memory_space<vmem>>
          %dma_start3A_522 = arith.constant 0 : i32
          %dma_start3A_523 = arith.constant 0 : i32
          %dma_start3A_524 = tpu.memref_slice %arg20[%dma_start3A_522, %dma_start3A_523] : memref<10240x64xbf16, #tpu.memory_space<vmem_shared>> -> memref<10240x64xbf16, #tpu.memory_space<vmem_shared>>
          tpu.enqueue_indirect_dma source(%arg10 : memref<128x64xbf16, #tpu.memory_space<vmem>>) target(%dma_start3A_524 : memref<10240x64xbf16, #tpu.memory_space<vmem_shared>>) offsets(%dma_start3A_521 : memref<128xi32, #tpu.memory_space<vmem>>) semaphore(%run_scoped3A : memref<!tpu.dma_semaphore, #tpu.memory_space<semaphore_mem>>) {add = true}
          %dma_wait3A_525 = arith.constant 0 : i32
          %dma_wait3A_526 = tpu.memref_slice %arg7[%scan3A_246, %dma_wait3A_525] : memref<80x128xi32, #tpu.memory_space<vmem>> -> memref<1x128xi32, #tpu.memory_space<vmem>>
          %dma_wait3A_527 = tpu.memref_squeeze %dma_wait3A_526 : memref<1x128xi32, #tpu.memory_space<vmem>> -> memref<128xi32, #tpu.memory_space<vmem>>
          %dma_wait3A_528 = arith.constant 0 : i32
          %dma_wait3A_529 = arith.constant 0 : i32
          %dma_wait3A_530 = tpu.memref_slice %arg20[%dma_wait3A_528, %dma_wait3A_529] : memref<10240x64xbf16, #tpu.memory_space<vmem_shared>> -> memref<10240x64xbf16, #tpu.memory_space<vmem_shared>>
          tpu.wait_indirect_dma semaphore(%run_scoped3A : memref<!tpu.dma_semaphore, #tpu.memory_space<semaphore_mem>>) src(%arg10 : memref<128x64xbf16, #tpu.memory_space<vmem>>) dst(%dma_wait3A_530 : memref<10240x64xbf16, #tpu.memory_space<vmem_shared>>)
          tpu.yield
        }) : () -> ()
      } else {
      }
      %jit3A_449 = arith.constant 6 : i32
      %eq3A_450 = arith.constant 0 : i32
      %eq3A_451 = arith.cmpi eq, %jit3A_449, %eq3A_450 : i32
      %jit3A_452 = arith.constant 1 : i32
      %select_n3A_453 = arith.select %eq3A_451, %jit3A_452, %jit3A_449 : i32
      %rem3A_454 = arith.remsi %scan3A_246, %select_n3A_453 : i32
      %ne3A_455 = arith.constant 0 : i32
      %ne3A_456 = arith.cmpi ne, %rem3A_454, %ne3A_455 : i32
      %lt3A_457 = arith.constant 0 : i32
      %lt3A_458 = arith.cmpi slt, %rem3A_454, %lt3A_457 : i32
      %lt3A_459 = arith.constant 0 : i32
      %lt3A_460 = arith.cmpi slt, %select_n3A_453, %lt3A_459 : i32
      %ne3A_461 = arith.xori %lt3A_458, %lt3A_460 : i1
      %and3A_462 = arith.andi %ne3A_461, %ne3A_456 : i1
      %add3A_463 = arith.addi %rem3A_454, %select_n3A_453 : i32
      %select_n3A_464 = arith.select %and3A_462, %add3A_463, %rem3A_454 : i32
      %eq3A_465 = arith.constant 3 : i32
      %eq3A_466 = arith.cmpi eq, %select_n3A_464, %eq3A_465 : i32
      %convert_element_type3A_467 = arith.extui %eq3A_466 : i1 to i32
      %cond3A_468 = arith.constant 0 : i32
      %cond3A_469 = arith.cmpi ne, %convert_element_type3A_467, %cond3A_468 : i32
      scf.if %cond3A_469 {
        %dma_wait3A_513 = arith.constant 0 : i32
        %dma_wait3A_514 = tpu.memref_slice %arg6[%scan3A_246, %dma_wait3A_513] : memref<80x128xi32, #tpu.memory_space<vmem>> -> memref<1x128xi32, #tpu.memory_space<vmem>>
        %dma_wait3A_515 = tpu.memref_squeeze %dma_wait3A_514 : memref<1x128xi32, #tpu.memory_space<vmem>> -> memref<128xi32, #tpu.memory_space<vmem>>
        %dma_wait3A_516 = arith.constant 0 : i32
        %dma_wait3A_517 = arith.constant 0 : i32
        %dma_wait3A_518 = tpu.memref_slice %arg2[%dma_wait3A_516, %dma_wait3A_517] : memref<20480x64xbf16, #tpu.memory_space<hbm>> -> memref<20480x64xbf16, #tpu.memory_space<hbm>>
        tpu.wait_indirect_dma semaphore(%arg17 : memref<!tpu.dma_semaphore, #tpu.memory_space<semaphore_mem>>) src(%dma_wait3A_518 : memref<20480x64xbf16, #tpu.memory_space<hbm>>) dst(%arg11 : memref<128x64xbf16, #tpu.memory_space<vmem>>)
        "tpu.region"() ({
          %run_scoped3A = tpu.sem_alloc : memref<!tpu.dma_semaphore, #tpu.memory_space<semaphore_mem>>
          %dma_start3A_519 = arith.constant 0 : i32
          %dma_start3A_520 = tpu.memref_slice %arg7[%scan3A_246, %dma_start3A_519] : memref<80x128xi32, #tpu.memory_space<vmem>> -> memref<1x128xi32, #tpu.memory_space<vmem>>
          %dma_start3A_521 = tpu.memref_squeeze %dma_start3A_520 : memref<1x128xi32, #tpu.memory_space<vmem>> -> memref<128xi32, #tpu.memory_space<vmem>>
          %dma_start3A_522 = arith.constant 0 : i32
          %dma_start3A_523 = arith.constant 0 : i32
          %dma_start3A_524 = tpu.memref_slice %arg21[%dma_start3A_522, %dma_start3A_523] : memref<10240x64xbf16, #tpu.memory_space<vmem_shared>> -> memref<10240x64xbf16, #tpu.memory_space<vmem_shared>>
          tpu.enqueue_indirect_dma source(%arg11 : memref<128x64xbf16, #tpu.memory_space<vmem>>) target(%dma_start3A_524 : memref<10240x64xbf16, #tpu.memory_space<vmem_shared>>) offsets(%dma_start3A_521 : memref<128xi32, #tpu.memory_space<vmem>>) semaphore(%run_scoped3A : memref<!tpu.dma_semaphore, #tpu.memory_space<semaphore_mem>>) {add = true}
          %dma_wait3A_525 = arith.constant 0 : i32
          %dma_wait3A_526 = tpu.memref_slice %arg7[%scan3A_246, %dma_wait3A_525] : memref<80x128xi32, #tpu.memory_space<vmem>> -> memref<1x128xi32, #tpu.memory_space<vmem>>
          %dma_wait3A_527 = tpu.memref_squeeze %dma_wait3A_526 : memref<1x128xi32, #tpu.memory_space<vmem>> -> memref<128xi32, #tpu.memory_space<vmem>>
          %dma_wait3A_528 = arith.constant 0 : i32
          %dma_wait3A_529 = arith.constant 0 : i32
          %dma_wait3A_530 = tpu.memref_slice %arg21[%dma_wait3A_528, %dma_wait3A_529] : memref<10240x64xbf16, #tpu.memory_space<vmem_shared>> -> memref<10240x64xbf16, #tpu.memory_space<vmem_shared>>
          tpu.wait_indirect_dma semaphore(%run_scoped3A : memref<!tpu.dma_semaphore, #tpu.memory_space<semaphore_mem>>) src(%arg11 : memref<128x64xbf16, #tpu.memory_space<vmem>>) dst(%dma_wait3A_530 : memref<10240x64xbf16, #tpu.memory_space<vmem_shared>>)
          tpu.yield
        }) : () -> ()
      } else {
      }
      %jit3A_470 = arith.constant 6 : i32
      %eq3A_471 = arith.constant 0 : i32
      %eq3A_472 = arith.cmpi eq, %jit3A_470, %eq3A_471 : i32
      %jit3A_473 = arith.constant 1 : i32
      %select_n3A_474 = arith.select %eq3A_472, %jit3A_473, %jit3A_470 : i32
      %rem3A_475 = arith.remsi %scan3A_246, %select_n3A_474 : i32
      %ne3A_476 = arith.constant 0 : i32
      %ne3A_477 = arith.cmpi ne, %rem3A_475, %ne3A_476 : i32
      %lt3A_478 = arith.constant 0 : i32
      %lt3A_479 = arith.cmpi slt, %rem3A_475, %lt3A_478 : i32
      %lt3A_480 = arith.constant 0 : i32
      %lt3A_481 = arith.cmpi slt, %select_n3A_474, %lt3A_480 : i32
      %ne3A_482 = arith.xori %lt3A_479, %lt3A_481 : i1
      %and3A_483 = arith.andi %ne3A_482, %ne3A_477 : i1
      %add3A_484 = arith.addi %rem3A_475, %select_n3A_474 : i32
      %select_n3A_485 = arith.select %and3A_483, %add3A_484, %rem3A_475 : i32
      %eq3A_486 = arith.constant 4 : i32
      %eq3A_487 = arith.cmpi eq, %select_n3A_485, %eq3A_486 : i32
      %convert_element_type3A_488 = arith.extui %eq3A_487 : i1 to i32
      %cond3A_489 = arith.constant 0 : i32
      %cond3A_490 = arith.cmpi ne, %convert_element_type3A_488, %cond3A_489 : i32
      scf.if %cond3A_490 {
        %dma_wait3A_513 = arith.constant 0 : i32
        %dma_wait3A_514 = tpu.memref_slice %arg6[%scan3A_246, %dma_wait3A_513] : memref<80x128xi32, #tpu.memory_space<vmem>> -> memref<1x128xi32, #tpu.memory_space<vmem>>
        %dma_wait3A_515 = tpu.memref_squeeze %dma_wait3A_514 : memref<1x128xi32, #tpu.memory_space<vmem>> -> memref<128xi32, #tpu.memory_space<vmem>>
        %dma_wait3A_516 = arith.constant 0 : i32
        %dma_wait3A_517 = arith.constant 0 : i32
        %dma_wait3A_518 = tpu.memref_slice %arg2[%dma_wait3A_516, %dma_wait3A_517] : memref<20480x64xbf16, #tpu.memory_space<hbm>> -> memref<20480x64xbf16, #tpu.memory_space<hbm>>
        tpu.wait_indirect_dma semaphore(%arg18 : memref<!tpu.dma_semaphore, #tpu.memory_space<semaphore_mem>>) src(%dma_wait3A_518 : memref<20480x64xbf16, #tpu.memory_space<hbm>>) dst(%arg12 : memref<128x64xbf16, #tpu.memory_space<vmem>>)
        "tpu.region"() ({
          %run_scoped3A = tpu.sem_alloc : memref<!tpu.dma_semaphore, #tpu.memory_space<semaphore_mem>>
          %dma_start3A_519 = arith.constant 0 : i32
          %dma_start3A_520 = tpu.memref_slice %arg7[%scan3A_246, %dma_start3A_519] : memref<80x128xi32, #tpu.memory_space<vmem>> -> memref<1x128xi32, #tpu.memory_space<vmem>>
          %dma_start3A_521 = tpu.memref_squeeze %dma_start3A_520 : memref<1x128xi32, #tpu.memory_space<vmem>> -> memref<128xi32, #tpu.memory_space<vmem>>
          %dma_start3A_522 = arith.constant 0 : i32
          %dma_start3A_523 = arith.constant 0 : i32
          %dma_start3A_524 = tpu.memref_slice %arg20[%dma_start3A_522, %dma_start3A_523] : memref<10240x64xbf16, #tpu.memory_space<vmem_shared>> -> memref<10240x64xbf16, #tpu.memory_space<vmem_shared>>
          tpu.enqueue_indirect_dma source(%arg12 : memref<128x64xbf16, #tpu.memory_space<vmem>>) target(%dma_start3A_524 : memref<10240x64xbf16, #tpu.memory_space<vmem_shared>>) offsets(%dma_start3A_521 : memref<128xi32, #tpu.memory_space<vmem>>) semaphore(%run_scoped3A : memref<!tpu.dma_semaphore, #tpu.memory_space<semaphore_mem>>) {add = true}
          %dma_wait3A_525 = arith.constant 0 : i32
          %dma_wait3A_526 = tpu.memref_slice %arg7[%scan3A_246, %dma_wait3A_525] : memref<80x128xi32, #tpu.memory_space<vmem>> -> memref<1x128xi32, #tpu.memory_space<vmem>>
          %dma_wait3A_527 = tpu.memref_squeeze %dma_wait3A_526 : memref<1x128xi32, #tpu.memory_space<vmem>> -> memref<128xi32, #tpu.memory_space<vmem>>
          %dma_wait3A_528 = arith.constant 0 : i32
          %dma_wait3A_529 = arith.constant 0 : i32
          %dma_wait3A_530 = tpu.memref_slice %arg20[%dma_wait3A_528, %dma_wait3A_529] : memref<10240x64xbf16, #tpu.memory_space<vmem_shared>> -> memref<10240x64xbf16, #tpu.memory_space<vmem_shared>>
          tpu.wait_indirect_dma semaphore(%run_scoped3A : memref<!tpu.dma_semaphore, #tpu.memory_space<semaphore_mem>>) src(%arg12 : memref<128x64xbf16, #tpu.memory_space<vmem>>) dst(%dma_wait3A_530 : memref<10240x64xbf16, #tpu.memory_space<vmem_shared>>)
          tpu.yield
        }) : () -> ()
      } else {
      }
      %jit3A_491 = arith.constant 6 : i32
      %eq3A_492 = arith.constant 0 : i32
      %eq3A_493 = arith.cmpi eq, %jit3A_491, %eq3A_492 : i32
      %jit3A_494 = arith.constant 1 : i32
      %select_n3A_495 = arith.select %eq3A_493, %jit3A_494, %jit3A_491 : i32
      %rem3A_496 = arith.remsi %scan3A_246, %select_n3A_495 : i32
      %ne3A_497 = arith.constant 0 : i32
      %ne3A_498 = arith.cmpi ne, %rem3A_496, %ne3A_497 : i32
      %lt3A_499 = arith.constant 0 : i32
      %lt3A_500 = arith.cmpi slt, %rem3A_496, %lt3A_499 : i32
      %lt3A_501 = arith.constant 0 : i32
      %lt3A_502 = arith.cmpi slt, %select_n3A_495, %lt3A_501 : i32
      %ne3A_503 = arith.xori %lt3A_500, %lt3A_502 : i1
      %and3A_504 = arith.andi %ne3A_503, %ne3A_498 : i1
      %add3A_505 = arith.addi %rem3A_496, %select_n3A_495 : i32
      %select_n3A_506 = arith.select %and3A_504, %add3A_505, %rem3A_496 : i32
      %eq3A_507 = arith.constant 5 : i32
      %eq3A_508 = arith.cmpi eq, %select_n3A_506, %eq3A_507 : i32
      %convert_element_type3A_509 = arith.extui %eq3A_508 : i1 to i32
      %cond3A_510 = arith.constant 0 : i32
      %cond3A_511 = arith.cmpi ne, %convert_element_type3A_509, %cond3A_510 : i32
      scf.if %cond3A_511 {
        %dma_wait3A_513 = arith.constant 0 : i32
        %dma_wait3A_514 = tpu.memref_slice %arg6[%scan3A_246, %dma_wait3A_513] : memref<80x128xi32, #tpu.memory_space<vmem>> -> memref<1x128xi32, #tpu.memory_space<vmem>>
        %dma_wait3A_515 = tpu.memref_squeeze %dma_wait3A_514 : memref<1x128xi32, #tpu.memory_space<vmem>> -> memref<128xi32, #tpu.memory_space<vmem>>
        %dma_wait3A_516 = arith.constant 0 : i32
        %dma_wait3A_517 = arith.constant 0 : i32
        %dma_wait3A_518 = tpu.memref_slice %arg2[%dma_wait3A_516, %dma_wait3A_517] : memref<20480x64xbf16, #tpu.memory_space<hbm>> -> memref<20480x64xbf16, #tpu.memory_space<hbm>>
        tpu.wait_indirect_dma semaphore(%arg19 : memref<!tpu.dma_semaphore, #tpu.memory_space<semaphore_mem>>) src(%dma_wait3A_518 : memref<20480x64xbf16, #tpu.memory_space<hbm>>) dst(%arg13 : memref<128x64xbf16, #tpu.memory_space<vmem>>)
        "tpu.region"() ({
          %run_scoped3A = tpu.sem_alloc : memref<!tpu.dma_semaphore, #tpu.memory_space<semaphore_mem>>
          %dma_start3A_519 = arith.constant 0 : i32
          %dma_start3A_520 = tpu.memref_slice %arg7[%scan3A_246, %dma_start3A_519] : memref<80x128xi32, #tpu.memory_space<vmem>> -> memref<1x128xi32, #tpu.memory_space<vmem>>
          %dma_start3A_521 = tpu.memref_squeeze %dma_start3A_520 : memref<1x128xi32, #tpu.memory_space<vmem>> -> memref<128xi32, #tpu.memory_space<vmem>>
          %dma_start3A_522 = arith.constant 0 : i32
          %dma_start3A_523 = arith.constant 0 : i32
          %dma_start3A_524 = tpu.memref_slice %arg21[%dma_start3A_522, %dma_start3A_523] : memref<10240x64xbf16, #tpu.memory_space<vmem_shared>> -> memref<10240x64xbf16, #tpu.memory_space<vmem_shared>>
          tpu.enqueue_indirect_dma source(%arg13 : memref<128x64xbf16, #tpu.memory_space<vmem>>) target(%dma_start3A_524 : memref<10240x64xbf16, #tpu.memory_space<vmem_shared>>) offsets(%dma_start3A_521 : memref<128xi32, #tpu.memory_space<vmem>>) semaphore(%run_scoped3A : memref<!tpu.dma_semaphore, #tpu.memory_space<semaphore_mem>>) {add = true}
          %dma_wait3A_525 = arith.constant 0 : i32
          %dma_wait3A_526 = tpu.memref_slice %arg7[%scan3A_246, %dma_wait3A_525] : memref<80x128xi32, #tpu.memory_space<vmem>> -> memref<1x128xi32, #tpu.memory_space<vmem>>
          %dma_wait3A_527 = tpu.memref_squeeze %dma_wait3A_526 : memref<1x128xi32, #tpu.memory_space<vmem>> -> memref<128xi32, #tpu.memory_space<vmem>>
          %dma_wait3A_528 = arith.constant 0 : i32
          %dma_wait3A_529 = arith.constant 0 : i32
          %dma_wait3A_530 = tpu.memref_slice %arg21[%dma_wait3A_528, %dma_wait3A_529] : memref<10240x64xbf16, #tpu.memory_space<vmem_shared>> -> memref<10240x64xbf16, #tpu.memory_space<vmem_shared>>
          tpu.wait_indirect_dma semaphore(%run_scoped3A : memref<!tpu.dma_semaphore, #tpu.memory_space<semaphore_mem>>) src(%arg13 : memref<128x64xbf16, #tpu.memory_space<vmem>>) dst(%dma_wait3A_530 : memref<10240x64xbf16, #tpu.memory_space<vmem_shared>>)
          tpu.yield
        }) : () -> ()
      } else {
      }
      %scan3A_512 = arith.constant 0 : i32
      scf.yield %scan3A_512 : i32
    }
    %scan3A_175 = arith.constant 80 : i32
    %mul3A_176 = arith.constant 16 : i32
    %mul3A_177 = arith.muli %arg0, %mul3A_176 : i32
    %add3A_178 = arith.addi %mul3A_177, %arg1 : i32
    %mul3A_179 = arith.constant 2 : i32
    %mul3A_180 = arith.muli %add3A_178, %mul3A_179 : i32
    %add3A_181 = arith.constant 1 : i32
    %add3A_182 = arith.addi %mul3A_180, %add3A_181 : i32
    "tpu.region"() ({
      %run_scoped3A = tpu.sem_alloc : memref<!tpu.dma_semaphore, #tpu.memory_space<semaphore_mem>>
      %dma_start3A_246 = arith.constant 0 : i32
      %dma_start3A_247 = arith.constant 0 : i32
      %dma_start3A_248 = tpu.memref_slice %arg3[%add3A_182, %dma_start3A_246, %dma_start3A_247] : memref<64x80x128xi32, #tpu.memory_space<hbm>> -> memref<1x80x128xi32, #tpu.memory_space<hbm>>
      %dma_start3A_249 = tpu.memref_squeeze %dma_start3A_248 : memref<1x80x128xi32, #tpu.memory_space<hbm>> -> memref<80x128xi32, #tpu.memory_space<hbm>>
      %dma_start3A_250 = arith.constant 0 : i32
      %dma_start3A_251 = arith.constant 0 : i32
      %dma_start3A_252 = tpu.memref_slice %arg3[%add3A_182, %dma_start3A_250, %dma_start3A_251] : memref<64x80x128xi32, #tpu.memory_space<hbm>> -> memref<1x80x128xi32, #tpu.memory_space<hbm>>
      %dma_start3A_253 = tpu.memref_squeeze %dma_start3A_252 : memref<1x80x128xi32, #tpu.memory_space<hbm>> -> memref<80x128xi32, #tpu.memory_space<hbm>>
      tpu.enqueue_dma source(%dma_start3A_253 : memref<80x128xi32, #tpu.memory_space<hbm>>) target(%arg6 : memref<80x128xi32, #tpu.memory_space<vmem>>) target_semaphore(%run_scoped3A : memref<!tpu.dma_semaphore, #tpu.memory_space<semaphore_mem>>)
      %dma_wait3A_254 = arith.constant 0 : i32
      %dma_wait3A_255 = arith.constant 0 : i32
      %dma_wait3A_256 = tpu.memref_slice %arg3[%add3A_182, %dma_wait3A_254, %dma_wait3A_255] : memref<64x80x128xi32, #tpu.memory_space<hbm>> -> memref<1x80x128xi32, #tpu.memory_space<hbm>>
      %dma_wait3A_257 = tpu.memref_squeeze %dma_wait3A_256 : memref<1x80x128xi32, #tpu.memory_space<hbm>> -> memref<80x128xi32, #tpu.memory_space<hbm>>
      %dma_wait3A_258 = arith.constant 0 : i32
      %dma_wait3A_259 = arith.constant 0 : i32
      %dma_wait3A_260 = tpu.memref_slice %arg3[%add3A_182, %dma_wait3A_258, %dma_wait3A_259] : memref<64x80x128xi32, #tpu.memory_space<hbm>> -> memref<1x80x128xi32, #tpu.memory_space<hbm>>
      %dma_wait3A_261 = tpu.memref_squeeze %dma_wait3A_260 : memref<1x80x128xi32, #tpu.memory_space<hbm>> -> memref<80x128xi32, #tpu.memory_space<hbm>>
      tpu.wait_dma2 semaphore(%run_scoped3A : memref<!tpu.dma_semaphore, #tpu.memory_space<semaphore_mem>>) src(%dma_wait3A_261 : memref<80x128xi32, #tpu.memory_space<hbm>>) dst(%arg6 : memref<80x128xi32, #tpu.memory_space<vmem>>)
      tpu.yield
    }) : () -> ()
    %mul3A_183 = arith.constant 2 : i32
    %mul3A_184 = arith.muli %arg1, %mul3A_183 : i32
    %add3A_185 = arith.constant 1 : i32
    %add3A_186 = arith.addi %mul3A_184, %add3A_185 : i32
    "tpu.region"() ({
      %run_scoped3A = tpu.sem_alloc : memref<!tpu.dma_semaphore, #tpu.memory_space<semaphore_mem>>
      %dma_start3A_246 = arith.constant 0 : i32
      %dma_start3A_247 = arith.constant 0 : i32
      %dma_start3A_248 = tpu.memref_slice %arg4[%add3A_186, %dma_start3A_246, %dma_start3A_247] : memref<32x80x128xi32, #tpu.memory_space<hbm>> -> memref<1x80x128xi32, #tpu.memory_space<hbm>>
      %dma_start3A_249 = tpu.memref_squeeze %dma_start3A_248 : memref<1x80x128xi32, #tpu.memory_space<hbm>> -> memref<80x128xi32, #tpu.memory_space<hbm>>
      %dma_start3A_250 = arith.constant 0 : i32
      %dma_start3A_251 = arith.constant 0 : i32
      %dma_start3A_252 = tpu.memref_slice %arg4[%add3A_186, %dma_start3A_250, %dma_start3A_251] : memref<32x80x128xi32, #tpu.memory_space<hbm>> -> memref<1x80x128xi32, #tpu.memory_space<hbm>>
      %dma_start3A_253 = tpu.memref_squeeze %dma_start3A_252 : memref<1x80x128xi32, #tpu.memory_space<hbm>> -> memref<80x128xi32, #tpu.memory_space<hbm>>
      tpu.enqueue_dma source(%dma_start3A_253 : memref<80x128xi32, #tpu.memory_space<hbm>>) target(%arg7 : memref<80x128xi32, #tpu.memory_space<vmem>>) target_semaphore(%run_scoped3A : memref<!tpu.dma_semaphore, #tpu.memory_space<semaphore_mem>>)
      %dma_wait3A_254 = arith.constant 0 : i32
      %dma_wait3A_255 = arith.constant 0 : i32
      %dma_wait3A_256 = tpu.memref_slice %arg4[%add3A_186, %dma_wait3A_254, %dma_wait3A_255] : memref<32x80x128xi32, #tpu.memory_space<hbm>> -> memref<1x80x128xi32, #tpu.memory_space<hbm>>
      %dma_wait3A_257 = tpu.memref_squeeze %dma_wait3A_256 : memref<1x80x128xi32, #tpu.memory_space<hbm>> -> memref<80x128xi32, #tpu.memory_space<hbm>>
      %dma_wait3A_258 = arith.constant 0 : i32
      %dma_wait3A_259 = arith.constant 0 : i32
      %dma_wait3A_260 = tpu.memref_slice %arg4[%add3A_186, %dma_wait3A_258, %dma_wait3A_259] : memref<32x80x128xi32, #tpu.memory_space<hbm>> -> memref<1x80x128xi32, #tpu.memory_space<hbm>>
      %dma_wait3A_261 = tpu.memref_squeeze %dma_wait3A_260 : memref<1x80x128xi32, #tpu.memory_space<hbm>> -> memref<80x128xi32, #tpu.memory_space<hbm>>
      tpu.wait_dma2 semaphore(%run_scoped3A : memref<!tpu.dma_semaphore, #tpu.memory_space<semaphore_mem>>) src(%dma_wait3A_261 : memref<80x128xi32, #tpu.memory_space<hbm>>) dst(%arg7 : memref<80x128xi32, #tpu.memory_space<vmem>>)
      tpu.yield
    }) : () -> ()
    %dma_start3A_187 = arith.constant 0 : i32
    %dma_start3A_188 = arith.constant 0 : i32
    %dma_start3A_189 = tpu.memref_slice %arg6[%dma_start3A_187, %dma_start3A_188] : memref<80x128xi32, #tpu.memory_space<vmem>> -> memref<1x128xi32, #tpu.memory_space<vmem>>
    %dma_start3A_190 = tpu.memref_squeeze %dma_start3A_189 : memref<1x128xi32, #tpu.memory_space<vmem>> -> memref<128xi32, #tpu.memory_space<vmem>>
    %dma_start3A_191 = arith.constant 0 : i32
    %dma_start3A_192 = arith.constant 0 : i32
    %dma_start3A_193 = tpu.memref_slice %arg2[%dma_start3A_191, %dma_start3A_192] : memref<20480x64xbf16, #tpu.memory_space<hbm>> -> memref<20480x64xbf16, #tpu.memory_space<hbm>>
    tpu.enqueue_indirect_dma source(%dma_start3A_193 : memref<20480x64xbf16, #tpu.memory_space<hbm>>) target(%arg8 : memref<128x64xbf16, #tpu.memory_space<vmem>>) offsets(%dma_start3A_190 : memref<128xi32, #tpu.memory_space<vmem>>) semaphore(%arg14 : memref<!tpu.dma_semaphore, #tpu.memory_space<semaphore_mem>>)
    %dma_start3A_194 = arith.constant 1 : i32
    %dma_start3A_195 = arith.constant 0 : i32
    %dma_start3A_196 = tpu.memref_slice %arg6[%dma_start3A_194, %dma_start3A_195] : memref<80x128xi32, #tpu.memory_space<vmem>> -> memref<1x128xi32, #tpu.memory_space<vmem>>
    %dma_start3A_197 = tpu.memref_squeeze %dma_start3A_196 : memref<1x128xi32, #tpu.memory_space<vmem>> -> memref<128xi32, #tpu.memory_space<vmem>>
    %dma_start3A_198 = arith.constant 0 : i32
    %dma_start3A_199 = arith.constant 0 : i32
    %dma_start3A_200 = tpu.memref_slice %arg2[%dma_start3A_198, %dma_start3A_199] : memref<20480x64xbf16, #tpu.memory_space<hbm>> -> memref<20480x64xbf16, #tpu.memory_space<hbm>>
    tpu.enqueue_indirect_dma source(%dma_start3A_200 : memref<20480x64xbf16, #tpu.memory_space<hbm>>) target(%arg9 : memref<128x64xbf16, #tpu.memory_space<vmem>>) offsets(%dma_start3A_197 : memref<128xi32, #tpu.memory_space<vmem>>) semaphore(%arg15 : memref<!tpu.dma_semaphore, #tpu.memory_space<semaphore_mem>>)
    %dma_start3A_201 = arith.constant 2 : i32
    %dma_start3A_202 = arith.constant 0 : i32
    %dma_start3A_203 = tpu.memref_slice %arg6[%dma_start3A_201, %dma_start3A_202] : memref<80x128xi32, #tpu.memory_space<vmem>> -> memref<1x128xi32, #tpu.memory_space<vmem>>
    %dma_start3A_204 = tpu.memref_squeeze %dma_start3A_203 : memref<1x128xi32, #tpu.memory_space<vmem>> -> memref<128xi32, #tpu.memory_space<vmem>>
    %dma_start3A_205 = arith.constant 0 : i32
    %dma_start3A_206 = arith.constant 0 : i32
    %dma_start3A_207 = tpu.memref_slice %arg2[%dma_start3A_205, %dma_start3A_206] : memref<20480x64xbf16, #tpu.memory_space<hbm>> -> memref<20480x64xbf16, #tpu.memory_space<hbm>>
    tpu.enqueue_indirect_dma source(%dma_start3A_207 : memref<20480x64xbf16, #tpu.memory_space<hbm>>) target(%arg10 : memref<128x64xbf16, #tpu.memory_space<vmem>>) offsets(%dma_start3A_204 : memref<128xi32, #tpu.memory_space<vmem>>) semaphore(%arg16 : memref<!tpu.dma_semaphore, #tpu.memory_space<semaphore_mem>>)
    %dma_start3A_208 = arith.constant 3 : i32
    %dma_start3A_209 = arith.constant 0 : i32
    %dma_start3A_210 = tpu.memref_slice %arg6[%dma_start3A_208, %dma_start3A_209] : memref<80x128xi32, #tpu.memory_space<vmem>> -> memref<1x128xi32, #tpu.memory_space<vmem>>
    %dma_start3A_211 = tpu.memref_squeeze %dma_start3A_210 : memref<1x128xi32, #tpu.memory_space<vmem>> -> memref<128xi32, #tpu.memory_space<vmem>>
    %dma_start3A_212 = arith.constant 0 : i32
    %dma_start3A_213 = arith.constant 0 : i32
    %dma_start3A_214 = tpu.memref_slice %arg2[%dma_start3A_212, %dma_start3A_213] : memref<20480x64xbf16, #tpu.memory_space<hbm>> -> memref<20480x64xbf16, #tpu.memory_space<hbm>>
    tpu.enqueue_indirect_dma source(%dma_start3A_214 : memref<20480x64xbf16, #tpu.memory_space<hbm>>) target(%arg11 : memref<128x64xbf16, #tpu.memory_space<vmem>>) offsets(%dma_start3A_211 : memref<128xi32, #tpu.memory_space<vmem>>) semaphore(%arg17 : memref<!tpu.dma_semaphore, #tpu.memory_space<semaphore_mem>>)
    %dma_start3A_215 = arith.constant 4 : i32
    %dma_start3A_216 = arith.constant 0 : i32
    %dma_start3A_217 = tpu.memref_slice %arg6[%dma_start3A_215, %dma_start3A_216] : memref<80x128xi32, #tpu.memory_space<vmem>> -> memref<1x128xi32, #tpu.memory_space<vmem>>
    %dma_start3A_218 = tpu.memref_squeeze %dma_start3A_217 : memref<1x128xi32, #tpu.memory_space<vmem>> -> memref<128xi32, #tpu.memory_space<vmem>>
    %dma_start3A_219 = arith.constant 0 : i32
    %dma_start3A_220 = arith.constant 0 : i32
    %dma_start3A_221 = tpu.memref_slice %arg2[%dma_start3A_219, %dma_start3A_220] : memref<20480x64xbf16, #tpu.memory_space<hbm>> -> memref<20480x64xbf16, #tpu.memory_space<hbm>>
    tpu.enqueue_indirect_dma source(%dma_start3A_221 : memref<20480x64xbf16, #tpu.memory_space<hbm>>) target(%arg12 : memref<128x64xbf16, #tpu.memory_space<vmem>>) offsets(%dma_start3A_218 : memref<128xi32, #tpu.memory_space<vmem>>) semaphore(%arg18 : memref<!tpu.dma_semaphore, #tpu.memory_space<semaphore_mem>>)
    %scan3A_222 = arith.constant 0 : i32
    %scan3A_223 = arith.constant 0 : i32
    %scan3A_224 = arith.constant 80 : i32
    %scan3A_225 = arith.addi %scan3A_223, %scan3A_224 : i32
    %scan3A_226 = arith.constant 1 : i32
    %scan3A_227 = scf.for %scan3A_246 = %scan3A_223 to %scan3A_225 step %scan3A_226 iter_args(%scan3A_247 = %scan3A_222) -> (i32)  : i32 {
      %add3A_248 = arith.constant 6 : i32
      %add3A_249 = arith.addi %scan3A_246, %add3A_248 : i32
      %sub3A = arith.constant 1 : i32
      %sub3A_250 = arith.subi %add3A_249, %sub3A : i32
      %lt3A = arith.constant 80 : i32
      %lt3A_251 = arith.cmpi slt, %sub3A_250, %lt3A : i32
      %jit3A = arith.constant 6 : i32
      %eq3A = arith.constant 0 : i32
      %eq3A_252 = arith.cmpi eq, %jit3A, %eq3A : i32
      %jit3A_253 = arith.constant 1 : i32
      %select_n3A = arith.select %eq3A_252, %jit3A_253, %jit3A : i32
      %rem3A = arith.remsi %sub3A_250, %select_n3A : i32
      %ne3A = arith.constant 0 : i32
      %ne3A_254 = arith.cmpi ne, %rem3A, %ne3A : i32
      %lt3A_255 = arith.constant 0 : i32
      %lt3A_256 = arith.cmpi slt, %rem3A, %lt3A_255 : i32
      %lt3A_257 = arith.constant 0 : i32
      %lt3A_258 = arith.cmpi slt, %select_n3A, %lt3A_257 : i32
      %ne3A_259 = arith.xori %lt3A_256, %lt3A_258 : i1
      %and3A = arith.andi %ne3A_259, %ne3A_254 : i1
      %add3A_260 = arith.addi %rem3A, %select_n3A : i32
      %select_n3A_261 = arith.select %and3A, %add3A_260, %rem3A : i32
      %eq3A_262 = arith.constant 0 : i32
      %eq3A_263 = arith.cmpi eq, %select_n3A_261, %eq3A_262 : i32
      %and3A_264 = arith.andi %lt3A_251, %eq3A_263 : i1
      %convert_element_type3A = arith.extui %and3A_264 : i1 to i32
      %cond3A = arith.constant 0 : i32
      %cond3A_265 = arith.cmpi ne, %convert_element_type3A, %cond3A : i32
      scf.if %cond3A_265 {
        %dma_start3A_513 = arith.constant 0 : i32
        %dma_start3A_514 = tpu.memref_slice %arg6[%sub3A_250, %dma_start3A_513] : memref<80x128xi32, #tpu.memory_space<vmem>> -> memref<1x128xi32, #tpu.memory_space<vmem>>
        %dma_start3A_515 = tpu.memref_squeeze %dma_start3A_514 : memref<1x128xi32, #tpu.memory_space<vmem>> -> memref<128xi32, #tpu.memory_space<vmem>>
        %dma_start3A_516 = arith.constant 0 : i32
        %dma_start3A_517 = arith.constant 0 : i32
        %dma_start3A_518 = tpu.memref_slice %arg2[%dma_start3A_516, %dma_start3A_517] : memref<20480x64xbf16, #tpu.memory_space<hbm>> -> memref<20480x64xbf16, #tpu.memory_space<hbm>>
        tpu.enqueue_indirect_dma source(%dma_start3A_518 : memref<20480x64xbf16, #tpu.memory_space<hbm>>) target(%arg8 : memref<128x64xbf16, #tpu.memory_space<vmem>>) offsets(%dma_start3A_515 : memref<128xi32, #tpu.memory_space<vmem>>) semaphore(%arg14 : memref<!tpu.dma_semaphore, #tpu.memory_space<semaphore_mem>>)
      } else {
      }
      %lt3A_266 = arith.constant 80 : i32
      %lt3A_267 = arith.cmpi slt, %sub3A_250, %lt3A_266 : i32
      %jit3A_268 = arith.constant 6 : i32
      %eq3A_269 = arith.constant 0 : i32
      %eq3A_270 = arith.cmpi eq, %jit3A_268, %eq3A_269 : i32
      %jit3A_271 = arith.constant 1 : i32
      %select_n3A_272 = arith.select %eq3A_270, %jit3A_271, %jit3A_268 : i32
      %rem3A_273 = arith.remsi %sub3A_250, %select_n3A_272 : i32
      %ne3A_274 = arith.constant 0 : i32
      %ne3A_275 = arith.cmpi ne, %rem3A_273, %ne3A_274 : i32
      %lt3A_276 = arith.constant 0 : i32
      %lt3A_277 = arith.cmpi slt, %rem3A_273, %lt3A_276 : i32
      %lt3A_278 = arith.constant 0 : i32
      %lt3A_279 = arith.cmpi slt, %select_n3A_272, %lt3A_278 : i32
      %ne3A_280 = arith.xori %lt3A_277, %lt3A_279 : i1
      %and3A_281 = arith.andi %ne3A_280, %ne3A_275 : i1
      %add3A_282 = arith.addi %rem3A_273, %select_n3A_272 : i32
      %select_n3A_283 = arith.select %and3A_281, %add3A_282, %rem3A_273 : i32
      %eq3A_284 = arith.constant 1 : i32
      %eq3A_285 = arith.cmpi eq, %select_n3A_283, %eq3A_284 : i32
      %and3A_286 = arith.andi %lt3A_267, %eq3A_285 : i1
      %convert_element_type3A_287 = arith.extui %and3A_286 : i1 to i32
      %cond3A_288 = arith.constant 0 : i32
      %cond3A_289 = arith.cmpi ne, %convert_element_type3A_287, %cond3A_288 : i32
      scf.if %cond3A_289 {
        %dma_start3A_513 = arith.constant 0 : i32
        %dma_start3A_514 = tpu.memref_slice %arg6[%sub3A_250, %dma_start3A_513] : memref<80x128xi32, #tpu.memory_space<vmem>> -> memref<1x128xi32, #tpu.memory_space<vmem>>
        %dma_start3A_515 = tpu.memref_squeeze %dma_start3A_514 : memref<1x128xi32, #tpu.memory_space<vmem>> -> memref<128xi32, #tpu.memory_space<vmem>>
        %dma_start3A_516 = arith.constant 0 : i32
        %dma_start3A_517 = arith.constant 0 : i32
        %dma_start3A_518 = tpu.memref_slice %arg2[%dma_start3A_516, %dma_start3A_517] : memref<20480x64xbf16, #tpu.memory_space<hbm>> -> memref<20480x64xbf16, #tpu.memory_space<hbm>>
        tpu.enqueue_indirect_dma source(%dma_start3A_518 : memref<20480x64xbf16, #tpu.memory_space<hbm>>) target(%arg9 : memref<128x64xbf16, #tpu.memory_space<vmem>>) offsets(%dma_start3A_515 : memref<128xi32, #tpu.memory_space<vmem>>) semaphore(%arg15 : memref<!tpu.dma_semaphore, #tpu.memory_space<semaphore_mem>>)
      } else {
      }
      %lt3A_290 = arith.constant 80 : i32
      %lt3A_291 = arith.cmpi slt, %sub3A_250, %lt3A_290 : i32
      %jit3A_292 = arith.constant 6 : i32
      %eq3A_293 = arith.constant 0 : i32
      %eq3A_294 = arith.cmpi eq, %jit3A_292, %eq3A_293 : i32
      %jit3A_295 = arith.constant 1 : i32
      %select_n3A_296 = arith.select %eq3A_294, %jit3A_295, %jit3A_292 : i32
      %rem3A_297 = arith.remsi %sub3A_250, %select_n3A_296 : i32
      %ne3A_298 = arith.constant 0 : i32
      %ne3A_299 = arith.cmpi ne, %rem3A_297, %ne3A_298 : i32
      %lt3A_300 = arith.constant 0 : i32
      %lt3A_301 = arith.cmpi slt, %rem3A_297, %lt3A_300 : i32
      %lt3A_302 = arith.constant 0 : i32
      %lt3A_303 = arith.cmpi slt, %select_n3A_296, %lt3A_302 : i32
      %ne3A_304 = arith.xori %lt3A_301, %lt3A_303 : i1
      %and3A_305 = arith.andi %ne3A_304, %ne3A_299 : i1
      %add3A_306 = arith.addi %rem3A_297, %select_n3A_296 : i32
      %select_n3A_307 = arith.select %and3A_305, %add3A_306, %rem3A_297 : i32
      %eq3A_308 = arith.constant 2 : i32
      %eq3A_309 = arith.cmpi eq, %select_n3A_307, %eq3A_308 : i32
      %and3A_310 = arith.andi %lt3A_291, %eq3A_309 : i1
      %convert_element_type3A_311 = arith.extui %and3A_310 : i1 to i32
      %cond3A_312 = arith.constant 0 : i32
      %cond3A_313 = arith.cmpi ne, %convert_element_type3A_311, %cond3A_312 : i32
      scf.if %cond3A_313 {
        %dma_start3A_513 = arith.constant 0 : i32
        %dma_start3A_514 = tpu.memref_slice %arg6[%sub3A_250, %dma_start3A_513] : memref<80x128xi32, #tpu.memory_space<vmem>> -> memref<1x128xi32, #tpu.memory_space<vmem>>
        %dma_start3A_515 = tpu.memref_squeeze %dma_start3A_514 : memref<1x128xi32, #tpu.memory_space<vmem>> -> memref<128xi32, #tpu.memory_space<vmem>>
        %dma_start3A_516 = arith.constant 0 : i32
        %dma_start3A_517 = arith.constant 0 : i32
        %dma_start3A_518 = tpu.memref_slice %arg2[%dma_start3A_516, %dma_start3A_517] : memref<20480x64xbf16, #tpu.memory_space<hbm>> -> memref<20480x64xbf16, #tpu.memory_space<hbm>>
        tpu.enqueue_indirect_dma source(%dma_start3A_518 : memref<20480x64xbf16, #tpu.memory_space<hbm>>) target(%arg10 : memref<128x64xbf16, #tpu.memory_space<vmem>>) offsets(%dma_start3A_515 : memref<128xi32, #tpu.memory_space<vmem>>) semaphore(%arg16 : memref<!tpu.dma_semaphore, #tpu.memory_space<semaphore_mem>>)
      } else {
      }
      %lt3A_314 = arith.constant 80 : i32
      %lt3A_315 = arith.cmpi slt, %sub3A_250, %lt3A_314 : i32
      %jit3A_316 = arith.constant 6 : i32
      %eq3A_317 = arith.constant 0 : i32
      %eq3A_318 = arith.cmpi eq, %jit3A_316, %eq3A_317 : i32
      %jit3A_319 = arith.constant 1 : i32
      %select_n3A_320 = arith.select %eq3A_318, %jit3A_319, %jit3A_316 : i32
      %rem3A_321 = arith.remsi %sub3A_250, %select_n3A_320 : i32
      %ne3A_322 = arith.constant 0 : i32
      %ne3A_323 = arith.cmpi ne, %rem3A_321, %ne3A_322 : i32
      %lt3A_324 = arith.constant 0 : i32
      %lt3A_325 = arith.cmpi slt, %rem3A_321, %lt3A_324 : i32
      %lt3A_326 = arith.constant 0 : i32
      %lt3A_327 = arith.cmpi slt, %select_n3A_320, %lt3A_326 : i32
      %ne3A_328 = arith.xori %lt3A_325, %lt3A_327 : i1
      %and3A_329 = arith.andi %ne3A_328, %ne3A_323 : i1
      %add3A_330 = arith.addi %rem3A_321, %select_n3A_320 : i32
      %select_n3A_331 = arith.select %and3A_329, %add3A_330, %rem3A_321 : i32
      %eq3A_332 = arith.constant 3 : i32
      %eq3A_333 = arith.cmpi eq, %select_n3A_331, %eq3A_332 : i32
      %and3A_334 = arith.andi %lt3A_315, %eq3A_333 : i1
      %convert_element_type3A_335 = arith.extui %and3A_334 : i1 to i32
      %cond3A_336 = arith.constant 0 : i32
      %cond3A_337 = arith.cmpi ne, %convert_element_type3A_335, %cond3A_336 : i32
      scf.if %cond3A_337 {
        %dma_start3A_513 = arith.constant 0 : i32
        %dma_start3A_514 = tpu.memref_slice %arg6[%sub3A_250, %dma_start3A_513] : memref<80x128xi32, #tpu.memory_space<vmem>> -> memref<1x128xi32, #tpu.memory_space<vmem>>
        %dma_start3A_515 = tpu.memref_squeeze %dma_start3A_514 : memref<1x128xi32, #tpu.memory_space<vmem>> -> memref<128xi32, #tpu.memory_space<vmem>>
        %dma_start3A_516 = arith.constant 0 : i32
        %dma_start3A_517 = arith.constant 0 : i32
        %dma_start3A_518 = tpu.memref_slice %arg2[%dma_start3A_516, %dma_start3A_517] : memref<20480x64xbf16, #tpu.memory_space<hbm>> -> memref<20480x64xbf16, #tpu.memory_space<hbm>>
        tpu.enqueue_indirect_dma source(%dma_start3A_518 : memref<20480x64xbf16, #tpu.memory_space<hbm>>) target(%arg11 : memref<128x64xbf16, #tpu.memory_space<vmem>>) offsets(%dma_start3A_515 : memref<128xi32, #tpu.memory_space<vmem>>) semaphore(%arg17 : memref<!tpu.dma_semaphore, #tpu.memory_space<semaphore_mem>>)
      } else {
      }
      %lt3A_338 = arith.constant 80 : i32
      %lt3A_339 = arith.cmpi slt, %sub3A_250, %lt3A_338 : i32
      %jit3A_340 = arith.constant 6 : i32
      %eq3A_341 = arith.constant 0 : i32
      %eq3A_342 = arith.cmpi eq, %jit3A_340, %eq3A_341 : i32
      %jit3A_343 = arith.constant 1 : i32
      %select_n3A_344 = arith.select %eq3A_342, %jit3A_343, %jit3A_340 : i32
      %rem3A_345 = arith.remsi %sub3A_250, %select_n3A_344 : i32
      %ne3A_346 = arith.constant 0 : i32
      %ne3A_347 = arith.cmpi ne, %rem3A_345, %ne3A_346 : i32
      %lt3A_348 = arith.constant 0 : i32
      %lt3A_349 = arith.cmpi slt, %rem3A_345, %lt3A_348 : i32
      %lt3A_350 = arith.constant 0 : i32
      %lt3A_351 = arith.cmpi slt, %select_n3A_344, %lt3A_350 : i32
      %ne3A_352 = arith.xori %lt3A_349, %lt3A_351 : i1
      %and3A_353 = arith.andi %ne3A_352, %ne3A_347 : i1
      %add3A_354 = arith.addi %rem3A_345, %select_n3A_344 : i32
      %select_n3A_355 = arith.select %and3A_353, %add3A_354, %rem3A_345 : i32
      %eq3A_356 = arith.constant 4 : i32
      %eq3A_357 = arith.cmpi eq, %select_n3A_355, %eq3A_356 : i32
      %and3A_358 = arith.andi %lt3A_339, %eq3A_357 : i1
      %convert_element_type3A_359 = arith.extui %and3A_358 : i1 to i32
      %cond3A_360 = arith.constant 0 : i32
      %cond3A_361 = arith.cmpi ne, %convert_element_type3A_359, %cond3A_360 : i32
      scf.if %cond3A_361 {
        %dma_start3A_513 = arith.constant 0 : i32
        %dma_start3A_514 = tpu.memref_slice %arg6[%sub3A_250, %dma_start3A_513] : memref<80x128xi32, #tpu.memory_space<vmem>> -> memref<1x128xi32, #tpu.memory_space<vmem>>
        %dma_start3A_515 = tpu.memref_squeeze %dma_start3A_514 : memref<1x128xi32, #tpu.memory_space<vmem>> -> memref<128xi32, #tpu.memory_space<vmem>>
        %dma_start3A_516 = arith.constant 0 : i32
        %dma_start3A_517 = arith.constant 0 : i32
        %dma_start3A_518 = tpu.memref_slice %arg2[%dma_start3A_516, %dma_start3A_517] : memref<20480x64xbf16, #tpu.memory_space<hbm>> -> memref<20480x64xbf16, #tpu.memory_space<hbm>>
        tpu.enqueue_indirect_dma source(%dma_start3A_518 : memref<20480x64xbf16, #tpu.memory_space<hbm>>) target(%arg12 : memref<128x64xbf16, #tpu.memory_space<vmem>>) offsets(%dma_start3A_515 : memref<128xi32, #tpu.memory_space<vmem>>) semaphore(%arg18 : memref<!tpu.dma_semaphore, #tpu.memory_space<semaphore_mem>>)
      } else {
      }
      %lt3A_362 = arith.constant 80 : i32
      %lt3A_363 = arith.cmpi slt, %sub3A_250, %lt3A_362 : i32
      %jit3A_364 = arith.constant 6 : i32
      %eq3A_365 = arith.constant 0 : i32
      %eq3A_366 = arith.cmpi eq, %jit3A_364, %eq3A_365 : i32
      %jit3A_367 = arith.constant 1 : i32
      %select_n3A_368 = arith.select %eq3A_366, %jit3A_367, %jit3A_364 : i32
      %rem3A_369 = arith.remsi %sub3A_250, %select_n3A_368 : i32
      %ne3A_370 = arith.constant 0 : i32
      %ne3A_371 = arith.cmpi ne, %rem3A_369, %ne3A_370 : i32
      %lt3A_372 = arith.constant 0 : i32
      %lt3A_373 = arith.cmpi slt, %rem3A_369, %lt3A_372 : i32
      %lt3A_374 = arith.constant 0 : i32
      %lt3A_375 = arith.cmpi slt, %select_n3A_368, %lt3A_374 : i32
      %ne3A_376 = arith.xori %lt3A_373, %lt3A_375 : i1
      %and3A_377 = arith.andi %ne3A_376, %ne3A_371 : i1
      %add3A_378 = arith.addi %rem3A_369, %select_n3A_368 : i32
      %select_n3A_379 = arith.select %and3A_377, %add3A_378, %rem3A_369 : i32
      %eq3A_380 = arith.constant 5 : i32
      %eq3A_381 = arith.cmpi eq, %select_n3A_379, %eq3A_380 : i32
      %and3A_382 = arith.andi %lt3A_363, %eq3A_381 : i1
      %convert_element_type3A_383 = arith.extui %and3A_382 : i1 to i32
      %cond3A_384 = arith.constant 0 : i32
      %cond3A_385 = arith.cmpi ne, %convert_element_type3A_383, %cond3A_384 : i32
      scf.if %cond3A_385 {
        %dma_start3A_513 = arith.constant 0 : i32
        %dma_start3A_514 = tpu.memref_slice %arg6[%sub3A_250, %dma_start3A_513] : memref<80x128xi32, #tpu.memory_space<vmem>> -> memref<1x128xi32, #tpu.memory_space<vmem>>
        %dma_start3A_515 = tpu.memref_squeeze %dma_start3A_514 : memref<1x128xi32, #tpu.memory_space<vmem>> -> memref<128xi32, #tpu.memory_space<vmem>>
        %dma_start3A_516 = arith.constant 0 : i32
        %dma_start3A_517 = arith.constant 0 : i32
        %dma_start3A_518 = tpu.memref_slice %arg2[%dma_start3A_516, %dma_start3A_517] : memref<20480x64xbf16, #tpu.memory_space<hbm>> -> memref<20480x64xbf16, #tpu.memory_space<hbm>>
        tpu.enqueue_indirect_dma source(%dma_start3A_518 : memref<20480x64xbf16, #tpu.memory_space<hbm>>) target(%arg13 : memref<128x64xbf16, #tpu.memory_space<vmem>>) offsets(%dma_start3A_515 : memref<128xi32, #tpu.memory_space<vmem>>) semaphore(%arg19 : memref<!tpu.dma_semaphore, #tpu.memory_space<semaphore_mem>>)
      } else {
      }
      %jit3A_386 = arith.constant 6 : i32
      %eq3A_387 = arith.constant 0 : i32
      %eq3A_388 = arith.cmpi eq, %jit3A_386, %eq3A_387 : i32
      %jit3A_389 = arith.constant 1 : i32
      %select_n3A_390 = arith.select %eq3A_388, %jit3A_389, %jit3A_386 : i32
      %rem3A_391 = arith.remsi %scan3A_246, %select_n3A_390 : i32
      %ne3A_392 = arith.constant 0 : i32
      %ne3A_393 = arith.cmpi ne, %rem3A_391, %ne3A_392 : i32
      %lt3A_394 = arith.constant 0 : i32
      %lt3A_395 = arith.cmpi slt, %rem3A_391, %lt3A_394 : i32
      %lt3A_396 = arith.constant 0 : i32
      %lt3A_397 = arith.cmpi slt, %select_n3A_390, %lt3A_396 : i32
      %ne3A_398 = arith.xori %lt3A_395, %lt3A_397 : i1
      %and3A_399 = arith.andi %ne3A_398, %ne3A_393 : i1
      %add3A_400 = arith.addi %rem3A_391, %select_n3A_390 : i32
      %select_n3A_401 = arith.select %and3A_399, %add3A_400, %rem3A_391 : i32
      %eq3A_402 = arith.constant 0 : i32
      %eq3A_403 = arith.cmpi eq, %select_n3A_401, %eq3A_402 : i32
      %convert_element_type3A_404 = arith.extui %eq3A_403 : i1 to i32
      %cond3A_405 = arith.constant 0 : i32
      %cond3A_406 = arith.cmpi ne, %convert_element_type3A_404, %cond3A_405 : i32
      scf.if %cond3A_406 {
        %dma_wait3A_513 = arith.constant 0 : i32
        %dma_wait3A_514 = tpu.memref_slice %arg6[%scan3A_246, %dma_wait3A_513] : memref<80x128xi32, #tpu.memory_space<vmem>> -> memref<1x128xi32, #tpu.memory_space<vmem>>
        %dma_wait3A_515 = tpu.memref_squeeze %dma_wait3A_514 : memref<1x128xi32, #tpu.memory_space<vmem>> -> memref<128xi32, #tpu.memory_space<vmem>>
        %dma_wait3A_516 = arith.constant 0 : i32
        %dma_wait3A_517 = arith.constant 0 : i32
        %dma_wait3A_518 = tpu.memref_slice %arg2[%dma_wait3A_516, %dma_wait3A_517] : memref<20480x64xbf16, #tpu.memory_space<hbm>> -> memref<20480x64xbf16, #tpu.memory_space<hbm>>
        tpu.wait_indirect_dma semaphore(%arg14 : memref<!tpu.dma_semaphore, #tpu.memory_space<semaphore_mem>>) src(%dma_wait3A_518 : memref<20480x64xbf16, #tpu.memory_space<hbm>>) dst(%arg8 : memref<128x64xbf16, #tpu.memory_space<vmem>>)
        "tpu.region"() ({
          %run_scoped3A = tpu.sem_alloc : memref<!tpu.dma_semaphore, #tpu.memory_space<semaphore_mem>>
          %dma_start3A_519 = arith.constant 0 : i32
          %dma_start3A_520 = tpu.memref_slice %arg7[%scan3A_246, %dma_start3A_519] : memref<80x128xi32, #tpu.memory_space<vmem>> -> memref<1x128xi32, #tpu.memory_space<vmem>>
          %dma_start3A_521 = tpu.memref_squeeze %dma_start3A_520 : memref<1x128xi32, #tpu.memory_space<vmem>> -> memref<128xi32, #tpu.memory_space<vmem>>
          %dma_start3A_522 = arith.constant 0 : i32
          %dma_start3A_523 = arith.constant 0 : i32
          %dma_start3A_524 = tpu.memref_slice %arg20[%dma_start3A_522, %dma_start3A_523] : memref<10240x64xbf16, #tpu.memory_space<vmem_shared>> -> memref<10240x64xbf16, #tpu.memory_space<vmem_shared>>
          tpu.enqueue_indirect_dma source(%arg8 : memref<128x64xbf16, #tpu.memory_space<vmem>>) target(%dma_start3A_524 : memref<10240x64xbf16, #tpu.memory_space<vmem_shared>>) offsets(%dma_start3A_521 : memref<128xi32, #tpu.memory_space<vmem>>) semaphore(%run_scoped3A : memref<!tpu.dma_semaphore, #tpu.memory_space<semaphore_mem>>) {add = true}
          %dma_wait3A_525 = arith.constant 0 : i32
          %dma_wait3A_526 = tpu.memref_slice %arg7[%scan3A_246, %dma_wait3A_525] : memref<80x128xi32, #tpu.memory_space<vmem>> -> memref<1x128xi32, #tpu.memory_space<vmem>>
          %dma_wait3A_527 = tpu.memref_squeeze %dma_wait3A_526 : memref<1x128xi32, #tpu.memory_space<vmem>> -> memref<128xi32, #tpu.memory_space<vmem>>
          %dma_wait3A_528 = arith.constant 0 : i32
          %dma_wait3A_529 = arith.constant 0 : i32
          %dma_wait3A_530 = tpu.memref_slice %arg20[%dma_wait3A_528, %dma_wait3A_529] : memref<10240x64xbf16, #tpu.memory_space<vmem_shared>> -> memref<10240x64xbf16, #tpu.memory_space<vmem_shared>>
          tpu.wait_indirect_dma semaphore(%run_scoped3A : memref<!tpu.dma_semaphore, #tpu.memory_space<semaphore_mem>>) src(%arg8 : memref<128x64xbf16, #tpu.memory_space<vmem>>) dst(%dma_wait3A_530 : memref<10240x64xbf16, #tpu.memory_space<vmem_shared>>)
          tpu.yield
        }) : () -> ()
      } else {
      }
      %jit3A_407 = arith.constant 6 : i32
      %eq3A_408 = arith.constant 0 : i32
      %eq3A_409 = arith.cmpi eq, %jit3A_407, %eq3A_408 : i32
      %jit3A_410 = arith.constant 1 : i32
      %select_n3A_411 = arith.select %eq3A_409, %jit3A_410, %jit3A_407 : i32
      %rem3A_412 = arith.remsi %scan3A_246, %select_n3A_411 : i32
      %ne3A_413 = arith.constant 0 : i32
      %ne3A_414 = arith.cmpi ne, %rem3A_412, %ne3A_413 : i32
      %lt3A_415 = arith.constant 0 : i32
      %lt3A_416 = arith.cmpi slt, %rem3A_412, %lt3A_415 : i32
      %lt3A_417 = arith.constant 0 : i32
      %lt3A_418 = arith.cmpi slt, %select_n3A_411, %lt3A_417 : i32
      %ne3A_419 = arith.xori %lt3A_416, %lt3A_418 : i1
      %and3A_420 = arith.andi %ne3A_419, %ne3A_414 : i1
      %add3A_421 = arith.addi %rem3A_412, %select_n3A_411 : i32
      %select_n3A_422 = arith.select %and3A_420, %add3A_421, %rem3A_412 : i32
      %eq3A_423 = arith.constant 1 : i32
      %eq3A_424 = arith.cmpi eq, %select_n3A_422, %eq3A_423 : i32
      %convert_element_type3A_425 = arith.extui %eq3A_424 : i1 to i32
      %cond3A_426 = arith.constant 0 : i32
      %cond3A_427 = arith.cmpi ne, %convert_element_type3A_425, %cond3A_426 : i32
      scf.if %cond3A_427 {
        %dma_wait3A_513 = arith.constant 0 : i32
        %dma_wait3A_514 = tpu.memref_slice %arg6[%scan3A_246, %dma_wait3A_513] : memref<80x128xi32, #tpu.memory_space<vmem>> -> memref<1x128xi32, #tpu.memory_space<vmem>>
        %dma_wait3A_515 = tpu.memref_squeeze %dma_wait3A_514 : memref<1x128xi32, #tpu.memory_space<vmem>> -> memref<128xi32, #tpu.memory_space<vmem>>
        %dma_wait3A_516 = arith.constant 0 : i32
        %dma_wait3A_517 = arith.constant 0 : i32
        %dma_wait3A_518 = tpu.memref_slice %arg2[%dma_wait3A_516, %dma_wait3A_517] : memref<20480x64xbf16, #tpu.memory_space<hbm>> -> memref<20480x64xbf16, #tpu.memory_space<hbm>>
        tpu.wait_indirect_dma semaphore(%arg15 : memref<!tpu.dma_semaphore, #tpu.memory_space<semaphore_mem>>) src(%dma_wait3A_518 : memref<20480x64xbf16, #tpu.memory_space<hbm>>) dst(%arg9 : memref<128x64xbf16, #tpu.memory_space<vmem>>)
        "tpu.region"() ({
          %run_scoped3A = tpu.sem_alloc : memref<!tpu.dma_semaphore, #tpu.memory_space<semaphore_mem>>
          %dma_start3A_519 = arith.constant 0 : i32
          %dma_start3A_520 = tpu.memref_slice %arg7[%scan3A_246, %dma_start3A_519] : memref<80x128xi32, #tpu.memory_space<vmem>> -> memref<1x128xi32, #tpu.memory_space<vmem>>
          %dma_start3A_521 = tpu.memref_squeeze %dma_start3A_520 : memref<1x128xi32, #tpu.memory_space<vmem>> -> memref<128xi32, #tpu.memory_space<vmem>>
          %dma_start3A_522 = arith.constant 0 : i32
          %dma_start3A_523 = arith.constant 0 : i32
          %dma_start3A_524 = tpu.memref_slice %arg21[%dma_start3A_522, %dma_start3A_523] : memref<10240x64xbf16, #tpu.memory_space<vmem_shared>> -> memref<10240x64xbf16, #tpu.memory_space<vmem_shared>>
          tpu.enqueue_indirect_dma source(%arg9 : memref<128x64xbf16, #tpu.memory_space<vmem>>) target(%dma_start3A_524 : memref<10240x64xbf16, #tpu.memory_space<vmem_shared>>) offsets(%dma_start3A_521 : memref<128xi32, #tpu.memory_space<vmem>>) semaphore(%run_scoped3A : memref<!tpu.dma_semaphore, #tpu.memory_space<semaphore_mem>>) {add = true}
          %dma_wait3A_525 = arith.constant 0 : i32
          %dma_wait3A_526 = tpu.memref_slice %arg7[%scan3A_246, %dma_wait3A_525] : memref<80x128xi32, #tpu.memory_space<vmem>> -> memref<1x128xi32, #tpu.memory_space<vmem>>
          %dma_wait3A_527 = tpu.memref_squeeze %dma_wait3A_526 : memref<1x128xi32, #tpu.memory_space<vmem>> -> memref<128xi32, #tpu.memory_space<vmem>>
          %dma_wait3A_528 = arith.constant 0 : i32
          %dma_wait3A_529 = arith.constant 0 : i32
          %dma_wait3A_530 = tpu.memref_slice %arg21[%dma_wait3A_528, %dma_wait3A_529] : memref<10240x64xbf16, #tpu.memory_space<vmem_shared>> -> memref<10240x64xbf16, #tpu.memory_space<vmem_shared>>
          tpu.wait_indirect_dma semaphore(%run_scoped3A : memref<!tpu.dma_semaphore, #tpu.memory_space<semaphore_mem>>) src(%arg9 : memref<128x64xbf16, #tpu.memory_space<vmem>>) dst(%dma_wait3A_530 : memref<10240x64xbf16, #tpu.memory_space<vmem_shared>>)
          tpu.yield
        }) : () -> ()
      } else {
      }
      %jit3A_428 = arith.constant 6 : i32
      %eq3A_429 = arith.constant 0 : i32
      %eq3A_430 = arith.cmpi eq, %jit3A_428, %eq3A_429 : i32
      %jit3A_431 = arith.constant 1 : i32
      %select_n3A_432 = arith.select %eq3A_430, %jit3A_431, %jit3A_428 : i32
      %rem3A_433 = arith.remsi %scan3A_246, %select_n3A_432 : i32
      %ne3A_434 = arith.constant 0 : i32
      %ne3A_435 = arith.cmpi ne, %rem3A_433, %ne3A_434 : i32
      %lt3A_436 = arith.constant 0 : i32
      %lt3A_437 = arith.cmpi slt, %rem3A_433, %lt3A_436 : i32
      %lt3A_438 = arith.constant 0 : i32
      %lt3A_439 = arith.cmpi slt, %select_n3A_432, %lt3A_438 : i32
      %ne3A_440 = arith.xori %lt3A_437, %lt3A_439 : i1
      %and3A_441 = arith.andi %ne3A_440, %ne3A_435 : i1
      %add3A_442 = arith.addi %rem3A_433, %select_n3A_432 : i32
      %select_n3A_443 = arith.select %and3A_441, %add3A_442, %rem3A_433 : i32
      %eq3A_444 = arith.constant 2 : i32
      %eq3A_445 = arith.cmpi eq, %select_n3A_443, %eq3A_444 : i32
      %convert_element_type3A_446 = arith.extui %eq3A_445 : i1 to i32
      %cond3A_447 = arith.constant 0 : i32
      %cond3A_448 = arith.cmpi ne, %convert_element_type3A_446, %cond3A_447 : i32
      scf.if %cond3A_448 {
        %dma_wait3A_513 = arith.constant 0 : i32
        %dma_wait3A_514 = tpu.memref_slice %arg6[%scan3A_246, %dma_wait3A_513] : memref<80x128xi32, #tpu.memory_space<vmem>> -> memref<1x128xi32, #tpu.memory_space<vmem>>
        %dma_wait3A_515 = tpu.memref_squeeze %dma_wait3A_514 : memref<1x128xi32, #tpu.memory_space<vmem>> -> memref<128xi32, #tpu.memory_space<vmem>>
        %dma_wait3A_516 = arith.constant 0 : i32
        %dma_wait3A_517 = arith.constant 0 : i32
        %dma_wait3A_518 = tpu.memref_slice %arg2[%dma_wait3A_516, %dma_wait3A_517] : memref<20480x64xbf16, #tpu.memory_space<hbm>> -> memref<20480x64xbf16, #tpu.memory_space<hbm>>
        tpu.wait_indirect_dma semaphore(%arg16 : memref<!tpu.dma_semaphore, #tpu.memory_space<semaphore_mem>>) src(%dma_wait3A_518 : memref<20480x64xbf16, #tpu.memory_space<hbm>>) dst(%arg10 : memref<128x64xbf16, #tpu.memory_space<vmem>>)
        "tpu.region"() ({
          %run_scoped3A = tpu.sem_alloc : memref<!tpu.dma_semaphore, #tpu.memory_space<semaphore_mem>>
          %dma_start3A_519 = arith.constant 0 : i32
          %dma_start3A_520 = tpu.memref_slice %arg7[%scan3A_246, %dma_start3A_519] : memref<80x128xi32, #tpu.memory_space<vmem>> -> memref<1x128xi32, #tpu.memory_space<vmem>>
          %dma_start3A_521 = tpu.memref_squeeze %dma_start3A_520 : memref<1x128xi32, #tpu.memory_space<vmem>> -> memref<128xi32, #tpu.memory_space<vmem>>
          %dma_start3A_522 = arith.constant 0 : i32
          %dma_start3A_523 = arith.constant 0 : i32
          %dma_start3A_524 = tpu.memref_slice %arg20[%dma_start3A_522, %dma_start3A_523] : memref<10240x64xbf16, #tpu.memory_space<vmem_shared>> -> memref<10240x64xbf16, #tpu.memory_space<vmem_shared>>
          tpu.enqueue_indirect_dma source(%arg10 : memref<128x64xbf16, #tpu.memory_space<vmem>>) target(%dma_start3A_524 : memref<10240x64xbf16, #tpu.memory_space<vmem_shared>>) offsets(%dma_start3A_521 : memref<128xi32, #tpu.memory_space<vmem>>) semaphore(%run_scoped3A : memref<!tpu.dma_semaphore, #tpu.memory_space<semaphore_mem>>) {add = true}
          %dma_wait3A_525 = arith.constant 0 : i32
          %dma_wait3A_526 = tpu.memref_slice %arg7[%scan3A_246, %dma_wait3A_525] : memref<80x128xi32, #tpu.memory_space<vmem>> -> memref<1x128xi32, #tpu.memory_space<vmem>>
          %dma_wait3A_527 = tpu.memref_squeeze %dma_wait3A_526 : memref<1x128xi32, #tpu.memory_space<vmem>> -> memref<128xi32, #tpu.memory_space<vmem>>
          %dma_wait3A_528 = arith.constant 0 : i32
          %dma_wait3A_529 = arith.constant 0 : i32
          %dma_wait3A_530 = tpu.memref_slice %arg20[%dma_wait3A_528, %dma_wait3A_529] : memref<10240x64xbf16, #tpu.memory_space<vmem_shared>> -> memref<10240x64xbf16, #tpu.memory_space<vmem_shared>>
          tpu.wait_indirect_dma semaphore(%run_scoped3A : memref<!tpu.dma_semaphore, #tpu.memory_space<semaphore_mem>>) src(%arg10 : memref<128x64xbf16, #tpu.memory_space<vmem>>) dst(%dma_wait3A_530 : memref<10240x64xbf16, #tpu.memory_space<vmem_shared>>)
          tpu.yield
        }) : () -> ()
      } else {
      }
      %jit3A_449 = arith.constant 6 : i32
      %eq3A_450 = arith.constant 0 : i32
      %eq3A_451 = arith.cmpi eq, %jit3A_449, %eq3A_450 : i32
      %jit3A_452 = arith.constant 1 : i32
      %select_n3A_453 = arith.select %eq3A_451, %jit3A_452, %jit3A_449 : i32
      %rem3A_454 = arith.remsi %scan3A_246, %select_n3A_453 : i32
      %ne3A_455 = arith.constant 0 : i32
      %ne3A_456 = arith.cmpi ne, %rem3A_454, %ne3A_455 : i32
      %lt3A_457 = arith.constant 0 : i32
      %lt3A_458 = arith.cmpi slt, %rem3A_454, %lt3A_457 : i32
      %lt3A_459 = arith.constant 0 : i32
      %lt3A_460 = arith.cmpi slt, %select_n3A_453, %lt3A_459 : i32
      %ne3A_461 = arith.xori %lt3A_458, %lt3A_460 : i1
      %and3A_462 = arith.andi %ne3A_461, %ne3A_456 : i1
      %add3A_463 = arith.addi %rem3A_454, %select_n3A_453 : i32
      %select_n3A_464 = arith.select %and3A_462, %add3A_463, %rem3A_454 : i32
      %eq3A_465 = arith.constant 3 : i32
      %eq3A_466 = arith.cmpi eq, %select_n3A_464, %eq3A_465 : i32
      %convert_element_type3A_467 = arith.extui %eq3A_466 : i1 to i32
      %cond3A_468 = arith.constant 0 : i32
      %cond3A_469 = arith.cmpi ne, %convert_element_type3A_467, %cond3A_468 : i32
      scf.if %cond3A_469 {
        %dma_wait3A_513 = arith.constant 0 : i32
        %dma_wait3A_514 = tpu.memref_slice %arg6[%scan3A_246, %dma_wait3A_513] : memref<80x128xi32, #tpu.memory_space<vmem>> -> memref<1x128xi32, #tpu.memory_space<vmem>>
        %dma_wait3A_515 = tpu.memref_squeeze %dma_wait3A_514 : memref<1x128xi32, #tpu.memory_space<vmem>> -> memref<128xi32, #tpu.memory_space<vmem>>
        %dma_wait3A_516 = arith.constant 0 : i32
        %dma_wait3A_517 = arith.constant 0 : i32
        %dma_wait3A_518 = tpu.memref_slice %arg2[%dma_wait3A_516, %dma_wait3A_517] : memref<20480x64xbf16, #tpu.memory_space<hbm>> -> memref<20480x64xbf16, #tpu.memory_space<hbm>>
        tpu.wait_indirect_dma semaphore(%arg17 : memref<!tpu.dma_semaphore, #tpu.memory_space<semaphore_mem>>) src(%dma_wait3A_518 : memref<20480x64xbf16, #tpu.memory_space<hbm>>) dst(%arg11 : memref<128x64xbf16, #tpu.memory_space<vmem>>)
        "tpu.region"() ({
          %run_scoped3A = tpu.sem_alloc : memref<!tpu.dma_semaphore, #tpu.memory_space<semaphore_mem>>
          %dma_start3A_519 = arith.constant 0 : i32
          %dma_start3A_520 = tpu.memref_slice %arg7[%scan3A_246, %dma_start3A_519] : memref<80x128xi32, #tpu.memory_space<vmem>> -> memref<1x128xi32, #tpu.memory_space<vmem>>
          %dma_start3A_521 = tpu.memref_squeeze %dma_start3A_520 : memref<1x128xi32, #tpu.memory_space<vmem>> -> memref<128xi32, #tpu.memory_space<vmem>>
          %dma_start3A_522 = arith.constant 0 : i32
          %dma_start3A_523 = arith.constant 0 : i32
          %dma_start3A_524 = tpu.memref_slice %arg21[%dma_start3A_522, %dma_start3A_523] : memref<10240x64xbf16, #tpu.memory_space<vmem_shared>> -> memref<10240x64xbf16, #tpu.memory_space<vmem_shared>>
          tpu.enqueue_indirect_dma source(%arg11 : memref<128x64xbf16, #tpu.memory_space<vmem>>) target(%dma_start3A_524 : memref<10240x64xbf16, #tpu.memory_space<vmem_shared>>) offsets(%dma_start3A_521 : memref<128xi32, #tpu.memory_space<vmem>>) semaphore(%run_scoped3A : memref<!tpu.dma_semaphore, #tpu.memory_space<semaphore_mem>>) {add = true}
          %dma_wait3A_525 = arith.constant 0 : i32
          %dma_wait3A_526 = tpu.memref_slice %arg7[%scan3A_246, %dma_wait3A_525] : memref<80x128xi32, #tpu.memory_space<vmem>> -> memref<1x128xi32, #tpu.memory_space<vmem>>
          %dma_wait3A_527 = tpu.memref_squeeze %dma_wait3A_526 : memref<1x128xi32, #tpu.memory_space<vmem>> -> memref<128xi32, #tpu.memory_space<vmem>>
          %dma_wait3A_528 = arith.constant 0 : i32
          %dma_wait3A_529 = arith.constant 0 : i32
          %dma_wait3A_530 = tpu.memref_slice %arg21[%dma_wait3A_528, %dma_wait3A_529] : memref<10240x64xbf16, #tpu.memory_space<vmem_shared>> -> memref<10240x64xbf16, #tpu.memory_space<vmem_shared>>
          tpu.wait_indirect_dma semaphore(%run_scoped3A : memref<!tpu.dma_semaphore, #tpu.memory_space<semaphore_mem>>) src(%arg11 : memref<128x64xbf16, #tpu.memory_space<vmem>>) dst(%dma_wait3A_530 : memref<10240x64xbf16, #tpu.memory_space<vmem_shared>>)
          tpu.yield
        }) : () -> ()
      } else {
      }
      %jit3A_470 = arith.constant 6 : i32
      %eq3A_471 = arith.constant 0 : i32
      %eq3A_472 = arith.cmpi eq, %jit3A_470, %eq3A_471 : i32
      %jit3A_473 = arith.constant 1 : i32
      %select_n3A_474 = arith.select %eq3A_472, %jit3A_473, %jit3A_470 : i32
      %rem3A_475 = arith.remsi %scan3A_246, %select_n3A_474 : i32
      %ne3A_476 = arith.constant 0 : i32
      %ne3A_477 = arith.cmpi ne, %rem3A_475, %ne3A_476 : i32
      %lt3A_478 = arith.constant 0 : i32
      %lt3A_479 = arith.cmpi slt, %rem3A_475, %lt3A_478 : i32
      %lt3A_480 = arith.constant 0 : i32
      %lt3A_481 = arith.cmpi slt, %select_n3A_474, %lt3A_480 : i32
      %ne3A_482 = arith.xori %lt3A_479, %lt3A_481 : i1
      %and3A_483 = arith.andi %ne3A_482, %ne3A_477 : i1
      %add3A_484 = arith.addi %rem3A_475, %select_n3A_474 : i32
      %select_n3A_485 = arith.select %and3A_483, %add3A_484, %rem3A_475 : i32
      %eq3A_486 = arith.constant 4 : i32
      %eq3A_487 = arith.cmpi eq, %select_n3A_485, %eq3A_486 : i32
      %convert_element_type3A_488 = arith.extui %eq3A_487 : i1 to i32
      %cond3A_489 = arith.constant 0 : i32
      %cond3A_490 = arith.cmpi ne, %convert_element_type3A_488, %cond3A_489 : i32
      scf.if %cond3A_490 {
        %dma_wait3A_513 = arith.constant 0 : i32
        %dma_wait3A_514 = tpu.memref_slice %arg6[%scan3A_246, %dma_wait3A_513] : memref<80x128xi32, #tpu.memory_space<vmem>> -> memref<1x128xi32, #tpu.memory_space<vmem>>
        %dma_wait3A_515 = tpu.memref_squeeze %dma_wait3A_514 : memref<1x128xi32, #tpu.memory_space<vmem>> -> memref<128xi32, #tpu.memory_space<vmem>>
        %dma_wait3A_516 = arith.constant 0 : i32
        %dma_wait3A_517 = arith.constant 0 : i32
        %dma_wait3A_518 = tpu.memref_slice %arg2[%dma_wait3A_516, %dma_wait3A_517] : memref<20480x64xbf16, #tpu.memory_space<hbm>> -> memref<20480x64xbf16, #tpu.memory_space<hbm>>
        tpu.wait_indirect_dma semaphore(%arg18 : memref<!tpu.dma_semaphore, #tpu.memory_space<semaphore_mem>>) src(%dma_wait3A_518 : memref<20480x64xbf16, #tpu.memory_space<hbm>>) dst(%arg12 : memref<128x64xbf16, #tpu.memory_space<vmem>>)
        "tpu.region"() ({
          %run_scoped3A = tpu.sem_alloc : memref<!tpu.dma_semaphore, #tpu.memory_space<semaphore_mem>>
          %dma_start3A_519 = arith.constant 0 : i32
          %dma_start3A_520 = tpu.memref_slice %arg7[%scan3A_246, %dma_start3A_519] : memref<80x128xi32, #tpu.memory_space<vmem>> -> memref<1x128xi32, #tpu.memory_space<vmem>>
          %dma_start3A_521 = tpu.memref_squeeze %dma_start3A_520 : memref<1x128xi32, #tpu.memory_space<vmem>> -> memref<128xi32, #tpu.memory_space<vmem>>
          %dma_start3A_522 = arith.constant 0 : i32
          %dma_start3A_523 = arith.constant 0 : i32
          %dma_start3A_524 = tpu.memref_slice %arg20[%dma_start3A_522, %dma_start3A_523] : memref<10240x64xbf16, #tpu.memory_space<vmem_shared>> -> memref<10240x64xbf16, #tpu.memory_space<vmem_shared>>
          tpu.enqueue_indirect_dma source(%arg12 : memref<128x64xbf16, #tpu.memory_space<vmem>>) target(%dma_start3A_524 : memref<10240x64xbf16, #tpu.memory_space<vmem_shared>>) offsets(%dma_start3A_521 : memref<128xi32, #tpu.memory_space<vmem>>) semaphore(%run_scoped3A : memref<!tpu.dma_semaphore, #tpu.memory_space<semaphore_mem>>) {add = true}
          %dma_wait3A_525 = arith.constant 0 : i32
          %dma_wait3A_526 = tpu.memref_slice %arg7[%scan3A_246, %dma_wait3A_525] : memref<80x128xi32, #tpu.memory_space<vmem>> -> memref<1x128xi32, #tpu.memory_space<vmem>>
          %dma_wait3A_527 = tpu.memref_squeeze %dma_wait3A_526 : memref<1x128xi32, #tpu.memory_space<vmem>> -> memref<128xi32, #tpu.memory_space<vmem>>
          %dma_wait3A_528 = arith.constant 0 : i32
          %dma_wait3A_529 = arith.constant 0 : i32
          %dma_wait3A_530 = tpu.memref_slice %arg20[%dma_wait3A_528, %dma_wait3A_529] : memref<10240x64xbf16, #tpu.memory_space<vmem_shared>> -> memref<10240x64xbf16, #tpu.memory_space<vmem_shared>>
          tpu.wait_indirect_dma semaphore(%run_scoped3A : memref<!tpu.dma_semaphore, #tpu.memory_space<semaphore_mem>>) src(%arg12 : memref<128x64xbf16, #tpu.memory_space<vmem>>) dst(%dma_wait3A_530 : memref<10240x64xbf16, #tpu.memory_space<vmem_shared>>)
          tpu.yield
        }) : () -> ()
      } else {
      }
      %jit3A_491 = arith.constant 6 : i32
      %eq3A_492 = arith.constant 0 : i32
      %eq3A_493 = arith.cmpi eq, %jit3A_491, %eq3A_492 : i32
      %jit3A_494 = arith.constant 1 : i32
      %select_n3A_495 = arith.select %eq3A_493, %jit3A_494, %jit3A_491 : i32
      %rem3A_496 = arith.remsi %scan3A_246, %select_n3A_495 : i32
      %ne3A_497 = arith.constant 0 : i32
      %ne3A_498 = arith.cmpi ne, %rem3A_496, %ne3A_497 : i32
      %lt3A_499 = arith.constant 0 : i32
      %lt3A_500 = arith.cmpi slt, %rem3A_496, %lt3A_499 : i32
      %lt3A_501 = arith.constant 0 : i32
      %lt3A_502 = arith.cmpi slt, %select_n3A_495, %lt3A_501 : i32
      %ne3A_503 = arith.xori %lt3A_500, %lt3A_502 : i1
      %and3A_504 = arith.andi %ne3A_503, %ne3A_498 : i1
      %add3A_505 = arith.addi %rem3A_496, %select_n3A_495 : i32
      %select_n3A_506 = arith.select %and3A_504, %add3A_505, %rem3A_496 : i32
      %eq3A_507 = arith.constant 5 : i32
      %eq3A_508 = arith.cmpi eq, %select_n3A_506, %eq3A_507 : i32
      %convert_element_type3A_509 = arith.extui %eq3A_508 : i1 to i32
      %cond3A_510 = arith.constant 0 : i32
      %cond3A_511 = arith.cmpi ne, %convert_element_type3A_509, %cond3A_510 : i32
      scf.if %cond3A_511 {
        %dma_wait3A_513 = arith.constant 0 : i32
        %dma_wait3A_514 = tpu.memref_slice %arg6[%scan3A_246, %dma_wait3A_513] : memref<80x128xi32, #tpu.memory_space<vmem>> -> memref<1x128xi32, #tpu.memory_space<vmem>>
        %dma_wait3A_515 = tpu.memref_squeeze %dma_wait3A_514 : memref<1x128xi32, #tpu.memory_space<vmem>> -> memref<128xi32, #tpu.memory_space<vmem>>
        %dma_wait3A_516 = arith.constant 0 : i32
        %dma_wait3A_517 = arith.constant 0 : i32
        %dma_wait3A_518 = tpu.memref_slice %arg2[%dma_wait3A_516, %dma_wait3A_517] : memref<20480x64xbf16, #tpu.memory_space<hbm>> -> memref<20480x64xbf16, #tpu.memory_space<hbm>>
        tpu.wait_indirect_dma semaphore(%arg19 : memref<!tpu.dma_semaphore, #tpu.memory_space<semaphore_mem>>) src(%dma_wait3A_518 : memref<20480x64xbf16, #tpu.memory_space<hbm>>) dst(%arg13 : memref<128x64xbf16, #tpu.memory_space<vmem>>)
        "tpu.region"() ({
          %run_scoped3A = tpu.sem_alloc : memref<!tpu.dma_semaphore, #tpu.memory_space<semaphore_mem>>
          %dma_start3A_519 = arith.constant 0 : i32
          %dma_start3A_520 = tpu.memref_slice %arg7[%scan3A_246, %dma_start3A_519] : memref<80x128xi32, #tpu.memory_space<vmem>> -> memref<1x128xi32, #tpu.memory_space<vmem>>
          %dma_start3A_521 = tpu.memref_squeeze %dma_start3A_520 : memref<1x128xi32, #tpu.memory_space<vmem>> -> memref<128xi32, #tpu.memory_space<vmem>>
          %dma_start3A_522 = arith.constant 0 : i32
          %dma_start3A_523 = arith.constant 0 : i32
          %dma_start3A_524 = tpu.memref_slice %arg21[%dma_start3A_522, %dma_start3A_523] : memref<10240x64xbf16, #tpu.memory_space<vmem_shared>> -> memref<10240x64xbf16, #tpu.memory_space<vmem_shared>>
          tpu.enqueue_indirect_dma source(%arg13 : memref<128x64xbf16, #tpu.memory_space<vmem>>) target(%dma_start3A_524 : memref<10240x64xbf16, #tpu.memory_space<vmem_shared>>) offsets(%dma_start3A_521 : memref<128xi32, #tpu.memory_space<vmem>>) semaphore(%run_scoped3A : memref<!tpu.dma_semaphore, #tpu.memory_space<semaphore_mem>>) {add = true}
          %dma_wait3A_525 = arith.constant 0 : i32
          %dma_wait3A_526 = tpu.memref_slice %arg7[%scan3A_246, %dma_wait3A_525] : memref<80x128xi32, #tpu.memory_space<vmem>> -> memref<1x128xi32, #tpu.memory_space<vmem>>
          %dma_wait3A_527 = tpu.memref_squeeze %dma_wait3A_526 : memref<1x128xi32, #tpu.memory_space<vmem>> -> memref<128xi32, #tpu.memory_space<vmem>>
          %dma_wait3A_528 = arith.constant 0 : i32
          %dma_wait3A_529 = arith.constant 0 : i32
          %dma_wait3A_530 = tpu.memref_slice %arg21[%dma_wait3A_528, %dma_wait3A_529] : memref<10240x64xbf16, #tpu.memory_space<vmem_shared>> -> memref<10240x64xbf16, #tpu.memory_space<vmem_shared>>
          tpu.wait_indirect_dma semaphore(%run_scoped3A : memref<!tpu.dma_semaphore, #tpu.memory_space<semaphore_mem>>) src(%arg13 : memref<128x64xbf16, #tpu.memory_space<vmem>>) dst(%dma_wait3A_530 : memref<10240x64xbf16, #tpu.memory_space<vmem_shared>>)
          tpu.yield
        }) : () -> ()
      } else {
      }
      %scan3A_512 = arith.constant 0 : i32
      scf.yield %scan3A_512 : i32
    }
    %scan3A_228 = arith.constant 80 : i32
    %barrier3A_229 = arith.constant 0 : index
    tpu.barrier barrier_id(%barrier3A_229)
    %mul3A_230 = arith.constant 640 : i32
    %mul3A_231 = arith.muli %arg1, %mul3A_230 : i32
    %mul3A_232 = arith.constant 2 : i32
    %mul3A_233 = arith.muli %arg0, %mul3A_232 : i32
    %add3A_234 = arith.constant 0 : i32
    %add3A_235 = arith.addi %mul3A_233, %add3A_234 : i32
    %mul3A_236 = arith.constant 10240 : i32
    %mul3A_237 = arith.muli %add3A_235, %mul3A_236 : i32
    %add3A_238 = arith.addi %mul3A_237, %mul3A_231 : i32
    "tpu.region"() ({
      %run_scoped3A = tpu.sem_alloc : memref<!tpu.dma_semaphore, #tpu.memory_space<semaphore_mem>>
      %dma_start3A_246 = arith.constant 0 : i32
      %dma_start3A_247 = tpu.memref_slice %arg5[%add3A_238, %dma_start3A_246] : memref<40960x64xbf16, #tpu.memory_space<hbm>> -> memref<640x64xbf16, #tpu.memory_space<hbm>>
      %dma_start3A_248 = arith.constant 0 : i32
      %dma_start3A_249 = tpu.memref_slice %arg20[%mul3A_231, %dma_start3A_248] : memref<10240x64xbf16, #tpu.memory_space<vmem_shared>> -> memref<640x64xbf16, #tpu.memory_space<vmem_shared>>
      tpu.enqueue_dma source(%dma_start3A_249 : memref<640x64xbf16, #tpu.memory_space<vmem_shared>>) target(%dma_start3A_247 : memref<640x64xbf16, #tpu.memory_space<hbm>>) target_semaphore(%run_scoped3A : memref<!tpu.dma_semaphore, #tpu.memory_space<semaphore_mem>>)
      %dma_wait3A_250 = arith.constant 0 : i32
      %dma_wait3A_251 = tpu.memref_slice %arg5[%add3A_238, %dma_wait3A_250] : memref<40960x64xbf16, #tpu.memory_space<hbm>> -> memref<640x64xbf16, #tpu.memory_space<hbm>>
      %dma_wait3A_252 = arith.constant 0 : i32
      %dma_wait3A_253 = tpu.memref_slice %arg20[%mul3A_231, %dma_wait3A_252] : memref<10240x64xbf16, #tpu.memory_space<vmem_shared>> -> memref<640x64xbf16, #tpu.memory_space<vmem_shared>>
      tpu.wait_dma2 semaphore(%run_scoped3A : memref<!tpu.dma_semaphore, #tpu.memory_space<semaphore_mem>>) src(%dma_wait3A_253 : memref<640x64xbf16, #tpu.memory_space<vmem_shared>>) dst(%dma_wait3A_251 : memref<640x64xbf16, #tpu.memory_space<hbm>>)
      tpu.yield
    }) : () -> ()
    %mul3A_239 = arith.constant 2 : i32
    %mul3A_240 = arith.muli %arg0, %mul3A_239 : i32
    %add3A_241 = arith.constant 1 : i32
    %add3A_242 = arith.addi %mul3A_240, %add3A_241 : i32
    %mul3A_243 = arith.constant 10240 : i32
    %mul3A_244 = arith.muli %add3A_242, %mul3A_243 : i32
    %add3A_245 = arith.addi %mul3A_244, %mul3A_231 : i32
    "tpu.region"() ({
      %run_scoped3A = tpu.sem_alloc : memref<!tpu.dma_semaphore, #tpu.memory_space<semaphore_mem>>
      %dma_start3A_246 = arith.constant 0 : i32
      %dma_start3A_247 = tpu.memref_slice %arg5[%add3A_245, %dma_start3A_246] : memref<40960x64xbf16, #tpu.memory_space<hbm>> -> memref<640x64xbf16, #tpu.memory_space<hbm>>
      %dma_start3A_248 = arith.constant 0 : i32
      %dma_start3A_249 = tpu.memref_slice %arg21[%mul3A_231, %dma_start3A_248] : memref<10240x64xbf16, #tpu.memory_space<vmem_shared>> -> memref<640x64xbf16, #tpu.memory_space<vmem_shared>>
      tpu.enqueue_dma source(%dma_start3A_249 : memref<640x64xbf16, #tpu.memory_space<vmem_shared>>) target(%dma_start3A_247 : memref<640x64xbf16, #tpu.memory_space<hbm>>) target_semaphore(%run_scoped3A : memref<!tpu.dma_semaphore, #tpu.memory_space<semaphore_mem>>)
      %dma_wait3A_250 = arith.constant 0 : i32
      %dma_wait3A_251 = tpu.memref_slice %arg5[%add3A_245, %dma_wait3A_250] : memref<40960x64xbf16, #tpu.memory_space<hbm>> -> memref<640x64xbf16, #tpu.memory_space<hbm>>
      %dma_wait3A_252 = arith.constant 0 : i32
      %dma_wait3A_253 = tpu.memref_slice %arg21[%mul3A_231, %dma_wait3A_252] : memref<10240x64xbf16, #tpu.memory_space<vmem_shared>> -> memref<640x64xbf16, #tpu.memory_space<vmem_shared>>
      tpu.wait_dma2 semaphore(%run_scoped3A : memref<!tpu.dma_semaphore, #tpu.memory_space<semaphore_mem>>) src(%dma_wait3A_253 : memref<640x64xbf16, #tpu.memory_space<vmem_shared>>) dst(%dma_wait3A_251 : memref<640x64xbf16, #tpu.memory_space<hbm>>)
      tpu.yield
    }) : () -> ()
    return
  }
}

module attributes {stable_mosaic.version = 14 : i64} {
  func.func @_mm_scale_kernel(%arg0: i32, %arg1: memref<512x128xf32, #tpu.memory_space<vmem>>, %arg2: memref<128x128xf32, #tpu.memory_space<vmem>>, %arg3: memref<512x128xf32, #tpu.memory_space<vmem>>, %arg4: memref<512x128xf32, #tpu.memory_space<vmem>>, %arg5: memref<512x128xbf16, #tpu.memory_space<vmem>>) attributes {dimension_semantics = [#tpu.dimension_semantics<arbitrary>], iteration_bounds = array<i64: 20>, scalar_prefetch = 0 : i64, scratch_operands = 0 : i64, tpu.core_type = #tpu.core_type<tc>, window_params = [{transform_indices = @transform_0, window_bounds = array<i64: 512, 128>}, {pipeline_mode = #tpu.pipeline_mode<synchronous>, transform_indices = @transform_1, window_bounds = array<i64: 128, 128>}, {transform_indices = @transform_2, window_bounds = array<i64: 512, 128>}, {transform_indices = @transform_3, window_bounds = array<i64: 512, 128>}, {transform_indices = @transform_4, window_bounds = array<i64: 512, 128>}]} {
    %get3A = arith.constant 0 : index
    %get3A_0 = arith.constant 0 : index
    %get3A_1 = vector.load %arg3[%get3A, %get3A_0] : memref<512x128xf32, #tpu.memory_space<vmem>>, vector<512x128xf32>
    %rsqrt3A = math.rsqrt %get3A_1 : vector<512x128xf32>
    %get3A_2 = arith.constant 0 : index
    %get3A_3 = arith.constant 0 : index
    %get3A_4 = vector.load %arg1[%get3A_2, %get3A_3] : memref<512x128xf32, #tpu.memory_space<vmem>>, vector<512x128xf32>
    %get3A_5 = arith.constant 0 : index
    %get3A_6 = arith.constant 0 : index
    %get3A_7 = vector.load %arg2[%get3A_5, %get3A_6] : memref<128x128xf32, #tpu.memory_space<vmem>>, vector<128x128xf32>
    %dot_general3A = arith.constant dense<0.000000e+00> : vector<512x128xf32>
    %dot_general3A_8 = tpu.matmul %get3A_4, %get3A_7, %dot_general3A {dimension_numbers = #tpu.dot_dimension_numbers<[1], [0], [0], [1], [0, 0, 1, 1], [], []>, transpose_lhs_hint = false} : vector<512x128xf32>, vector<128x128xf32>, vector<512x128xf32> -> vector<512x128xf32>
    %mul3A = arith.mulf %dot_general3A_8, %rsqrt3A : vector<512x128xf32>
    %swap3A = arith.constant 0 : index
    %swap3A_9 = arith.constant 0 : index
    %swap3A_10 = vector.load %arg4[%swap3A, %swap3A_9] : memref<512x128xf32, #tpu.memory_space<vmem>>, vector<512x128xf32>
    tpu.vector_store %arg4[%swap3A, %swap3A_9], %mul3A {strides = array<i32>} : memref<512x128xf32, #tpu.memory_space<vmem>>, vector<512x128xf32>,
    %convert_element_type3A = arith.truncf %mul3A : vector<512x128xf32> to vector<512x128xbf16>
    %swap3A_11 = arith.constant 0 : index
    %swap3A_12 = arith.constant 0 : index
    %swap3A_13 = vector.load %arg5[%swap3A_11, %swap3A_12] : memref<512x128xbf16, #tpu.memory_space<vmem>>, vector<512x128xbf16>
    tpu.vector_store %arg5[%swap3A_11, %swap3A_12], %convert_element_type3A {strides = array<i32>} : memref<512x128xbf16, #tpu.memory_space<vmem>>, vector<512x128xbf16>,
    return
  }
  func.func @transform_0(%arg0: i32) -> (i32, i32) {
    %c0_i32 = arith.constant 0 : i32
    %c0_i32_0 = arith.constant 0 : i32
    return %arg0, %c0_i32 : i32, i32
  }
  func.func @transform_1(%arg0: i32) -> (i32, i32) {
    %c0_i32 = arith.constant 0 : i32
    %c0_i32_0 = arith.constant 0 : i32
    %c0_i32_1 = arith.constant 0 : i32
    return %c0_i32, %c0_i32_0 : i32, i32
  }
  func.func @transform_2(%arg0: i32) -> (i32, i32) {
    %c0_i32 = arith.constant 0 : i32
    %c0_i32_0 = arith.constant 0 : i32
    return %arg0, %c0_i32 : i32, i32
  }
  func.func @transform_3(%arg0: i32) -> (i32, i32) {
    %c0_i32 = arith.constant 0 : i32
    %c0_i32_0 = arith.constant 0 : i32
    return %arg0, %c0_i32 : i32, i32
  }
  func.func @transform_4(%arg0: i32) -> (i32, i32) {
    %c0_i32 = arith.constant 0 : i32
    %c0_i32_0 = arith.constant 0 : i32
    return %arg0, %c0_i32 : i32, i32
  }
}

module attributes {stable_mosaic.version = 14 : i64} {
  func.func @_mid_kernel(%arg0: i32, %arg1: memref<512x64xbf16, #tpu.memory_space<vmem>>, %arg2: memref<512x64xbf16, #tpu.memory_space<vmem>>, %arg3: memref<512x64xbf16, #tpu.memory_space<vmem>>, %arg4: memref<512x64xbf16, #tpu.memory_space<vmem>>, %arg5: memref<512x128xf32, #tpu.memory_space<vmem>>, %arg6: memref<512x128xf32, #tpu.memory_space<vmem>>, %arg7: memref<1x128xf32, #tpu.memory_space<vmem>>, %arg8: memref<128x128xf32, #tpu.memory_space<vmem>>, %arg9: memref<512x128xf32, #tpu.memory_space<vmem>>, %arg10: memref<512x128xbf16, #tpu.memory_space<vmem>>) attributes {dimension_semantics = [#tpu.dimension_semantics<arbitrary>], iteration_bounds = array<i64: 20>, scalar_prefetch = 0 : i64, scratch_operands = 0 : i64, tpu.core_type = #tpu.core_type<tc>, window_params = [{transform_indices = @transform_0, window_bounds = array<i64: 512, 64>}, {transform_indices = @transform_1, window_bounds = array<i64: 512, 64>}, {transform_indices = @transform_2, window_bounds = array<i64: 512, 64>}, {transform_indices = @transform_3, window_bounds = array<i64: 512, 64>}, {transform_indices = @transform_4, window_bounds = array<i64: 512, 128>}, {transform_indices = @transform_5, window_bounds = array<i64: 512, 128>}, {pipeline_mode = #tpu.pipeline_mode<synchronous>, transform_indices = @transform_6, window_bounds = array<i64: 1, 128>}, {pipeline_mode = #tpu.pipeline_mode<synchronous>, transform_indices = @transform_7, window_bounds = array<i64: 128, 128>}, {transform_indices = @transform_8, window_bounds = array<i64: 512, 128>}, {transform_indices = @transform_9, window_bounds = array<i64: 512, 128>}]} {
    %get3A = arith.constant 0 : index
    %get3A_0 = arith.constant 0 : index
    %get3A_1 = vector.load %arg6[%get3A, %get3A_0] : memref<512x128xf32, #tpu.memory_space<vmem>>, vector<512x128xf32>
    %rsqrt3A = math.rsqrt %get3A_1 : vector<512x128xf32>
    %get3A_2 = arith.constant 0 : index
    %get3A_3 = arith.constant 0 : index
    %get3A_4 = vector.load %arg5[%get3A_2, %get3A_3] : memref<512x128xf32, #tpu.memory_space<vmem>>, vector<512x128xf32>
    %get3A_5 = arith.constant 0 : index
    %get3A_6 = arith.constant 0 : index
    %get3A_7 = vector.load %arg7[%get3A_5, %get3A_6] : memref<1x128xf32, #tpu.memory_space<vmem>>, vector<1x128xf32>
    %get3A_8 = arith.constant 0 : index
    %get3A_9 = arith.constant 0 : index
    %get3A_10 = vector.load %arg1[%get3A_8, %get3A_9] : memref<512x64xbf16, #tpu.memory_space<vmem>>, vector<512x64xbf16>
    %convert_element_type3A = arith.extf %get3A_10 : vector<512x64xbf16> to vector<512x64xf32>
    %get3A_11 = arith.constant 0 : index
    %get3A_12 = arith.constant 0 : index
    %get3A_13 = vector.load %arg2[%get3A_11, %get3A_12] : memref<512x64xbf16, #tpu.memory_space<vmem>>, vector<512x64xbf16>
    %convert_element_type3A_14 = arith.extf %get3A_13 : vector<512x64xbf16> to vector<512x64xf32>
    %add3A = arith.addf %convert_element_type3A, %convert_element_type3A_14 : vector<512x64xf32>
    %get3A_15 = arith.constant 0 : index
    %get3A_16 = arith.constant 0 : index
    %get3A_17 = vector.load %arg3[%get3A_15, %get3A_16] : memref<512x64xbf16, #tpu.memory_space<vmem>>, vector<512x64xbf16>
    %convert_element_type3A_18 = arith.extf %get3A_17 : vector<512x64xbf16> to vector<512x64xf32>
    %get3A_19 = arith.constant 0 : index
    %get3A_20 = arith.constant 0 : index
    %get3A_21 = vector.load %arg4[%get3A_19, %get3A_20] : memref<512x64xbf16, #tpu.memory_space<vmem>>, vector<512x64xbf16>
    %convert_element_type3A_22 = arith.extf %get3A_21 : vector<512x64xbf16> to vector<512x64xf32>
    %add3A_23 = arith.addf %convert_element_type3A_18, %convert_element_type3A_22 : vector<512x64xf32>
    %slice3A = vector.extract_strided_slice %rsqrt3A {offsets = [0, 0], sizes = [512, 64], strides = [1, 1]} : vector<512x128xf32> to vector<512x64xf32>
    %slice3A_24 = vector.extract_strided_slice %get3A_4 {offsets = [0, 0], sizes = [512, 64], strides = [1, 1]} : vector<512x128xf32> to vector<512x64xf32>
    %add3A_25 = arith.addf %add3A, %slice3A_24 : vector<512x64xf32>
    %mul3A = arith.mulf %slice3A, %add3A_25 : vector<512x64xf32>
    %slice3A_26 = vector.extract_strided_slice %get3A_7 {offsets = [0, 0], sizes = [1, 64], strides = [1, 1]} : vector<1x128xf32> to vector<1x64xf32>
    %add3A_27 = vector.broadcast %slice3A_26 : vector<1x64xf32> to vector<512x64xf32>
    %add3A_28 = arith.addf %mul3A, %add3A_27 : vector<512x64xf32>
    %slice3A_29 = vector.extract_strided_slice %rsqrt3A {offsets = [0, 64], sizes = [512, 64], strides = [1, 1]} : vector<512x128xf32> to vector<512x64xf32>
    %slice3A_30 = vector.extract_strided_slice %get3A_4 {offsets = [0, 64], sizes = [512, 64], strides = [1, 1]} : vector<512x128xf32> to vector<512x64xf32>
    %add3A_31 = arith.addf %add3A_23, %slice3A_30 : vector<512x64xf32>
    %mul3A_32 = arith.mulf %slice3A_29, %add3A_31 : vector<512x64xf32>
    %slice3A_33 = vector.extract_strided_slice %get3A_7 {offsets = [0, 64], sizes = [1, 64], strides = [1, 1]} : vector<1x128xf32> to vector<1x64xf32>
    %add3A_34 = vector.broadcast %slice3A_33 : vector<1x64xf32> to vector<512x64xf32>
    %add3A_35 = arith.addf %mul3A_32, %add3A_34 : vector<512x64xf32>
    %max3A = arith.constant 0.000000e+00 : f32
    %max3A_36 = vector.broadcast %max3A : f32 to vector<512x64xf32>
    %max3A_37 = arith.maximumf %add3A_28, %max3A_36 : vector<512x64xf32>
    %max3A_38 = arith.constant 0.000000e+00 : f32
    %max3A_39 = vector.broadcast %max3A_38 : f32 to vector<512x64xf32>
    %max3A_40 = arith.maximumf %add3A_35, %max3A_39 : vector<512x64xf32>
    %get3A_41 = arith.constant 0 : index
    %get3A_42 = arith.constant 0 : index
    %get3A_43 = vector.load %arg8[%get3A_41, %get3A_42] : memref<128x128xf32, #tpu.memory_space<vmem>>, vector<64x128xf32>
    %dot_general3A = arith.constant dense<0.000000e+00> : vector<512x128xf32>
    %dot_general3A_44 = tpu.matmul %max3A_37, %get3A_43, %dot_general3A {dimension_numbers = #tpu.dot_dimension_numbers<[1], [0], [0], [1], [0, 0, 1, 1], [], []>, transpose_lhs_hint = false} : vector<512x64xf32>, vector<64x128xf32>, vector<512x128xf32> -> vector<512x128xf32>
    %get3A_45 = arith.constant 64 : index
    %get3A_46 = arith.constant 0 : index
    %get3A_47 = vector.load %arg8[%get3A_45, %get3A_46] : memref<128x128xf32, #tpu.memory_space<vmem>>, vector<64x128xf32>
    %dot_general3A_48 = arith.constant dense<0.000000e+00> : vector<512x128xf32>
    %dot_general3A_49 = tpu.matmul %max3A_40, %get3A_47, %dot_general3A_48 {dimension_numbers = #tpu.dot_dimension_numbers<[1], [0], [0], [1], [0, 0, 1, 1], [], []>, transpose_lhs_hint = false} : vector<512x64xf32>, vector<64x128xf32>, vector<512x128xf32> -> vector<512x128xf32>
    %add3A_50 = arith.addf %dot_general3A_44, %dot_general3A_49 : vector<512x128xf32>
    %mul3A_51 = arith.mulf %add3A_50, %rsqrt3A : vector<512x128xf32>
    %swap3A = arith.constant 0 : index
    %swap3A_52 = arith.constant 0 : index
    %swap3A_53 = vector.load %arg9[%swap3A, %swap3A_52] : memref<512x128xf32, #tpu.memory_space<vmem>>, vector<512x128xf32>
    tpu.vector_store %arg9[%swap3A, %swap3A_52], %mul3A_51 {strides = array<i32>} : memref<512x128xf32, #tpu.memory_space<vmem>>, vector<512x128xf32>,
    %convert_element_type3A_54 = arith.truncf %mul3A_51 : vector<512x128xf32> to vector<512x128xbf16>
    %swap3A_55 = arith.constant 0 : index
    %swap3A_56 = arith.constant 0 : index
    %swap3A_57 = vector.load %arg10[%swap3A_55, %swap3A_56] : memref<512x128xbf16, #tpu.memory_space<vmem>>, vector<512x128xbf16>
    tpu.vector_store %arg10[%swap3A_55, %swap3A_56], %convert_element_type3A_54 {strides = array<i32>} : memref<512x128xbf16, #tpu.memory_space<vmem>>, vector<512x128xbf16>,
    return
  }
  func.func @transform_0(%arg0: i32) -> (i32, i32) {
    %c0_i32 = arith.constant 0 : i32
    %c0_i32_0 = arith.constant 0 : i32
    return %arg0, %c0_i32 : i32, i32
  }
  func.func @transform_1(%arg0: i32) -> (i32, i32) {
    %c0_i32 = arith.constant 0 : i32
    %c0_i32_0 = arith.constant 0 : i32
    return %arg0, %c0_i32 : i32, i32
  }
  func.func @transform_2(%arg0: i32) -> (i32, i32) {
    %c0_i32 = arith.constant 0 : i32
    %c0_i32_0 = arith.constant 0 : i32
    return %arg0, %c0_i32 : i32, i32
  }
  func.func @transform_3(%arg0: i32) -> (i32, i32) {
    %c0_i32 = arith.constant 0 : i32
    %c0_i32_0 = arith.constant 0 : i32
    return %arg0, %c0_i32 : i32, i32
  }
  func.func @transform_4(%arg0: i32) -> (i32, i32) {
    %c0_i32 = arith.constant 0 : i32
    %c0_i32_0 = arith.constant 0 : i32
    return %arg0, %c0_i32 : i32, i32
  }
  func.func @transform_5(%arg0: i32) -> (i32, i32) {
    %c0_i32 = arith.constant 0 : i32
    %c0_i32_0 = arith.constant 0 : i32
    return %arg0, %c0_i32 : i32, i32
  }
  func.func @transform_6(%arg0: i32) -> (i32, i32) {
    %c0_i32 = arith.constant 0 : i32
    %c0_i32_0 = arith.constant 0 : i32
    %c0_i32_1 = arith.constant 0 : i32
    return %c0_i32, %c0_i32_0 : i32, i32
  }
  func.func @transform_7(%arg0: i32) -> (i32, i32) {
    %c0_i32 = arith.constant 0 : i32
    %c0_i32_0 = arith.constant 0 : i32
    %c0_i32_1 = arith.constant 0 : i32
    return %c0_i32, %c0_i32_0 : i32, i32
  }
  func.func @transform_8(%arg0: i32) -> (i32, i32) {
    %c0_i32 = arith.constant 0 : i32
    %c0_i32_0 = arith.constant 0 : i32
    return %arg0, %c0_i32 : i32, i32
  }
  func.func @transform_9(%arg0: i32) -> (i32, i32) {
    %c0_i32 = arith.constant 0 : i32
    %c0_i32_0 = arith.constant 0 : i32
    return %arg0, %c0_i32 : i32, i32
  }
}

module attributes {stable_mosaic.version = 14 : i64} {
  func.func @_final_kernel(%arg0: i32, %arg1: memref<512x64xbf16, #tpu.memory_space<vmem>>, %arg2: memref<512x64xbf16, #tpu.memory_space<vmem>>, %arg3: memref<512x64xbf16, #tpu.memory_space<vmem>>, %arg4: memref<512x64xbf16, #tpu.memory_space<vmem>>, %arg5: memref<512x128xf32, #tpu.memory_space<vmem>>, %arg6: memref<512x128xf32, #tpu.memory_space<vmem>>, %arg7: memref<1x128xf32, #tpu.memory_space<vmem>>, %arg8: memref<512x128xf32, #tpu.memory_space<vmem>>) attributes {dimension_semantics = [#tpu.dimension_semantics<arbitrary>], iteration_bounds = array<i64: 20>, scalar_prefetch = 0 : i64, scratch_operands = 0 : i64, tpu.core_type = #tpu.core_type<tc>, window_params = [{transform_indices = @transform_0, window_bounds = array<i64: 512, 64>}, {transform_indices = @transform_1, window_bounds = array<i64: 512, 64>}, {transform_indices = @transform_2, window_bounds = array<i64: 512, 64>}, {transform_indices = @transform_3, window_bounds = array<i64: 512, 64>}, {transform_indices = @transform_4, window_bounds = array<i64: 512, 128>}, {transform_indices = @transform_5, window_bounds = array<i64: 512, 128>}, {pipeline_mode = #tpu.pipeline_mode<synchronous>, transform_indices = @transform_6, window_bounds = array<i64: 1, 128>}, {transform_indices = @transform_7, window_bounds = array<i64: 512, 128>}]} {
    %get3A = arith.constant 0 : index
    %get3A_0 = arith.constant 0 : index
    %get3A_1 = vector.load %arg6[%get3A, %get3A_0] : memref<512x128xf32, #tpu.memory_space<vmem>>, vector<512x128xf32>
    %rsqrt3A = math.rsqrt %get3A_1 : vector<512x128xf32>
    %get3A_2 = arith.constant 0 : index
    %get3A_3 = arith.constant 0 : index
    %get3A_4 = vector.load %arg5[%get3A_2, %get3A_3] : memref<512x128xf32, #tpu.memory_space<vmem>>, vector<512x128xf32>
    %get3A_5 = arith.constant 0 : index
    %get3A_6 = arith.constant 0 : index
    %get3A_7 = vector.load %arg7[%get3A_5, %get3A_6] : memref<1x128xf32, #tpu.memory_space<vmem>>, vector<1x128xf32>
    %get3A_8 = arith.constant 0 : index
    %get3A_9 = arith.constant 0 : index
    %get3A_10 = vector.load %arg1[%get3A_8, %get3A_9] : memref<512x64xbf16, #tpu.memory_space<vmem>>, vector<512x64xbf16>
    %convert_element_type3A = arith.extf %get3A_10 : vector<512x64xbf16> to vector<512x64xf32>
    %get3A_11 = arith.constant 0 : index
    %get3A_12 = arith.constant 0 : index
    %get3A_13 = vector.load %arg2[%get3A_11, %get3A_12] : memref<512x64xbf16, #tpu.memory_space<vmem>>, vector<512x64xbf16>
    %convert_element_type3A_14 = arith.extf %get3A_13 : vector<512x64xbf16> to vector<512x64xf32>
    %add3A = arith.addf %convert_element_type3A, %convert_element_type3A_14 : vector<512x64xf32>
    %get3A_15 = arith.constant 0 : index
    %get3A_16 = arith.constant 0 : index
    %get3A_17 = vector.load %arg3[%get3A_15, %get3A_16] : memref<512x64xbf16, #tpu.memory_space<vmem>>, vector<512x64xbf16>
    %convert_element_type3A_18 = arith.extf %get3A_17 : vector<512x64xbf16> to vector<512x64xf32>
    %get3A_19 = arith.constant 0 : index
    %get3A_20 = arith.constant 0 : index
    %get3A_21 = vector.load %arg4[%get3A_19, %get3A_20] : memref<512x64xbf16, #tpu.memory_space<vmem>>, vector<512x64xbf16>
    %convert_element_type3A_22 = arith.extf %get3A_21 : vector<512x64xbf16> to vector<512x64xf32>
    %add3A_23 = arith.addf %convert_element_type3A_18, %convert_element_type3A_22 : vector<512x64xf32>
    %slice3A = vector.extract_strided_slice %rsqrt3A {offsets = [0, 0], sizes = [512, 64], strides = [1, 1]} : vector<512x128xf32> to vector<512x64xf32>
    %slice3A_24 = vector.extract_strided_slice %get3A_4 {offsets = [0, 0], sizes = [512, 64], strides = [1, 1]} : vector<512x128xf32> to vector<512x64xf32>
    %add3A_25 = arith.addf %add3A, %slice3A_24 : vector<512x64xf32>
    %mul3A = arith.mulf %slice3A, %add3A_25 : vector<512x64xf32>
    %slice3A_26 = vector.extract_strided_slice %get3A_7 {offsets = [0, 0], sizes = [1, 64], strides = [1, 1]} : vector<1x128xf32> to vector<1x64xf32>
    %add3A_27 = vector.broadcast %slice3A_26 : vector<1x64xf32> to vector<512x64xf32>
    %add3A_28 = arith.addf %mul3A, %add3A_27 : vector<512x64xf32>
    %swap3A = arith.constant 0 : index
    %swap3A_29 = arith.constant 0 : index
    %swap3A_30 = vector.load %arg8[%swap3A, %swap3A_29] : memref<512x128xf32, #tpu.memory_space<vmem>>, vector<512x64xf32>
    tpu.vector_store %arg8[%swap3A, %swap3A_29], %add3A_28 {strides = array<i32>} : memref<512x128xf32, #tpu.memory_space<vmem>>, vector<512x64xf32>,
    %slice3A_31 = vector.extract_strided_slice %rsqrt3A {offsets = [0, 64], sizes = [512, 64], strides = [1, 1]} : vector<512x128xf32> to vector<512x64xf32>
    %slice3A_32 = vector.extract_strided_slice %get3A_4 {offsets = [0, 64], sizes = [512, 64], strides = [1, 1]} : vector<512x128xf32> to vector<512x64xf32>
    %add3A_33 = arith.addf %add3A_23, %slice3A_32 : vector<512x64xf32>
    %mul3A_34 = arith.mulf %slice3A_31, %add3A_33 : vector<512x64xf32>
    %slice3A_35 = vector.extract_strided_slice %get3A_7 {offsets = [0, 64], sizes = [1, 64], strides = [1, 1]} : vector<1x128xf32> to vector<1x64xf32>
    %add3A_36 = vector.broadcast %slice3A_35 : vector<1x64xf32> to vector<512x64xf32>
    %add3A_37 = arith.addf %mul3A_34, %add3A_36 : vector<512x64xf32>
    %swap3A_38 = arith.constant 0 : index
    %swap3A_39 = arith.constant 64 : index
    %swap3A_40 = vector.load %arg8[%swap3A_38, %swap3A_39] : memref<512x128xf32, #tpu.memory_space<vmem>>, vector<512x64xf32>
    tpu.vector_store %arg8[%swap3A_38, %swap3A_39], %add3A_37 {strides = array<i32>} : memref<512x128xf32, #tpu.memory_space<vmem>>, vector<512x64xf32>,
    return
  }
  func.func @transform_0(%arg0: i32) -> (i32, i32) {
    %c0_i32 = arith.constant 0 : i32
    %c0_i32_0 = arith.constant 0 : i32
    return %arg0, %c0_i32 : i32, i32
  }
  func.func @transform_1(%arg0: i32) -> (i32, i32) {
    %c0_i32 = arith.constant 0 : i32
    %c0_i32_0 = arith.constant 0 : i32
    return %arg0, %c0_i32 : i32, i32
  }
  func.func @transform_2(%arg0: i32) -> (i32, i32) {
    %c0_i32 = arith.constant 0 : i32
    %c0_i32_0 = arith.constant 0 : i32
    return %arg0, %c0_i32 : i32, i32
  }
  func.func @transform_3(%arg0: i32) -> (i32, i32) {
    %c0_i32 = arith.constant 0 : i32
    %c0_i32_0 = arith.constant 0 : i32
    return %arg0, %c0_i32 : i32, i32
  }
  func.func @transform_4(%arg0: i32) -> (i32, i32) {
    %c0_i32 = arith.constant 0 : i32
    %c0_i32_0 = arith.constant 0 : i32
    return %arg0, %c0_i32 : i32, i32
  }
  func.func @transform_5(%arg0: i32) -> (i32, i32) {
    %c0_i32 = arith.constant 0 : i32
    %c0_i32_0 = arith.constant 0 : i32
    return %arg0, %c0_i32 : i32, i32
  }
  func.func @transform_6(%arg0: i32) -> (i32, i32) {
    %c0_i32 = arith.constant 0 : i32
    %c0_i32_0 = arith.constant 0 : i32
    %c0_i32_1 = arith.constant 0 : i32
    return %c0_i32, %c0_i32_0 : i32, i32
  }
  func.func @transform_7(%arg0: i32) -> (i32, i32) {
    %c0_i32 = arith.constant 0 : i32
    %c0_i32_0 = arith.constant 0 : i32
    return %arg0, %c0_i32 : i32, i32
  }
}

</mosaic_0001>

<sc_bundles>
// kernel: _run.11.cloned.1.call-start
scs
__scs_entry_jumppad:
0x0: {  	(pc) =	sbr.rel $0x88, $3  }
0x1: {  	(tag) =	ssettag $0x0;
	lr =	simm.s32 $0x1  }
0x2: {  	[smem:$0x3F9B] =	sst lr;
	_ =	strace $0xD0000000  }
0x3: {  	_ = 	snop  }
0x4: {  	_ = 	snop  }
0x5: {  	_ = 	snop  }
0x6: {  	_ = 	snop  }
0x7: {  	_ = 	snop  }
__scs_overlays_trampoline_lowered:
0x8: {  	[smem:$0x3FAA] =	sst s0  }
0x9: {  	[smem:$0x3FAB] =	sst s1  }
0xa: {  	[smem:$0x3FAC] =	sst s2  }
0xb: {  	[smem:$0x3FAD] =	sst s3  }
0xc: {  	[smem:$0x3FAE] =	sst s4  }
0xd: {  	[smem:$0x3FAF] =	sst s5  }
0xe: {  	[smem:$0x3FB0] =	sst s6  }
0xf: {  	[smem:$0x3FB1] =	sst s7  }
0x10: {  	[smem:$0x3FB2] =	sst s8  }
0x11: {  	[smem:$0x3FB3] =	sst s9;
	s0 =	simm.s32 @!p0 $0x0  }
0x12: {  	s1 =	sld [smem:$0x3F99];
	s0 =	simm.s32 @p0 $0x1  }
0x13: {  	[smem:$0x3FB4] =	sst s0;
	s0 =	simm.s32 @!p1 $0x0  }
0x14: {  	s2 =	sld [smem:$0x3F98];
	s0 =	simm.s32 @p1 $0x1  }
0x15: {  	[smem:$0x3FB5] =	sst s0;
	s0 =	simm.s32 @!p2 $0x0  }
0x16: {  	s3 =	sld [smem:$0x3FDB];
	s0 =	simm.s32 @p2 $0x1  }
0x17: {  	s4 =	simm.s32 $0x1BF5;
	[smem:$0x3FB7] =	sst s0  }
0x18: {  	s0 =	sld [smem:$0x3F9A];
	_ =	swait.ge [sflag:s4], $0x0  }
0x19: {  	s7 =	sld [smem:$0x3F9B]  }
0x1a: {  	s8 =	sadd.s32 $0xFFFFE003, lr  }
0x1b: {  	s9 =	sadd.s32 $0xFFFFFEF7, lr;
	s5 =	simm.s32 $0xFFFFFFFF;
	p2 =	slt.u32 s8, $0xFFFFF086  }
0x1c: {  	p1 =	slt.u32 s9, $0xF7A;
	s5 =	simm.s32 @!p2 $0x0  }
0x1d: {  	s5 =	simm.s32 @p1 $0x1;
	p0 =	seq.s32 s7, s2  }
0x1e: {  	s7 =	smul.u32 @!p0 $0xF7A, s2;
	p2 =	seq.s32 @!p0 s5, $0x0  }
0x1f: {  	s9 =	smul.u32 $0xF7A, s1;
	s8 =	simm.s32 @!p0 $0x1BF5;
	p2 =	por !p2, p0  }
0x20: {  	[sflag:s8] =	ssyncset.s32 @!p0 $0xFFFFF086;
	s6 =	sadd.s32 @!p0 s3, s7;
	s7 =	simm.s32 @!p0 $0x108  }
0x21: {  	s3 =	sadd.s32 s3, s9;
	s6 =	sadd.s32 @!p0 $0x88, s6;
	s7 =	simm.s32 @p2 $0x1082  }
0x22: {  	[simem:s7], [sflag:s8] =	dma.local @!p0 [hbm:s6], $0xF7A  }
0x23: {  	s9 =	sor.u32 $0xD0000000, s2;
	s6 =	simm.s32 $0x108;
	_ =	swait.ge @!p0 [sflag:s8], $0x0  }
0x24: {  	s3 =	sadd.s32 $0x88, s3;
	s6 =	simm.s32 @!p1 $0x1082;
	[sflag:s4] =	ssyncset.s32 $0xFFFFF086  }
0x25: {  	[simem:s6], [sflag:s4] =	dma.local [hbm:s3], $0xF7A  }
0x26: {  	[smem:$0x3F9B] =	sst s1;
	(tag) =	ssettag s2;
	_ =	strace s9  }
0x27: {  	s1 =	sld [smem:$0x3FAB]  }
0x28: {  	s2 =	sld [smem:$0x3FAC]  }
0x29: {  	s4 =	sld [smem:$0x3FAE]  }
0x2a: {  	p0 =	seq.s32 s5, $0x0;
	s5 =	sld [smem:$0x3FAF]  }
0x2b: {  	s6 =	sld [smem:$0x3FB0]  }
0x2c: {  	s7 =	sld [smem:$0x3FB1]  }
0x2d: {  	s3 =	simm.s32 $0x108;
	s8 =	sld [smem:$0x3FB2]  }
0x2e: {  	s3 =	simm.s32 @!p0 $0x1082;
	s9 =	sld [smem:$0x3FB3]  }
0x2f: {  	lr =	sadd.s32 s0, s3;
	s0 =	sld [smem:$0x3FAA]  }
0x30: {  	s3 =	sld [smem:$0x3FAD]  }
0x31: {  	[smem:$0x3FB6] =	sst s10  }
0x32: {  	s10 =	sld [smem:$0x3FB4];
	_ =	sdelay $0x3  }
0x33: {  	p0 =	seq.s32 s10, $0x1;
	s10 =	sld [smem:$0x3FB6];
	_ =	sdelay $0x3  }
0x34: {  	[smem:$0x3FB6] =	sst s10  }
0x35: {  	s10 =	sld [smem:$0x3FB5];
	_ =	sdelay $0x3  }
0x36: {  	p1 =	seq.s32 s10, $0x1;
	s10 =	sld [smem:$0x3FB6];
	_ =	sdelay $0x3  }
0x37: {  	[smem:$0x3FB6] =	sst s10  }
0x38: {  	s10 =	sld [smem:$0x3FB7]  }
0x39: {  	_ = 	snop;
	(pc) =	sbr.ind lr, $3  }
0x3a: {  	_ = 	snop  }
0x3b: {  	_ = 	snop  }
0x3c: {  	p2 =	seq.s32 s10, $0x1;
	s10 =	sld [smem:$0x3FB6]  }
0x3d: {  	_ =	shalt  }
0x3e: {  	_ =	shalt  }
0x3f: {  	_ =	shalt  }
0x40: {  	_ =	shalt  }
0x41: {  	_ =	shalt  }
0x42: {  	_ =	shalt  }
0x43: {  	_ =	shalt  }
0x44: {  	_ =	shalt  }
0x45: {  	_ =	shalt  }
0x46: {  	_ =	shalt  }
0x47: {  	_ =	shalt  }
0x48: {  	_ =	shalt  }
0x49: {  	_ =	shalt  }
0x4a: {  	_ =	shalt  }
0x4b: {  	_ =	shalt  }
0x4c: {  	_ =	shalt  }
0x4d: {  	_ =	shalt  }
0x4e: {  	_ =	shalt  }
0x4f: {  	_ =	shalt  }
0x50: {  	_ =	shalt  }
0x51: {  	_ =	shalt  }
0x52: {  	_ =	shalt  }
0x53: {  	_ =	shalt  }
0x54: {  	_ =	shalt  }
0x55: {  	_ =	shalt  }
0x56: {  	_ =	shalt  }
0x57: {  	_ =	shalt  }
0x58: {  	_ =	shalt  }
0x59: {  	_ =	shalt  }
0x5a: {  	_ =	shalt  }
0x5b: {  	_ =	shalt  }
0x5c: {  	_ =	shalt  }
0x5d: {  	_ =	shalt  }
0x5e: {  	_ =	shalt  }
0x5f: {  	_ =	shalt  }
0x60: {  	_ =	shalt  }
0x61: {  	_ =	shalt  }
0x62: {  	_ =	shalt  }
0x63: {  	_ =	shalt  }
0x64: {  	_ =	shalt  }
0x65: {  	_ =	shalt  }
0x66: {  	_ =	shalt  }
0x67: {  	_ =	shalt  }
0x68: {  	_ =	shalt  }
0x69: {  	_ =	shalt  }
0x6a: {  	_ =	shalt  }
0x6b: {  	_ =	shalt  }
0x6c: {  	_ =	shalt  }
0x6d: {  	_ =	shalt  }
0x6e: {  	_ =	shalt  }
0x6f: {  	_ =	shalt  }
0x70: {  	_ =	shalt  }
0x71: {  	_ =	shalt  }
0x72: {  	_ =	shalt  }
0x73: {  	_ =	shalt  }
0x74: {  	_ =	shalt  }
0x75: {  	_ =	shalt  }
0x76: {  	_ =	shalt  }
0x77: {  	_ =	shalt  }
0x78: {  	_ =	shalt  }
0x79: {  	_ =	shalt  }
0x7a: {  	_ =	shalt  }
0x7b: {  	_ =	shalt  }
0x7c: {  	_ =	shalt  }
0x7d: {  	_ =	shalt  }
0x7e: {  	_ =	shalt  }
0x7f: {  	_ =	shalt  }
0x80: {  	_ =	shalt  }
0x81: {  	_ =	shalt  }
0x82: {  	_ =	shalt  }
0x83: {  	_ =	shalt  }
0x84: {  	_ =	shalt  }
0x85: {  	_ =	shalt  }
0x86: {  	_ =	shalt  }
0x87: {  	_ =	shalt  }
.Lfunc_end0:
.L_simem_size_0:
called_computation.1_lowered:
.L_overlay_start_0:
0x88: {  	s2 =	sld [smem:$0x3FD9]  }
0x89: {  	s3 =	sld [smem:$0x3FFE];
	_ =	sdelay $0x1  }
0x8a: {  	s1 =	srdreg.scid  }
0x8b: {  	s0 =	sand.u32 $0x1, s1  }
0x8c: {  	s17 =	sshll.u32 s0, $0xA;
	s2 =	sadd.s32 s3, s2  }
0x8d: {  	s2 =	sadd.s32 s2, s17  }
0x8e: {  	[smem:$0x3FC2] =	sst s2  }
0x8f: {  	_ = 	snop  }
0x90: {  	s2 =	sld [smem:$0x3FD0];
	(tm) =	ssettm $0x1  }
0x91: {  	s18 =	sld [smem:$0x3FFB];
	_ =	sdelay $0x3  }
0x92: {  	_ =	strace s18  }
0x93: {  	s3 =	sld [smem:$0x3FFC];
	_ =	sdelay $0x3  }
0x94: {  	_ =	strace s3  }
0x95: {  	s3 =	sld [smem:$0x3FFD];
	_ =	sdelay $0x3  }
0x96: {  	_ =	strace s3  }
0x97: {  	_ =	strace $0x8FFFFFFF  }
0x98: {  	s19 =	sld [smem:$0x3FDB];
	_ =	sdelay $0x1  }
0x99: {  	s4 =	simm.s32 $_scs_section_size  }
0x9a: {  	s5 =	simm.s32 $_size__tile_overlayer_lowered;
	s6 =	simm.s32 $_tile_overlayer_lowered  }
0x9b: {  	s22 =	simm.s32 $0x1BFF;
	s21 =	sshll.u32 s6, $0x1;
	s3 =	sadd.s32 s4, s19  }
0x9c: {  	s7 =	simm.s32 $0x0;
	s20 =	sshll.u32 s5, $0x1;
	s5 =	sadd.s32 s21, s3  }
0x9d: {  	[timem:s7], [sflag:s22] =	dma.local [hbm:s5], s20  }
0x9e: {  	_ =	swait.ge [sflag:s22], s20  }
0x9f: {  	s4 =	ssub.s32 $0x0, s20;
	[sflag:s22] =	ssyncset.done $0x0  }
0xa0: {  	[sflag:s22] =	ssyncadd.s32 s4;
	_ =	sdelay $0x1  }
0xa1: {  	s23 =	simm.s32 $0x1B8B  }
0xa2: {  	_ =	swait.ge [sflag:s23], $0x1  }
0xa3: {  	[sflag:s23] =	ssyncset.done $0x0  }
0xa4: {  	s25 =	simm.s32 $0x1B8E;
	s24 =	sld [smem:$0x3FFE];
	[sflag:s23] =	ssyncadd.s32 $0xFFFFFFFF  }
0xa5: {  	s26 =	simm.s32 $execute0_lowered;
	[smem:$0x3FD2] =	sst s25  }
0xa6: {  	s5 =	sshll.u32 s26, $0x1;
	_ =	strace $0x80000049;
	[dreg:$0x1] =	wrdreg $0xFFFFFFFF  }
0xa7: {  	s28 =	simm.s32 $_size_execute0_lowered;
	s3 =	sadd.s32 s3, s5;
	[dreg:$0x0] =	wrdreg $0x0  }
0xa8: {  	s5 =	sshll.u32 s28, $0x1;
	[dreg:$0x2] =	wrdreg s3  }
0xa9: {  	[dreg:$0x3] =	wrdreg s5  }
0xaa: {  	[dreg:$0x4] =	wrdreg $0xC0  }
0xab: {  	_ =	task [dreg:s7], $0x5FFFF  }
0xac: {  	[dreg:$0x1] =	wrdreg $0xFFFFFFFF  }
0xad: {  	[dreg:$0x0] =	wrdreg $0x60  }
0xae: {  	[dreg:$0x2] =	wrdreg s2  }
0xaf: {  	[dreg:$0x3] =	wrdreg s24  }
0xb0: {  	[dreg:$0x4] =	wrdreg $0xB0000  }
0xb1: {  	[dreg:$0x5] =	wrdreg $0x100000  }
0xb2: {  	[dreg:$0x6] =	wrdreg $0x9  }
0xb3: {  	_ =	task.clear_ibuf [dreg:s7], $0x7FFFF;
	_ =	strace $0x90000049  }
0xb4: {  	s29 =	simm.s32 $0x9;
	_ =	strace $0x8000004B  }
0xb5: {  	_ =	swait.ge [sflag:s29], $0x1  }
0xb6: {  	[sflag:s29] =	ssyncadd.s32 $0xFFFFFFFF  }
0xb7: {  	_ =	strace $0x9000004B  }
0xb8: {  	_ =	sfence  }
0xb9: {  	s30 =	sld [smem:$0x0];
	_ =	sdelay $0x2  }
0xba: {  	s31 =	sshll.u32 s1, $0xD;
	s1 =	sshrl.u32 s1, $0x2  }
0xbb: {  	s3 =	sand.u32 $0x4000, s31;
	s1 =	sadd.s32 s1, s30  }
0xbc: {  	s0 =	sor.u32 s3, s0;
	s1 =	sshll.u32 s1, $0x11  }
0xbd: {  	s0 =	sor.u32 s1, s0  }
0xbe: {  	s0 =	sadd.s32 $0x8F2B, s0  }
0xbf: {  	[sflag:s0] =	ssyncadd.remote.s32 $0x1  }
0xc0: {  	_ =	sfence.sel $0xFFFF  }
0xc1: {  	[dreg:$0x0] =	wrdreg $0xFFFFFFFF;
	(pc) =	sbr.abs _section_cstart, $3  }
0xc2: {  	[dreg:$0x1] =	wrdreg $0xFFFFFFFF  }
0xc3: {  	_ =	task.clear_ibuf [dreg:s7], $0x2FFFF;
	_ =	strace $0x9FFFFFFF  }
0xc4: {  	(tm) =	ssettm $0x7FFFFFFF  }
0xc5: {  	_ =	shalt  }
tec
execute0_lowered:
.L_overlay_start_1:
0x0: {  	(tag) =	ssettag $0x1  }
0x1: {  	s1 =	rddreg [dreg:$0x0]  }
0x2: {  	s0 =	rddreg [dreg:$0x1]  }
0x3: {  	s3 =	rddreg [dreg:$0x2]  }
0x4: {  	s4 =	rddreg [dreg:$0x3];
	s2 =	srdreg.scid  }
0x5: {  	s17 =	stileid.u32;
	s5 =	simm.s32 $0x0;
	s28 =	simm.s32 $0x6000  }
0x6: {  	s29 =	simm.s32 $0x100;
	s30 =	simm.s32 $0x7000;
	s6 =	smul.u32 $0x280, s17  }
0x7: {  	s31 =	simm.s32 $0x180;
	s2 =	sand.u32 $0x1, s2;
	s8 =	smul.u32 $0xA000, s17  }
0x8: {  	[smem:$0x7FF] =	sst s5;
	s9 =	sadd.s32 $0x34200, s0;
	s22 =	smul.u32 $0x5000, s17  }
0x9: {  	s10 =	sadd.s32 $0x2200, s0;
	s25 =	sshll.u32 s17, $0x1;
	s7 =	smul.u32 $0x5000, s2  }
0xa: {  	_ =	strace $0x8000004A;
	s23 =	ssub.s32 $0x2, s2;
	s2 =	sshll.u32 s2, $0x5  }
0xb: {  	s8 =	sshrl.u32 s8, $0x1;
	s24 =	sshrl.u32 s23, $0x1;
	s2 =	sor.u32 s25, s2  }
0xc: {  	s25 =	smul.u32 $0xA00, s17;
	s6 =	sadd.s32 s6, s7;
	s12 =	sadd.s32 $0x1000, s8  }
0xd: {  	s7 =	ssub.s32 s23, s24;
	s13 =	sadd.s32 $0x2000, s8;
	s26 =	sadd.s32 $0x3000, s8  }
0xe: {  	s15 =	sadd.s32 $0x4000, s8;
	s16 =	smul.u32 $0x500, s2;
	s11 =	sadd.s32 s12, s3  }
0xf: {  	s2 =	smul.u32 $0x2800, s2;
	s14 =	sadd.s32 s13, s3;
	[dreg:$0x5] =	wrdreg s11  }
0x10: {  	s6 =	sshll.u32 s6, $0x2;
	s18 =	sadd.s32 s26, s3;
	[dreg:$0x6] =	wrdreg s14  }
0x11: {  	s19 =	sadd.s32 s15, s3;
	s20 =	sadd.s32 s12, s4;
	[dreg:$0x7] =	wrdreg s18  }
0x12: {  	s21 =	sadd.s32 s13, s4;
	s23 =	sadd.s32 s26, s4;
	[dreg:$0x8] =	wrdreg s19  }
0x13: {  	s24 =	sadd.s32 s15, s4;
	s17 =	sadd.s32 s10, s25;
	[dreg:$0x9] =	wrdreg s20  }
0x14: {  	s25 =	simm.s32 $0x80;
	s0 =	sadd.s32 s6, s0;
	[dreg:$0xa] =	wrdreg s21  }
0x15: {  	s6 =	sadd.s32 s8, s3;
	s11 =	sadd.s32 s8, s4;
	[dreg:$0xb] =	wrdreg s23  }
0x16: {  	[dreg:$0xc] =	wrdreg s24;
	s26 =	sadd.s32 s9, s16;
	s2 =	sshrl.u32 s2, $0x3  }
0x17: {  	s8 =	sshrl.u32 s22, $0x3;
	s22 =	smax.u32 s7, $0x1;
	s23 =	simm.s32 $0xA000  }
.Ltmp0:
0x18: {  	s24 =	simm.s32 $0x7;
	s7 =	simm.s32 $0x9000;
	(pc) =	sbr.rel .LBB2_1-.Ltmp0, $4  }
0x19: {  	[dreg:$0xd] =	wrdreg s26;
	s2 =	sadd.s32 s9, s2;
	s8 =	sadd.s32 s10, s8  }
0x1a: {  	s20 =	sadd.s32 $0x70200, s0;
	s21 =	sadd.s32 $0x7A200, s0;
	s26 =	simm.s32 $0x5000  }
0x1b: {  	s0 =	simm.s32 $0x8000;
	s9 =	simm.s32 $0x0;
	s18 =	sadd.s32 $0x500, s2  }
0x1c: {  	v0 =	vimm.bf16 $0.0e+00;
	s19 =	sadd.s32 $0x500, s8;
	s2 =	simm.s32 $0x200;
	s8 =	simm.s32 $0x6  }
.LBB2_29:
0x1d: {  	s10 =	stileid.u32  }
0x1e: {  	s10 =	sshll.u32 s10, $0x6  }
0x1f: {  	[bflag:$0x0] =	sbarrier.arrive $0xFFFF;
	s12 =	sshrl.u32 s6, $0x3;
	s10 =	sor.u32 $0x1C07, s10  }
0x20: {  	[hbm:s20], [sflag:s10] =	dma.local [spmem:s12], $0xA00  }
0x21: {  	s9 =	sadd.s32 $0x1, s9;
	_ =	swait.ge [sflag:s24], $0xA00  }
0x22: {  	p0 =	sne.s32 s9, s22;
	[sflag:s24] =	ssyncset.done $0x0  }
.Ltmp1:
0x23: {  	s16 =	sshrl.u32 s11, $0x3;
	[sflag:s24] =	ssyncadd.s32 $0xFFFFF600;
	(pc) =	sbr.rel @!p0 .LBB2_30-.Ltmp1, $4  }
0x24: {  	[hbm:s21], [sflag:s10] =	dma.local [spmem:s16], $0xA00  }
0x25: {  	_ =	swait.ge [sflag:s24], $0xA00  }
0x26: {  	[sflag:s24] =	ssyncset.done $0x0  }
0x27: {  	[sflag:s24] =	ssyncadd.s32 $0xFFFFF600  }
.LBB2_1:
0x28: {  	s10 =	simm.s32 $0x80;
	s12 =	simm.s32 $0x0  }
.LBB2_2:
0x29: {  	p0 =	sne.s32 s10, $0x3F80;
	[tilespmem:s12+$0xA000] =	vst v0;
	s13 =	smov.u32 s10;
	s10 =	sadd.s32 $0x80, s10  }
.Ltmp2:
0x2a: {  	[tilespmem:s12+$0xA010] =	vst v0;
	(pc) =	sbr.rel @p0 .LBB2_2-.Ltmp2, $2  }
0x2b: {  	_ =	sdelay $0x2  }
0x2c: {  	s12 =	sshra.s32 s13, $0x2  }
0x2d: {  	[tilespmem:s12+$0xA000] =	vst v0  }
0x2e: {  	[tilespmem:s12+$0xA010] =	vst v0  }
0x2f: {  	[spmem:s6] =	stream.linear.scatter [tilespmem:s23], [sflag:$0x6], $0x1000, $0x38;
	[tilespmem:$0x15000] =	vst v63  }
0x30: {  	s10 =	rddreg [dreg:$0x5]  }
0x31: {  	[spmem:s10] =	stream.linear.scatter [tilespmem:s23], [sflag:$0x6], $0x1000, $0x38;
	[tilespmem:$0x15000] =	vst v63  }
0x32: {  	s14 =	rddreg [dreg:$0x6]  }
0x33: {  	[spmem:s14] =	stream.linear.scatter [tilespmem:s23], [sflag:$0x6], $0x1000, $0x38;
	[tilespmem:$0x15000] =	vst v63  }
0x34: {  	s15 =	rddreg [dreg:$0x7]  }
0x35: {  	[spmem:s15] =	stream.linear.scatter [tilespmem:s23], [sflag:$0x6], $0x1000, $0x38;
	[tilespmem:$0x15000] =	vst v63  }
0x36: {  	s16 =	rddreg [dreg:$0x8]  }
0x37: {  	[spmem:s16] =	stream.linear.scatter [tilespmem:s23], [sflag:$0x6], $0x1000, $0x38;
	[tilespmem:$0x15000] =	vst v63  }
0x38: {  	_ = 	snop  }
0x39: {  	[spmem:s11] =	stream.linear.scatter [tilespmem:s23], [sflag:$0x6], $0x1000, $0x38;
	[tilespmem:$0x15000] =	vst v63  }
0x3a: {  	s12 =	rddreg [dreg:$0x9]  }
0x3b: {  	[spmem:s12] =	stream.linear.scatter [tilespmem:s23], [sflag:$0x6], $0x1000, $0x38;
	[tilespmem:$0x15000] =	vst v63  }
0x3c: {  	s13 =	rddreg [dreg:$0xa]  }
0x3d: {  	[spmem:s13] =	stream.linear.scatter [tilespmem:s23], [sflag:$0x6], $0x1000, $0x38;
	[tilespmem:$0x15000] =	vst v63  }
0x3e: {  	s14 =	rddreg [dreg:$0xb]  }
0x3f: {  	[spmem:s14] =	stream.linear.scatter [tilespmem:s23], [sflag:$0x6], $0x1000, $0x38;
	[tilespmem:$0x15000] =	vst v63  }
0x40: {  	s15 =	rddreg [dreg:$0xc]  }
0x41: {  	[spmem:s15] =	stream.linear.scatter [tilespmem:s23], [sflag:$0x6], $0x1000, $0x38;
	[tilespmem:$0x15000] =	vst v63  }
0x42: {  	s16 =	rddreg [dreg:$0xd]  }
0x43: {  	[tilespmem:s5], [sflag:$0x7] =	stream.linear.gather [hbm4b:s16+s5], $0x2800, $0x38;
	[tilespmem:$0x15000] =	vst v63  }
0x44: {  	_ =	swait.ge [sflag:s24], $0x2800  }
0x45: {  	[sflag:s24] =	ssyncset.done $0x0  }
0x46: {  	s10 =	simm.s32 $0x2800;
	[sflag:s24] =	ssyncadd.s32 $0xFFFFD800  }
0x47: {  	[tilespmem:s10], [sflag:$0x7] =	stream.linear.gather [hbm4b:s17+s5], $0x2800, $0x38;
	[tilespmem:$0x15000] =	vst v63  }
0x48: {  	_ =	swait.ge [sflag:s24], $0x2800  }
0x49: {  	[sflag:s24] =	ssyncset.done $0x0  }
0x4a: {  	[sflag:s24] =	ssyncadd.s32 $0xFFFFD800  }
0x4b: {  	[tilespmem:s26], [sflag:$0x1] =	stream.indirect.gather [hbm4b:s1+s25], $0x20, s5, s25, $0xb8;
	[tilespmem:$0x15000] =	vst v63  }
0x4c: {  	_ = 	snop  }
0x4d: {  	[tilespmem:s28], [sflag:$0x2] =	stream.indirect.gather [hbm4b:s1+s25], $0x20, s25, s25, $0xb8;
	[tilespmem:$0x15000] =	vst v63  }
0x4e: {  	_ = 	snop  }
0x4f: {  	[tilespmem:s30], [sflag:$0x3] =	stream.indirect.gather [hbm4b:s1+s25], $0x20, s29, s25, $0xb8;
	[tilespmem:$0x15000] =	vst v63  }
0x50: {  	_ = 	snop  }
0x51: {  	[tilespmem:s0], [sflag:$0x4] =	stream.indirect.gather [hbm4b:s1+s25], $0x20, s31, s25, $0xb8;
	[tilespmem:$0x15000] =	vst v63  }
0x52: {  	_ = 	snop  }
0x53: {  	[tilespmem:s7], [sflag:$0x5] =	stream.indirect.gather [hbm4b:s1+s25], $0x20, s2, s25, $0xb8;
	[tilespmem:$0x15000] =	vst v63  }
0x54: {  	_ =	swait.ge [sflag:s8], $0x1000  }
0x55: {  	[sflag:s8] =	ssyncset.done $0x0  }
0x56: {  	[sflag:s8] =	ssyncadd.s32 $0xFFFFF000  }
0x57: {  	_ =	swait.ge [sflag:s8], $0x1000  }
0x58: {  	[sflag:s8] =	ssyncset.done $0x0  }
0x59: {  	[sflag:s8] =	ssyncadd.s32 $0xFFFFF000  }
0x5a: {  	_ =	swait.ge [sflag:s8], $0x1000  }
0x5b: {  	[sflag:s8] =	ssyncset.done $0x0  }
0x5c: {  	[sflag:s8] =	ssyncadd.s32 $0xFFFFF000  }
0x5d: {  	_ =	swait.ge [sflag:s8], $0x1000  }
0x5e: {  	[sflag:s8] =	ssyncset.done $0x0  }
0x5f: {  	[sflag:s8] =	ssyncadd.s32 $0xFFFFF000  }
0x60: {  	_ =	swait.ge [sflag:s8], $0x1000  }
0x61: {  	[sflag:s8] =	ssyncset.done $0x0  }
0x62: {  	[sflag:s8] =	ssyncadd.s32 $0xFFFFF000  }
0x63: {  	_ =	swait.ge [sflag:s8], $0x1000  }
0x64: {  	[sflag:s8] =	ssyncset.done $0x0  }
0x65: {  	[sflag:s8] =	ssyncadd.s32 $0xFFFFF000  }
0x66: {  	_ =	swait.ge [sflag:s8], $0x1000  }
0x67: {  	[sflag:s8] =	ssyncset.done $0x0  }
0x68: {  	[sflag:s8] =	ssyncadd.s32 $0xFFFFF000  }
0x69: {  	_ =	swait.ge [sflag:s8], $0x1000  }
0x6a: {  	[sflag:s8] =	ssyncset.done $0x0  }
0x6b: {  	[sflag:s8] =	ssyncadd.s32 $0xFFFFF000  }
0x6c: {  	_ =	swait.ge [sflag:s8], $0x1000  }
0x6d: {  	[sflag:s8] =	ssyncset.done $0x0  }
0x6e: {  	[sflag:s8] =	ssyncadd.s32 $0xFFFFF000  }
.Ltmp3:
0x6f: {  	_ =	swait.ge [sflag:s8], $0x1000;
	(pc) =	sbr.rel .LBB2_4-.Ltmp3, $4  }
0x70: {  	[sflag:s8] =	ssyncset.done $0x0  }
0x71: {  	[sflag:s8] =	ssyncadd.s32 $0xFFFFF000  }
0x72: {  	[bflag:$0x0] =	sbarrier.arrive $0xFFFF  }
0x73: {  	s12 =	simm.s32 $0x5;
	s13 =	simm.s32 $0x280  }
.LBB2_5:
0x74: {  	[tilespmem:s26], [sflag:$0x1] =	stream.indirect.gather [hbm4b:s1+s25], $0x20, s13, s25, $0xb8;
	[tilespmem:$0x15000] =	vst v63  }
.LBB2_15:
0x75: {  	s15 =	smul.u32 $0xAB, s14;
	_ =	sdelay $0x1  }
0x76: {  	s15 =	sshrl.u32 s15, $0xA  }
0x77: {  	s15 =	sand.u32 $0x3F, s15  }
0x78: {  	s15 =	smul.u32 $0x6, s15;
	_ =	sdelay $0x1  }
0x79: {  	s15 =	ssub.s32 s14, s15  }
0x7a: {  	s14 =	sand.u32 $0xFF, s15  }
0x7b: {  	p1 =	sgt.s32 s14, $0x2  }
0x7c: {  	p3 =	seq.s32 @p1 s14, $0x3  }
0x7d: {  	p0 =	por !p3, !p1  }
0x7e: {  	s15 =	simm.s32 @!p0 $0x0  }
0x7f: {  	s15 =	simm.s32 @p0 $0x1  }
0x80: {  	[smem:$0x7FD] =	sst s15;
	s15 =	simm.s32 @!p0 $0x4  }
0x81: {  	_ =	swait.ge @!p0 [sflag:s15], $0x1000  }
0x82: {  	p2 =	por p3, !p1;
	s16 =	simm.s32 @!p0 $0x8000;
	[sflag:s15] =	ssyncset.done @!p0 $0x0  }
0x83: {  	p4 =	seq.s32 @!p2 s14, $0x4;
	[sflag:s15] =	ssyncadd.s32 @!p0 $0xFFFFF000;
	s15 =	simm.s32 @!p0 $0x80  }
0x84: {  	[spmem:s4] =	stream.indirect.scatter.add.bf16 @!p0 [tilespmem:s16], [sflag:$0x8], $0x20, s10, s15, $0xb8;
	[tilespmem:$0x15000] =	vst v63  }
0x85: {  	p0 =	por @p1 !p4, p3  }
0x86: {  	s15 =	simm.s32 @!p0 $0x0  }
0x87: {  	p5 =	por p0, !p1;
	s15 =	simm.s32 @p0 $0x1  }
0x88: {  	[smem:$0x7FC] =	sst s15;
	s15 =	simm.s32 @!p5 $0x5  }
0x89: {  	p3 =	por @p1 p4, p3;
	_ =	swait.ge @!p5 [sflag:s15], $0x1000  }
0x8a: {  	p4 =	por p3, !p1;
	[sflag:s15] =	ssyncset.done @!p5 $0x0  }
0x8b: {  	s16 =	simm.s32 @!p5 $0x9000;
	[sflag:s15] =	ssyncadd.s32 @!p5 $0xFFFFF000;
	s15 =	simm.s32 @!p5 $0x80  }
0x8c: {  	[spmem:s3] =	stream.indirect.scatter.add.bf16 @!p5 [tilespmem:s16], [sflag:$0x8], $0x20, s10, s15, $0xb8;
	[tilespmem:$0x15000] =	vst v63  }
0x8d: {  	s15 =	simm.s32 @!p4 $0x6  }
0x8e: {  	p6 =	seq.s32 @!p1 s14, $0x0;
	_ =	swait.ge @!p4 [sflag:s15], $0x1000  }
0x8f: {  	p3 =	por !p6, p1;
	s16 =	simm.s32 @!p4 $0xA000;
	[sflag:s15] =	ssyncset.done @!p4 $0x0  }
0x90: {  	p5 =	por p6, p1;
	[sflag:s15] =	ssyncadd.s32 @!p4 $0xFFFFF000;
	s15 =	simm.s32 @!p4 $0x80  }
0x91: {  	[spmem:s4] =	stream.indirect.scatter.add.bf16 @!p4 [tilespmem:s16], [sflag:$0x7], $0x20, s10, s15, $0xb8;
	[tilespmem:$0x15000] =	vst v63  }
0x92: {  	p2 =	seq.s32 @!p5 s14, $0x1;
	s15 =	simm.s32 @!p3 $0x1  }
0x93: {  	p5 =	por @!p1 !p2, p6;
	_ =	swait.ge @!p3 [sflag:s15], $0x1000  }
0x94: {  	p0 =	por p5, p1;
	s16 =	simm.s32 @!p3 $0x5000;
	[sflag:s15] =	ssyncset.done @!p3 $0x0  }
0x95: {  	s14 =	simm.s32 @!p0 $0x2;
	[sflag:s15] =	ssyncadd.s32 @!p3 $0xFFFFF000;
	s15 =	simm.s32 @!p3 $0x80  }
0x96: {  	[spmem:s3] =	stream.indirect.scatter.add.bf16 @!p3 [tilespmem:s16], [sflag:$0x8], $0x20, s10, s15, $0xb8;
	[tilespmem:$0x15000] =	vst v63  }
0x97: {  	_ =	swait.ge @!p0 [sflag:s14], $0x1000  }
0x98: {  	[sflag:s14] =	ssyncset.done @!p0 $0x0  }
0x99: {  	s15 =	simm.s32 @!p0 $0x6000;
	[sflag:s14] =	ssyncadd.s32 @!p0 $0xFFFFF000;
	s14 =	simm.s32 @!p0 $0x80  }
0x9a: {  	[spmem:s4] =	stream.indirect.scatter.add.bf16 @!p0 [tilespmem:s15], [sflag:$0x8], $0x20, s10, s14, $0xb8;
	[tilespmem:$0x15000] =	vst v63  }
0x9b: {  	p0 =	por @!p1 p2, p6  }
0x9c: {  	p0 =	por p0, p1  }
0x9d: {  	s14 =	simm.s32 @!p0 $0x3  }
0x9e: {  	_ =	swait.ge @!p0 [sflag:s14], $0x1000  }
0x9f: {  	[sflag:s14] =	ssyncset.done @!p0 $0x0  }
0xa0: {  	s16 =	simm.s32 @!p0 $0x7000;
	[sflag:s14] =	ssyncadd.s32 @!p0 $0xFFFFF000;
	s14 =	simm.s32 @!p0 $0x80  }
0xa1: {  	[spmem:s3] =	stream.indirect.scatter.add.bf16 @!p0 [tilespmem:s16], [sflag:$0x8], $0x20, s10, s14, $0xb8;
	[tilespmem:$0x15000] =	vst v63  }
0xa2: {  	s16 =	sld [smem:$0x7FC];
	_ =	sdelay $0x2  }
0xa3: {  	p6 =	seq.s32 s16, $0x1;
	s16 =	sld [smem:$0x7FD]  }
0xa4: {  	s12 =	sadd.s32 $0x1, s12;
	s15 =	simm.s32 @!p4 $0x7  }
0xa5: {  	s14 =	simm.s32 @!p0 $0x8;
	p0 =	por !p5, p1;
	p2 =	por !p6, !p1  }
0xa6: {  	s14 =	simm.s32 @p0 $0x8;
	s15 =	simm.s32 @p2 $0x8;
	p0 =	seq.s32 s16, $0x1  }
0xa7: {  	s15 =	simm.s32 @!p0 $0x8;
	p0 =	sne.s32 s12, $0x55  }
.Ltmp4:
0xa8: {  	s14 =	simm.s32 @!p3 $0x8;
	(pc) =	sbr.rel @!p0 .LBB2_16-.Ltmp4, $4  }
0xa9: {  	s14 =	smov.u32 @p1 s15  }
0xaa: {  	_ =	swait.ge [sflag:s14], $0x1000  }
0xab: {  	[sflag:s14] =	ssyncset.done $0x0  }
0xac: {  	s13 =	sadd.s32 $0x80, s13;
	s10 =	sadd.s32 $0x80, s10;
	[sflag:s14] =	ssyncadd.s32 $0xFFFFF000  }
.LBB2_4:
0xad: {  	s14 =	smul.u32 $0xAB, s12;
	_ =	sdelay $0x1  }
0xae: {  	s14 =	sshrl.u32 s14, $0xA  }
0xaf: {  	s14 =	sand.u32 $0x3F, s14  }
0xb0: {  	s15 =	smul.u32 $0x6, s14  }
0xb1: {  	s14 =	sadd.s32 $0xFFFFFFFB, s12  }
0xb2: {  	p0 =	sgt.u32 s14, $0x4A;
	s15 =	ssub.s32 s12, s15  }
0xb3: {  	s15 =	sand.u32 @!p0 $0xFF, s15  }
0xb4: {  	p1 =	sne.s32 @!p0 s15, $0x0  }
0xb5: {  	p1 =	por p0, p1  }
.Ltmp5:
0xb6: {  	_ = 	snop;
	(pc) =	sbr.rel @!p1 .LBB2_5-.Ltmp5, $1  }
0xb7: {  	_ =	sdelay $0x3  }
0xb8: {  	p1 =	sne.s32 @!p0 s15, $0x1  }
0xb9: {  	p1 =	por p0, p1  }
.Ltmp6:
0xba: {  	_ = 	snop;
	(pc) =	sbr.rel @p1 .LBB2_8-.Ltmp6, $1  }
0xbb: {  	_ =	sdelay $0x3  }
.Ltmp7:
0xbc: {  	(pc) =	sbr.rel .LBB2_15-.Ltmp7, $2  }
0xbd: {  	_ =	sdelay $0x2  }
0xbe: {  	[tilespmem:s28], [sflag:$0x2] =	stream.indirect.gather [hbm4b:s1+s25], $0x20, s13, s25, $0xb8;
	[tilespmem:$0x15000] =	vst v63  }
.LBB2_8:
0xbf: {  	p1 =	sne.s32 @!p0 s15, $0x2  }
0xc0: {  	p1 =	por p0, p1  }
.Ltmp8:
0xc1: {  	_ = 	snop;
	(pc) =	sbr.rel @p1 .LBB2_10-.Ltmp8, $1  }
0xc2: {  	_ =	sdelay $0x3  }
.Ltmp9:
0xc3: {  	(pc) =	sbr.rel .LBB2_15-.Ltmp9, $2  }
0xc4: {  	_ =	sdelay $0x2  }
0xc5: {  	[tilespmem:s30], [sflag:$0x3] =	stream.indirect.gather [hbm4b:s1+s25], $0x20, s13, s25, $0xb8;
	[tilespmem:$0x15000] =	vst v63  }
.LBB2_10:
0xc6: {  	p1 =	sne.s32 @!p0 s15, $0x3  }
0xc7: {  	p1 =	por p0, p1  }
.Ltmp10:
0xc8: {  	_ = 	snop;
	(pc) =	sbr.rel @p1 .LBB2_12-.Ltmp10, $1  }
0xc9: {  	_ =	sdelay $0x3  }
.Ltmp11:
0xca: {  	(pc) =	sbr.rel .LBB2_15-.Ltmp11, $2  }
0xcb: {  	_ =	sdelay $0x2  }
0xcc: {  	[tilespmem:s0], [sflag:$0x4] =	stream.indirect.gather [hbm4b:s1+s25], $0x20, s13, s25, $0xb8;
	[tilespmem:$0x15000] =	vst v63  }
.LBB2_12:
0xcd: {  	p1 =	sne.s32 @!p0 s15, $0x4  }
0xce: {  	p1 =	por p0, p1  }
.Ltmp12:
0xcf: {  	_ = 	snop;
	(pc) =	sbr.rel @p1 .LBB2_14-.Ltmp12, $1  }
0xd0: {  	_ =	sdelay $0x3  }
.Ltmp13:
0xd1: {  	(pc) =	sbr.rel .LBB2_15-.Ltmp13, $2  }
0xd2: {  	_ =	sdelay $0x2  }
0xd3: {  	[tilespmem:s7], [sflag:$0x5] =	stream.indirect.gather [hbm4b:s1+s25], $0x20, s13, s25, $0xb8;
	[tilespmem:$0x15000] =	vst v63  }
.LBB2_14:
.Ltmp14:
0xd4: {  	(pc) =	sbr.rel .LBB2_15-.Ltmp14, $4  }
0xd5: {  	p1 =	sne.s32 @!p0 s15, $0x5  }
0xd6: {  	p0 =	por p1, p0  }
0xd7: {  	s15 =	simm.s32 @!p0 $0x80;
	s16 =	simm.s32 @!p0 $0xA000  }
0xd8: {  	[tilespmem:s16], [sflag:$0x6] =	stream.indirect.gather @!p0 [hbm4b:s1+s15], $0x20, s13, s15, $0xb8;
	[tilespmem:$0x15000] =	vst v63  }
.LBB2_16:
0xd9: {  	[tilespmem:s5], [sflag:$0x7] =	stream.linear.gather [hbm4b:s18+s5], $0x2800, $0x38;
	[tilespmem:$0x15000] =	vst v63  }
0xda: {  	_ =	swait.ge [sflag:s24], $0x2800  }
0xdb: {  	[sflag:s24] =	ssyncset.done $0x0  }
0xdc: {  	s10 =	simm.s32 $0x2800;
	[sflag:s24] =	ssyncadd.s32 $0xFFFFD800  }
0xdd: {  	[tilespmem:s10], [sflag:$0x7] =	stream.linear.gather [hbm4b:s19+s5], $0x2800, $0x38;
	[tilespmem:$0x15000] =	vst v63  }
0xde: {  	_ =	swait.ge [sflag:s24], $0x2800  }
0xdf: {  	[sflag:s24] =	ssyncset.done $0x0  }
0xe0: {  	[sflag:s24] =	ssyncadd.s32 $0xFFFFD800  }
0xe1: {  	[tilespmem:s26], [sflag:$0x1] =	stream.indirect.gather [hbm4b:s1+s25], $0x20, s5, s25, $0xb8;
	[tilespmem:$0x15000] =	vst v63  }
0xe2: {  	_ = 	snop  }
0xe3: {  	[tilespmem:s28], [sflag:$0x2] =	stream.indirect.gather [hbm4b:s1+s25], $0x20, s25, s25, $0xb8;
	[tilespmem:$0x15000] =	vst v63  }
0xe4: {  	_ = 	snop  }
0xe5: {  	[tilespmem:s30], [sflag:$0x3] =	stream.indirect.gather [hbm4b:s1+s25], $0x20, s29, s25, $0xb8;
	[tilespmem:$0x15000] =	vst v63  }
.Ltmp15:
0xe6: {  	_ = 	snop;
	(pc) =	sbr.rel .LBB2_17-.Ltmp15, $4  }
0xe7: {  	_ = 	snop  }
0xe8: {  	[tilespmem:s0], [sflag:$0x4] =	stream.indirect.gather [hbm4b:s1+s25], $0x20, s31, s25, $0xb8;
	[tilespmem:$0x15000] =	vst v63  }
0xe9: {  	s12 =	simm.s32 $0x5;
	s13 =	simm.s32 $0x280  }
0xea: {  	[tilespmem:s7], [sflag:$0x5] =	stream.indirect.gather [hbm4b:s1+s25], $0x20, s2, s25, $0xb8;
	[tilespmem:$0x15000] =	vst v63  }
.LBB2_18:
0xeb: {  	[tilespmem:s26], [sflag:$0x1] =	stream.indirect.gather [hbm4b:s1+s25], $0x20, s13, s25, $0xb8;
	[tilespmem:$0x15000] =	vst v63  }
.LBB2_28:
0xec: {  	s15 =	smul.u32 $0xAB, s14;
	_ =	sdelay $0x1  }
0xed: {  	s15 =	sshrl.u32 s15, $0xA  }
0xee: {  	s15 =	sand.u32 $0x3F, s15  }
0xef: {  	s15 =	smul.u32 $0x6, s15;
	_ =	sdelay $0x1  }
0xf0: {  	s15 =	ssub.s32 s14, s15  }
0xf1: {  	s14 =	sand.u32 $0xFF, s15  }
0xf2: {  	p1 =	sgt.s32 s14, $0x2  }
0xf3: {  	p3 =	seq.s32 @p1 s14, $0x3  }
0xf4: {  	p0 =	por !p3, !p1  }
0xf5: {  	s15 =	simm.s32 @!p0 $0x0  }
0xf6: {  	s15 =	simm.s32 @p0 $0x1  }
0xf7: {  	[smem:$0x7FB] =	sst s15;
	s15 =	simm.s32 @!p0 $0x4  }
0xf8: {  	_ =	swait.ge @!p0 [sflag:s15], $0x1000  }
0xf9: {  	p2 =	por p3, !p1;
	s16 =	simm.s32 @!p0 $0x8000;
	[sflag:s15] =	ssyncset.done @!p0 $0x0  }
0xfa: {  	p4 =	seq.s32 @!p2 s14, $0x4;
	[sflag:s15] =	ssyncadd.s32 @!p0 $0xFFFFF000;
	s15 =	simm.s32 @!p0 $0x80  }
0xfb: {  	[spmem:s4] =	stream.indirect.scatter.add.bf16 @!p0 [tilespmem:s16], [sflag:$0x8], $0x20, s10, s15, $0xb8;
	[tilespmem:$0x15000] =	vst v63  }
0xfc: {  	p0 =	por @p1 !p4, p3  }
0xfd: {  	s15 =	simm.s32 @!p0 $0x0  }
0xfe: {  	p5 =	por p0, !p1;
	s15 =	simm.s32 @p0 $0x1  }
0xff: {  	[smem:$0x7FA] =	sst s15;
	s15 =	simm.s32 @!p5 $0x5  }
0x100: {  	p3 =	por @p1 p4, p3;
	_ =	swait.ge @!p5 [sflag:s15], $0x1000  }
0x101: {  	p4 =	por p3, !p1;
	[sflag:s15] =	ssyncset.done @!p5 $0x0  }
0x102: {  	s16 =	simm.s32 @!p5 $0x9000;
	[sflag:s15] =	ssyncadd.s32 @!p5 $0xFFFFF000;
	s15 =	simm.s32 @!p5 $0x80  }
0x103: {  	[spmem:s3] =	stream.indirect.scatter.add.bf16 @!p5 [tilespmem:s16], [sflag:$0x8], $0x20, s10, s15, $0xb8;
	[tilespmem:$0x15000] =	vst v63  }
0x104: {  	s15 =	simm.s32 @!p4 $0x6  }
0x105: {  	p6 =	seq.s32 @!p1 s14, $0x0;
	_ =	swait.ge @!p4 [sflag:s15], $0x1000  }
0x106: {  	p3 =	por !p6, p1;
	s16 =	simm.s32 @!p4 $0xA000;
	[sflag:s15] =	ssyncset.done @!p4 $0x0  }
0x107: {  	p5 =	por p6, p1;
	[sflag:s15] =	ssyncadd.s32 @!p4 $0xFFFFF000;
	s15 =	simm.s32 @!p4 $0x80  }
0x108: {  	[spmem:s4] =	stream.indirect.scatter.add.bf16 @!p4 [tilespmem:s16], [sflag:$0x7], $0x20, s10, s15, $0xb8;
	[tilespmem:$0x15000] =	vst v63  }
0x109: {  	p2 =	seq.s32 @!p5 s14, $0x1;
	s15 =	simm.s32 @!p3 $0x1  }
0x10a: {  	p5 =	por @!p1 !p2, p6;
	_ =	swait.ge @!p3 [sflag:s15], $0x1000  }
0x10b: {  	p0 =	por p5, p1;
	s16 =	simm.s32 @!p3 $0x5000;
	[sflag:s15] =	ssyncset.done @!p3 $0x0  }
0x10c: {  	s14 =	simm.s32 @!p0 $0x2;
	[sflag:s15] =	ssyncadd.s32 @!p3 $0xFFFFF000;
	s15 =	simm.s32 @!p3 $0x80  }
0x10d: {  	[spmem:s3] =	stream.indirect.scatter.add.bf16 @!p3 [tilespmem:s16], [sflag:$0x8], $0x20, s10, s15, $0xb8;
	[tilespmem:$0x15000] =	vst v63  }
0x10e: {  	_ =	swait.ge @!p0 [sflag:s14], $0x1000  }
0x10f: {  	[sflag:s14] =	ssyncset.done @!p0 $0x0  }
0x110: {  	s15 =	simm.s32 @!p0 $0x6000;
	[sflag:s14] =	ssyncadd.s32 @!p0 $0xFFFFF000;
	s14 =	simm.s32 @!p0 $0x80  }
0x111: {  	[spmem:s4] =	stream.indirect.scatter.add.bf16 @!p0 [tilespmem:s15], [sflag:$0x8], $0x20, s10, s14, $0xb8;
	[tilespmem:$0x15000] =	vst v63  }
0x112: {  	p0 =	por @!p1 p2, p6  }
0x113: {  	p0 =	por p0, p1  }
0x114: {  	s14 =	simm.s32 @!p0 $0x3  }
0x115: {  	_ =	swait.ge @!p0 [sflag:s14], $0x1000  }
0x116: {  	[sflag:s14] =	ssyncset.done @!p0 $0x0  }
0x117: {  	s16 =	simm.s32 @!p0 $0x7000;
	[sflag:s14] =	ssyncadd.s32 @!p0 $0xFFFFF000;
	s14 =	simm.s32 @!p0 $0x80  }
0x118: {  	[spmem:s3] =	stream.indirect.scatter.add.bf16 @!p0 [tilespmem:s16], [sflag:$0x8], $0x20, s10, s14, $0xb8;
	[tilespmem:$0x15000] =	vst v63  }
0x119: {  	s16 =	sld [smem:$0x7FA];
	_ =	sdelay $0x2  }
0x11a: {  	p6 =	seq.s32 s16, $0x1;
	s16 =	sld [smem:$0x7FB]  }
0x11b: {  	s12 =	sadd.s32 $0x1, s12;
	s15 =	simm.s32 @!p4 $0x7  }
0x11c: {  	s14 =	simm.s32 @!p0 $0x8;
	p0 =	por !p5, p1;
	p2 =	por !p6, !p1  }
0x11d: {  	s14 =	simm.s32 @p0 $0x8;
	s15 =	simm.s32 @p2 $0x8;
	p0 =	seq.s32 s16, $0x1  }
0x11e: {  	s15 =	simm.s32 @!p0 $0x8;
	p0 =	sne.s32 s12, $0x55  }
.Ltmp16:
0x11f: {  	s14 =	simm.s32 @!p3 $0x8;
	(pc) =	sbr.rel @!p0 .LBB2_29-.Ltmp16, $4  }
0x120: {  	s14 =	smov.u32 @p1 s15  }
0x121: {  	_ =	swait.ge [sflag:s14], $0x1000  }
0x122: {  	[sflag:s14] =	ssyncset.done $0x0  }
0x123: {  	s13 =	sadd.s32 $0x80, s13;
	s10 =	sadd.s32 $0x80, s10;
	[sflag:s14] =	ssyncadd.s32 $0xFFFFF000  }
.LBB2_17:
0x124: {  	s14 =	smul.u32 $0xAB, s12;
	_ =	sdelay $0x1  }
0x125: {  	s14 =	sshrl.u32 s14, $0xA  }
0x126: {  	s14 =	sand.u32 $0x3F, s14  }
0x127: {  	s15 =	smul.u32 $0x6, s14  }
0x128: {  	s14 =	sadd.s32 $0xFFFFFFFB, s12  }
0x129: {  	p0 =	sgt.u32 s14, $0x4A;
	s15 =	ssub.s32 s12, s15  }
0x12a: {  	s15 =	sand.u32 @!p0 $0xFF, s15  }
0x12b: {  	p1 =	sne.s32 @!p0 s15, $0x0  }
0x12c: {  	p1 =	por p0, p1  }
.Ltmp17:
0x12d: {  	_ = 	snop;
	(pc) =	sbr.rel @!p1 .LBB2_18-.Ltmp17, $1  }
0x12e: {  	_ =	sdelay $0x3  }
0x12f: {  	p1 =	sne.s32 @!p0 s15, $0x1  }
0x130: {  	p1 =	por p0, p1  }
.Ltmp18:
0x131: {  	_ = 	snop;
	(pc) =	sbr.rel @p1 .LBB2_21-.Ltmp18, $1  }
0x132: {  	_ =	sdelay $0x3  }
.Ltmp19:
0x133: {  	(pc) =	sbr.rel .LBB2_28-.Ltmp19, $2  }
0x134: {  	_ =	sdelay $0x2  }
0x135: {  	[tilespmem:s28], [sflag:$0x2] =	stream.indirect.gather [hbm4b:s1+s25], $0x20, s13, s25, $0xb8;
	[tilespmem:$0x15000] =	vst v63  }
.LBB2_21:
0x136: {  	p1 =	sne.s32 @!p0 s15, $0x2  }
0x137: {  	p1 =	por p0, p1  }
.Ltmp20:
0x138: {  	_ = 	snop;
	(pc) =	sbr.rel @p1 .LBB2_23-.Ltmp20, $1  }
0x139: {  	_ =	sdelay $0x3  }
.Ltmp21:
0x13a: {  	(pc) =	sbr.rel .LBB2_28-.Ltmp21, $2  }
0x13b: {  	_ =	sdelay $0x2  }
0x13c: {  	[tilespmem:s30], [sflag:$0x3] =	stream.indirect.gather [hbm4b:s1+s25], $0x20, s13, s25, $0xb8;
	[tilespmem:$0x15000] =	vst v63  }
.LBB2_23:
0x13d: {  	p1 =	sne.s32 @!p0 s15, $0x3  }
0x13e: {  	p1 =	por p0, p1  }
.Ltmp22:
0x13f: {  	_ = 	snop;
	(pc) =	sbr.rel @p1 .LBB2_25-.Ltmp22, $1  }
0x140: {  	_ =	sdelay $0x3  }
.Ltmp23:
0x141: {  	(pc) =	sbr.rel .LBB2_28-.Ltmp23, $2  }
0x142: {  	_ =	sdelay $0x2  }
0x143: {  	[tilespmem:s0], [sflag:$0x4] =	stream.indirect.gather [hbm4b:s1+s25], $0x20, s13, s25, $0xb8;
	[tilespmem:$0x15000] =	vst v63  }
.LBB2_25:
0x144: {  	p1 =	sne.s32 @!p0 s15, $0x4  }
0x145: {  	p1 =	por p0, p1  }
.Ltmp24:
0x146: {  	_ = 	snop;
	(pc) =	sbr.rel @p1 .LBB2_27-.Ltmp24, $1  }
0x147: {  	_ =	sdelay $0x3  }
.Ltmp25:
0x148: {  	(pc) =	sbr.rel .LBB2_28-.Ltmp25, $2  }
0x149: {  	_ =	sdelay $0x2  }
0x14a: {  	[tilespmem:s7], [sflag:$0x5] =	stream.indirect.gather [hbm4b:s1+s25], $0x20, s13, s25, $0xb8;
	[tilespmem:$0x15000] =	vst v63  }
.LBB2_27:
.Ltmp26:
0x14b: {  	(pc) =	sbr.rel .LBB2_28-.Ltmp26, $4  }
0x14c: {  	p1 =	sne.s32 @!p0 s15, $0x5  }
0x14d: {  	p0 =	por p1, p0  }
0x14e: {  	s15 =	simm.s32 @!p0 $0x80;
	s16 =	simm.s32 @!p0 $0xA000  }
0x14f: {  	[tilespmem:s16], [sflag:$0x6] =	stream.indirect.gather @!p0 [hbm4b:s1+s15], $0x20, s13, s15, $0xb8;
	[tilespmem:$0x15000] =	vst v63  }
.LBB2_30:
0x150: {  	_ =	sfence.sel $0x180000  }
0x151: {  	[bflag:$0x0] =	sbarrier.arrive $0xFFFF  }
0x152: {  	_ =	strace $0x9000004A  }
0x153: {  	s0 =	stileid.u32;
	[bflag:$0x2] =	sbarrier.arrive $0xFFFF  }
0x154: {  	p0 =	sne.s32 s0, $0x0;
	s0 =	rddreg [dreg:$0x4]  }
0x155: {  	s0 =	sadd.s32 @!p0 $0x100000, s0  }
0x156: {  	[sflag:s0] =	ssyncadd.tile.s32 @!p0 $0x1;
	_ =	shalt  }
.Lfunc_end2:
_tile_overlayer_lowered:
.L_overlay_start_2:
0x157: {  	(tag) =	ssettag $0x2  }
0x158: {  	s0 =	rddreg [dreg:$0x0];
	s2 =	stileid.u32  }
0x159: {  	s1 =	rddreg [dreg:$0x1];
	p0 =	sne.s32 s2, $0x0  }
0x15a: {  	s3 =	rddreg [dreg:$0x2];
	[bflag:$0x3] =	sbarrier.arrive $0xFFFF;
	s2 =	simm.s32 @!p0 $0x1C07  }
0x15b: {  	[timem:s3], [sflag:s2] =	dma.local @!p0 [hbm:s0], s1  }
0x15c: {  	s0 =	simm.s32 @!p0 $0x7  }
0x15d: {  	_ =	swait.ge @!p0 [sflag:s0], s1  }
0x15e: {  	s1 =	ssub.s32 @!p0 $0x0, s1;
	[sflag:s0] =	ssyncset.done @!p0 $0x0  }
0x15f: {  	[sflag:s0] =	ssyncadd.s32 @!p0 s1  }
0x160: {  	[bflag:$0x3] =	sbarrier.arrive $0xFFFF  }
0x161: {  	_ =	shalt  }

// kernel: _run.14.cloned.1.call-start
scs
__scs_entry_jumppad:
0x0: {  	(pc) =	sbr.rel $0x88, $3  }
0x1: {  	(tag) =	ssettag $0x0;
	lr =	simm.s32 $0x1  }
0x2: {  	[smem:$0x3F9B] =	sst lr;
	_ =	strace $0xD0000000  }
0x3: {  	_ = 	snop  }
0x4: {  	_ = 	snop  }
0x5: {  	_ = 	snop  }
0x6: {  	_ = 	snop  }
0x7: {  	_ = 	snop  }
__scs_overlays_trampoline_lowered:
0x8: {  	[smem:$0x3FAA] =	sst s0  }
0x9: {  	[smem:$0x3FAB] =	sst s1  }
0xa: {  	[smem:$0x3FAC] =	sst s2  }
0xb: {  	[smem:$0x3FAD] =	sst s3  }
0xc: {  	[smem:$0x3FAE] =	sst s4  }
0xd: {  	[smem:$0x3FAF] =	sst s5  }
0xe: {  	[smem:$0x3FB0] =	sst s6  }
0xf: {  	[smem:$0x3FB1] =	sst s7  }
0x10: {  	[smem:$0x3FB2] =	sst s8  }
0x11: {  	[smem:$0x3FB3] =	sst s9;
	s0 =	simm.s32 @!p0 $0x0  }
0x12: {  	s1 =	sld [smem:$0x3F99];
	s0 =	simm.s32 @p0 $0x1  }
0x13: {  	[smem:$0x3FB4] =	sst s0;
	s0 =	simm.s32 @!p1 $0x0  }
0x14: {  	s2 =	sld [smem:$0x3F98];
	s0 =	simm.s32 @p1 $0x1  }
0x15: {  	[smem:$0x3FB5] =	sst s0;
	s0 =	simm.s32 @!p2 $0x0  }
0x16: {  	s3 =	sld [smem:$0x3FDB];
	s0 =	simm.s32 @p2 $0x1  }
0x17: {  	s4 =	simm.s32 $0x1BF5;
	[smem:$0x3FB7] =	sst s0  }
0x18: {  	s0 =	sld [smem:$0x3F9A];
	_ =	swait.ge [sflag:s4], $0x0  }
0x19: {  	s7 =	sld [smem:$0x3F9B]  }
0x1a: {  	s8 =	sadd.s32 $0xFFFFE003, lr  }
0x1b: {  	s9 =	sadd.s32 $0xFFFFFEF7, lr;
	s5 =	simm.s32 $0xFFFFFFFF;
	p2 =	slt.u32 s8, $0xFFFFF086  }
0x1c: {  	p1 =	slt.u32 s9, $0xF7A;
	s5 =	simm.s32 @!p2 $0x0  }
0x1d: {  	s5 =	simm.s32 @p1 $0x1;
	p0 =	seq.s32 s7, s2  }
0x1e: {  	s7 =	smul.u32 @!p0 $0xF7A, s2;
	p2 =	seq.s32 @!p0 s5, $0x0  }
0x1f: {  	s9 =	smul.u32 $0xF7A, s1;
	s8 =	simm.s32 @!p0 $0x1BF5;
	p2 =	por !p2, p0  }
0x20: {  	[sflag:s8] =	ssyncset.s32 @!p0 $0xFFFFF086;
	s6 =	sadd.s32 @!p0 s3, s7;
	s7 =	simm.s32 @!p0 $0x108  }
0x21: {  	s3 =	sadd.s32 s3, s9;
	s6 =	sadd.s32 @!p0 $0x88, s6;
	s7 =	simm.s32 @p2 $0x1082  }
0x22: {  	[simem:s7], [sflag:s8] =	dma.local @!p0 [hbm:s6], $0xF7A  }
0x23: {  	s9 =	sor.u32 $0xD0000000, s2;
	s6 =	simm.s32 $0x108;
	_ =	swait.ge @!p0 [sflag:s8], $0x0  }
0x24: {  	s3 =	sadd.s32 $0x88, s3;
	s6 =	simm.s32 @!p1 $0x1082;
	[sflag:s4] =	ssyncset.s32 $0xFFFFF086  }
0x25: {  	[simem:s6], [sflag:s4] =	dma.local [hbm:s3], $0xF7A  }
0x26: {  	[smem:$0x3F9B] =	sst s1;
	(tag) =	ssettag s2;
	_ =	strace s9  }
0x27: {  	s1 =	sld [smem:$0x3FAB]  }
0x28: {  	s2 =	sld [smem:$0x3FAC]  }
0x29: {  	s4 =	sld [smem:$0x3FAE]  }
0x2a: {  	p0 =	seq.s32 s5, $0x0;
	s5 =	sld [smem:$0x3FAF]  }
0x2b: {  	s6 =	sld [smem:$0x3FB0]  }
0x2c: {  	s7 =	sld [smem:$0x3FB1]  }
0x2d: {  	s3 =	simm.s32 $0x108;
	s8 =	sld [smem:$0x3FB2]  }
0x2e: {  	s3 =	simm.s32 @!p0 $0x1082;
	s9 =	sld [smem:$0x3FB3]  }
0x2f: {  	lr =	sadd.s32 s0, s3;
	s0 =	sld [smem:$0x3FAA]  }
0x30: {  	s3 =	sld [smem:$0x3FAD]  }
0x31: {  	[smem:$0x3FB6] =	sst s10  }
0x32: {  	s10 =	sld [smem:$0x3FB4];
	_ =	sdelay $0x3  }
0x33: {  	p0 =	seq.s32 s10, $0x1;
	s10 =	sld [smem:$0x3FB6];
	_ =	sdelay $0x3  }
0x34: {  	[smem:$0x3FB6] =	sst s10  }
0x35: {  	s10 =	sld [smem:$0x3FB5];
	_ =	sdelay $0x3  }
0x36: {  	p1 =	seq.s32 s10, $0x1;
	s10 =	sld [smem:$0x3FB6];
	_ =	sdelay $0x3  }
0x37: {  	[smem:$0x3FB6] =	sst s10  }
0x38: {  	s10 =	sld [smem:$0x3FB7]  }
0x39: {  	_ = 	snop;
	(pc) =	sbr.ind lr, $3  }
0x3a: {  	_ = 	snop  }
0x3b: {  	_ = 	snop  }
0x3c: {  	p2 =	seq.s32 s10, $0x1;
	s10 =	sld [smem:$0x3FB6]  }
0x3d: {  	_ =	shalt  }
0x3e: {  	_ =	shalt  }
0x3f: {  	_ =	shalt  }
0x40: {  	_ =	shalt  }
0x41: {  	_ =	shalt  }
0x42: {  	_ =	shalt  }
0x43: {  	_ =	shalt  }
0x44: {  	_ =	shalt  }
0x45: {  	_ =	shalt  }
0x46: {  	_ =	shalt  }
0x47: {  	_ =	shalt  }
0x48: {  	_ =	shalt  }
0x49: {  	_ =	shalt  }
0x4a: {  	_ =	shalt  }
0x4b: {  	_ =	shalt  }
0x4c: {  	_ =	shalt  }
0x4d: {  	_ =	shalt  }
0x4e: {  	_ =	shalt  }
0x4f: {  	_ =	shalt  }
0x50: {  	_ =	shalt  }
0x51: {  	_ =	shalt  }
0x52: {  	_ =	shalt  }
0x53: {  	_ =	shalt  }
0x54: {  	_ =	shalt  }
0x55: {  	_ =	shalt  }
0x56: {  	_ =	shalt  }
0x57: {  	_ =	shalt  }
0x58: {  	_ =	shalt  }
0x59: {  	_ =	shalt  }
0x5a: {  	_ =	shalt  }
0x5b: {  	_ =	shalt  }
0x5c: {  	_ =	shalt  }
0x5d: {  	_ =	shalt  }
0x5e: {  	_ =	shalt  }
0x5f: {  	_ =	shalt  }
0x60: {  	_ =	shalt  }
0x61: {  	_ =	shalt  }
0x62: {  	_ =	shalt  }
0x63: {  	_ =	shalt  }
0x64: {  	_ =	shalt  }
0x65: {  	_ =	shalt  }
0x66: {  	_ =	shalt  }
0x67: {  	_ =	shalt  }
0x68: {  	_ =	shalt  }
0x69: {  	_ =	shalt  }
0x6a: {  	_ =	shalt  }
0x6b: {  	_ =	shalt  }
0x6c: {  	_ =	shalt  }
0x6d: {  	_ =	shalt  }
0x6e: {  	_ =	shalt  }
0x6f: {  	_ =	shalt  }
0x70: {  	_ =	shalt  }
0x71: {  	_ =	shalt  }
0x72: {  	_ =	shalt  }
0x73: {  	_ =	shalt  }
0x74: {  	_ =	shalt  }
0x75: {  	_ =	shalt  }
0x76: {  	_ =	shalt  }
0x77: {  	_ =	shalt  }
0x78: {  	_ =	shalt  }
0x79: {  	_ =	shalt  }
0x7a: {  	_ =	shalt  }
0x7b: {  	_ =	shalt  }
0x7c: {  	_ =	shalt  }
0x7d: {  	_ =	shalt  }
0x7e: {  	_ =	shalt  }
0x7f: {  	_ =	shalt  }
0x80: {  	_ =	shalt  }
0x81: {  	_ =	shalt  }
0x82: {  	_ =	shalt  }
0x83: {  	_ =	shalt  }
0x84: {  	_ =	shalt  }
0x85: {  	_ =	shalt  }
0x86: {  	_ =	shalt  }
0x87: {  	_ =	shalt  }
.Lfunc_end0:
.L_simem_size_0:
called_computation.2_lowered:
.L_overlay_start_0:
0x88: {  	s2 =	sld [smem:$0x3FD9]  }
0x89: {  	s3 =	sld [smem:$0x3FFE];
	_ =	sdelay $0x1  }
0x8a: {  	s1 =	srdreg.scid  }
0x8b: {  	s0 =	sand.u32 $0x1, s1  }
0x8c: {  	s17 =	sshll.u32 s0, $0xA;
	s2 =	sadd.s32 s3, s2  }
0x8d: {  	s2 =	sadd.s32 s2, s17  }
0x8e: {  	[smem:$0x3FC2] =	sst s2  }
0x8f: {  	_ = 	snop  }
0x90: {  	s2 =	sld [smem:$0x3FD0];
	(tm) =	ssettm $0x1  }
0x91: {  	s18 =	sld [smem:$0x3FFB];
	_ =	sdelay $0x3  }
0x92: {  	_ =	strace s18  }
0x93: {  	s3 =	sld [smem:$0x3FFC];
	_ =	sdelay $0x3  }
0x94: {  	_ =	strace s3  }
0x95: {  	s3 =	sld [smem:$0x3FFD];
	_ =	sdelay $0x3  }
0x96: {  	_ =	strace s3  }
0x97: {  	_ =	strace $0x8FFFFFFF  }
0x98: {  	s19 =	sld [smem:$0x3FDB];
	_ =	sdelay $0x1  }
0x99: {  	s4 =	simm.s32 $_scs_section_size  }
0x9a: {  	s5 =	simm.s32 $_size__tile_overlayer_lowered;
	s6 =	simm.s32 $_tile_overlayer_lowered  }
0x9b: {  	s22 =	simm.s32 $0x1BFF;
	s21 =	sshll.u32 s6, $0x1;
	s3 =	sadd.s32 s4, s19  }
0x9c: {  	s7 =	simm.s32 $0x0;
	s20 =	sshll.u32 s5, $0x1;
	s5 =	sadd.s32 s21, s3  }
0x9d: {  	[timem:s7], [sflag:s22] =	dma.local [hbm:s5], s20  }
0x9e: {  	_ =	swait.ge [sflag:s22], s20  }
0x9f: {  	s4 =	ssub.s32 $0x0, s20;
	[sflag:s22] =	ssyncset.done $0x0  }
0xa0: {  	[sflag:s22] =	ssyncadd.s32 s4;
	_ =	sdelay $0x1  }
0xa1: {  	s23 =	simm.s32 $0x1B8B  }
0xa2: {  	_ =	swait.ge [sflag:s23], $0x1  }
0xa3: {  	[sflag:s23] =	ssyncset.done $0x0  }
0xa4: {  	s25 =	simm.s32 $0x1B8E;
	s24 =	sld [smem:$0x3FFE];
	[sflag:s23] =	ssyncadd.s32 $0xFFFFFFFF  }
0xa5: {  	s26 =	simm.s32 $execute0_lowered;
	[smem:$0x3FD2] =	sst s25  }
0xa6: {  	s5 =	sshll.u32 s26, $0x1;
	_ =	strace $0x8000004C;
	[dreg:$0x1] =	wrdreg $0xFFFFFFFF  }
0xa7: {  	s28 =	simm.s32 $_size_execute0_lowered;
	s3 =	sadd.s32 s3, s5;
	[dreg:$0x0] =	wrdreg $0x0  }
0xa8: {  	s5 =	sshll.u32 s28, $0x1;
	[dreg:$0x2] =	wrdreg s3  }
0xa9: {  	[dreg:$0x3] =	wrdreg s5  }
0xaa: {  	[dreg:$0x4] =	wrdreg $0xC0  }
0xab: {  	_ =	task [dreg:s7], $0x5FFFF  }
0xac: {  	[dreg:$0x1] =	wrdreg $0xFFFFFFFF  }
0xad: {  	[dreg:$0x0] =	wrdreg $0x60  }
0xae: {  	[dreg:$0x2] =	wrdreg s2  }
0xaf: {  	[dreg:$0x3] =	wrdreg s24  }
0xb0: {  	[dreg:$0x4] =	wrdreg $0xB0000  }
0xb1: {  	[dreg:$0x5] =	wrdreg $0x100000  }
0xb2: {  	[dreg:$0x6] =	wrdreg $0x9  }
0xb3: {  	_ =	task.clear_ibuf [dreg:s7], $0x7FFFF;
	_ =	strace $0x9000004C  }
0xb4: {  	s29 =	simm.s32 $0x9;
	_ =	strace $0x8000004E  }
0xb5: {  	_ =	swait.ge [sflag:s29], $0x1  }
0xb6: {  	[sflag:s29] =	ssyncadd.s32 $0xFFFFFFFF  }
0xb7: {  	_ =	strace $0x9000004E  }
0xb8: {  	_ =	sfence  }
0xb9: {  	s30 =	sld [smem:$0x0];
	_ =	sdelay $0x2  }
0xba: {  	s31 =	sshll.u32 s1, $0xD;
	s1 =	sshrl.u32 s1, $0x2  }
0xbb: {  	s3 =	sand.u32 $0x4000, s31;
	s1 =	sadd.s32 s1, s30  }
0xbc: {  	s0 =	sor.u32 s3, s0;
	s1 =	sshll.u32 s1, $0x11  }
0xbd: {  	s0 =	sor.u32 s1, s0  }
0xbe: {  	s0 =	sadd.s32 $0x8F2B, s0  }
0xbf: {  	[sflag:s0] =	ssyncadd.remote.s32 $0x1  }
0xc0: {  	_ =	sfence.sel $0xFFFF  }
0xc1: {  	[dreg:$0x0] =	wrdreg $0xFFFFFFFF;
	(pc) =	sbr.abs _section_cstart, $3  }
0xc2: {  	[dreg:$0x1] =	wrdreg $0xFFFFFFFF  }
0xc3: {  	_ =	task.clear_ibuf [dreg:s7], $0x2FFFF;
	_ =	strace $0x9FFFFFFF  }
0xc4: {  	(tm) =	ssettm $0x7FFFFFFF  }
0xc5: {  	_ =	shalt  }
tec
execute0_lowered:
.L_overlay_start_1:
0x0: {  	(tag) =	ssettag $0x1  }
0x1: {  	s1 =	rddreg [dreg:$0x0]  }
0x2: {  	s0 =	rddreg [dreg:$0x1]  }
0x3: {  	s3 =	rddreg [dreg:$0x2]  }
0x4: {  	s4 =	rddreg [dreg:$0x3];
	s2 =	srdreg.scid  }
0x5: {  	s17 =	stileid.u32;
	s5 =	simm.s32 $0x0;
	s28 =	simm.s32 $0x6000  }
0x6: {  	s29 =	simm.s32 $0x100;
	s30 =	simm.s32 $0x7000;
	s6 =	smul.u32 $0x280, s17  }
0x7: {  	s31 =	simm.s32 $0x180;
	s2 =	sand.u32 $0x1, s2;
	s8 =	smul.u32 $0xA000, s17  }
0x8: {  	[smem:$0x7FF] =	sst s5;
	s9 =	sadd.s32 $0x34200, s0;
	s22 =	smul.u32 $0x5000, s17  }
0x9: {  	s10 =	sadd.s32 $0x2200, s0;
	s25 =	sshll.u32 s17, $0x1;
	s7 =	smul.u32 $0x5000, s2  }
0xa: {  	_ =	strace $0x8000004D;
	s23 =	ssub.s32 $0x2, s2;
	s2 =	sshll.u32 s2, $0x5  }
0xb: {  	s8 =	sshrl.u32 s8, $0x1;
	s24 =	sshrl.u32 s23, $0x1;
	s2 =	sor.u32 s25, s2  }
0xc: {  	s25 =	smul.u32 $0xA00, s17;
	s6 =	sadd.s32 s6, s7;
	s12 =	sadd.s32 $0x1000, s8  }
0xd: {  	s7 =	ssub.s32 s23, s24;
	s13 =	sadd.s32 $0x2000, s8;
	s26 =	sadd.s32 $0x3000, s8  }
0xe: {  	s15 =	sadd.s32 $0x4000, s8;
	s16 =	smul.u32 $0x500, s2;
	s11 =	sadd.s32 s12, s3  }
0xf: {  	s2 =	smul.u32 $0x2800, s2;
	s14 =	sadd.s32 s13, s3;
	[dreg:$0x5] =	wrdreg s11  }
0x10: {  	s6 =	sshll.u32 s6, $0x2;
	s18 =	sadd.s32 s26, s3;
	[dreg:$0x6] =	wrdreg s14  }
0x11: {  	s19 =	sadd.s32 s15, s3;
	s20 =	sadd.s32 s12, s4;
	[dreg:$0x7] =	wrdreg s18  }
0x12: {  	s21 =	sadd.s32 s13, s4;
	s23 =	sadd.s32 s26, s4;
	[dreg:$0x8] =	wrdreg s19  }
0x13: {  	s24 =	sadd.s32 s15, s4;
	s17 =	sadd.s32 s10, s25;
	[dreg:$0x9] =	wrdreg s20  }
0x14: {  	s25 =	simm.s32 $0x80;
	s0 =	sadd.s32 s6, s0;
	[dreg:$0xa] =	wrdreg s21  }
0x15: {  	s6 =	sadd.s32 s8, s3;
	s11 =	sadd.s32 s8, s4;
	[dreg:$0xb] =	wrdreg s23  }
0x16: {  	[dreg:$0xc] =	wrdreg s24;
	s26 =	sadd.s32 s9, s16;
	s2 =	sshrl.u32 s2, $0x3  }
0x17: {  	s8 =	sshrl.u32 s22, $0x3;
	s22 =	smax.u32 s7, $0x1;
	s23 =	simm.s32 $0xA000  }
.Ltmp0:
0x18: {  	s24 =	simm.s32 $0x7;
	s7 =	simm.s32 $0x9000;
	(pc) =	sbr.rel .LBB2_1-.Ltmp0, $4  }
0x19: {  	[dreg:$0xd] =	wrdreg s26;
	s2 =	sadd.s32 s9, s2;
	s8 =	sadd.s32 s10, s8  }
0x1a: {  	s20 =	sadd.s32 $0x48200, s0;
	s21 =	sadd.s32 $0x52200, s0;
	s26 =	simm.s32 $0x5000  }
0x1b: {  	s0 =	simm.s32 $0x8000;
	s9 =	simm.s32 $0x0;
	s18 =	sadd.s32 $0x500, s2  }
0x1c: {  	v0 =	vimm.bf16 $0.0e+00;
	s19 =	sadd.s32 $0x500, s8;
	s2 =	simm.s32 $0x200;
	s8 =	simm.s32 $0x6  }
.LBB2_29:
0x1d: {  	s10 =	stileid.u32  }
0x1e: {  	s10 =	sshll.u32 s10, $0x6  }
0x1f: {  	[bflag:$0x0] =	sbarrier.arrive $0xFFFF;
	s12 =	sshrl.u32 s6, $0x3;
	s10 =	sor.u32 $0x1C07, s10  }
0x20: {  	[hbm:s20], [sflag:s10] =	dma.local [spmem:s12], $0xA00  }
0x21: {  	s9 =	sadd.s32 $0x1, s9;
	_ =	swait.ge [sflag:s24], $0xA00  }
0x22: {  	p0 =	sne.s32 s9, s22;
	[sflag:s24] =	ssyncset.done $0x0  }
.Ltmp1:
0x23: {  	s16 =	sshrl.u32 s11, $0x3;
	[sflag:s24] =	ssyncadd.s32 $0xFFFFF600;
	(pc) =	sbr.rel @!p0 .LBB2_30-.Ltmp1, $4  }
0x24: {  	[hbm:s21], [sflag:s10] =	dma.local [spmem:s16], $0xA00  }
0x25: {  	_ =	swait.ge [sflag:s24], $0xA00  }
0x26: {  	[sflag:s24] =	ssyncset.done $0x0  }
0x27: {  	[sflag:s24] =	ssyncadd.s32 $0xFFFFF600  }
.LBB2_1:
0x28: {  	s10 =	simm.s32 $0x80;
	s12 =	simm.s32 $0x0  }
.LBB2_2:
0x29: {  	p0 =	sne.s32 s10, $0x3F80;
	[tilespmem:s12+$0xA000] =	vst v0;
	s13 =	smov.u32 s10;
	s10 =	sadd.s32 $0x80, s10  }
.Ltmp2:
0x2a: {  	[tilespmem:s12+$0xA010] =	vst v0;
	(pc) =	sbr.rel @p0 .LBB2_2-.Ltmp2, $2  }
0x2b: {  	_ =	sdelay $0x2  }
0x2c: {  	s12 =	sshra.s32 s13, $0x2  }
0x2d: {  	[tilespmem:s12+$0xA000] =	vst v0  }
0x2e: {  	[tilespmem:s12+$0xA010] =	vst v0  }
0x2f: {  	[spmem:s6] =	stream.linear.scatter [tilespmem:s23], [sflag:$0x6], $0x1000, $0x38;
	[tilespmem:$0x15000] =	vst v63  }
0x30: {  	s10 =	rddreg [dreg:$0x5]  }
0x31: {  	[spmem:s10] =	stream.linear.scatter [tilespmem:s23], [sflag:$0x6], $0x1000, $0x38;
	[tilespmem:$0x15000] =	vst v63  }
0x32: {  	s14 =	rddreg [dreg:$0x6]  }
0x33: {  	[spmem:s14] =	stream.linear.scatter [tilespmem:s23], [sflag:$0x6], $0x1000, $0x38;
	[tilespmem:$0x15000] =	vst v63  }
0x34: {  	s15 =	rddreg [dreg:$0x7]  }
0x35: {  	[spmem:s15] =	stream.linear.scatter [tilespmem:s23], [sflag:$0x6], $0x1000, $0x38;
	[tilespmem:$0x15000] =	vst v63  }
0x36: {  	s16 =	rddreg [dreg:$0x8]  }
0x37: {  	[spmem:s16] =	stream.linear.scatter [tilespmem:s23], [sflag:$0x6], $0x1000, $0x38;
	[tilespmem:$0x15000] =	vst v63  }
0x38: {  	_ = 	snop  }
0x39: {  	[spmem:s11] =	stream.linear.scatter [tilespmem:s23], [sflag:$0x6], $0x1000, $0x38;
	[tilespmem:$0x15000] =	vst v63  }
0x3a: {  	s12 =	rddreg [dreg:$0x9]  }
0x3b: {  	[spmem:s12] =	stream.linear.scatter [tilespmem:s23], [sflag:$0x6], $0x1000, $0x38;
	[tilespmem:$0x15000] =	vst v63  }
0x3c: {  	s13 =	rddreg [dreg:$0xa]  }
0x3d: {  	[spmem:s13] =	stream.linear.scatter [tilespmem:s23], [sflag:$0x6], $0x1000, $0x38;
	[tilespmem:$0x15000] =	vst v63  }
0x3e: {  	s14 =	rddreg [dreg:$0xb]  }
0x3f: {  	[spmem:s14] =	stream.linear.scatter [tilespmem:s23], [sflag:$0x6], $0x1000, $0x38;
	[tilespmem:$0x15000] =	vst v63  }
0x40: {  	s15 =	rddreg [dreg:$0xc]  }
0x41: {  	[spmem:s15] =	stream.linear.scatter [tilespmem:s23], [sflag:$0x6], $0x1000, $0x38;
	[tilespmem:$0x15000] =	vst v63  }
0x42: {  	s16 =	rddreg [dreg:$0xd]  }
0x43: {  	[tilespmem:s5], [sflag:$0x7] =	stream.linear.gather [hbm4b:s16+s5], $0x2800, $0x38;
	[tilespmem:$0x15000] =	vst v63  }
0x44: {  	_ =	swait.ge [sflag:s24], $0x2800  }
0x45: {  	[sflag:s24] =	ssyncset.done $0x0  }
0x46: {  	s10 =	simm.s32 $0x2800;
	[sflag:s24] =	ssyncadd.s32 $0xFFFFD800  }
0x47: {  	[tilespmem:s10], [sflag:$0x7] =	stream.linear.gather [hbm4b:s17+s5], $0x2800, $0x38;
	[tilespmem:$0x15000] =	vst v63  }
0x48: {  	_ =	swait.ge [sflag:s24], $0x2800  }
0x49: {  	[sflag:s24] =	ssyncset.done $0x0  }
0x4a: {  	[sflag:s24] =	ssyncadd.s32 $0xFFFFD800  }
0x4b: {  	[tilespmem:s26], [sflag:$0x1] =	stream.indirect.gather [hbm4b:s1+s25], $0x20, s5, s25, $0xb8;
	[tilespmem:$0x15000] =	vst v63  }
0x4c: {  	_ = 	snop  }
0x4d: {  	[tilespmem:s28], [sflag:$0x2] =	stream.indirect.gather [hbm4b:s1+s25], $0x20, s25, s25, $0xb8;
	[tilespmem:$0x15000] =	vst v63  }
0x4e: {  	_ = 	snop  }
0x4f: {  	[tilespmem:s30], [sflag:$0x3] =	stream.indirect.gather [hbm4b:s1+s25], $0x20, s29, s25, $0xb8;
	[tilespmem:$0x15000] =	vst v63  }
0x50: {  	_ = 	snop  }
0x51: {  	[tilespmem:s0], [sflag:$0x4] =	stream.indirect.gather [hbm4b:s1+s25], $0x20, s31, s25, $0xb8;
	[tilespmem:$0x15000] =	vst v63  }
0x52: {  	_ = 	snop  }
0x53: {  	[tilespmem:s7], [sflag:$0x5] =	stream.indirect.gather [hbm4b:s1+s25], $0x20, s2, s25, $0xb8;
	[tilespmem:$0x15000] =	vst v63  }
0x54: {  	_ =	swait.ge [sflag:s8], $0x1000  }
0x55: {  	[sflag:s8] =	ssyncset.done $0x0  }
0x56: {  	[sflag:s8] =	ssyncadd.s32 $0xFFFFF000  }
0x57: {  	_ =	swait.ge [sflag:s8], $0x1000  }
0x58: {  	[sflag:s8] =	ssyncset.done $0x0  }
0x59: {  	[sflag:s8] =	ssyncadd.s32 $0xFFFFF000  }
0x5a: {  	_ =	swait.ge [sflag:s8], $0x1000  }
0x5b: {  	[sflag:s8] =	ssyncset.done $0x0  }
0x5c: {  	[sflag:s8] =	ssyncadd.s32 $0xFFFFF000  }
0x5d: {  	_ =	swait.ge [sflag:s8], $0x1000  }
0x5e: {  	[sflag:s8] =	ssyncset.done $0x0  }
0x5f: {  	[sflag:s8] =	ssyncadd.s32 $0xFFFFF000  }
0x60: {  	_ =	swait.ge [sflag:s8], $0x1000  }
0x61: {  	[sflag:s8] =	ssyncset.done $0x0  }
0x62: {  	[sflag:s8] =	ssyncadd.s32 $0xFFFFF000  }
0x63: {  	_ =	swait.ge [sflag:s8], $0x1000  }
0x64: {  	[sflag:s8] =	ssyncset.done $0x0  }
0x65: {  	[sflag:s8] =	ssyncadd.s32 $0xFFFFF000  }
0x66: {  	_ =	swait.ge [sflag:s8], $0x1000  }
0x67: {  	[sflag:s8] =	ssyncset.done $0x0  }
0x68: {  	[sflag:s8] =	ssyncadd.s32 $0xFFFFF000  }
0x69: {  	_ =	swait.ge [sflag:s8], $0x1000  }
0x6a: {  	[sflag:s8] =	ssyncset.done $0x0  }
0x6b: {  	[sflag:s8] =	ssyncadd.s32 $0xFFFFF000  }
0x6c: {  	_ =	swait.ge [sflag:s8], $0x1000  }
0x6d: {  	[sflag:s8] =	ssyncset.done $0x0  }
0x6e: {  	[sflag:s8] =	ssyncadd.s32 $0xFFFFF000  }
.Ltmp3:
0x6f: {  	_ =	swait.ge [sflag:s8], $0x1000;
	(pc) =	sbr.rel .LBB2_4-.Ltmp3, $4  }
0x70: {  	[sflag:s8] =	ssyncset.done $0x0  }
0x71: {  	[sflag:s8] =	ssyncadd.s32 $0xFFFFF000  }
0x72: {  	[bflag:$0x0] =	sbarrier.arrive $0xFFFF  }
0x73: {  	s12 =	simm.s32 $0x5;
	s13 =	simm.s32 $0x280  }
.LBB2_5:
0x74: {  	[tilespmem:s26], [sflag:$0x1] =	stream.indirect.gather [hbm4b:s1+s25], $0x20, s13, s25, $0xb8;
	[tilespmem:$0x15000] =	vst v63  }
.LBB2_15:
0x75: {  	s15 =	smul.u32 $0xAB, s14;
	_ =	sdelay $0x1  }
0x76: {  	s15 =	sshrl.u32 s15, $0xA  }
0x77: {  	s15 =	sand.u32 $0x3F, s15  }
0x78: {  	s15 =	smul.u32 $0x6, s15;
	_ =	sdelay $0x1  }
0x79: {  	s15 =	ssub.s32 s14, s15  }
0x7a: {  	s14 =	sand.u32 $0xFF, s15  }
0x7b: {  	p1 =	sgt.s32 s14, $0x2  }
0x7c: {  	p3 =	seq.s32 @p1 s14, $0x3  }
0x7d: {  	p0 =	por !p3, !p1  }
0x7e: {  	s15 =	simm.s32 @!p0 $0x0  }
0x7f: {  	s15 =	simm.s32 @p0 $0x1  }
0x80: {  	[smem:$0x7FD] =	sst s15;
	s15 =	simm.s32 @!p0 $0x4  }
0x81: {  	_ =	swait.ge @!p0 [sflag:s15], $0x1000  }
0x82: {  	p2 =	por p3, !p1;
	s16 =	simm.s32 @!p0 $0x8000;
	[sflag:s15] =	ssyncset.done @!p0 $0x0  }
0x83: {  	p4 =	seq.s32 @!p2 s14, $0x4;
	[sflag:s15] =	ssyncadd.s32 @!p0 $0xFFFFF000;
	s15 =	simm.s32 @!p0 $0x80  }
0x84: {  	[spmem:s4] =	stream.indirect.scatter.add.bf16 @!p0 [tilespmem:s16], [sflag:$0x8], $0x20, s10, s15, $0xb8;
	[tilespmem:$0x15000] =	vst v63  }
0x85: {  	p0 =	por @p1 !p4, p3  }
0x86: {  	s15 =	simm.s32 @!p0 $0x0  }
0x87: {  	p5 =	por p0, !p1;
	s15 =	simm.s32 @p0 $0x1  }
0x88: {  	[smem:$0x7FC] =	sst s15;
	s15 =	simm.s32 @!p5 $0x5  }
0x89: {  	p3 =	por @p1 p4, p3;
	_ =	swait.ge @!p5 [sflag:s15], $0x1000  }
0x8a: {  	p4 =	por p3, !p1;
	[sflag:s15] =	ssyncset.done @!p5 $0x0  }
0x8b: {  	s16 =	simm.s32 @!p5 $0x9000;
	[sflag:s15] =	ssyncadd.s32 @!p5 $0xFFFFF000;
	s15 =	simm.s32 @!p5 $0x80  }
0x8c: {  	[spmem:s3] =	stream.indirect.scatter.add.bf16 @!p5 [tilespmem:s16], [sflag:$0x8], $0x20, s10, s15, $0xb8;
	[tilespmem:$0x15000] =	vst v63  }
0x8d: {  	s15 =	simm.s32 @!p4 $0x6  }
0x8e: {  	p6 =	seq.s32 @!p1 s14, $0x0;
	_ =	swait.ge @!p4 [sflag:s15], $0x1000  }
0x8f: {  	p3 =	por !p6, p1;
	s16 =	simm.s32 @!p4 $0xA000;
	[sflag:s15] =	ssyncset.done @!p4 $0x0  }
0x90: {  	p5 =	por p6, p1;
	[sflag:s15] =	ssyncadd.s32 @!p4 $0xFFFFF000;
	s15 =	simm.s32 @!p4 $0x80  }
0x91: {  	[spmem:s4] =	stream.indirect.scatter.add.bf16 @!p4 [tilespmem:s16], [sflag:$0x7], $0x20, s10, s15, $0xb8;
	[tilespmem:$0x15000] =	vst v63  }
0x92: {  	p2 =	seq.s32 @!p5 s14, $0x1;
	s15 =	simm.s32 @!p3 $0x1  }
0x93: {  	p5 =	por @!p1 !p2, p6;
	_ =	swait.ge @!p3 [sflag:s15], $0x1000  }
0x94: {  	p0 =	por p5, p1;
	s16 =	simm.s32 @!p3 $0x5000;
	[sflag:s15] =	ssyncset.done @!p3 $0x0  }
0x95: {  	s14 =	simm.s32 @!p0 $0x2;
	[sflag:s15] =	ssyncadd.s32 @!p3 $0xFFFFF000;
	s15 =	simm.s32 @!p3 $0x80  }
0x96: {  	[spmem:s3] =	stream.indirect.scatter.add.bf16 @!p3 [tilespmem:s16], [sflag:$0x8], $0x20, s10, s15, $0xb8;
	[tilespmem:$0x15000] =	vst v63  }
0x97: {  	_ =	swait.ge @!p0 [sflag:s14], $0x1000  }
0x98: {  	[sflag:s14] =	ssyncset.done @!p0 $0x0  }
0x99: {  	s15 =	simm.s32 @!p0 $0x6000;
	[sflag:s14] =	ssyncadd.s32 @!p0 $0xFFFFF000;
	s14 =	simm.s32 @!p0 $0x80  }
0x9a: {  	[spmem:s4] =	stream.indirect.scatter.add.bf16 @!p0 [tilespmem:s15], [sflag:$0x8], $0x20, s10, s14, $0xb8;
	[tilespmem:$0x15000] =	vst v63  }
0x9b: {  	p0 =	por @!p1 p2, p6  }
0x9c: {  	p0 =	por p0, p1  }
0x9d: {  	s14 =	simm.s32 @!p0 $0x3  }
0x9e: {  	_ =	swait.ge @!p0 [sflag:s14], $0x1000  }
0x9f: {  	[sflag:s14] =	ssyncset.done @!p0 $0x0  }
0xa0: {  	s16 =	simm.s32 @!p0 $0x7000;
	[sflag:s14] =	ssyncadd.s32 @!p0 $0xFFFFF000;
	s14 =	simm.s32 @!p0 $0x80  }
0xa1: {  	[spmem:s3] =	stream.indirect.scatter.add.bf16 @!p0 [tilespmem:s16], [sflag:$0x8], $0x20, s10, s14, $0xb8;
	[tilespmem:$0x15000] =	vst v63  }
0xa2: {  	s16 =	sld [smem:$0x7FC];
	_ =	sdelay $0x2  }
0xa3: {  	p6 =	seq.s32 s16, $0x1;
	s16 =	sld [smem:$0x7FD]  }
0xa4: {  	s12 =	sadd.s32 $0x1, s12;
	s15 =	simm.s32 @!p4 $0x7  }
0xa5: {  	s14 =	simm.s32 @!p0 $0x8;
	p0 =	por !p5, p1;
	p2 =	por !p6, !p1  }
0xa6: {  	s14 =	simm.s32 @p0 $0x8;
	s15 =	simm.s32 @p2 $0x8;
	p0 =	seq.s32 s16, $0x1  }
0xa7: {  	s15 =	simm.s32 @!p0 $0x8;
	p0 =	sne.s32 s12, $0x55  }
.Ltmp4:
0xa8: {  	s14 =	simm.s32 @!p3 $0x8;
	(pc) =	sbr.rel @!p0 .LBB2_16-.Ltmp4, $4  }
0xa9: {  	s14 =	smov.u32 @p1 s15  }
0xaa: {  	_ =	swait.ge [sflag:s14], $0x1000  }
0xab: {  	[sflag:s14] =	ssyncset.done $0x0  }
0xac: {  	s13 =	sadd.s32 $0x80, s13;
	s10 =	sadd.s32 $0x80, s10;
	[sflag:s14] =	ssyncadd.s32 $0xFFFFF000  }
.LBB2_4:
0xad: {  	s14 =	smul.u32 $0xAB, s12;
	_ =	sdelay $0x1  }
0xae: {  	s14 =	sshrl.u32 s14, $0xA  }
0xaf: {  	s14 =	sand.u32 $0x3F, s14  }
0xb0: {  	s15 =	smul.u32 $0x6, s14  }
0xb1: {  	s14 =	sadd.s32 $0xFFFFFFFB, s12  }
0xb2: {  	p0 =	sgt.u32 s14, $0x4A;
	s15 =	ssub.s32 s12, s15  }
0xb3: {  	s15 =	sand.u32 @!p0 $0xFF, s15  }
0xb4: {  	p1 =	sne.s32 @!p0 s15, $0x0  }
0xb5: {  	p1 =	por p0, p1  }
.Ltmp5:
0xb6: {  	_ = 	snop;
	(pc) =	sbr.rel @!p1 .LBB2_5-.Ltmp5, $1  }
0xb7: {  	_ =	sdelay $0x3  }
0xb8: {  	p1 =	sne.s32 @!p0 s15, $0x1  }
0xb9: {  	p1 =	por p0, p1  }
.Ltmp6:
0xba: {  	_ = 	snop;
	(pc) =	sbr.rel @p1 .LBB2_8-.Ltmp6, $1  }
0xbb: {  	_ =	sdelay $0x3  }
.Ltmp7:
0xbc: {  	(pc) =	sbr.rel .LBB2_15-.Ltmp7, $2  }
0xbd: {  	_ =	sdelay $0x2  }
0xbe: {  	[tilespmem:s28], [sflag:$0x2] =	stream.indirect.gather [hbm4b:s1+s25], $0x20, s13, s25, $0xb8;
	[tilespmem:$0x15000] =	vst v63  }
.LBB2_8:
0xbf: {  	p1 =	sne.s32 @!p0 s15, $0x2  }
0xc0: {  	p1 =	por p0, p1  }
.Ltmp8:
0xc1: {  	_ = 	snop;
	(pc) =	sbr.rel @p1 .LBB2_10-.Ltmp8, $1  }
0xc2: {  	_ =	sdelay $0x3  }
.Ltmp9:
0xc3: {  	(pc) =	sbr.rel .LBB2_15-.Ltmp9, $2  }
0xc4: {  	_ =	sdelay $0x2  }
0xc5: {  	[tilespmem:s30], [sflag:$0x3] =	stream.indirect.gather [hbm4b:s1+s25], $0x20, s13, s25, $0xb8;
	[tilespmem:$0x15000] =	vst v63  }
.LBB2_10:
0xc6: {  	p1 =	sne.s32 @!p0 s15, $0x3  }
0xc7: {  	p1 =	por p0, p1  }
.Ltmp10:
0xc8: {  	_ = 	snop;
	(pc) =	sbr.rel @p1 .LBB2_12-.Ltmp10, $1  }
0xc9: {  	_ =	sdelay $0x3  }
.Ltmp11:
0xca: {  	(pc) =	sbr.rel .LBB2_15-.Ltmp11, $2  }
0xcb: {  	_ =	sdelay $0x2  }
0xcc: {  	[tilespmem:s0], [sflag:$0x4] =	stream.indirect.gather [hbm4b:s1+s25], $0x20, s13, s25, $0xb8;
	[tilespmem:$0x15000] =	vst v63  }
.LBB2_12:
0xcd: {  	p1 =	sne.s32 @!p0 s15, $0x4  }
0xce: {  	p1 =	por p0, p1  }
.Ltmp12:
0xcf: {  	_ = 	snop;
	(pc) =	sbr.rel @p1 .LBB2_14-.Ltmp12, $1  }
0xd0: {  	_ =	sdelay $0x3  }
.Ltmp13:
0xd1: {  	(pc) =	sbr.rel .LBB2_15-.Ltmp13, $2  }
0xd2: {  	_ =	sdelay $0x2  }
0xd3: {  	[tilespmem:s7], [sflag:$0x5] =	stream.indirect.gather [hbm4b:s1+s25], $0x20, s13, s25, $0xb8;
	[tilespmem:$0x15000] =	vst v63  }
.LBB2_14:
.Ltmp14:
0xd4: {  	(pc) =	sbr.rel .LBB2_15-.Ltmp14, $4  }
0xd5: {  	p1 =	sne.s32 @!p0 s15, $0x5  }
0xd6: {  	p0 =	por p1, p0  }
0xd7: {  	s15 =	simm.s32 @!p0 $0x80;
	s16 =	simm.s32 @!p0 $0xA000  }
0xd8: {  	[tilespmem:s16], [sflag:$0x6] =	stream.indirect.gather @!p0 [hbm4b:s1+s15], $0x20, s13, s15, $0xb8;
	[tilespmem:$0x15000] =	vst v63  }
.LBB2_16:
0xd9: {  	[tilespmem:s5], [sflag:$0x7] =	stream.linear.gather [hbm4b:s18+s5], $0x2800, $0x38;
	[tilespmem:$0x15000] =	vst v63  }
0xda: {  	_ =	swait.ge [sflag:s24], $0x2800  }
0xdb: {  	[sflag:s24] =	ssyncset.done $0x0  }
0xdc: {  	s10 =	simm.s32 $0x2800;
	[sflag:s24] =	ssyncadd.s32 $0xFFFFD800  }
0xdd: {  	[tilespmem:s10], [sflag:$0x7] =	stream.linear.gather [hbm4b:s19+s5], $0x2800, $0x38;
	[tilespmem:$0x15000] =	vst v63  }
0xde: {  	_ =	swait.ge [sflag:s24], $0x2800  }
0xdf: {  	[sflag:s24] =	ssyncset.done $0x0  }
0xe0: {  	[sflag:s24] =	ssyncadd.s32 $0xFFFFD800  }
0xe1: {  	[tilespmem:s26], [sflag:$0x1] =	stream.indirect.gather [hbm4b:s1+s25], $0x20, s5, s25, $0xb8;
	[tilespmem:$0x15000] =	vst v63  }
0xe2: {  	_ = 	snop  }
0xe3: {  	[tilespmem:s28], [sflag:$0x2] =	stream.indirect.gather [hbm4b:s1+s25], $0x20, s25, s25, $0xb8;
	[tilespmem:$0x15000] =	vst v63  }
0xe4: {  	_ = 	snop  }
0xe5: {  	[tilespmem:s30], [sflag:$0x3] =	stream.indirect.gather [hbm4b:s1+s25], $0x20, s29, s25, $0xb8;
	[tilespmem:$0x15000] =	vst v63  }
.Ltmp15:
0xe6: {  	_ = 	snop;
	(pc) =	sbr.rel .LBB2_17-.Ltmp15, $4  }
0xe7: {  	_ = 	snop  }
0xe8: {  	[tilespmem:s0], [sflag:$0x4] =	stream.indirect.gather [hbm4b:s1+s25], $0x20, s31, s25, $0xb8;
	[tilespmem:$0x15000] =	vst v63  }
0xe9: {  	s12 =	simm.s32 $0x5;
	s13 =	simm.s32 $0x280  }
0xea: {  	[tilespmem:s7], [sflag:$0x5] =	stream.indirect.gather [hbm4b:s1+s25], $0x20, s2, s25, $0xb8;
	[tilespmem:$0x15000] =	vst v63  }
.LBB2_18:
0xeb: {  	[tilespmem:s26], [sflag:$0x1] =	stream.indirect.gather [hbm4b:s1+s25], $0x20, s13, s25, $0xb8;
	[tilespmem:$0x15000] =	vst v63  }
.LBB2_28:
0xec: {  	s15 =	smul.u32 $0xAB, s14;
	_ =	sdelay $0x1  }
0xed: {  	s15 =	sshrl.u32 s15, $0xA  }
0xee: {  	s15 =	sand.u32 $0x3F, s15  }
0xef: {  	s15 =	smul.u32 $0x6, s15;
	_ =	sdelay $0x1  }
0xf0: {  	s15 =	ssub.s32 s14, s15  }
0xf1: {  	s14 =	sand.u32 $0xFF, s15  }
0xf2: {  	p1 =	sgt.s32 s14, $0x2  }
0xf3: {  	p3 =	seq.s32 @p1 s14, $0x3  }
0xf4: {  	p0 =	por !p3, !p1  }
0xf5: {  	s15 =	simm.s32 @!p0 $0x0  }
0xf6: {  	s15 =	simm.s32 @p0 $0x1  }
0xf7: {  	[smem:$0x7FB] =	sst s15;
	s15 =	simm.s32 @!p0 $0x4  }
0xf8: {  	_ =	swait.ge @!p0 [sflag:s15], $0x1000  }
0xf9: {  	p2 =	por p3, !p1;
	s16 =	simm.s32 @!p0 $0x8000;
	[sflag:s15] =	ssyncset.done @!p0 $0x0  }
0xfa: {  	p4 =	seq.s32 @!p2 s14, $0x4;
	[sflag:s15] =	ssyncadd.s32 @!p0 $0xFFFFF000;
	s15 =	simm.s32 @!p0 $0x80  }
0xfb: {  	[spmem:s4] =	stream.indirect.scatter.add.bf16 @!p0 [tilespmem:s16], [sflag:$0x8], $0x20, s10, s15, $0xb8;
	[tilespmem:$0x15000] =	vst v63  }
0xfc: {  	p0 =	por @p1 !p4, p3  }
0xfd: {  	s15 =	simm.s32 @!p0 $0x0  }
0xfe: {  	p5 =	por p0, !p1;
	s15 =	simm.s32 @p0 $0x1  }
0xff: {  	[smem:$0x7FA] =	sst s15;
	s15 =	simm.s32 @!p5 $0x5  }
0x100: {  	p3 =	por @p1 p4, p3;
	_ =	swait.ge @!p5 [sflag:s15], $0x1000  }
0x101: {  	p4 =	por p3, !p1;
	[sflag:s15] =	ssyncset.done @!p5 $0x0  }
0x102: {  	s16 =	simm.s32 @!p5 $0x9000;
	[sflag:s15] =	ssyncadd.s32 @!p5 $0xFFFFF000;
	s15 =	simm.s32 @!p5 $0x80  }
0x103: {  	[spmem:s3] =	stream.indirect.scatter.add.bf16 @!p5 [tilespmem:s16], [sflag:$0x8], $0x20, s10, s15, $0xb8;
	[tilespmem:$0x15000] =	vst v63  }
0x104: {  	s15 =	simm.s32 @!p4 $0x6  }
0x105: {  	p6 =	seq.s32 @!p1 s14, $0x0;
	_ =	swait.ge @!p4 [sflag:s15], $0x1000  }
0x106: {  	p3 =	por !p6, p1;
	s16 =	simm.s32 @!p4 $0xA000;
	[sflag:s15] =	ssyncset.done @!p4 $0x0  }
0x107: {  	p5 =	por p6, p1;
	[sflag:s15] =	ssyncadd.s32 @!p4 $0xFFFFF000;
	s15 =	simm.s32 @!p4 $0x80  }
0x108: {  	[spmem:s4] =	stream.indirect.scatter.add.bf16 @!p4 [tilespmem:s16], [sflag:$0x7], $0x20, s10, s15, $0xb8;
	[tilespmem:$0x15000] =	vst v63  }
0x109: {  	p2 =	seq.s32 @!p5 s14, $0x1;
	s15 =	simm.s32 @!p3 $0x1  }
0x10a: {  	p5 =	por @!p1 !p2, p6;
	_ =	swait.ge @!p3 [sflag:s15], $0x1000  }
0x10b: {  	p0 =	por p5, p1;
	s16 =	simm.s32 @!p3 $0x5000;
	[sflag:s15] =	ssyncset.done @!p3 $0x0  }
0x10c: {  	s14 =	simm.s32 @!p0 $0x2;
	[sflag:s15] =	ssyncadd.s32 @!p3 $0xFFFFF000;
	s15 =	simm.s32 @!p3 $0x80  }
0x10d: {  	[spmem:s3] =	stream.indirect.scatter.add.bf16 @!p3 [tilespmem:s16], [sflag:$0x8], $0x20, s10, s15, $0xb8;
	[tilespmem:$0x15000] =	vst v63  }
0x10e: {  	_ =	swait.ge @!p0 [sflag:s14], $0x1000  }
0x10f: {  	[sflag:s14] =	ssyncset.done @!p0 $0x0  }
0x110: {  	s15 =	simm.s32 @!p0 $0x6000;
	[sflag:s14] =	ssyncadd.s32 @!p0 $0xFFFFF000;
	s14 =	simm.s32 @!p0 $0x80  }
0x111: {  	[spmem:s4] =	stream.indirect.scatter.add.bf16 @!p0 [tilespmem:s15], [sflag:$0x8], $0x20, s10, s14, $0xb8;
	[tilespmem:$0x15000] =	vst v63  }
0x112: {  	p0 =	por @!p1 p2, p6  }
0x113: {  	p0 =	por p0, p1  }
0x114: {  	s14 =	simm.s32 @!p0 $0x3  }
0x115: {  	_ =	swait.ge @!p0 [sflag:s14], $0x1000  }
0x116: {  	[sflag:s14] =	ssyncset.done @!p0 $0x0  }
0x117: {  	s16 =	simm.s32 @!p0 $0x7000;
	[sflag:s14] =	ssyncadd.s32 @!p0 $0xFFFFF000;
	s14 =	simm.s32 @!p0 $0x80  }
0x118: {  	[spmem:s3] =	stream.indirect.scatter.add.bf16 @!p0 [tilespmem:s16], [sflag:$0x8], $0x20, s10, s14, $0xb8;
	[tilespmem:$0x15000] =	vst v63  }
0x119: {  	s16 =	sld [smem:$0x7FA];
	_ =	sdelay $0x2  }
0x11a: {  	p6 =	seq.s32 s16, $0x1;
	s16 =	sld [smem:$0x7FB]  }
0x11b: {  	s12 =	sadd.s32 $0x1, s12;
	s15 =	simm.s32 @!p4 $0x7  }
0x11c: {  	s14 =	simm.s32 @!p0 $0x8;
	p0 =	por !p5, p1;
	p2 =	por !p6, !p1  }
0x11d: {  	s14 =	simm.s32 @p0 $0x8;
	s15 =	simm.s32 @p2 $0x8;
	p0 =	seq.s32 s16, $0x1  }
0x11e: {  	s15 =	simm.s32 @!p0 $0x8;
	p0 =	sne.s32 s12, $0x55  }
.Ltmp16:
0x11f: {  	s14 =	simm.s32 @!p3 $0x8;
	(pc) =	sbr.rel @!p0 .LBB2_29-.Ltmp16, $4  }
0x120: {  	s14 =	smov.u32 @p1 s15  }
0x121: {  	_ =	swait.ge [sflag:s14], $0x1000  }
0x122: {  	[sflag:s14] =	ssyncset.done $0x0  }
0x123: {  	s13 =	sadd.s32 $0x80, s13;
	s10 =	sadd.s32 $0x80, s10;
	[sflag:s14] =	ssyncadd.s32 $0xFFFFF000  }
.LBB2_17:
0x124: {  	s14 =	smul.u32 $0xAB, s12;
	_ =	sdelay $0x1  }
0x125: {  	s14 =	sshrl.u32 s14, $0xA  }
0x126: {  	s14 =	sand.u32 $0x3F, s14  }
0x127: {  	s15 =	smul.u32 $0x6, s14  }
0x128: {  	s14 =	sadd.s32 $0xFFFFFFFB, s12  }
0x129: {  	p0 =	sgt.u32 s14, $0x4A;
	s15 =	ssub.s32 s12, s15  }
0x12a: {  	s15 =	sand.u32 @!p0 $0xFF, s15  }
0x12b: {  	p1 =	sne.s32 @!p0 s15, $0x0  }
0x12c: {  	p1 =	por p0, p1  }
.Ltmp17:
0x12d: {  	_ = 	snop;
	(pc) =	sbr.rel @!p1 .LBB2_18-.Ltmp17, $1  }
0x12e: {  	_ =	sdelay $0x3  }
0x12f: {  	p1 =	sne.s32 @!p0 s15, $0x1  }
0x130: {  	p1 =	por p0, p1  }
.Ltmp18:
0x131: {  	_ = 	snop;
	(pc) =	sbr.rel @p1 .LBB2_21-.Ltmp18, $1  }
0x132: {  	_ =	sdelay $0x3  }
.Ltmp19:
0x133: {  	(pc) =	sbr.rel .LBB2_28-.Ltmp19, $2  }
0x134: {  	_ =	sdelay $0x2  }
0x135: {  	[tilespmem:s28], [sflag:$0x2] =	stream.indirect.gather [hbm4b:s1+s25], $0x20, s13, s25, $0xb8;
	[tilespmem:$0x15000] =	vst v63  }
.LBB2_21:
0x136: {  	p1 =	sne.s32 @!p0 s15, $0x2  }
0x137: {  	p1 =	por p0, p1  }
.Ltmp20:
0x138: {  	_ = 	snop;
	(pc) =	sbr.rel @p1 .LBB2_23-.Ltmp20, $1  }
0x139: {  	_ =	sdelay $0x3  }
.Ltmp21:
0x13a: {  	(pc) =	sbr.rel .LBB2_28-.Ltmp21, $2  }
0x13b: {  	_ =	sdelay $0x2  }
0x13c: {  	[tilespmem:s30], [sflag:$0x3] =	stream.indirect.gather [hbm4b:s1+s25], $0x20, s13, s25, $0xb8;
	[tilespmem:$0x15000] =	vst v63  }
.LBB2_23:
0x13d: {  	p1 =	sne.s32 @!p0 s15, $0x3  }
0x13e: {  	p1 =	por p0, p1  }
.Ltmp22:
0x13f: {  	_ = 	snop;
	(pc) =	sbr.rel @p1 .LBB2_25-.Ltmp22, $1  }
0x140: {  	_ =	sdelay $0x3  }
.Ltmp23:
0x141: {  	(pc) =	sbr.rel .LBB2_28-.Ltmp23, $2  }
0x142: {  	_ =	sdelay $0x2  }
0x143: {  	[tilespmem:s0], [sflag:$0x4] =	stream.indirect.gather [hbm4b:s1+s25], $0x20, s13, s25, $0xb8;
	[tilespmem:$0x15000] =	vst v63  }
.LBB2_25:
0x144: {  	p1 =	sne.s32 @!p0 s15, $0x4  }
0x145: {  	p1 =	por p0, p1  }
.Ltmp24:
0x146: {  	_ = 	snop;
	(pc) =	sbr.rel @p1 .LBB2_27-.Ltmp24, $1  }
0x147: {  	_ =	sdelay $0x3  }
.Ltmp25:
0x148: {  	(pc) =	sbr.rel .LBB2_28-.Ltmp25, $2  }
0x149: {  	_ =	sdelay $0x2  }
0x14a: {  	[tilespmem:s7], [sflag:$0x5] =	stream.indirect.gather [hbm4b:s1+s25], $0x20, s13, s25, $0xb8;
	[tilespmem:$0x15000] =	vst v63  }
.LBB2_27:
.Ltmp26:
0x14b: {  	(pc) =	sbr.rel .LBB2_28-.Ltmp26, $4  }
0x14c: {  	p1 =	sne.s32 @!p0 s15, $0x5  }
0x14d: {  	p0 =	por p1, p0  }
0x14e: {  	s15 =	simm.s32 @!p0 $0x80;
	s16 =	simm.s32 @!p0 $0xA000  }
0x14f: {  	[tilespmem:s16], [sflag:$0x6] =	stream.indirect.gather @!p0 [hbm4b:s1+s15], $0x20, s13, s15, $0xb8;
	[tilespmem:$0x15000] =	vst v63  }
.LBB2_30:
0x150: {  	_ =	sfence.sel $0x180000  }
0x151: {  	[bflag:$0x0] =	sbarrier.arrive $0xFFFF  }
0x152: {  	_ =	strace $0x9000004D  }
0x153: {  	s0 =	stileid.u32;
	[bflag:$0x2] =	sbarrier.arrive $0xFFFF  }
0x154: {  	p0 =	sne.s32 s0, $0x0;
	s0 =	rddreg [dreg:$0x4]  }
0x155: {  	s0 =	sadd.s32 @!p0 $0x100000, s0  }
0x156: {  	[sflag:s0] =	ssyncadd.tile.s32 @!p0 $0x1;
	_ =	shalt  }
.Lfunc_end2:
_tile_overlayer_lowered:
.L_overlay_start_2:
0x157: {  	(tag) =	ssettag $0x2  }
0x158: {  	s0 =	rddreg [dreg:$0x0];
	s2 =	stileid.u32  }
0x159: {  	s1 =	rddreg [dreg:$0x1];
	p0 =	sne.s32 s2, $0x0  }
0x15a: {  	s3 =	rddreg [dreg:$0x2];
	[bflag:$0x3] =	sbarrier.arrive $0xFFFF;
	s2 =	simm.s32 @!p0 $0x1C07  }
0x15b: {  	[timem:s3], [sflag:s2] =	dma.local @!p0 [hbm:s0], s1  }
0x15c: {  	s0 =	simm.s32 @!p0 $0x7  }
0x15d: {  	_ =	swait.ge @!p0 [sflag:s0], s1  }
0x15e: {  	s1 =	ssub.s32 @!p0 $0x0, s1;
	[sflag:s0] =	ssyncset.done @!p0 $0x0  }
0x15f: {  	[sflag:s0] =	ssyncadd.s32 @!p0 s1  }
0x160: {  	[bflag:$0x3] =	sbarrier.arrive $0xFFFF  }
0x161: {  	_ =	shalt  }

// kernel: _run.8.cloned.1.call-start
scs
__scs_entry_jumppad:
0x0: {  	(pc) =	sbr.rel $0x88, $3  }
0x1: {  	(tag) =	ssettag $0x0;
	lr =	simm.s32 $0x1  }
0x2: {  	[smem:$0x3F9B] =	sst lr;
	_ =	strace $0xD0000000  }
0x3: {  	_ = 	snop  }
0x4: {  	_ = 	snop  }
0x5: {  	_ = 	snop  }
0x6: {  	_ = 	snop  }
0x7: {  	_ = 	snop  }
__scs_overlays_trampoline_lowered:
0x8: {  	[smem:$0x3FAA] =	sst s0  }
0x9: {  	[smem:$0x3FAB] =	sst s1  }
0xa: {  	[smem:$0x3FAC] =	sst s2  }
0xb: {  	[smem:$0x3FAD] =	sst s3  }
0xc: {  	[smem:$0x3FAE] =	sst s4  }
0xd: {  	[smem:$0x3FAF] =	sst s5  }
0xe: {  	[smem:$0x3FB0] =	sst s6  }
0xf: {  	[smem:$0x3FB1] =	sst s7  }
0x10: {  	[smem:$0x3FB2] =	sst s8  }
0x11: {  	[smem:$0x3FB3] =	sst s9;
	s0 =	simm.s32 @!p0 $0x0  }
0x12: {  	s1 =	sld [smem:$0x3F99];
	s0 =	simm.s32 @p0 $0x1  }
0x13: {  	[smem:$0x3FB4] =	sst s0;
	s0 =	simm.s32 @!p1 $0x0  }
0x14: {  	s2 =	sld [smem:$0x3F98];
	s0 =	simm.s32 @p1 $0x1  }
0x15: {  	[smem:$0x3FB5] =	sst s0;
	s0 =	simm.s32 @!p2 $0x0  }
0x16: {  	s3 =	sld [smem:$0x3FDB];
	s0 =	simm.s32 @p2 $0x1  }
0x17: {  	s4 =	simm.s32 $0x1BF5;
	[smem:$0x3FB7] =	sst s0  }
0x18: {  	s0 =	sld [smem:$0x3F9A];
	_ =	swait.ge [sflag:s4], $0x0  }
0x19: {  	s7 =	sld [smem:$0x3F9B]  }
0x1a: {  	s8 =	sadd.s32 $0xFFFFE003, lr  }
0x1b: {  	s9 =	sadd.s32 $0xFFFFFEF7, lr;
	s5 =	simm.s32 $0xFFFFFFFF;
	p2 =	slt.u32 s8, $0xFFFFF086  }
0x1c: {  	p1 =	slt.u32 s9, $0xF7A;
	s5 =	simm.s32 @!p2 $0x0  }
0x1d: {  	s5 =	simm.s32 @p1 $0x1;
	p0 =	seq.s32 s7, s2  }
0x1e: {  	s7 =	smul.u32 @!p0 $0xF7A, s2;
	p2 =	seq.s32 @!p0 s5, $0x0  }
0x1f: {  	s9 =	smul.u32 $0xF7A, s1;
	s8 =	simm.s32 @!p0 $0x1BF5;
	p2 =	por !p2, p0  }
0x20: {  	[sflag:s8] =	ssyncset.s32 @!p0 $0xFFFFF086;
	s6 =	sadd.s32 @!p0 s3, s7;
	s7 =	simm.s32 @!p0 $0x108  }
0x21: {  	s3 =	sadd.s32 s3, s9;
	s6 =	sadd.s32 @!p0 $0x88, s6;
	s7 =	simm.s32 @p2 $0x1082  }
0x22: {  	[simem:s7], [sflag:s8] =	dma.local @!p0 [hbm:s6], $0xF7A  }
0x23: {  	s9 =	sor.u32 $0xD0000000, s2;
	s6 =	simm.s32 $0x108;
	_ =	swait.ge @!p0 [sflag:s8], $0x0  }
0x24: {  	s3 =	sadd.s32 $0x88, s3;
	s6 =	simm.s32 @!p1 $0x1082;
	[sflag:s4] =	ssyncset.s32 $0xFFFFF086  }
0x25: {  	[simem:s6], [sflag:s4] =	dma.local [hbm:s3], $0xF7A  }
0x26: {  	[smem:$0x3F9B] =	sst s1;
	(tag) =	ssettag s2;
	_ =	strace s9  }
0x27: {  	s1 =	sld [smem:$0x3FAB]  }
0x28: {  	s2 =	sld [smem:$0x3FAC]  }
0x29: {  	s4 =	sld [smem:$0x3FAE]  }
0x2a: {  	p0 =	seq.s32 s5, $0x0;
	s5 =	sld [smem:$0x3FAF]  }
0x2b: {  	s6 =	sld [smem:$0x3FB0]  }
0x2c: {  	s7 =	sld [smem:$0x3FB1]  }
0x2d: {  	s3 =	simm.s32 $0x108;
	s8 =	sld [smem:$0x3FB2]  }
0x2e: {  	s3 =	simm.s32 @!p0 $0x1082;
	s9 =	sld [smem:$0x3FB3]  }
0x2f: {  	lr =	sadd.s32 s0, s3;
	s0 =	sld [smem:$0x3FAA]  }
0x30: {  	s3 =	sld [smem:$0x3FAD]  }
0x31: {  	[smem:$0x3FB6] =	sst s10  }
0x32: {  	s10 =	sld [smem:$0x3FB4];
	_ =	sdelay $0x3  }
0x33: {  	p0 =	seq.s32 s10, $0x1;
	s10 =	sld [smem:$0x3FB6];
	_ =	sdelay $0x3  }
0x34: {  	[smem:$0x3FB6] =	sst s10  }
0x35: {  	s10 =	sld [smem:$0x3FB5];
	_ =	sdelay $0x3  }
0x36: {  	p1 =	seq.s32 s10, $0x1;
	s10 =	sld [smem:$0x3FB6];
	_ =	sdelay $0x3  }
0x37: {  	[smem:$0x3FB6] =	sst s10  }
0x38: {  	s10 =	sld [smem:$0x3FB7]  }
0x39: {  	_ = 	snop;
	(pc) =	sbr.ind lr, $3  }
0x3a: {  	_ = 	snop  }
0x3b: {  	_ = 	snop  }
0x3c: {  	p2 =	seq.s32 s10, $0x1;
	s10 =	sld [smem:$0x3FB6]  }
0x3d: {  	_ =	shalt  }
0x3e: {  	_ =	shalt  }
0x3f: {  	_ =	shalt  }
0x40: {  	_ =	shalt  }
0x41: {  	_ =	shalt  }
0x42: {  	_ =	shalt  }
0x43: {  	_ =	shalt  }
0x44: {  	_ =	shalt  }
0x45: {  	_ =	shalt  }
0x46: {  	_ =	shalt  }
0x47: {  	_ =	shalt  }
0x48: {  	_ =	shalt  }
0x49: {  	_ =	shalt  }
0x4a: {  	_ =	shalt  }
0x4b: {  	_ =	shalt  }
0x4c: {  	_ =	shalt  }
0x4d: {  	_ =	shalt  }
0x4e: {  	_ =	shalt  }
0x4f: {  	_ =	shalt  }
0x50: {  	_ =	shalt  }
0x51: {  	_ =	shalt  }
0x52: {  	_ =	shalt  }
0x53: {  	_ =	shalt  }
0x54: {  	_ =	shalt  }
0x55: {  	_ =	shalt  }
0x56: {  	_ =	shalt  }
0x57: {  	_ =	shalt  }
0x58: {  	_ =	shalt  }
0x59: {  	_ =	shalt  }
0x5a: {  	_ =	shalt  }
0x5b: {  	_ =	shalt  }
0x5c: {  	_ =	shalt  }
0x5d: {  	_ =	shalt  }
0x5e: {  	_ =	shalt  }
0x5f: {  	_ =	shalt  }
0x60: {  	_ =	shalt  }
0x61: {  	_ =	shalt  }
0x62: {  	_ =	shalt  }
0x63: {  	_ =	shalt  }
0x64: {  	_ =	shalt  }
0x65: {  	_ =	shalt  }
0x66: {  	_ =	shalt  }
0x67: {  	_ =	shalt  }
0x68: {  	_ =	shalt  }
0x69: {  	_ =	shalt  }
0x6a: {  	_ =	shalt  }
0x6b: {  	_ =	shalt  }
0x6c: {  	_ =	shalt  }
0x6d: {  	_ =	shalt  }
0x6e: {  	_ =	shalt  }
0x6f: {  	_ =	shalt  }
0x70: {  	_ =	shalt  }
0x71: {  	_ =	shalt  }
0x72: {  	_ =	shalt  }
0x73: {  	_ =	shalt  }
0x74: {  	_ =	shalt  }
0x75: {  	_ =	shalt  }
0x76: {  	_ =	shalt  }
0x77: {  	_ =	shalt  }
0x78: {  	_ =	shalt  }
0x79: {  	_ =	shalt  }
0x7a: {  	_ =	shalt  }
0x7b: {  	_ =	shalt  }
0x7c: {  	_ =	shalt  }
0x7d: {  	_ =	shalt  }
0x7e: {  	_ =	shalt  }
0x7f: {  	_ =	shalt  }
0x80: {  	_ =	shalt  }
0x81: {  	_ =	shalt  }
0x82: {  	_ =	shalt  }
0x83: {  	_ =	shalt  }
0x84: {  	_ =	shalt  }
0x85: {  	_ =	shalt  }
0x86: {  	_ =	shalt  }
0x87: {  	_ =	shalt  }
.Lfunc_end0:
.L_simem_size_0:
called_computation_lowered:
.L_overlay_start_0:
0x88: {  	s2 =	sld [smem:$0x3FD9]  }
0x89: {  	s3 =	sld [smem:$0x3FFE];
	_ =	sdelay $0x1  }
0x8a: {  	s1 =	srdreg.scid  }
0x8b: {  	s0 =	sand.u32 $0x1, s1  }
0x8c: {  	s17 =	sshll.u32 s0, $0xA;
	s2 =	sadd.s32 s3, s2  }
0x8d: {  	s2 =	sadd.s32 s2, s17  }
0x8e: {  	[smem:$0x3FC2] =	sst s2  }
0x8f: {  	_ = 	snop  }
0x90: {  	s2 =	sld [smem:$0x3FD0];
	(tm) =	ssettm $0x1  }
0x91: {  	s18 =	sld [smem:$0x3FFB];
	_ =	sdelay $0x3  }
0x92: {  	_ =	strace s18  }
0x93: {  	s3 =	sld [smem:$0x3FFC];
	_ =	sdelay $0x3  }
0x94: {  	_ =	strace s3  }
0x95: {  	s3 =	sld [smem:$0x3FFD];
	_ =	sdelay $0x3  }
0x96: {  	_ =	strace s3  }
0x97: {  	_ =	strace $0x8FFFFFFF  }
0x98: {  	s19 =	sld [smem:$0x3FDB];
	_ =	sdelay $0x1  }
0x99: {  	s4 =	simm.s32 $_scs_section_size  }
0x9a: {  	s5 =	simm.s32 $_size__tile_overlayer_lowered;
	s6 =	simm.s32 $_tile_overlayer_lowered  }
0x9b: {  	s22 =	simm.s32 $0x1BFF;
	s21 =	sshll.u32 s6, $0x1;
	s3 =	sadd.s32 s4, s19  }
0x9c: {  	s7 =	simm.s32 $0x0;
	s20 =	sshll.u32 s5, $0x1;
	s5 =	sadd.s32 s21, s3  }
0x9d: {  	[timem:s7], [sflag:s22] =	dma.local [hbm:s5], s20  }
0x9e: {  	_ =	swait.ge [sflag:s22], s20  }
0x9f: {  	s4 =	ssub.s32 $0x0, s20;
	[sflag:s22] =	ssyncset.done $0x0  }
0xa0: {  	[sflag:s22] =	ssyncadd.s32 s4;
	_ =	sdelay $0x1  }
0xa1: {  	s23 =	simm.s32 $0x1B8B  }
0xa2: {  	_ =	swait.ge [sflag:s23], $0x1  }
0xa3: {  	[sflag:s23] =	ssyncset.done $0x0  }
0xa4: {  	s25 =	simm.s32 $0x1B8E;
	s24 =	sld [smem:$0x3FFE];
	[sflag:s23] =	ssyncadd.s32 $0xFFFFFFFF  }
0xa5: {  	s26 =	simm.s32 $execute0_lowered;
	[smem:$0x3FD2] =	sst s25  }
0xa6: {  	s5 =	sshll.u32 s26, $0x1;
	_ =	strace $0x80000046;
	[dreg:$0x1] =	wrdreg $0xFFFFFFFF  }
0xa7: {  	s28 =	simm.s32 $_size_execute0_lowered;
	s3 =	sadd.s32 s3, s5;
	[dreg:$0x0] =	wrdreg $0x0  }
0xa8: {  	s5 =	sshll.u32 s28, $0x1;
	[dreg:$0x2] =	wrdreg s3  }
0xa9: {  	[dreg:$0x3] =	wrdreg s5  }
0xaa: {  	[dreg:$0x4] =	wrdreg $0xC0  }
0xab: {  	_ =	task [dreg:s7], $0x5FFFF  }
0xac: {  	[dreg:$0x1] =	wrdreg $0xFFFFFFFF  }
0xad: {  	[dreg:$0x0] =	wrdreg $0x60  }
0xae: {  	[dreg:$0x2] =	wrdreg s2  }
0xaf: {  	[dreg:$0x3] =	wrdreg s24  }
0xb0: {  	[dreg:$0x4] =	wrdreg $0xF4800  }
0xb1: {  	[dreg:$0x5] =	wrdreg $0x9  }
0xb2: {  	_ =	task.clear_ibuf [dreg:s7], $0x6FFFF;
	_ =	strace $0x90000046  }
0xb3: {  	s29 =	simm.s32 $0x9;
	_ =	strace $0x80000048  }
0xb4: {  	_ =	swait.ge [sflag:s29], $0x1  }
0xb5: {  	[sflag:s29] =	ssyncadd.s32 $0xFFFFFFFF  }
0xb6: {  	_ =	strace $0x90000048  }
0xb7: {  	_ =	sfence  }
0xb8: {  	s30 =	sld [smem:$0x0];
	_ =	sdelay $0x2  }
0xb9: {  	s31 =	sshll.u32 s1, $0xD;
	s1 =	sshrl.u32 s1, $0x2  }
0xba: {  	s3 =	sand.u32 $0x4000, s31;
	s1 =	sadd.s32 s1, s30  }
0xbb: {  	s0 =	sor.u32 s3, s0;
	s1 =	sshll.u32 s1, $0x11  }
0xbc: {  	s0 =	sor.u32 s1, s0  }
0xbd: {  	s0 =	sadd.s32 $0x8F2B, s0  }
0xbe: {  	[sflag:s0] =	ssyncadd.remote.s32 $0x1  }
0xbf: {  	_ =	sfence.sel $0xFFFF  }
0xc0: {  	[dreg:$0x0] =	wrdreg $0xFFFFFFFF;
	(pc) =	sbr.abs _section_cstart, $3  }
0xc1: {  	[dreg:$0x1] =	wrdreg $0xFFFFFFFF  }
0xc2: {  	_ =	task.clear_ibuf [dreg:s7], $0x2FFFF;
	_ =	strace $0x9FFFFFFF  }
0xc3: {  	(tm) =	ssettm $0x7FFFFFFF  }
tec
execute0_lowered:
.L_overlay_start_1:
0x0: {  	(tag) =	ssettag $0x1  }
0x1: {  	s5 =	rddreg [dreg:$0x0]  }
0x2: {  	s0 =	srdreg.scid;
	s6 =	rddreg [dreg:$0x1]  }
0x3: {  	s2 =	rddreg [dreg:$0x2];
	s3 =	simm.s32 $0x0;
	s11 =	simm.s32 $0x80  }
0x4: {  	s12 =	simm.s32 $0x5000;
	s13 =	simm.s32 $0x5080;
	s4 =	sand.u32 $0x1, s0  }
0x5: {  	s14 =	simm.s32 $0x5200;
	s0 =	stileid.u32;
	s1 =	sshll.u32 s4, $0x4  }
0x6: {  	s15 =	simm.s32 $0x0;
	s9 =	smul.u32 $0xA00, s0;
	s7 =	sor.u32 s0, s1  }
0x7: {  	[smem:$0x7FF] =	sst s3;
	s4 =	ssub.s32 $0x2, s4;
	s8 =	smul.u32 $0x1400, s7  }
0x8: {  	s1 =	rddreg [dreg:$0x3];
	s29 =	sshrl.u32 s4, $0x1;
	s7 =	smul.u32 $0x500, s7  }
0x9: {  	_ =	strace $0x80000047;
	s10 =	ssub.s32 s4, s29;
	s30 =	sshrl.u32 s9, $0x2  }
0xa: {  	s5 =	sadd.s32 s5, s9;
	s9 =	simm.s32 $0xF200;
	s31 =	sshrl.u32 s7, $0x2  }
0xb: {  	s4 =	sadd.s32 s30, s2;
	s8 =	sadd.s32 s8, s6;
	s6 =	sadd.s32 s31, s2  }
0xc: {  	v0 =	vimm.s32 $0x0;
	v1 =	vimm.s32 $0x1;
	s7 =	sadd.s32 $0xC200, s8;
	s8 =	smax.u32 s10, $0x1;
	s10 =	simm.s32 $0x1  }
.LBB2_1:
0xd: {  	[tilespmem:$0xF200] =	vst v0  }
0xe: {  	[tilespmem:$0xF210] =	vst v0  }
0xf: {  	[tilespmem:$0xF220] =	vst v0  }
0x10: {  	[tilespmem:$0xF230] =	vst v0  }
0x11: {  	[tilespmem:$0xF240] =	vst v0  }
0x12: {  	[tilespmem:$0xF250] =	vst v0  }
0x13: {  	[tilespmem:$0xF260] =	vst v0  }
0x14: {  	[tilespmem:$0xF270] =	vst v0  }
0x15: {  	[tilespmem:$0xF280] =	vst v0  }
0x16: {  	[tilespmem:$0xF290] =	vst v0  }
0x17: {  	[tilespmem:$0xF2A0] =	vst v0  }
0x18: {  	[tilespmem:$0xF2B0] =	vst v0  }
0x19: {  	[tilespmem:$0xF2C0] =	vst v0  }
0x1a: {  	[tilespmem:$0xF2D0] =	vst v0  }
0x1b: {  	[tilespmem:$0xF2E0] =	vst v0  }
0x1c: {  	[tilespmem:$0xF2F0] =	vst v0  }
0x1d: {  	[tilespmem:$0xF300] =	vst v0  }
0x1e: {  	[tilespmem:$0xF310] =	vst v0  }
0x1f: {  	[tilespmem:$0xF320] =	vst v0  }
0x20: {  	[tilespmem:$0xF330] =	vst v0  }
0x21: {  	[tilespmem:$0xF340] =	vst v0  }
0x22: {  	[tilespmem:$0xF350] =	vst v0  }
0x23: {  	[tilespmem:$0xF360] =	vst v0  }
0x24: {  	[tilespmem:$0xF370] =	vst v0  }
0x25: {  	[tilespmem:$0xF380] =	vst v0  }
0x26: {  	[tilespmem:$0xF390] =	vst v0  }
0x27: {  	[tilespmem:$0xF3A0] =	vst v0  }
0x28: {  	[tilespmem:$0xF3B0] =	vst v0  }
0x29: {  	[tilespmem:$0xF3C0] =	vst v0  }
0x2a: {  	[tilespmem:$0xF3D0] =	vst v0  }
0x2b: {  	[tilespmem:$0xF3E0] =	vst v0  }
0x2c: {  	[tilespmem:$0xF3F0] =	vst v0  }
0x2d: {  	[tilespmem:$0xF400] =	vst v0  }
0x2e: {  	[tilespmem:$0xF410] =	vst v0  }
0x2f: {  	[tilespmem:$0xF420] =	vst v0  }
0x30: {  	[tilespmem:$0xF430] =	vst v0  }
0x31: {  	[tilespmem:$0xF440] =	vst v0  }
0x32: {  	[tilespmem:$0xF450] =	vst v0  }
0x33: {  	[tilespmem:$0xF460] =	vst v0  }
0x34: {  	[tilespmem:$0xF470] =	vst v0  }
0x35: {  	[spmem:s4] =	stream.linear.scatter [tilespmem:s9], [sflag:$0x1], $0x280, $0x38;
	[tilespmem:$0xF700] =	vst v63  }
0x36: {  	_ =	swait.ge [sflag:s10], $0x280  }
0x37: {  	[sflag:s10] =	ssyncset.done $0x0  }
0x38: {  	[sflag:s10] =	ssyncadd.s32 $0xFFFFFD80  }
0x39: {  	[bflag:$0x0] =	sbarrier.arrive $0xFFFF  }
0x3a: {  	[tilespmem:s3], [sflag:$0x1] =	stream.linear.gather [hbm4b:s5+s3], $0x5000, $0x38;
	[tilespmem:$0xF700] =	vst v63  }
0x3b: {  	_ =	swait.ge [sflag:s10], $0x5000  }
0x3c: {  	[sflag:s10] =	ssyncset.done $0x0  }
0x3d: {  	[sflag:s10] =	ssyncadd.s32 $0xFFFFB000  }
0x3e: {  	[tilespmem:$0x5000] =	vst v1  }
0x3f: {  	[tilespmem:$0x5010] =	vst v1  }
0x40: {  	[tilespmem:$0x5020] =	vst v1  }
0x41: {  	[tilespmem:$0x5030] =	vst v1  }
0x42: {  	[tilespmem:$0x5040] =	vst v1  }
0x43: {  	[tilespmem:$0x5050] =	vst v1  }
0x44: {  	[tilespmem:$0x5060] =	vst v1  }
0x45: {  	s16 =	simm.s32 $0x0;
	[tilespmem:$0x5070] =	vst v1  }
0x46: {  	[spmem:s2] =	stream.indirect.scatter.add.s32 [tilespmem:s12], [sflag:$0x1], $0x1, s16, s11, $0xb8;
	[tilespmem:$0xF700] =	vst v63  }
0x47: {  	_ =	swait.ge [sflag:s10], $0x80  }
0x48: {  	s16 =	simm.s32 $0x200;
	[sflag:s10] =	ssyncset.done $0x0  }
.LBB2_2:
0x49: {  	s17 =	sshra.s32 s16, $0x2;
	[sflag:s10] =	ssyncadd.s32 $0xFFFFFF80;
	p0 =	sne.s32 s16, $0x13E00  }
0x4a: {  	[spmem:s2] =	stream.indirect.scatter.add.s32 [tilespmem:s12], [sflag:$0x1], $0x1, s17, s11, $0xb8;
	[tilespmem:$0xF700] =	vst v63  }
.Ltmp0:
0x4b: {  	_ = 	snop;
	(pc) =	sbr.rel @p0 .LBB2_2-.Ltmp0, $4  }
0x4c: {  	_ = 	snop  }
0x4d: {  	s16 =	sadd.s32 $0x200, s16  }
0x4e: {  	_ =	swait.ge [sflag:s10], $0x80  }
0x4f: {  	[sflag:s10] =	ssyncset.done $0x0  }
0x50: {  	[sflag:s10] =	ssyncadd.s32 $0xFFFFFF80  }
0x51: {  	[bflag:$0x0] =	sbarrier.arrive $0xFFFF  }
0x52: {  	[tilespmem:s13], [sflag:$0x1] =	stream.linear.gather [spmem:s6], $0x140, $0x38;
	[tilespmem:$0xF700] =	vst v63  }
0x53: {  	_ =	swait.ge [sflag:s10], $0x140  }
0x54: {  	[sflag:s10] =	ssyncset.done $0x0  }
0x55: {  	s16 =	simm.s32 $0x0;
	[sflag:s10] =	ssyncadd.s32 $0xFFFFFEC0  }
0x56: {  	v2 =	vld [tilespmem:s16+$0x5080];
	_ =	sdelay $0x4  }
0x57: {  	v2 =	vadd.s32 $0x1, v2  }
0x58: {  	v2 =	vcvt.s32.f32 v2;
	_ =	sdelay $0x1  }
0x59: {  	v3 =	vbroadcast v2, $0x0  }
0x5a: {  	s16 =	simm.s32 $0x5600  }
0x5b: {  	[tilespmem:s16+$0xFFFFFC00] =	vst v3  }
0x5c: {  	[tilespmem:s16+$0xFFFFFC10] =	vst v3  }
0x5d: {  	[tilespmem:s16+$0xFFFFFC20] =	vst v3  }
0x5e: {  	[tilespmem:s16+$0xFFFFFC30] =	vst v3  }
0x5f: {  	[tilespmem:s16+$0xFFFFFC40] =	vst v3  }
0x60: {  	[tilespmem:s16+$0xFFFFFC50] =	vst v3  }
0x61: {  	v4 =	vbroadcast v2, $0x1;
	[tilespmem:s16+$0xFFFFFC60] =	vst v3  }
0x62: {  	[tilespmem:s16+$0xFFFFFC70] =	vst v3  }
0x63: {  	[tilespmem:s16+$0xFFFFFC80] =	vst v4  }
0x64: {  	[tilespmem:s16+$0xFFFFFC90] =	vst v4  }
0x65: {  	[tilespmem:s16+$0xFFFFFCA0] =	vst v4  }
0x66: {  	[tilespmem:s16+$0xFFFFFCB0] =	vst v4  }
0x67: {  	[tilespmem:s16+$0xFFFFFCC0] =	vst v4  }
0x68: {  	[tilespmem:s16+$0xFFFFFCD0] =	vst v4  }
0x69: {  	v58 =	vbroadcast v2, $0x3;
	[tilespmem:s16+$0xFFFFFCE0] =	vst v4  }
0x6a: {  	[tilespmem:s16+$0xFFFFFCF0] =	vst v4  }
0x6b: {  	[tilespmem:s16+$0xFFFFFD80] =	vst v58  }
0x6c: {  	[tilespmem:s16+$0xFFFFFD90] =	vst v58  }
0x6d: {  	[tilespmem:s16+$0xFFFFFDA0] =	vst v58  }
0x6e: {  	[tilespmem:s16+$0xFFFFFDB0] =	vst v58  }
0x6f: {  	[tilespmem:s16+$0xFFFFFDC0] =	vst v58  }
0x70: {  	[tilespmem:s16+$0xFFFFFDD0] =	vst v58  }
0x71: {  	v59 =	vbroadcast v2, $0x5;
	[tilespmem:s16+$0xFFFFFDE0] =	vst v58  }
0x72: {  	[tilespmem:s16+$0xFFFFFDF0] =	vst v58  }
0x73: {  	[tilespmem:s16+$0xFFFFFE80] =	vst v59  }
0x74: {  	[tilespmem:s16+$0xFFFFFE90] =	vst v59  }
0x75: {  	[tilespmem:s16+$0xFFFFFEA0] =	vst v59  }
0x76: {  	[tilespmem:s16+$0xFFFFFEB0] =	vst v59  }
0x77: {  	[tilespmem:s16+$0xFFFFFEC0] =	vst v59  }
0x78: {  	[tilespmem:s16+$0xFFFFFED0] =	vst v59  }
0x79: {  	v60 =	vbroadcast v2, $0x7;
	[tilespmem:s16+$0xFFFFFEE0] =	vst v59  }
0x7a: {  	[tilespmem:s16+$0xFFFFFEF0] =	vst v59  }
0x7b: {  	[tilespmem:s16+$0xFFFFFF80] =	vst v60  }
0x7c: {  	[tilespmem:s16+$0xFFFFFF90] =	vst v60  }
0x7d: {  	[tilespmem:s16+$0xFFFFFFA0] =	vst v60  }
0x7e: {  	[tilespmem:s16+$0xFFFFFFB0] =	vst v60  }
0x7f: {  	[tilespmem:s16+$0xFFFFFFC0] =	vst v60  }
0x80: {  	[tilespmem:s16+$0xFFFFFFD0] =	vst v60  }
0x81: {  	v61 =	vbroadcast v2, $0x9;
	[tilespmem:s16+$0xFFFFFFE0] =	vst v60  }
0x82: {  	[tilespmem:s16+$0xFFFFFFF0] =	vst v60  }
0x83: {  	[tilespmem:s16+$0x80] =	vst v61  }
0x84: {  	[tilespmem:s16+$0x90] =	vst v61  }
0x85: {  	[tilespmem:s16+$0xA0] =	vst v61  }
0x86: {  	[tilespmem:s16+$0xB0] =	vst v61  }
0x87: {  	[tilespmem:s16+$0xC0] =	vst v61  }
0x88: {  	[tilespmem:s16+$0xD0] =	vst v61  }
0x89: {  	v62 =	vbroadcast v2, $0xB;
	[tilespmem:s16+$0xE0] =	vst v61  }
0x8a: {  	[tilespmem:s16+$0xF0] =	vst v61  }
0x8b: {  	[tilespmem:s16+$0x180] =	vst v62  }
0x8c: {  	[tilespmem:s16+$0x190] =	vst v62  }
0x8d: {  	[tilespmem:s16+$0x1A0] =	vst v62  }
0x8e: {  	[tilespmem:s16+$0x1B0] =	vst v62  }
0x8f: {  	[tilespmem:s16+$0x1C0] =	vst v62  }
0x90: {  	[tilespmem:s16+$0x1D0] =	vst v62  }
0x91: {  	v63 =	vbroadcast v2, $0xD;
	[tilespmem:s16+$0x1E0] =	vst v62  }
0x92: {  	[tilespmem:s16+$0x1F0] =	vst v62  }
0x93: {  	v3 =	vbroadcast v2, $0x2;
	[tilespmem:s16+$0x280] =	vst v63  }
0x94: {  	[tilespmem:s16+$0x290] =	vst v63  }
0x95: {  	[tilespmem:s16+$0xFFFFFD00] =	vst v3  }
0x96: {  	[tilespmem:s16+$0xFFFFFD10] =	vst v3  }
0x97: {  	[tilespmem:s16+$0xFFFFFD20] =	vst v3  }
0x98: {  	[tilespmem:s16+$0xFFFFFD30] =	vst v3  }
0x99: {  	[tilespmem:s16+$0xFFFFFD40] =	vst v3  }
0x9a: {  	[tilespmem:s16+$0xFFFFFD50] =	vst v3  }
0x9b: {  	[tilespmem:s16+$0xFFFFFD60] =	vst v3  }
0x9c: {  	[tilespmem:s16+$0xFFFFFD70] =	vst v3;
	v3 =	vbroadcast v2, $0x4  }
0x9d: {  	[tilespmem:s16+$0x2A0] =	vst v63  }
0x9e: {  	[tilespmem:s16+$0xFFFFFE00] =	vst v3  }
0x9f: {  	[tilespmem:s16+$0xFFFFFE10] =	vst v3  }
0xa0: {  	[tilespmem:s16+$0xFFFFFE20] =	vst v3  }
0xa1: {  	[tilespmem:s16+$0xFFFFFE30] =	vst v3  }
0xa2: {  	[tilespmem:s16+$0xFFFFFE40] =	vst v3  }
0xa3: {  	[tilespmem:s16+$0xFFFFFE50] =	vst v3  }
0xa4: {  	[tilespmem:s16+$0xFFFFFE60] =	vst v3  }
0xa5: {  	[tilespmem:s16+$0xFFFFFE70] =	vst v3;
	v3 =	vbroadcast v2, $0x6  }
0xa6: {  	[tilespmem:s16+$0x2B0] =	vst v63  }
0xa7: {  	[tilespmem:s16+$0xFFFFFF00] =	vst v3  }
0xa8: {  	[tilespmem:s16+$0xFFFFFF10] =	vst v3  }
0xa9: {  	[tilespmem:s16+$0xFFFFFF20] =	vst v3  }
0xaa: {  	[tilespmem:s16+$0xFFFFFF30] =	vst v3  }
0xab: {  	[tilespmem:s16+$0xFFFFFF40] =	vst v3  }
0xac: {  	[tilespmem:s16+$0xFFFFFF50] =	vst v3  }
0xad: {  	[tilespmem:s16+$0xFFFFFF60] =	vst v3  }
0xae: {  	[tilespmem:s16+$0xFFFFFF70] =	vst v3;
	v3 =	vbroadcast v2, $0x8  }
0xaf: {  	[tilespmem:s16+$0x2C0] =	vst v63  }
0xb0: {  	[tilespmem:s16+$0x0] =	vst v3  }
0xb1: {  	[tilespmem:s16+$0x10] =	vst v3  }
0xb2: {  	[tilespmem:s16+$0x20] =	vst v3  }
0xb3: {  	[tilespmem:s16+$0x30] =	vst v3  }
0xb4: {  	[tilespmem:s16+$0x40] =	vst v3  }
0xb5: {  	[tilespmem:s16+$0x50] =	vst v3  }
0xb6: {  	[tilespmem:s16+$0x60] =	vst v3  }
0xb7: {  	[tilespmem:s16+$0x70] =	vst v3;
	v3 =	vbroadcast v2, $0xA  }
0xb8: {  	[tilespmem:s16+$0x2D0] =	vst v63  }
0xb9: {  	[tilespmem:s16+$0x100] =	vst v3  }
0xba: {  	[tilespmem:s16+$0x110] =	vst v3  }
0xbb: {  	[tilespmem:s16+$0x120] =	vst v3  }
0xbc: {  	[tilespmem:s16+$0x130] =	vst v3  }
0xbd: {  	[tilespmem:s16+$0x140] =	vst v3  }
0xbe: {  	[tilespmem:s16+$0x150] =	vst v3  }
0xbf: {  	[tilespmem:s16+$0x160] =	vst v3  }
0xc0: {  	[tilespmem:s16+$0x170] =	vst v3;
	v3 =	vbroadcast v2, $0xC  }
0xc1: {  	[tilespmem:s16+$0x2E0] =	vst v63  }
0xc2: {  	[tilespmem:s16+$0x200] =	vst v3  }
0xc3: {  	[tilespmem:s16+$0x210] =	vst v3  }
0xc4: {  	[tilespmem:s16+$0x220] =	vst v3  }
0xc5: {  	[tilespmem:s16+$0x230] =	vst v3  }
0xc6: {  	[tilespmem:s16+$0x240] =	vst v3  }
0xc7: {  	[tilespmem:s16+$0x250] =	vst v3  }
0xc8: {  	[tilespmem:s16+$0x260] =	vst v3  }
0xc9: {  	[tilespmem:s16+$0x270] =	vst v3;
	v3 =	vbroadcast v2, $0xE  }
0xca: {  	[tilespmem:s16+$0x2F0] =	vst v63  }
0xcb: {  	[tilespmem:s16+$0x300] =	vst v3  }
0xcc: {  	[tilespmem:s16+$0x310] =	vst v3  }
0xcd: {  	[tilespmem:s16+$0x320] =	vst v3  }
0xce: {  	[tilespmem:s16+$0x330] =	vst v3  }
0xcf: {  	[tilespmem:s16+$0x340] =	vst v3  }
0xd0: {  	[tilespmem:s16+$0x350] =	vst v3  }
0xd1: {  	v2 =	vbroadcast v2, $0xF;
	[tilespmem:s16+$0x360] =	vst v3  }
0xd2: {  	[tilespmem:s16+$0x370] =	vst v3  }
0xd3: {  	[tilespmem:s16+$0x380] =	vst v2  }
0xd4: {  	[tilespmem:s16+$0x390] =	vst v2  }
0xd5: {  	[tilespmem:s16+$0x3A0] =	vst v2  }
0xd6: {  	[tilespmem:s16+$0x3B0] =	vst v2  }
0xd7: {  	[tilespmem:s16+$0x3C0] =	vst v2  }
0xd8: {  	[tilespmem:s16+$0x3D0] =	vst v2  }
0xd9: {  	[tilespmem:s16+$0x3E0] =	vst v2  }
0xda: {  	s18 =	simm.s32 $0x10;
	s17 =	simm.s32 $0x80;
	[tilespmem:s16+$0x3F0] =	vst v2  }
.LBB2_4:
0xdb: {  	p0 =	sne.s32 s17, $0x4C0;
	v2 =	vld [tilespmem:s18+$0x5080];
	_ =	sdelay $0x4  }
0xdc: {  	v2 =	vadd.s32 $0x1, v2  }
0xdd: {  	v2 =	vcvt.s32.f32 v2;
	_ =	sdelay $0x1  }
0xde: {  	v11 =	vbroadcast v2, $0x0;
	v12 =	vbroadcast v2, $0x1  }
0xdf: {  	s16 =	sadd.s32 $0x800, s16;
	v13 =	vbroadcast v2, $0x2;
	v14 =	vbroadcast v2, $0x3  }
0xe0: {  	v15 =	vbroadcast v2, $0x4;
	v16 =	vbroadcast v2, $0x5;
	[tilespmem:s16+$0xFFFFFC00] =	vst v11  }
0xe1: {  	v17 =	vbroadcast v2, $0x6;
	v10 =	vbroadcast v2, $0x7;
	[tilespmem:s16+$0xFFFFFC10] =	vst v11  }
0xe2: {  	v9 =	vbroadcast v2, $0x8;
	v8 =	vbroadcast v2, $0x9;
	[tilespmem:s16+$0xFFFFFC20] =	vst v11  }
0xe3: {  	v7 =	vbroadcast v2, $0xA;
	v6 =	vbroadcast v2, $0xB;
	[tilespmem:s16+$0xFFFFFC30] =	vst v11  }
0xe4: {  	v5 =	vbroadcast v2, $0xC;
	v4 =	vbroadcast v2, $0xD;
	[tilespmem:s16+$0xFFFFFC40] =	vst v11  }
0xe5: {  	v3 =	vbroadcast v2, $0xE;
	v2 =	vbroadcast v2, $0xF;
	[tilespmem:s16+$0xFFFFFC50] =	vst v11  }
0xe6: {  	[tilespmem:s16+$0xFFFFFC60] =	vst v11  }
0xe7: {  	[tilespmem:s16+$0xFFFFFC70] =	vst v11  }
0xe8: {  	[tilespmem:s16+$0xFFFFFC80] =	vst v12  }
0xe9: {  	[tilespmem:s16+$0xFFFFFC90] =	vst v12  }
0xea: {  	[tilespmem:s16+$0xFFFFFCA0] =	vst v12  }
0xeb: {  	[tilespmem:s16+$0xFFFFFCB0] =	vst v12  }
0xec: {  	[tilespmem:s16+$0xFFFFFCC0] =	vst v12  }
0xed: {  	[tilespmem:s16+$0xFFFFFCD0] =	vst v12  }
0xee: {  	[tilespmem:s16+$0xFFFFFCE0] =	vst v12  }
0xef: {  	[tilespmem:s16+$0xFFFFFCF0] =	vst v12  }
0xf0: {  	[tilespmem:s16+$0xFFFFFD00] =	vst v13  }
0xf1: {  	[tilespmem:s16+$0xFFFFFD10] =	vst v13  }
0xf2: {  	[tilespmem:s16+$0xFFFFFD20] =	vst v13  }
0xf3: {  	[tilespmem:s16+$0xFFFFFD30] =	vst v13  }
0xf4: {  	[tilespmem:s16+$0xFFFFFD40] =	vst v13  }
0xf5: {  	[tilespmem:s16+$0xFFFFFD50] =	vst v13  }
0xf6: {  	[tilespmem:s16+$0xFFFFFD60] =	vst v13  }
0xf7: {  	[tilespmem:s16+$0xFFFFFD70] =	vst v13  }
0xf8: {  	[tilespmem:s16+$0xFFFFFD80] =	vst v14  }
0xf9: {  	[tilespmem:s16+$0xFFFFFD90] =	vst v14  }
0xfa: {  	[tilespmem:s16+$0xFFFFFDA0] =	vst v14  }
0xfb: {  	[tilespmem:s16+$0xFFFFFDB0] =	vst v14  }
0xfc: {  	[tilespmem:s16+$0xFFFFFDC0] =	vst v14  }
0xfd: {  	[tilespmem:s16+$0xFFFFFDD0] =	vst v14  }
0xfe: {  	[tilespmem:s16+$0xFFFFFDE0] =	vst v14  }
0xff: {  	[tilespmem:s16+$0xFFFFFDF0] =	vst v14  }
0x100: {  	[tilespmem:s16+$0xFFFFFE00] =	vst v15  }
0x101: {  	[tilespmem:s16+$0xFFFFFE10] =	vst v15  }
0x102: {  	[tilespmem:s16+$0xFFFFFE20] =	vst v15  }
0x103: {  	[tilespmem:s16+$0xFFFFFE30] =	vst v15  }
0x104: {  	[tilespmem:s16+$0xFFFFFE40] =	vst v15  }
0x105: {  	[tilespmem:s16+$0xFFFFFE50] =	vst v15  }
0x106: {  	[tilespmem:s16+$0xFFFFFE60] =	vst v15  }
0x107: {  	[tilespmem:s16+$0xFFFFFE70] =	vst v15  }
0x108: {  	[tilespmem:s16+$0xFFFFFE80] =	vst v16  }
0x109: {  	[tilespmem:s16+$0xFFFFFE90] =	vst v16  }
0x10a: {  	[tilespmem:s16+$0xFFFFFEA0] =	vst v16  }
0x10b: {  	[tilespmem:s16+$0xFFFFFEB0] =	vst v16  }
0x10c: {  	[tilespmem:s16+$0xFFFFFEC0] =	vst v16  }
0x10d: {  	[tilespmem:s16+$0xFFFFFED0] =	vst v16  }
0x10e: {  	[tilespmem:s16+$0xFFFFFEE0] =	vst v16  }
0x10f: {  	[tilespmem:s16+$0xFFFFFEF0] =	vst v16  }
0x110: {  	[tilespmem:s16+$0xFFFFFF00] =	vst v17  }
0x111: {  	[tilespmem:s16+$0xFFFFFF10] =	vst v17  }
0x112: {  	[tilespmem:s16+$0xFFFFFF20] =	vst v17  }
0x113: {  	[tilespmem:s16+$0xFFFFFF30] =	vst v17  }
0x114: {  	[tilespmem:s16+$0xFFFFFF40] =	vst v17  }
0x115: {  	[tilespmem:s16+$0xFFFFFF50] =	vst v17  }
0x116: {  	[tilespmem:s16+$0xFFFFFF60] =	vst v17  }
0x117: {  	[tilespmem:s16+$0xFFFFFF70] =	vst v17  }
0x118: {  	[tilespmem:s16+$0xFFFFFF80] =	vst v10  }
0x119: {  	[tilespmem:s16+$0xFFFFFF90] =	vst v10  }
0x11a: {  	[tilespmem:s16+$0xFFFFFFA0] =	vst v10  }
0x11b: {  	[tilespmem:s16+$0xFFFFFFB0] =	vst v10  }
0x11c: {  	[tilespmem:s16+$0xFFFFFFC0] =	vst v10  }
0x11d: {  	[tilespmem:s16+$0xFFFFFFD0] =	vst v10  }
0x11e: {  	[tilespmem:s16+$0xFFFFFFE0] =	vst v10  }
0x11f: {  	[tilespmem:s16+$0xFFFFFFF0] =	vst v10  }
0x120: {  	[tilespmem:s16+$0x0] =	vst v9  }
0x121: {  	[tilespmem:s16+$0x10] =	vst v9  }
0x122: {  	[tilespmem:s16+$0x20] =	vst v9  }
0x123: {  	[tilespmem:s16+$0x30] =	vst v9  }
0x124: {  	[tilespmem:s16+$0x40] =	vst v9  }
0x125: {  	[tilespmem:s16+$0x50] =	vst v9  }
0x126: {  	[tilespmem:s16+$0x60] =	vst v9  }
0x127: {  	[tilespmem:s16+$0x70] =	vst v9  }
0x128: {  	[tilespmem:s16+$0x80] =	vst v8  }
0x129: {  	[tilespmem:s16+$0x90] =	vst v8  }
0x12a: {  	[tilespmem:s16+$0xA0] =	vst v8  }
0x12b: {  	[tilespmem:s16+$0xB0] =	vst v8  }
0x12c: {  	[tilespmem:s16+$0xC0] =	vst v8  }
0x12d: {  	[tilespmem:s16+$0xD0] =	vst v8  }
0x12e: {  	[tilespmem:s16+$0xE0] =	vst v8  }
0x12f: {  	[tilespmem:s16+$0xF0] =	vst v8  }
0x130: {  	[tilespmem:s16+$0x100] =	vst v7  }
0x131: {  	[tilespmem:s16+$0x110] =	vst v7  }
0x132: {  	[tilespmem:s16+$0x120] =	vst v7  }
0x133: {  	[tilespmem:s16+$0x130] =	vst v7  }
0x134: {  	[tilespmem:s16+$0x140] =	vst v7  }
0x135: {  	[tilespmem:s16+$0x150] =	vst v7  }
0x136: {  	[tilespmem:s16+$0x160] =	vst v7  }
0x137: {  	[tilespmem:s16+$0x170] =	vst v7  }
0x138: {  	[tilespmem:s16+$0x180] =	vst v6  }
0x139: {  	[tilespmem:s16+$0x190] =	vst v6  }
0x13a: {  	[tilespmem:s16+$0x1A0] =	vst v6  }
0x13b: {  	[tilespmem:s16+$0x1B0] =	vst v6  }
0x13c: {  	[tilespmem:s16+$0x1C0] =	vst v6  }
0x13d: {  	[tilespmem:s16+$0x1D0] =	vst v6  }
0x13e: {  	[tilespmem:s16+$0x1E0] =	vst v6  }
0x13f: {  	[tilespmem:s16+$0x1F0] =	vst v6  }
0x140: {  	[tilespmem:s16+$0x200] =	vst v5  }
0x141: {  	[tilespmem:s16+$0x210] =	vst v5  }
0x142: {  	[tilespmem:s16+$0x220] =	vst v5  }
0x143: {  	[tilespmem:s16+$0x230] =	vst v5  }
0x144: {  	[tilespmem:s16+$0x240] =	vst v5  }
0x145: {  	[tilespmem:s16+$0x250] =	vst v5  }
0x146: {  	[tilespmem:s16+$0x260] =	vst v5  }
0x147: {  	[tilespmem:s16+$0x270] =	vst v5  }
0x148: {  	[tilespmem:s16+$0x280] =	vst v4  }
0x149: {  	[tilespmem:s16+$0x290] =	vst v4  }
0x14a: {  	[tilespmem:s16+$0x2A0] =	vst v4  }
0x14b: {  	[tilespmem:s16+$0x2B0] =	vst v4  }
0x14c: {  	[tilespmem:s16+$0x2C0] =	vst v4  }
0x14d: {  	[tilespmem:s16+$0x2D0] =	vst v4  }
0x14e: {  	[tilespmem:s16+$0x2E0] =	vst v4  }
0x14f: {  	[tilespmem:s16+$0x2F0] =	vst v4  }
0x150: {  	[tilespmem:s16+$0x300] =	vst v3  }
0x151: {  	[tilespmem:s16+$0x310] =	vst v3  }
0x152: {  	[tilespmem:s16+$0x320] =	vst v3  }
0x153: {  	[tilespmem:s16+$0x330] =	vst v3  }
0x154: {  	[tilespmem:s16+$0x340] =	vst v3  }
0x155: {  	[tilespmem:s16+$0x350] =	vst v3  }
0x156: {  	[tilespmem:s16+$0x360] =	vst v3  }
0x157: {  	[tilespmem:s16+$0x370] =	vst v3  }
0x158: {  	[tilespmem:s16+$0x380] =	vst v2  }
0x159: {  	[tilespmem:s16+$0x390] =	vst v2  }
0x15a: {  	[tilespmem:s16+$0x3A0] =	vst v2  }
.Ltmp1:
0x15b: {  	[tilespmem:s16+$0x3B0] =	vst v2;
	(pc) =	sbr.rel @p0 .LBB2_4-.Ltmp1, $4  }
0x15c: {  	[tilespmem:s16+$0x3C0] =	vst v2  }
0x15d: {  	[tilespmem:s16+$0x3D0] =	vst v2  }
0x15e: {  	[tilespmem:s16+$0x3E0] =	vst v2  }
0x15f: {  	s18 =	sshra.s32 s17, $0x2;
	s17 =	sadd.s32 $0x40, s17;
	[tilespmem:s16+$0x3F0] =	vst v2  }
0x160: {  	v2 =	vld [tilespmem:s18+$0x5080];
	_ =	sdelay $0x4  }
0x161: {  	v2 =	vadd.s32 $0x1, v2  }
0x162: {  	v2 =	vcvt.s32.f32 v2;
	_ =	sdelay $0x1  }
0x163: {  	v3 =	vbroadcast v2, $0x0  }
0x164: {  	s16 =	sadd.s32 $0x800, s16  }
0x165: {  	[tilespmem:s16+$0xFFFFFC00] =	vst v3  }
0x166: {  	[tilespmem:s16+$0xFFFFFC10] =	vst v3  }
0x167: {  	[tilespmem:s16+$0xFFFFFC20] =	vst v3  }
0x168: {  	[tilespmem:s16+$0xFFFFFC30] =	vst v3  }
0x169: {  	[tilespmem:s16+$0xFFFFFC40] =	vst v3  }
0x16a: {  	[tilespmem:s16+$0xFFFFFC50] =	vst v3  }
0x16b: {  	v4 =	vbroadcast v2, $0x1;
	[tilespmem:s16+$0xFFFFFC60] =	vst v3  }
0x16c: {  	[tilespmem:s16+$0xFFFFFC70] =	vst v3  }
0x16d: {  	[tilespmem:s16+$0xFFFFFC80] =	vst v4  }
0x16e: {  	[tilespmem:s16+$0xFFFFFC90] =	vst v4  }
0x16f: {  	[tilespmem:s16+$0xFFFFFCA0] =	vst v4  }
0x170: {  	[tilespmem:s16+$0xFFFFFCB0] =	vst v4  }
0x171: {  	[tilespmem:s16+$0xFFFFFCC0] =	vst v4  }
0x172: {  	[tilespmem:s16+$0xFFFFFCD0] =	vst v4  }
0x173: {  	v58 =	vbroadcast v2, $0x3;
	[tilespmem:s16+$0xFFFFFCE0] =	vst v4  }
0x174: {  	[tilespmem:s16+$0xFFFFFCF0] =	vst v4  }
0x175: {  	[tilespmem:s16+$0xFFFFFD80] =	vst v58  }
0x176: {  	[tilespmem:s16+$0xFFFFFD90] =	vst v58  }
0x177: {  	[tilespmem:s16+$0xFFFFFDA0] =	vst v58  }
0x178: {  	[tilespmem:s16+$0xFFFFFDB0] =	vst v58  }
0x179: {  	[tilespmem:s16+$0xFFFFFDC0] =	vst v58  }
0x17a: {  	[tilespmem:s16+$0xFFFFFDD0] =	vst v58  }
0x17b: {  	v59 =	vbroadcast v2, $0x5;
	[tilespmem:s16+$0xFFFFFDE0] =	vst v58  }
0x17c: {  	[tilespmem:s16+$0xFFFFFDF0] =	vst v58  }
0x17d: {  	[tilespmem:s16+$0xFFFFFE80] =	vst v59  }
0x17e: {  	[tilespmem:s16+$0xFFFFFE90] =	vst v59  }
0x17f: {  	[tilespmem:s16+$0xFFFFFEA0] =	vst v59  }
0x180: {  	[tilespmem:s16+$0xFFFFFEB0] =	vst v59  }
0x181: {  	[tilespmem:s16+$0xFFFFFEC0] =	vst v59  }
0x182: {  	[tilespmem:s16+$0xFFFFFED0] =	vst v59  }
0x183: {  	v60 =	vbroadcast v2, $0x7;
	[tilespmem:s16+$0xFFFFFEE0] =	vst v59  }
0x184: {  	[tilespmem:s16+$0xFFFFFEF0] =	vst v59  }
0x185: {  	[tilespmem:s16+$0xFFFFFF80] =	vst v60  }
0x186: {  	[tilespmem:s16+$0xFFFFFF90] =	vst v60  }
0x187: {  	[tilespmem:s16+$0xFFFFFFA0] =	vst v60  }
0x188: {  	[tilespmem:s16+$0xFFFFFFB0] =	vst v60  }
0x189: {  	[tilespmem:s16+$0xFFFFFFC0] =	vst v60  }
0x18a: {  	[tilespmem:s16+$0xFFFFFFD0] =	vst v60  }
0x18b: {  	v61 =	vbroadcast v2, $0x9;
	[tilespmem:s16+$0xFFFFFFE0] =	vst v60  }
0x18c: {  	[tilespmem:s16+$0xFFFFFFF0] =	vst v60  }
0x18d: {  	[tilespmem:s16+$0x80] =	vst v61  }
0x18e: {  	[tilespmem:s16+$0x90] =	vst v61  }
0x18f: {  	[tilespmem:s16+$0xA0] =	vst v61  }
0x190: {  	[tilespmem:s16+$0xB0] =	vst v61  }
0x191: {  	[tilespmem:s16+$0xC0] =	vst v61  }
0x192: {  	[tilespmem:s16+$0xD0] =	vst v61  }
0x193: {  	v62 =	vbroadcast v2, $0xB;
	[tilespmem:s16+$0xE0] =	vst v61  }
0x194: {  	[tilespmem:s16+$0xF0] =	vst v61  }
0x195: {  	[tilespmem:s16+$0x180] =	vst v62  }
0x196: {  	[tilespmem:s16+$0x190] =	vst v62  }
0x197: {  	[tilespmem:s16+$0x1A0] =	vst v62  }
0x198: {  	[tilespmem:s16+$0x1B0] =	vst v62  }
0x199: {  	[tilespmem:s16+$0x1C0] =	vst v62  }
0x19a: {  	[tilespmem:s16+$0x1D0] =	vst v62  }
0x19b: {  	v63 =	vbroadcast v2, $0xD;
	[tilespmem:s16+$0x1E0] =	vst v62  }
0x19c: {  	[tilespmem:s16+$0x1F0] =	vst v62  }
0x19d: {  	v3 =	vbroadcast v2, $0x2;
	[tilespmem:s16+$0x280] =	vst v63  }
0x19e: {  	[tilespmem:s16+$0x290] =	vst v63  }
0x19f: {  	[tilespmem:s16+$0xFFFFFD00] =	vst v3  }
0x1a0: {  	[tilespmem:s16+$0xFFFFFD10] =	vst v3  }
0x1a1: {  	[tilespmem:s16+$0xFFFFFD20] =	vst v3  }
0x1a2: {  	[tilespmem:s16+$0xFFFFFD30] =	vst v3  }
0x1a3: {  	[tilespmem:s16+$0xFFFFFD40] =	vst v3  }
0x1a4: {  	[tilespmem:s16+$0xFFFFFD50] =	vst v3  }
0x1a5: {  	[tilespmem:s16+$0xFFFFFD60] =	vst v3  }
0x1a6: {  	[tilespmem:s16+$0xFFFFFD70] =	vst v3;
	v3 =	vbroadcast v2, $0x4  }
0x1a7: {  	[tilespmem:s16+$0x2A0] =	vst v63  }
0x1a8: {  	[tilespmem:s16+$0xFFFFFE00] =	vst v3  }
0x1a9: {  	[tilespmem:s16+$0xFFFFFE10] =	vst v3  }
0x1aa: {  	[tilespmem:s16+$0xFFFFFE20] =	vst v3  }
0x1ab: {  	[tilespmem:s16+$0xFFFFFE30] =	vst v3  }
0x1ac: {  	[tilespmem:s16+$0xFFFFFE40] =	vst v3  }
0x1ad: {  	[tilespmem:s16+$0xFFFFFE50] =	vst v3  }
0x1ae: {  	[tilespmem:s16+$0xFFFFFE60] =	vst v3  }
0x1af: {  	[tilespmem:s16+$0xFFFFFE70] =	vst v3;
	v3 =	vbroadcast v2, $0x6  }
0x1b0: {  	[tilespmem:s16+$0x2B0] =	vst v63  }
0x1b1: {  	[tilespmem:s16+$0xFFFFFF00] =	vst v3  }
0x1b2: {  	[tilespmem:s16+$0xFFFFFF10] =	vst v3  }
0x1b3: {  	[tilespmem:s16+$0xFFFFFF20] =	vst v3  }
0x1b4: {  	[tilespmem:s16+$0xFFFFFF30] =	vst v3  }
0x1b5: {  	[tilespmem:s16+$0xFFFFFF40] =	vst v3  }
0x1b6: {  	[tilespmem:s16+$0xFFFFFF50] =	vst v3  }
0x1b7: {  	[tilespmem:s16+$0xFFFFFF60] =	vst v3  }
0x1b8: {  	[tilespmem:s16+$0xFFFFFF70] =	vst v3;
	v3 =	vbroadcast v2, $0x8  }
0x1b9: {  	[tilespmem:s16+$0x2C0] =	vst v63  }
0x1ba: {  	[tilespmem:s16+$0x0] =	vst v3  }
0x1bb: {  	[tilespmem:s16+$0x10] =	vst v3  }
0x1bc: {  	[tilespmem:s16+$0x20] =	vst v3  }
0x1bd: {  	[tilespmem:s16+$0x30] =	vst v3  }
0x1be: {  	[tilespmem:s16+$0x40] =	vst v3  }
0x1bf: {  	[tilespmem:s16+$0x50] =	vst v3  }
0x1c0: {  	[tilespmem:s16+$0x60] =	vst v3  }
0x1c1: {  	[tilespmem:s16+$0x70] =	vst v3;
	v3 =	vbroadcast v2, $0xA  }
0x1c2: {  	[tilespmem:s16+$0x2D0] =	vst v63  }
0x1c3: {  	[tilespmem:s16+$0x100] =	vst v3  }
0x1c4: {  	[tilespmem:s16+$0x110] =	vst v3  }
0x1c5: {  	[tilespmem:s16+$0x120] =	vst v3  }
0x1c6: {  	[tilespmem:s16+$0x130] =	vst v3  }
0x1c7: {  	[tilespmem:s16+$0x140] =	vst v3  }
0x1c8: {  	[tilespmem:s16+$0x150] =	vst v3  }
0x1c9: {  	[tilespmem:s16+$0x160] =	vst v3  }
0x1ca: {  	[tilespmem:s16+$0x170] =	vst v3;
	v3 =	vbroadcast v2, $0xC  }
0x1cb: {  	[tilespmem:s16+$0x2E0] =	vst v63  }
0x1cc: {  	[tilespmem:s16+$0x200] =	vst v3  }
0x1cd: {  	[tilespmem:s16+$0x210] =	vst v3  }
0x1ce: {  	[tilespmem:s16+$0x220] =	vst v3  }
0x1cf: {  	[tilespmem:s16+$0x230] =	vst v3  }
0x1d0: {  	[tilespmem:s16+$0x240] =	vst v3  }
0x1d1: {  	[tilespmem:s16+$0x250] =	vst v3  }
0x1d2: {  	[tilespmem:s16+$0x260] =	vst v3  }
0x1d3: {  	[tilespmem:s16+$0x270] =	vst v3;
	v3 =	vbroadcast v2, $0xE  }
0x1d4: {  	[tilespmem:s16+$0x2F0] =	vst v63  }
0x1d5: {  	[tilespmem:s16+$0x300] =	vst v3  }
0x1d6: {  	[tilespmem:s16+$0x310] =	vst v3  }
0x1d7: {  	[tilespmem:s16+$0x320] =	vst v3  }
0x1d8: {  	[tilespmem:s16+$0x330] =	vst v3  }
0x1d9: {  	[tilespmem:s16+$0x340] =	vst v3  }
0x1da: {  	[tilespmem:s16+$0x350] =	vst v3  }
0x1db: {  	v2 =	vbroadcast v2, $0xF;
	[tilespmem:s16+$0x360] =	vst v3  }
0x1dc: {  	[tilespmem:s16+$0x370] =	vst v3  }
0x1dd: {  	[tilespmem:s16+$0x380] =	vst v2  }
0x1de: {  	[tilespmem:s16+$0x390] =	vst v2  }
0x1df: {  	[tilespmem:s16+$0x3A0] =	vst v2  }
0x1e0: {  	[tilespmem:s16+$0x3B0] =	vst v2  }
0x1e1: {  	[tilespmem:s16+$0x3C0] =	vst v2  }
0x1e2: {  	s15 =	sadd.s32 $0x1, s15;
	[tilespmem:s16+$0x3D0] =	vst v2  }
0x1e3: {  	p0 =	sne.s32 s15, s8;
	[tilespmem:s16+$0x3E0] =	vst v2  }
.Ltmp2:
0x1e4: {  	[tilespmem:s16+$0x3F0] =	vst v2;
	(pc) =	sbr.rel @p0 .LBB2_1-.Ltmp2, $4  }
0x1e5: {  	[hbm4b:s7+s3] =	stream.linear.scatter [tilespmem:s14], [sflag:$0x1], $0xA000, $0x38;
	[tilespmem:$0xF700] =	vst v63  }
0x1e6: {  	_ =	swait.ge [sflag:s10], $0xA000  }
0x1e7: {  	[sflag:s10] =	ssyncset.done $0x0  }
0x1e8: {  	[sflag:s10] =	ssyncadd.s32 $0xFFFF6000  }
0x1e9: {  	_ =	sfence.sel $0x180000  }
0x1ea: {  	[bflag:$0x0] =	sbarrier.arrive $0xFFFF  }
0x1eb: {  	p0 =	sne.s32 s0, $0x0;
	_ =	strace $0x90000047  }
0x1ec: {  	s0 =	sadd.s32 @!p0 $0x100000, s1;
	[bflag:$0x2] =	sbarrier.arrive $0xFFFF  }
0x1ed: {  	[sflag:s0] =	ssyncadd.tile.s32 @!p0 $0x1;
	_ =	shalt  }
.Lfunc_end2:
_tile_overlayer_lowered:
.L_overlay_start_2:
0x1ee: {  	(tag) =	ssettag $0x2  }
0x1ef: {  	s0 =	rddreg [dreg:$0x0];
	s2 =	stileid.u32  }
0x1f0: {  	s1 =	rddreg [dreg:$0x1];
	p0 =	sne.s32 s2, $0x0  }
0x1f1: {  	s3 =	rddreg [dreg:$0x2];
	[bflag:$0x3] =	sbarrier.arrive $0xFFFF;
	s2 =	simm.s32 @!p0 $0x1C01  }
0x1f2: {  	[timem:s3], [sflag:s2] =	dma.local @!p0 [hbm:s0], s1  }
0x1f3: {  	s0 =	simm.s32 @!p0 $0x1  }
0x1f4: {  	_ =	swait.ge @!p0 [sflag:s0], s1  }
0x1f5: {  	s1 =	ssub.s32 @!p0 $0x0, s1;
	[sflag:s0] =	ssyncset.done @!p0 $0x0  }
0x1f6: {  	[sflag:s0] =	ssyncadd.s32 @!p0 s1  }
0x1f7: {  	[bflag:$0x3] =	sbarrier.arrive $0xFFFF  }
0x1f8: {  	_ =	shalt  }

</sc_bundles>
